<compile_context>
chip_gen: v7x
topology: tpu7x:2x2x1
jax: 0.10.2.dev20260603
libtpu: 0.0.44.dev20260713+nightly
codegen_flags: <defaults>
</compile_context>

<pallas_src>
import functools

import jax
import jax.numpy as jnp
from jax import lax
from jax.experimental import pallas as pl
from jax.experimental.pallas import tpu as pltpu
from jax.experimental.pallas import tpu_sc as plsc

_MAX_ATTENTION_SIZE = 4096
_SINK = 64


def _ring_copy(jobs, bufs, gsems, ssems, nbuf):
    nj = len(jobs)
    for j in range(min(nbuf - 1, nj)):
        jobs[j][0](bufs[j], gsems[j]).start()
    for j in range(nj):
        cur = j % nbuf
        if j + nbuf - 1 < nj:
            pf = (j + nbuf - 1) % nbuf
            if j >= 1:
                jobs[j - 1][1](bufs[pf], ssems[pf]).wait()
            jobs[j + nbuf - 1][0](bufs[pf], gsems[pf]).start()
        jobs[j][0](bufs[cur], gsems[cur]).wait()
        jobs[j][1](bufs[cur], ssems[cur]).start()
    for j in range(max(0, nj - nbuf), nj):
        jobs[j][1](bufs[j % nbuf], ssems[j % nbuf]).wait()


def kernel(cache_k, cache_v, k, v, global_end_index, local_end_index, num_new_tokens):
    BS, S, H, D = cache_k.shape
    NN = k.shape[1]
    NR = S - NN - _SINK
    QUARTER = NR // 4

    lei = jnp.asarray(local_end_index, jnp.int32)
    nnt = jnp.asarray(num_new_tokens, jnp.int32)
    num_evicted = lei + nnt - S
    src0 = jnp.clip(_SINK + num_evicted, 0, S - NR).astype(jnp.int32)
    new_local_end = (lei + nnt - num_evicted).astype(jnp.int32)
    window_start = jnp.maximum(new_local_end - _MAX_ATTENTION_SIZE, 0).astype(jnp.int32)

    src0_v = jnp.full((16,), src0, jnp.int32)

    C = 40
    NBUF = 2
    NCH = QUARTER // C
    assert QUARTER % C == 0

    mesh = plsc.VectorSubcoreMesh(core_axis_name="c", subcore_axis_name="s")

    @functools.partial(
        pl.kernel,
        out_type=jax.ShapeDtypeStruct((BS, S, H, D), jnp.float32),
        mesh=mesh,
        scratch_types=[
            pltpu.VMEM((16,), jnp.int32),
        ] + [pltpu.SemaphoreType.DMA] * (2 * NBUF),
    )
    def _sc_copy(cache_h, new_h, s0_h, out_h, s0_vm, *sems):
        c = lax.axis_index("c")
        s = lax.axis_index("s")
        wid = s * 2 + c
        b = wid // 4
        q = wid % 4
        pltpu.sync_copy(s0_h, s0_vm)
        s0 = s0_vm[...][0]
        src_base = s0 + q * QUARTER
        dst_base = _SINK + q * QUARTER
        gsems = sems[:NBUF]
        ssems = sems[NBUF:]

        def scoped(*bufs):
            def gather(i):
                def mk(buf, sem):
                    return pltpu.make_async_copy(
                        cache_h.at[b, pl.ds(src_base + i * C, C)], buf, sem)
                return mk

            def scatter(i):
                def mk(buf, sem):
                    return pltpu.make_async_copy(
                        buf, out_h.at[b, pl.ds(dst_base + i * C, C)], sem)
                return mk

            _ring_copy([(gather(i), scatter(i)) for i in range(NCH)],
                       bufs, gsems, ssems, NBUF)

            def tail(tsrc_h, src_row, dst_row, nrows):
                off = 0
                while off < nrows:
                    m = min(C, nrows - off)
                    pltpu.sync_copy(tsrc_h.at[b, pl.ds(src_row + off, m)],
                                    bufs[0].at[pl.ds(0, m)])
                    pltpu.sync_copy(bufs[0].at[pl.ds(0, m)],
                                    out_h.at[b, pl.ds(dst_row + off, m)])
                    off += m

            @pl.when(q == 0)
            def _():
                tail(cache_h, 0, 0, _SINK)

            @pl.when(q == 3)
            def _():
                tail(new_h, 0, S - NN, NN)

        pl.run_scoped(scoped, *[pltpu.VMEM((C, H, D), jnp.float32)
                                for _ in range(NBUF)])

    ok = _sc_copy(cache_k, k, src0_v)
    ov = _sc_copy(cache_v, v, src0_v)

    return (ok, ov, window_start, new_local_end)

# --- scband reference (transcript-rebuilt; emitter-appended) ---
"""Pipeline reference for scband-kvcache-manager-10196252361011 (READ-ONLY COPY).

The authoritative reference and input builder live on the scoring server;
editing this copy changes nothing except your own understanding.
"""

import jax, jax.numpy as jnp
import numpy as np

MAX_ATTENTION_SIZE = 4096
SINK_TOKENS = 64


def setup_inputs(seed: int = 0) -> dict:
    key = jax.random.key(seed)
    ks = jax.random.split(key, 4)
    BS, H, D = 8, 12, 64
    cache_size = 4096
    num_new = 32
    cache_k = jax.random.normal(ks[0], (BS, cache_size, H, D), dtype=jnp.float32)
    cache_v = jax.random.normal(ks[1], (BS, cache_size, H, D), dtype=jnp.float32)
    k = jax.random.normal(ks[2], (BS, num_new, H, D), dtype=jnp.float32)
    v = jax.random.normal(ks[3], (BS, num_new, H, D), dtype=jnp.float32)
    return {
        "cache_k": cache_k,
        "cache_v": cache_v,
        "k": k,
        "v": v,
        "global_end_index": 4090,
        "local_end_index": 4090,
        "num_new_tokens": 32,
    }


def reference(cache_k, cache_v, k, v, global_end_index, local_end_index, num_new_tokens):
    # Sliding-window KV cache update with sink tokens (update_kv_cache_optimized).
    cache_size = cache_k.shape[1]
    num_new = k.shape[1]
    # Cache overflow: evict oldest non-sink tokens by rolling the window back.
    num_evicted = local_end_index + num_new_tokens - cache_size
    num_rolled = cache_size - num_new - SINK_TOKENS
    src = SINK_TOKENS + num_evicted
    rolled_k = jax.lax.dynamic_slice_in_dim(cache_k, src, num_rolled, axis=1)
    rolled_v = jax.lax.dynamic_slice_in_dim(cache_v, src, num_rolled, axis=1)
    cache_k = jax.lax.dynamic_update_slice_in_dim(cache_k, rolled_k, SINK_TOKENS, axis=1)
    cache_v = jax.lax.dynamic_update_slice_in_dim(cache_v, rolled_v, SINK_TOKENS, axis=1)
    new_local_end = local_end_index + num_new_tokens - num_evicted
    local_start = new_local_end - num_new_tokens
    # Scatter (overwrite) the new tokens into the cache.
    cache_k = jax.lax.dynamic_update_slice_in_dim(cache_k, k, local_start, axis=1)
    cache_v = jax.lax.dynamic_update_slice_in_dim(cache_v, v, local_start, axis=1)
    new_global_end = global_end_index + num_new_tokens
    # Attention window: last max_attention_size tokens of the live cache.
    window_start = jnp.maximum(new_local_end - MAX_ATTENTION_SIZE, 0)
    window_size = min(cache_size, MAX_ATTENTION_SIZE)
    k_window = jax.lax.dynamic_slice_in_dim(cache_k, window_start, window_size, axis=1)
    v_window = jax.lax.dynamic_slice_in_dim(cache_v, window_start, window_size, axis=1)
    return (k_window, v_window, jnp.asarray(window_start, dtype=jnp.int32), jnp.asarray(new_local_end, dtype=jnp.int32))

if __name__ == "__main__":
    import jax
    _d = setup_inputs()
    print(jax.jit(kernel)(*tuple(_d.values())))

</pallas_src>

<mosaic_0001>
#map = affine_map<(d0, d1) -> (0, 0, 0, 0)>
#map1 = affine_map<(d0, d1) -> (0)>
module attributes {stable_mosaic.version = 14 : i64} {
  func.func @_sc_copy(%arg0: i32, %arg1: i32, %arg2: memref<8x4096x12x64xf32, #tpu.memory_space<hbm>>, %arg3: memref<8x32x12x64xf32, #tpu.memory_space<hbm>>, %arg4: memref<16xi32, #tpu.memory_space<hbm>>, %arg5: memref<8x4096x12x64xf32, #tpu.memory_space<hbm>>, %arg6: memref<16xi32, #tpu.memory_space<vmem>>, %arg7: memref<!tpu.dma_semaphore, #tpu.memory_space<semaphore_mem>>, %arg8: memref<!tpu.dma_semaphore, #tpu.memory_space<semaphore_mem>>, %arg9: memref<!tpu.dma_semaphore, #tpu.memory_space<semaphore_mem>>, %arg10: memref<!tpu.dma_semaphore, #tpu.memory_space<semaphore_mem>>) attributes {dimension_semantics = [#tpu.dimension_semantics<core_parallel>, #tpu.dimension_semantics<subcore_parallel>], iteration_bounds = array<i64: 2, 16>, scalar_prefetch = 0 : i64, scratch_operands = 5 : i64, tpu.core_type = #tpu.core_type<sc_vector_subcore>, window_params = [{transform_indices = #map}, {transform_indices = #map}, {transform_indices = #map1}, {transform_indices = #map}]} {
    %mul3A = arith.constant 2 : i32
    %mul3A_0 = arith.muli %arg1, %mul3A : i32
    %add3A = arith.addi %mul3A_0, %arg0 : i32
    %jit3A = arith.constant 4 : i32
    %div3A = arith.divsi %add3A, %jit3A : i32
    %sign3A = arith.constant 0 : i32
    %sign3A_1 = arith.cmpi sgt, %add3A, %sign3A : i32
    %sign3A_2 = arith.extui %sign3A_1 : i1 to i32
    %sign3A_3 = arith.constant 0 : i32
    %sign3A_4 = arith.cmpi slt, %add3A, %sign3A_3 : i32
    %sign3A_5 = arith.extui %sign3A_4 : i1 to i32
    %sign3A_6 = arith.subi %sign3A_2, %sign3A_5 : i32
    %sign3A_7 = arith.constant 0 : i32
    %sign3A_8 = arith.cmpi sgt, %jit3A, %sign3A_7 : i32
    %sign3A_9 = arith.extui %sign3A_8 : i1 to i32
    %sign3A_10 = arith.constant 0 : i32
    %sign3A_11 = arith.cmpi slt, %jit3A, %sign3A_10 : i32
    %sign3A_12 = arith.extui %sign3A_11 : i1 to i32
    %sign3A_13 = arith.subi %sign3A_9, %sign3A_12 : i32
    %ne3A = arith.cmpi ne, %sign3A_6, %sign3A_13 : i32
    %rem3A = arith.remsi %add3A, %jit3A : i32
    %ne3A_14 = arith.constant 0 : i32
    %ne3A_15 = arith.cmpi ne, %rem3A, %ne3A_14 : i32
    %and3A = arith.andi %ne3A, %ne3A_15 : i1
    %sub3A = arith.constant 1 : i32
    %sub3A_16 = arith.subi %div3A, %sub3A : i32
    %select_n3A = arith.select %and3A, %sub3A_16, %div3A : i32
    %jit3A_17 = arith.constant 4 : i32
    %eq3A = arith.constant 0 : i32
    %eq3A_18 = arith.cmpi eq, %jit3A_17, %eq3A : i32
    %jit3A_19 = arith.constant 1 : i32
    %select_n3A_20 = arith.select %eq3A_18, %jit3A_19, %jit3A_17 : i32
    %rem3A_21 = arith.remsi %add3A, %select_n3A_20 : i32
    %ne3A_22 = arith.constant 0 : i32
    %ne3A_23 = arith.cmpi ne, %rem3A_21, %ne3A_22 : i32
    %lt3A = arith.constant 0 : i32
    %lt3A_24 = arith.cmpi slt, %rem3A_21, %lt3A : i32
    %lt3A_25 = arith.constant 0 : i32
    %lt3A_26 = arith.cmpi slt, %select_n3A_20, %lt3A_25 : i32
    %ne3A_27 = arith.xori %lt3A_24, %lt3A_26 : i1
    %and3A_28 = arith.andi %ne3A_27, %ne3A_23 : i1
    %add3A_29 = arith.addi %rem3A_21, %select_n3A_20 : i32
    %select_n3A_30 = arith.select %and3A_28, %add3A_29, %rem3A_21 : i32
    "tpu.region"() ({
      %run_scoped3A = tpu.sem_alloc : memref<!tpu.dma_semaphore, #tpu.memory_space<semaphore_mem>>
      tpu.enqueue_dma source(%arg4 : memref<16xi32, #tpu.memory_space<hbm>>) target(%arg6 : memref<16xi32, #tpu.memory_space<vmem>>) target_semaphore(%run_scoped3A : memref<!tpu.dma_semaphore, #tpu.memory_space<semaphore_mem>>)
      tpu.wait_dma2 semaphore(%run_scoped3A : memref<!tpu.dma_semaphore, #tpu.memory_space<semaphore_mem>>) src(%arg4 : memref<16xi32, #tpu.memory_space<hbm>>) dst(%arg6 : memref<16xi32, #tpu.memory_space<vmem>>)
      tpu.yield
    }) : () -> ()
    %get3A = arith.constant 0 : index
    %get3A_31 = tpu.vector_load %arg6[%get3A] {strides = array<i32>} : memref<16xi32, #tpu.memory_space<vmem>>, vector<16xi32>,
    %get3A_32 = vector.shape_cast %get3A_31 : vector<16xi32> to vector<16xi32>
    %slice3A = vector.extract_strided_slice %get3A_32 {offsets = [0], sizes = [1], strides = [1]} : vector<16xi32> to vector<1xi32>
    %squeeze3A = vector.extract %slice3A[0] : i32 from vector<1xi32>
    %mul3A_33 = arith.constant 1000 : i32
    %mul3A_34 = arith.muli %select_n3A_30, %mul3A_33 : i32
    %add3A_35 = arith.addi %squeeze3A, %mul3A_34 : i32
    %mul3A_36 = arith.constant 1000 : i32
    %mul3A_37 = arith.muli %select_n3A_30, %mul3A_36 : i32
    %add3A_38 = arith.constant 64 : i32
    %add3A_39 = arith.addi %add3A_38, %mul3A_37 : i32
    "tpu.region"() ({
      %run_scoped3A = memref.alloca() : memref<40x12x64xf32, #tpu.memory_space<vmem>>
      %run_scoped3A_40 = memref.alloca() : memref<40x12x64xf32, #tpu.memory_space<vmem>>
      %add3A_41 = arith.constant 0 : i32
      %add3A_42 = arith.addi %add3A_35, %add3A_41 : i32
      %dma_start3A = arith.constant 0 : i32
      %dma_start3A_43 = arith.constant 0 : i32
      %dma_start3A_44 = tpu.memref_slice %arg2[%select_n3A, %add3A_42, %dma_start3A, %dma_start3A_43] : memref<8x4096x12x64xf32, #tpu.memory_space<hbm>> -> memref<1x40x12x64xf32, #tpu.memory_space<hbm>>
      %dma_start3A_45 = tpu.memref_squeeze %dma_start3A_44 : memref<1x40x12x64xf32, #tpu.memory_space<hbm>> -> memref<40x12x64xf32, #tpu.memory_space<hbm>>
      %dma_start3A_46 = arith.constant 0 : i32
      %dma_start3A_47 = arith.constant 0 : i32
      %dma_start3A_48 = tpu.memref_slice %arg2[%select_n3A, %add3A_42, %dma_start3A_46, %dma_start3A_47] : memref<8x4096x12x64xf32, #tpu.memory_space<hbm>> -> memref<1x40x12x64xf32, #tpu.memory_space<hbm>>
      %dma_start3A_49 = tpu.memref_squeeze %dma_start3A_48 : memref<1x40x12x64xf32, #tpu.memory_space<hbm>> -> memref<40x12x64xf32, #tpu.memory_space<hbm>>
      tpu.enqueue_dma source(%dma_start3A_49 : memref<40x12x64xf32, #tpu.memory_space<hbm>>) target(%run_scoped3A : memref<40x12x64xf32, #tpu.memory_space<vmem>>) target_semaphore(%arg7 : memref<!tpu.dma_semaphore, #tpu.memory_space<semaphore_mem>>)
      %add3A_50 = arith.constant 40 : i32
      %add3A_51 = arith.addi %add3A_35, %add3A_50 : i32
      %dma_start3A_52 = arith.constant 0 : i32
      %dma_start3A_53 = arith.constant 0 : i32
      %dma_start3A_54 = tpu.memref_slice %arg2[%select_n3A, %add3A_51, %dma_start3A_52, %dma_start3A_53] : memref<8x4096x12x64xf32, #tpu.memory_space<hbm>> -> memref<1x40x12x64xf32, #tpu.memory_space<hbm>>
      %dma_start3A_55 = tpu.memref_squeeze %dma_start3A_54 : memref<1x40x12x64xf32, #tpu.memory_space<hbm>> -> memref<40x12x64xf32, #tpu.memory_space<hbm>>
      %dma_start3A_56 = arith.constant 0 : i32
      %dma_start3A_57 = arith.constant 0 : i32
      %dma_start3A_58 = tpu.memref_slice %arg2[%select_n3A, %add3A_51, %dma_start3A_56, %dma_start3A_57] : memref<8x4096x12x64xf32, #tpu.memory_space<hbm>> -> memref<1x40x12x64xf32, #tpu.memory_space<hbm>>
      %dma_start3A_59 = tpu.memref_squeeze %dma_start3A_58 : memref<1x40x12x64xf32, #tpu.memory_space<hbm>> -> memref<40x12x64xf32, #tpu.memory_space<hbm>>
      tpu.enqueue_dma source(%dma_start3A_59 : memref<40x12x64xf32, #tpu.memory_space<hbm>>) target(%run_scoped3A_40 : memref<40x12x64xf32, #tpu.memory_space<vmem>>) target_semaphore(%arg8 : memref<!tpu.dma_semaphore, #tpu.memory_space<semaphore_mem>>)
      %add3A_60 = arith.constant 0 : i32
      %add3A_61 = arith.addi %add3A_35, %add3A_60 : i32
      %dma_wait3A = arith.constant 0 : i32
      %dma_wait3A_62 = arith.constant 0 : i32
      %dma_wait3A_63 = tpu.memref_slice %arg2[%select_n3A, %add3A_61, %dma_wait3A, %dma_wait3A_62] : memref<8x4096x12x64xf32, #tpu.memory_space<hbm>> -> memref<1x40x12x64xf32, #tpu.memory_space<hbm>>
      %dma_wait3A_64 = tpu.memref_squeeze %dma_wait3A_63 : memref<1x40x12x64xf32, #tpu.memory_space<hbm>> -> memref<40x12x64xf32, #tpu.memory_space<hbm>>
      %dma_wait3A_65 = arith.constant 0 : i32
      %dma_wait3A_66 = arith.constant 0 : i32
      %dma_wait3A_67 = tpu.memref_slice %arg2[%select_n3A, %add3A_61, %dma_wait3A_65, %dma_wait3A_66] : memref<8x4096x12x64xf32, #tpu.memory_space<hbm>> -> memref<1x40x12x64xf32, #tpu.memory_space<hbm>>
      %dma_wait3A_68 = tpu.memref_squeeze %dma_wait3A_67 : memref<1x40x12x64xf32, #tpu.memory_space<hbm>> -> memref<40x12x64xf32, #tpu.memory_space<hbm>>
      tpu.wait_dma2 semaphore(%arg7 : memref<!tpu.dma_semaphore, #tpu.memory_space<semaphore_mem>>) src(%dma_wait3A_68 : memref<40x12x64xf32, #tpu.memory_space<hbm>>) dst(%run_scoped3A : memref<40x12x64xf32, #tpu.memory_space<vmem>>)
      %add3A_69 = arith.constant 0 : i32
      %add3A_70 = arith.addi %add3A_39, %add3A_69 : i32
      %dma_start3A_71 = arith.constant 0 : i32
      %dma_start3A_72 = arith.constant 0 : i32
      %dma_start3A_73 = tpu.memref_slice %arg5[%select_n3A, %add3A_70, %dma_start3A_71, %dma_start3A_72] : memref<8x4096x12x64xf32, #tpu.memory_space<hbm>> -> memref<1x40x12x64xf32, #tpu.memory_space<hbm>>
      %dma_start3A_74 = tpu.memref_squeeze %dma_start3A_73 : memref<1x40x12x64xf32, #tpu.memory_space<hbm>> -> memref<40x12x64xf32, #tpu.memory_space<hbm>>
      %dma_start3A_75 = arith.constant 0 : i32
      %dma_start3A_76 = arith.constant 0 : i32
      %dma_start3A_77 = tpu.memref_slice %arg5[%select_n3A, %add3A_70, %dma_start3A_75, %dma_start3A_76] : memref<8x4096x12x64xf32, #tpu.memory_space<hbm>> -> memref<1x40x12x64xf32, #tpu.memory_space<hbm>>
      %dma_start3A_78 = tpu.memref_squeeze %dma_start3A_77 : memref<1x40x12x64xf32, #tpu.memory_space<hbm>> -> memref<40x12x64xf32, #tpu.memory_space<hbm>>
      tpu.enqueue_dma source(%run_scoped3A : memref<40x12x64xf32, #tpu.memory_space<vmem>>) target(%dma_start3A_78 : memref<40x12x64xf32, #tpu.memory_space<hbm>>) target_semaphore(%arg9 : memref<!tpu.dma_semaphore, #tpu.memory_space<semaphore_mem>>)
      %add3A_79 = arith.constant 0 : i32
      %add3A_80 = arith.addi %add3A_39, %add3A_79 : i32
      %dma_wait3A_81 = arith.constant 0 : i32
      %dma_wait3A_82 = arith.constant 0 : i32
      %dma_wait3A_83 = tpu.memref_slice %arg5[%select_n3A, %add3A_80, %dma_wait3A_81, %dma_wait3A_82] : memref<8x4096x12x64xf32, #tpu.memory_space<hbm>> -> memref<1x40x12x64xf32, #tpu.memory_space<hbm>>
      %dma_wait3A_84 = tpu.memref_squeeze %dma_wait3A_83 : memref<1x40x12x64xf32, #tpu.memory_space<hbm>> -> memref<40x12x64xf32, #tpu.memory_space<hbm>>
      %dma_wait3A_85 = arith.constant 0 : i32
      %dma_wait3A_86 = arith.constant 0 : i32
      %dma_wait3A_87 = tpu.memref_slice %arg5[%select_n3A, %add3A_80, %dma_wait3A_85, %dma_wait3A_86] : memref<8x4096x12x64xf32, #tpu.memory_space<hbm>> -> memref<1x40x12x64xf32, #tpu.memory_space<hbm>>
      %dma_wait3A_88 = tpu.memref_squeeze %dma_wait3A_87 : memref<1x40x12x64xf32, #tpu.memory_space<hbm>> -> memref<40x12x64xf32, #tpu.memory_space<hbm>>
      tpu.wait_dma2 semaphore(%arg9 : memref<!tpu.dma_semaphore, #tpu.memory_space<semaphore_mem>>) src(%run_scoped3A : memref<40x12x64xf32, #tpu.memory_space<vmem>>) dst(%dma_wait3A_88 : memref<40x12x64xf32, #tpu.memory_space<hbm>>)
      %add3A_89 = arith.constant 80 : i32
      %add3A_90 = arith.addi %add3A_35, %add3A_89 : i32
      %dma_start3A_91 = arith.constant 0 : i32
      %dma_start3A_92 = arith.constant 0 : i32
      %dma_start3A_93 = tpu.memref_slice %arg2[%select_n3A, %add3A_90, %dma_start3A_91, %dma_start3A_92] : memref<8x4096x12x64xf32, #tpu.memory_space<hbm>> -> memref<1x40x12x64xf32, #tpu.memory_space<hbm>>
      %dma_start3A_94 = tpu.memref_squeeze %dma_start3A_93 : memref<1x40x12x64xf32, #tpu.memory_space<hbm>> -> memref<40x12x64xf32, #tpu.memory_space<hbm>>
      %dma_start3A_95 = arith.constant 0 : i32
      %dma_start3A_96 = arith.constant 0 : i32
      %dma_start3A_97 = tpu.memref_slice %arg2[%select_n3A, %add3A_90, %dma_start3A_95, %dma_start3A_96] : memref<8x4096x12x64xf32, #tpu.memory_space<hbm>> -> memref<1x40x12x64xf32, #tpu.memory_space<hbm>>
      %dma_start3A_98 = tpu.memref_squeeze %dma_start3A_97 : memref<1x40x12x64xf32, #tpu.memory_space<hbm>> -> memref<40x12x64xf32, #tpu.memory_space<hbm>>
      tpu.enqueue_dma source(%dma_start3A_98 : memref<40x12x64xf32, #tpu.memory_space<hbm>>) target(%run_scoped3A : memref<40x12x64xf32, #tpu.memory_space<vmem>>) target_semaphore(%arg7 : memref<!tpu.dma_semaphore, #tpu.memory_space<semaphore_mem>>)
      %add3A_99 = arith.constant 40 : i32
      %add3A_100 = arith.addi %add3A_35, %add3A_99 : i32
      %dma_wait3A_101 = arith.constant 0 : i32
      %dma_wait3A_102 = arith.constant 0 : i32
      %dma_wait3A_103 = tpu.memref_slice %arg2[%select_n3A, %add3A_100, %dma_wait3A_101, %dma_wait3A_102] : memref<8x4096x12x64xf32, #tpu.memory_space<hbm>> -> memref<1x40x12x64xf32, #tpu.memory_space<hbm>>
      %dma_wait3A_104 = tpu.memref_squeeze %dma_wait3A_103 : memref<1x40x12x64xf32, #tpu.memory_space<hbm>> -> memref<40x12x64xf32, #tpu.memory_space<hbm>>
      %dma_wait3A_105 = arith.constant 0 : i32
      %dma_wait3A_106 = arith.constant 0 : i32
      %dma_wait3A_107 = tpu.memref_slice %arg2[%select_n3A, %add3A_100, %dma_wait3A_105, %dma_wait3A_106] : memref<8x4096x12x64xf32, #tpu.memory_space<hbm>> -> memref<1x40x12x64xf32, #tpu.memory_space<hbm>>
      %dma_wait3A_108 = tpu.memref_squeeze %dma_wait3A_107 : memref<1x40x12x64xf32, #tpu.memory_space<hbm>> -> memref<40x12x64xf32, #tpu.memory_space<hbm>>
      tpu.wait_dma2 semaphore(%arg8 : memref<!tpu.dma_semaphore, #tpu.memory_space<semaphore_mem>>) src(%dma_wait3A_108 : memref<40x12x64xf32, #tpu.memory_space<hbm>>) dst(%run_scoped3A_40 : memref<40x12x64xf32, #tpu.memory_space<vmem>>)
      %add3A_109 = arith.constant 40 : i32
      %add3A_110 = arith.addi %add3A_39, %add3A_109 : i32
      %dma_start3A_111 = arith.constant 0 : i32
      %dma_start3A_112 = arith.constant 0 : i32
      %dma_start3A_113 = tpu.memref_slice %arg5[%select_n3A, %add3A_110, %dma_start3A_111, %dma_start3A_112] : memref<8x4096x12x64xf32, #tpu.memory_space<hbm>> -> memref<1x40x12x64xf32, #tpu.memory_space<hbm>>
      %dma_start3A_114 = tpu.memref_squeeze %dma_start3A_113 : memref<1x40x12x64xf32, #tpu.memory_space<hbm>> -> memref<40x12x64xf32, #tpu.memory_space<hbm>>
      %dma_start3A_115 = arith.constant 0 : i32
      %dma_start3A_116 = arith.constant 0 : i32
      %dma_start3A_117 = tpu.memref_slice %arg5[%select_n3A, %add3A_110, %dma_start3A_115, %dma_start3A_116] : memref<8x4096x12x64xf32, #tpu.memory_space<hbm>> -> memref<1x40x12x64xf32, #tpu.memory_space<hbm>>
      %dma_start3A_118 = tpu.memref_squeeze %dma_start3A_117 : memref<1x40x12x64xf32, #tpu.memory_space<hbm>> -> memref<40x12x64xf32, #tpu.memory_space<hbm>>
      tpu.enqueue_dma source(%run_scoped3A_40 : memref<40x12x64xf32, #tpu.memory_space<vmem>>) target(%dma_start3A_118 : memref<40x12x64xf32, #tpu.memory_space<hbm>>) target_semaphore(%arg10 : memref<!tpu.dma_semaphore, #tpu.memory_space<semaphore_mem>>)
      %add3A_119 = arith.constant 40 : i32
      %add3A_120 = arith.addi %add3A_39, %add3A_119 : i32
      %dma_wait3A_121 = arith.constant 0 : i32
      %dma_wait3A_122 = arith.constant 0 : i32
      %dma_wait3A_123 = tpu.memref_slice %arg5[%select_n3A, %add3A_120, %dma_wait3A_121, %dma_wait3A_122] : memref<8x4096x12x64xf32, #tpu.memory_space<hbm>> -> memref<1x40x12x64xf32, #tpu.memory_space<hbm>>
      %dma_wait3A_124 = tpu.memref_squeeze %dma_wait3A_123 : memref<1x40x12x64xf32, #tpu.memory_space<hbm>> -> memref<40x12x64xf32, #tpu.memory_space<hbm>>
      %dma_wait3A_125 = arith.constant 0 : i32
      %dma_wait3A_126 = arith.constant 0 : i32
      %dma_wait3A_127 = tpu.memref_slice %arg5[%select_n3A, %add3A_120, %dma_wait3A_125, %dma_wait3A_126] : memref<8x4096x12x64xf32, #tpu.memory_space<hbm>> -> memref<1x40x12x64xf32, #tpu.memory_space<hbm>>
      %dma_wait3A_128 = tpu.memref_squeeze %dma_wait3A_127 : memref<1x40x12x64xf32, #tpu.memory_space<hbm>> -> memref<40x12x64xf32, #tpu.memory_space<hbm>>
      tpu.wait_dma2 semaphore(%arg10 : memref<!tpu.dma_semaphore, #tpu.memory_space<semaphore_mem>>) src(%run_scoped3A_40 : memref<40x12x64xf32, #tpu.memory_space<vmem>>) dst(%dma_wait3A_128 : memref<40x12x64xf32, #tpu.memory_space<hbm>>)
      %add3A_129 = arith.constant 120 : i32
      %add3A_130 = arith.addi %add3A_35, %add3A_129 : i32
      %dma_start3A_131 = arith.constant 0 : i32
      %dma_start3A_132 = arith.constant 0 : i32
      %dma_start3A_133 = tpu.memref_slice %arg2[%select_n3A, %add3A_130, %dma_start3A_131, %dma_start3A_132] : memref<8x4096x12x64xf32, #tpu.memory_space<hbm>> -> memref<1x40x12x64xf32, #tpu.memory_space<hbm>>
      %dma_start3A_134 = tpu.memref_squeeze %dma_start3A_133 : memref<1x40x12x64xf32, #tpu.memory_space<hbm>> -> memref<40x12x64xf32, #tpu.memory_space<hbm>>
      %dma_start3A_135 = arith.constant 0 : i32
      %dma_start3A_136 = arith.constant 0 : i32
      %dma_start3A_137 = tpu.memref_slice %arg2[%select_n3A, %add3A_130, %dma_start3A_135, %dma_start3A_136] : memref<8x4096x12x64xf32, #tpu.memory_space<hbm>> -> memref<1x40x12x64xf32, #tpu.memory_space<hbm>>
      %dma_start3A_138 = tpu.memref_squeeze %dma_start3A_137 : memref<1x40x12x64xf32, #tpu.memory_space<hbm>> -> memref<40x12x64xf32, #tpu.memory_space<hbm>>
      tpu.enqueue_dma source(%dma_start3A_138 : memref<40x12x64xf32, #tpu.memory_space<hbm>>) target(%run_scoped3A_40 : memref<40x12x64xf32, #tpu.memory_space<vmem>>) target_semaphore(%arg8 : memref<!tpu.dma_semaphore, #tpu.memory_space<semaphore_mem>>)
      %add3A_139 = arith.constant 80 : i32
      %add3A_140 = arith.addi %add3A_35, %add3A_139 : i32
      %dma_wait3A_141 = arith.constant 0 : i32
      %dma_wait3A_142 = arith.constant 0 : i32
      %dma_wait3A_143 = tpu.memref_slice %arg2[%select_n3A, %add3A_140, %dma_wait3A_141, %dma_wait3A_142] : memref<8x4096x12x64xf32, #tpu.memory_space<hbm>> -> memref<1x40x12x64xf32, #tpu.memory_space<hbm>>
      %dma_wait3A_144 = tpu.memref_squeeze %dma_wait3A_143 : memref<1x40x12x64xf32, #tpu.memory_space<hbm>> -> memref<40x12x64xf32, #tpu.memory_space<hbm>>
      %dma_wait3A_145 = arith.constant 0 : i32
      %dma_wait3A_146 = arith.constant 0 : i32
      %dma_wait3A_147 = tpu.memref_slice %arg2[%select_n3A, %add3A_140, %dma_wait3A_145, %dma_wait3A_146] : memref<8x4096x12x64xf32, #tpu.memory_space<hbm>> -> memref<1x40x12x64xf32, #tpu.memory_space<hbm>>
      %dma_wait3A_148 = tpu.memref_squeeze %dma_wait3A_147 : memref<1x40x12x64xf32, #tpu.memory_space<hbm>> -> memref<40x12x64xf32, #tpu.memory_space<hbm>>
      tpu.wait_dma2 semaphore(%arg7 : memref<!tpu.dma_semaphore, #tpu.memory_space<semaphore_mem>>) src(%dma_wait3A_148 : memref<40x12x64xf32, #tpu.memory_space<hbm>>) dst(%run_scoped3A : memref<40x12x64xf32, #tpu.memory_space<vmem>>)
      %add3A_149 = arith.constant 80 : i32
      %add3A_150 = arith.addi %add3A_39, %add3A_149 : i32
      %dma_start3A_151 = arith.constant 0 : i32
      %dma_start3A_152 = arith.constant 0 : i32
      %dma_start3A_153 = tpu.memref_slice %arg5[%select_n3A, %add3A_150, %dma_start3A_151, %dma_start3A_152] : memref<8x4096x12x64xf32, #tpu.memory_space<hbm>> -> memref<1x40x12x64xf32, #tpu.memory_space<hbm>>
      %dma_start3A_154 = tpu.memref_squeeze %dma_start3A_153 : memref<1x40x12x64xf32, #tpu.memory_space<hbm>> -> memref<40x12x64xf32, #tpu.memory_space<hbm>>
      %dma_start3A_155 = arith.constant 0 : i32
      %dma_start3A_156 = arith.constant 0 : i32
      %dma_start3A_157 = tpu.memref_slice %arg5[%select_n3A, %add3A_150, %dma_start3A_155, %dma_start3A_156] : memref<8x4096x12x64xf32, #tpu.memory_space<hbm>> -> memref<1x40x12x64xf32, #tpu.memory_space<hbm>>
      %dma_start3A_158 = tpu.memref_squeeze %dma_start3A_157 : memref<1x40x12x64xf32, #tpu.memory_space<hbm>> -> memref<40x12x64xf32, #tpu.memory_space<hbm>>
      tpu.enqueue_dma source(%run_scoped3A : memref<40x12x64xf32, #tpu.memory_space<vmem>>) target(%dma_start3A_158 : memref<40x12x64xf32, #tpu.memory_space<hbm>>) target_semaphore(%arg9 : memref<!tpu.dma_semaphore, #tpu.memory_space<semaphore_mem>>)
      %add3A_159 = arith.constant 80 : i32
      %add3A_160 = arith.addi %add3A_39, %add3A_159 : i32
      %dma_wait3A_161 = arith.constant 0 : i32
      %dma_wait3A_162 = arith.constant 0 : i32
      %dma_wait3A_163 = tpu.memref_slice %arg5[%select_n3A, %add3A_160, %dma_wait3A_161, %dma_wait3A_162] : memref<8x4096x12x64xf32, #tpu.memory_space<hbm>> -> memref<1x40x12x64xf32, #tpu.memory_space<hbm>>
      %dma_wait3A_164 = tpu.memref_squeeze %dma_wait3A_163 : memref<1x40x12x64xf32, #tpu.memory_space<hbm>> -> memref<40x12x64xf32, #tpu.memory_space<hbm>>
      %dma_wait3A_165 = arith.constant 0 : i32
      %dma_wait3A_166 = arith.constant 0 : i32
      %dma_wait3A_167 = tpu.memref_slice %arg5[%select_n3A, %add3A_160, %dma_wait3A_165, %dma_wait3A_166] : memref<8x4096x12x64xf32, #tpu.memory_space<hbm>> -> memref<1x40x12x64xf32, #tpu.memory_space<hbm>>
      %dma_wait3A_168 = tpu.memref_squeeze %dma_wait3A_167 : memref<1x40x12x64xf32, #tpu.memory_space<hbm>> -> memref<40x12x64xf32, #tpu.memory_space<hbm>>
      tpu.wait_dma2 semaphore(%arg9 : memref<!tpu.dma_semaphore, #tpu.memory_space<semaphore_mem>>) src(%run_scoped3A : memref<40x12x64xf32, #tpu.memory_space<vmem>>) dst(%dma_wait3A_168 : memref<40x12x64xf32, #tpu.memory_space<hbm>>)
      %add3A_169 = arith.constant 160 : i32
      %add3A_170 = arith.addi %add3A_35, %add3A_169 : i32
      %dma_start3A_171 = arith.constant 0 : i32
      %dma_start3A_172 = arith.constant 0 : i32
      %dma_start3A_173 = tpu.memref_slice %arg2[%select_n3A, %add3A_170, %dma_start3A_171, %dma_start3A_172] : memref<8x4096x12x64xf32, #tpu.memory_space<hbm>> -> memref<1x40x12x64xf32, #tpu.memory_space<hbm>>
      %dma_start3A_174 = tpu.memref_squeeze %dma_start3A_173 : memref<1x40x12x64xf32, #tpu.memory_space<hbm>> -> memref<40x12x64xf32, #tpu.memory_space<hbm>>
      %dma_start3A_175 = arith.constant 0 : i32
      %dma_start3A_176 = arith.constant 0 : i32
      %dma_start3A_177 = tpu.memref_slice %arg2[%select_n3A, %add3A_170, %dma_start3A_175, %dma_start3A_176] : memref<8x4096x12x64xf32, #tpu.memory_space<hbm>> -> memref<1x40x12x64xf32, #tpu.memory_space<hbm>>
      %dma_start3A_178 = tpu.memref_squeeze %dma_start3A_177 : memref<1x40x12x64xf32, #tpu.memory_space<hbm>> -> memref<40x12x64xf32, #tpu.memory_space<hbm>>
      tpu.enqueue_dma source(%dma_start3A_178 : memref<40x12x64xf32, #tpu.memory_space<hbm>>) target(%run_scoped3A : memref<40x12x64xf32, #tpu.memory_space<vmem>>) target_semaphore(%arg7 : memref<!tpu.dma_semaphore, #tpu.memory_space<semaphore_mem>>)
      %add3A_179 = arith.constant 120 : i32
      %add3A_180 = arith.addi %add3A_35, %add3A_179 : i32
      %dma_wait3A_181 = arith.constant 0 : i32
      %dma_wait3A_182 = arith.constant 0 : i32
      %dma_wait3A_183 = tpu.memref_slice %arg2[%select_n3A, %add3A_180, %dma_wait3A_181, %dma_wait3A_182] : memref<8x4096x12x64xf32, #tpu.memory_space<hbm>> -> memref<1x40x12x64xf32, #tpu.memory_space<hbm>>
      %dma_wait3A_184 = tpu.memref_squeeze %dma_wait3A_183 : memref<1x40x12x64xf32, #tpu.memory_space<hbm>> -> memref<40x12x64xf32, #tpu.memory_space<hbm>>
      %dma_wait3A_185 = arith.constant 0 : i32
      %dma_wait3A_186 = arith.constant 0 : i32
      %dma_wait3A_187 = tpu.memref_slice %arg2[%select_n3A, %add3A_180, %dma_wait3A_185, %dma_wait3A_186] : memref<8x4096x12x64xf32, #tpu.memory_space<hbm>> -> memref<1x40x12x64xf32, #tpu.memory_space<hbm>>
      %dma_wait3A_188 = tpu.memref_squeeze %dma_wait3A_187 : memref<1x40x12x64xf32, #tpu.memory_space<hbm>> -> memref<40x12x64xf32, #tpu.memory_space<hbm>>
      tpu.wait_dma2 semaphore(%arg8 : memref<!tpu.dma_semaphore, #tpu.memory_space<semaphore_mem>>) src(%dma_wait3A_188 : memref<40x12x64xf32, #tpu.memory_space<hbm>>) dst(%run_scoped3A_40 : memref<40x12x64xf32, #tpu.memory_space<vmem>>)
      %add3A_189 = arith.constant 120 : i32
      %add3A_190 = arith.addi %add3A_39, %add3A_189 : i32
      %dma_start3A_191 = arith.constant 0 : i32
      %dma_start3A_192 = arith.constant 0 : i32
      %dma_start3A_193 = tpu.memref_slice %arg5[%select_n3A, %add3A_190, %dma_start3A_191, %dma_start3A_192] : memref<8x4096x12x64xf32, #tpu.memory_space<hbm>> -> memref<1x40x12x64xf32, #tpu.memory_space<hbm>>
      %dma_start3A_194 = tpu.memref_squeeze %dma_start3A_193 : memref<1x40x12x64xf32, #tpu.memory_space<hbm>> -> memref<40x12x64xf32, #tpu.memory_space<hbm>>
      %dma_start3A_195 = arith.constant 0 : i32
      %dma_start3A_196 = arith.constant 0 : i32
      %dma_start3A_197 = tpu.memref_slice %arg5[%select_n3A, %add3A_190, %dma_start3A_195, %dma_start3A_196] : memref<8x4096x12x64xf32, #tpu.memory_space<hbm>> -> memref<1x40x12x64xf32, #tpu.memory_space<hbm>>
      %dma_start3A_198 = tpu.memref_squeeze %dma_start3A_197 : memref<1x40x12x64xf32, #tpu.memory_space<hbm>> -> memref<40x12x64xf32, #tpu.memory_space<hbm>>
      tpu.enqueue_dma source(%run_scoped3A_40 : memref<40x12x64xf32, #tpu.memory_space<vmem>>) target(%dma_start3A_198 : memref<40x12x64xf32, #tpu.memory_space<hbm>>) target_semaphore(%arg10 : memref<!tpu.dma_semaphore, #tpu.memory_space<semaphore_mem>>)
      %add3A_199 = arith.constant 120 : i32
      %add3A_200 = arith.addi %add3A_39, %add3A_199 : i32
      %dma_wait3A_201 = arith.constant 0 : i32
      %dma_wait3A_202 = arith.constant 0 : i32
      %dma_wait3A_203 = tpu.memref_slice %arg5[%select_n3A, %add3A_200, %dma_wait3A_201, %dma_wait3A_202] : memref<8x4096x12x64xf32, #tpu.memory_space<hbm>> -> memref<1x40x12x64xf32, #tpu.memory_space<hbm>>
      %dma_wait3A_204 = tpu.memref_squeeze %dma_wait3A_203 : memref<1x40x12x64xf32, #tpu.memory_space<hbm>> -> memref<40x12x64xf32, #tpu.memory_space<hbm>>
      %dma_wait3A_205 = arith.constant 0 : i32
      %dma_wait3A_206 = arith.constant 0 : i32
      %dma_wait3A_207 = tpu.memref_slice %arg5[%select_n3A, %add3A_200, %dma_wait3A_205, %dma_wait3A_206] : memref<8x4096x12x64xf32, #tpu.memory_space<hbm>> -> memref<1x40x12x64xf32, #tpu.memory_space<hbm>>
      %dma_wait3A_208 = tpu.memref_squeeze %dma_wait3A_207 : memref<1x40x12x64xf32, #tpu.memory_space<hbm>> -> memref<40x12x64xf32, #tpu.memory_space<hbm>>
      tpu.wait_dma2 semaphore(%arg10 : memref<!tpu.dma_semaphore, #tpu.memory_space<semaphore_mem>>) src(%run_scoped3A_40 : memref<40x12x64xf32, #tpu.memory_space<vmem>>) dst(%dma_wait3A_208 : memref<40x12x64xf32, #tpu.memory_space<hbm>>)
      %add3A_209 = arith.constant 200 : i32
      %add3A_210 = arith.addi %add3A_35, %add3A_209 : i32
      %dma_start3A_211 = arith.constant 0 : i32
      %dma_start3A_212 = arith.constant 0 : i32
      %dma_start3A_213 = tpu.memref_slice %arg2[%select_n3A, %add3A_210, %dma_start3A_211, %dma_start3A_212] : memref<8x4096x12x64xf32, #tpu.memory_space<hbm>> -> memref<1x40x12x64xf32, #tpu.memory_space<hbm>>
      %dma_start3A_214 = tpu.memref_squeeze %dma_start3A_213 : memref<1x40x12x64xf32, #tpu.memory_space<hbm>> -> memref<40x12x64xf32, #tpu.memory_space<hbm>>
      %dma_start3A_215 = arith.constant 0 : i32
      %dma_start3A_216 = arith.constant 0 : i32
      %dma_start3A_217 = tpu.memref_slice %arg2[%select_n3A, %add3A_210, %dma_start3A_215, %dma_start3A_216] : memref<8x4096x12x64xf32, #tpu.memory_space<hbm>> -> memref<1x40x12x64xf32, #tpu.memory_space<hbm>>
      %dma_start3A_218 = tpu.memref_squeeze %dma_start3A_217 : memref<1x40x12x64xf32, #tpu.memory_space<hbm>> -> memref<40x12x64xf32, #tpu.memory_space<hbm>>
      tpu.enqueue_dma source(%dma_start3A_218 : memref<40x12x64xf32, #tpu.memory_space<hbm>>) target(%run_scoped3A_40 : memref<40x12x64xf32, #tpu.memory_space<vmem>>) target_semaphore(%arg8 : memref<!tpu.dma_semaphore, #tpu.memory_space<semaphore_mem>>)
      %add3A_219 = arith.constant 160 : i32
      %add3A_220 = arith.addi %add3A_35, %add3A_219 : i32
      %dma_wait3A_221 = arith.constant 0 : i32
      %dma_wait3A_222 = arith.constant 0 : i32
      %dma_wait3A_223 = tpu.memref_slice %arg2[%select_n3A, %add3A_220, %dma_wait3A_221, %dma_wait3A_222] : memref<8x4096x12x64xf32, #tpu.memory_space<hbm>> -> memref<1x40x12x64xf32, #tpu.memory_space<hbm>>
      %dma_wait3A_224 = tpu.memref_squeeze %dma_wait3A_223 : memref<1x40x12x64xf32, #tpu.memory_space<hbm>> -> memref<40x12x64xf32, #tpu.memory_space<hbm>>
      %dma_wait3A_225 = arith.constant 0 : i32
      %dma_wait3A_226 = arith.constant 0 : i32
      %dma_wait3A_227 = tpu.memref_slice %arg2[%select_n3A, %add3A_220, %dma_wait3A_225, %dma_wait3A_226] : memref<8x4096x12x64xf32, #tpu.memory_space<hbm>> -> memref<1x40x12x64xf32, #tpu.memory_space<hbm>>
      %dma_wait3A_228 = tpu.memref_squeeze %dma_wait3A_227 : memref<1x40x12x64xf32, #tpu.memory_space<hbm>> -> memref<40x12x64xf32, #tpu.memory_space<hbm>>
      tpu.wait_dma2 semaphore(%arg7 : memref<!tpu.dma_semaphore, #tpu.memory_space<semaphore_mem>>) src(%dma_wait3A_228 : memref<40x12x64xf32, #tpu.memory_space<hbm>>) dst(%run_scoped3A : memref<40x12x64xf32, #tpu.memory_space<vmem>>)
      %add3A_229 = arith.constant 160 : i32
      %add3A_230 = arith.addi %add3A_39, %add3A_229 : i32
      %dma_start3A_231 = arith.constant 0 : i32
      %dma_start3A_232 = arith.constant 0 : i32
      %dma_start3A_233 = tpu.memref_slice %arg5[%select_n3A, %add3A_230, %dma_start3A_231, %dma_start3A_232] : memref<8x4096x12x64xf32, #tpu.memory_space<hbm>> -> memref<1x40x12x64xf32, #tpu.memory_space<hbm>>
      %dma_start3A_234 = tpu.memref_squeeze %dma_start3A_233 : memref<1x40x12x64xf32, #tpu.memory_space<hbm>> -> memref<40x12x64xf32, #tpu.memory_space<hbm>>
      %dma_start3A_235 = arith.constant 0 : i32
      %dma_start3A_236 = arith.constant 0 : i32
      %dma_start3A_237 = tpu.memref_slice %arg5[%select_n3A, %add3A_230, %dma_start3A_235, %dma_start3A_236] : memref<8x4096x12x64xf32, #tpu.memory_space<hbm>> -> memref<1x40x12x64xf32, #tpu.memory_space<hbm>>
      %dma_start3A_238 = tpu.memref_squeeze %dma_start3A_237 : memref<1x40x12x64xf32, #tpu.memory_space<hbm>> -> memref<40x12x64xf32, #tpu.memory_space<hbm>>
      tpu.enqueue_dma source(%run_scoped3A : memref<40x12x64xf32, #tpu.memory_space<vmem>>) target(%dma_start3A_238 : memref<40x12x64xf32, #tpu.memory_space<hbm>>) target_semaphore(%arg9 : memref<!tpu.dma_semaphore, #tpu.memory_space<semaphore_mem>>)
      %add3A_239 = arith.constant 160 : i32
      %add3A_240 = arith.addi %add3A_39, %add3A_239 : i32
      %dma_wait3A_241 = arith.constant 0 : i32
      %dma_wait3A_242 = arith.constant 0 : i32
      %dma_wait3A_243 = tpu.memref_slice %arg5[%select_n3A, %add3A_240, %dma_wait3A_241, %dma_wait3A_242] : memref<8x4096x12x64xf32, #tpu.memory_space<hbm>> -> memref<1x40x12x64xf32, #tpu.memory_space<hbm>>
      %dma_wait3A_244 = tpu.memref_squeeze %dma_wait3A_243 : memref<1x40x12x64xf32, #tpu.memory_space<hbm>> -> memref<40x12x64xf32, #tpu.memory_space<hbm>>
      %dma_wait3A_245 = arith.constant 0 : i32
      %dma_wait3A_246 = arith.constant 0 : i32
      %dma_wait3A_247 = tpu.memref_slice %arg5[%select_n3A, %add3A_240, %dma_wait3A_245, %dma_wait3A_246] : memref<8x4096x12x64xf32, #tpu.memory_space<hbm>> -> memref<1x40x12x64xf32, #tpu.memory_space<hbm>>
      %dma_wait3A_248 = tpu.memref_squeeze %dma_wait3A_247 : memref<1x40x12x64xf32, #tpu.memory_space<hbm>> -> memref<40x12x64xf32, #tpu.memory_space<hbm>>
      tpu.wait_dma2 semaphore(%arg9 : memref<!tpu.dma_semaphore, #tpu.memory_space<semaphore_mem>>) src(%run_scoped3A : memref<40x12x64xf32, #tpu.memory_space<vmem>>) dst(%dma_wait3A_248 : memref<40x12x64xf32, #tpu.memory_space<hbm>>)
      %add3A_249 = arith.constant 240 : i32
      %add3A_250 = arith.addi %add3A_35, %add3A_249 : i32
      %dma_start3A_251 = arith.constant 0 : i32
      %dma_start3A_252 = arith.constant 0 : i32
      %dma_start3A_253 = tpu.memref_slice %arg2[%select_n3A, %add3A_250, %dma_start3A_251, %dma_start3A_252] : memref<8x4096x12x64xf32, #tpu.memory_space<hbm>> -> memref<1x40x12x64xf32, #tpu.memory_space<hbm>>
      %dma_start3A_254 = tpu.memref_squeeze %dma_start3A_253 : memref<1x40x12x64xf32, #tpu.memory_space<hbm>> -> memref<40x12x64xf32, #tpu.memory_space<hbm>>
      %dma_start3A_255 = arith.constant 0 : i32
      %dma_start3A_256 = arith.constant 0 : i32
      %dma_start3A_257 = tpu.memref_slice %arg2[%select_n3A, %add3A_250, %dma_start3A_255, %dma_start3A_256] : memref<8x4096x12x64xf32, #tpu.memory_space<hbm>> -> memref<1x40x12x64xf32, #tpu.memory_space<hbm>>
      %dma_start3A_258 = tpu.memref_squeeze %dma_start3A_257 : memref<1x40x12x64xf32, #tpu.memory_space<hbm>> -> memref<40x12x64xf32, #tpu.memory_space<hbm>>
      tpu.enqueue_dma source(%dma_start3A_258 : memref<40x12x64xf32, #tpu.memory_space<hbm>>) target(%run_scoped3A : memref<40x12x64xf32, #tpu.memory_space<vmem>>) target_semaphore(%arg7 : memref<!tpu.dma_semaphore, #tpu.memory_space<semaphore_mem>>)
      %add3A_259 = arith.constant 200 : i32
      %add3A_260 = arith.addi %add3A_35, %add3A_259 : i32
      %dma_wait3A_261 = arith.constant 0 : i32
      %dma_wait3A_262 = arith.constant 0 : i32
      %dma_wait3A_263 = tpu.memref_slice %arg2[%select_n3A, %add3A_260, %dma_wait3A_261, %dma_wait3A_262] : memref<8x4096x12x64xf32, #tpu.memory_space<hbm>> -> memref<1x40x12x64xf32, #tpu.memory_space<hbm>>
      %dma_wait3A_264 = tpu.memref_squeeze %dma_wait3A_263 : memref<1x40x12x64xf32, #tpu.memory_space<hbm>> -> memref<40x12x64xf32, #tpu.memory_space<hbm>>
      %dma_wait3A_265 = arith.constant 0 : i32
      %dma_wait3A_266 = arith.constant 0 : i32
      %dma_wait3A_267 = tpu.memref_slice %arg2[%select_n3A, %add3A_260, %dma_wait3A_265, %dma_wait3A_266] : memref<8x4096x12x64xf32, #tpu.memory_space<hbm>> -> memref<1x40x12x64xf32, #tpu.memory_space<hbm>>
      %dma_wait3A_268 = tpu.memref_squeeze %dma_wait3A_267 : memref<1x40x12x64xf32, #tpu.memory_space<hbm>> -> memref<40x12x64xf32, #tpu.memory_space<hbm>>
      tpu.wait_dma2 semaphore(%arg8 : memref<!tpu.dma_semaphore, #tpu.memory_space<semaphore_mem>>) src(%dma_wait3A_268 : memref<40x12x64xf32, #tpu.memory_space<hbm>>) dst(%run_scoped3A_40 : memref<40x12x64xf32, #tpu.memory_space<vmem>>)
      %add3A_269 = arith.constant 200 : i32
      %add3A_270 = arith.addi %add3A_39, %add3A_269 : i32
      %dma_start3A_271 = arith.constant 0 : i32
      %dma_start3A_272 = arith.constant 0 : i32
      %dma_start3A_273 = tpu.memref_slice %arg5[%select_n3A, %add3A_270, %dma_start3A_271, %dma_start3A_272] : memref<8x4096x12x64xf32, #tpu.memory_space<hbm>> -> memref<1x40x12x64xf32, #tpu.memory_space<hbm>>
      %dma_start3A_274 = tpu.memref_squeeze %dma_start3A_273 : memref<1x40x12x64xf32, #tpu.memory_space<hbm>> -> memref<40x12x64xf32, #tpu.memory_space<hbm>>
      %dma_start3A_275 = arith.constant 0 : i32
      %dma_start3A_276 = arith.constant 0 : i32
      %dma_start3A_277 = tpu.memref_slice %arg5[%select_n3A, %add3A_270, %dma_start3A_275, %dma_start3A_276] : memref<8x4096x12x64xf32, #tpu.memory_space<hbm>> -> memref<1x40x12x64xf32, #tpu.memory_space<hbm>>
      %dma_start3A_278 = tpu.memref_squeeze %dma_start3A_277 : memref<1x40x12x64xf32, #tpu.memory_space<hbm>> -> memref<40x12x64xf32, #tpu.memory_space<hbm>>
      tpu.enqueue_dma source(%run_scoped3A_40 : memref<40x12x64xf32, #tpu.memory_space<vmem>>) target(%dma_start3A_278 : memref<40x12x64xf32, #tpu.memory_space<hbm>>) target_semaphore(%arg10 : memref<!tpu.dma_semaphore, #tpu.memory_space<semaphore_mem>>)
      %add3A_279 = arith.constant 200 : i32
      %add3A_280 = arith.addi %add3A_39, %add3A_279 : i32
      %dma_wait3A_281 = arith.constant 0 : i32
      %dma_wait3A_282 = arith.constant 0 : i32
      %dma_wait3A_283 = tpu.memref_slice %arg5[%select_n3A, %add3A_280, %dma_wait3A_281, %dma_wait3A_282] : memref<8x4096x12x64xf32, #tpu.memory_space<hbm>> -> memref<1x40x12x64xf32, #tpu.memory_space<hbm>>
      %dma_wait3A_284 = tpu.memref_squeeze %dma_wait3A_283 : memref<1x40x12x64xf32, #tpu.memory_space<hbm>> -> memref<40x12x64xf32, #tpu.memory_space<hbm>>
      %dma_wait3A_285 = arith.constant 0 : i32
      %dma_wait3A_286 = arith.constant 0 : i32
      %dma_wait3A_287 = tpu.memref_slice %arg5[%select_n3A, %add3A_280, %dma_wait3A_285, %dma_wait3A_286] : memref<8x4096x12x64xf32, #tpu.memory_space<hbm>> -> memref<1x40x12x64xf32, #tpu.memory_space<hbm>>
      %dma_wait3A_288 = tpu.memref_squeeze %dma_wait3A_287 : memref<1x40x12x64xf32, #tpu.memory_space<hbm>> -> memref<40x12x64xf32, #tpu.memory_space<hbm>>
      tpu.wait_dma2 semaphore(%arg10 : memref<!tpu.dma_semaphore, #tpu.memory_space<semaphore_mem>>) src(%run_scoped3A_40 : memref<40x12x64xf32, #tpu.memory_space<vmem>>) dst(%dma_wait3A_288 : memref<40x12x64xf32, #tpu.memory_space<hbm>>)
      %add3A_289 = arith.constant 280 : i32
      %add3A_290 = arith.addi %add3A_35, %add3A_289 : i32
      %dma_start3A_291 = arith.constant 0 : i32
      %dma_start3A_292 = arith.constant 0 : i32
      %dma_start3A_293 = tpu.memref_slice %arg2[%select_n3A, %add3A_290, %dma_start3A_291, %dma_start3A_292] : memref<8x4096x12x64xf32, #tpu.memory_space<hbm>> -> memref<1x40x12x64xf32, #tpu.memory_space<hbm>>
      %dma_start3A_294 = tpu.memref_squeeze %dma_start3A_293 : memref<1x40x12x64xf32, #tpu.memory_space<hbm>> -> memref<40x12x64xf32, #tpu.memory_space<hbm>>
      %dma_start3A_295 = arith.constant 0 : i32
      %dma_start3A_296 = arith.constant 0 : i32
      %dma_start3A_297 = tpu.memref_slice %arg2[%select_n3A, %add3A_290, %dma_start3A_295, %dma_start3A_296] : memref<8x4096x12x64xf32, #tpu.memory_space<hbm>> -> memref<1x40x12x64xf32, #tpu.memory_space<hbm>>
      %dma_start3A_298 = tpu.memref_squeeze %dma_start3A_297 : memref<1x40x12x64xf32, #tpu.memory_space<hbm>> -> memref<40x12x64xf32, #tpu.memory_space<hbm>>
      tpu.enqueue_dma source(%dma_start3A_298 : memref<40x12x64xf32, #tpu.memory_space<hbm>>) target(%run_scoped3A_40 : memref<40x12x64xf32, #tpu.memory_space<vmem>>) target_semaphore(%arg8 : memref<!tpu.dma_semaphore, #tpu.memory_space<semaphore_mem>>)
      %add3A_299 = arith.constant 240 : i32
      %add3A_300 = arith.addi %add3A_35, %add3A_299 : i32
      %dma_wait3A_301 = arith.constant 0 : i32
      %dma_wait3A_302 = arith.constant 0 : i32
      %dma_wait3A_303 = tpu.memref_slice %arg2[%select_n3A, %add3A_300, %dma_wait3A_301, %dma_wait3A_302] : memref<8x4096x12x64xf32, #tpu.memory_space<hbm>> -> memref<1x40x12x64xf32, #tpu.memory_space<hbm>>
      %dma_wait3A_304 = tpu.memref_squeeze %dma_wait3A_303 : memref<1x40x12x64xf32, #tpu.memory_space<hbm>> -> memref<40x12x64xf32, #tpu.memory_space<hbm>>
      %dma_wait3A_305 = arith.constant 0 : i32
      %dma_wait3A_306 = arith.constant 0 : i32
      %dma_wait3A_307 = tpu.memref_slice %arg2[%select_n3A, %add3A_300, %dma_wait3A_305, %dma_wait3A_306] : memref<8x4096x12x64xf32, #tpu.memory_space<hbm>> -> memref<1x40x12x64xf32, #tpu.memory_space<hbm>>
      %dma_wait3A_308 = tpu.memref_squeeze %dma_wait3A_307 : memref<1x40x12x64xf32, #tpu.memory_space<hbm>> -> memref<40x12x64xf32, #tpu.memory_space<hbm>>
      tpu.wait_dma2 semaphore(%arg7 : memref<!tpu.dma_semaphore, #tpu.memory_space<semaphore_mem>>) src(%dma_wait3A_308 : memref<40x12x64xf32, #tpu.memory_space<hbm>>) dst(%run_scoped3A : memref<40x12x64xf32, #tpu.memory_space<vmem>>)
      %add3A_309 = arith.constant 240 : i32
      %add3A_310 = arith.addi %add3A_39, %add3A_309 : i32
      %dma_start3A_311 = arith.constant 0 : i32
      %dma_start3A_312 = arith.constant 0 : i32
      %dma_start3A_313 = tpu.memref_slice %arg5[%select_n3A, %add3A_310, %dma_start3A_311, %dma_start3A_312] : memref<8x4096x12x64xf32, #tpu.memory_space<hbm>> -> memref<1x40x12x64xf32, #tpu.memory_space<hbm>>
      %dma_start3A_314 = tpu.memref_squeeze %dma_start3A_313 : memref<1x40x12x64xf32, #tpu.memory_space<hbm>> -> memref<40x12x64xf32, #tpu.memory_space<hbm>>
      %dma_start3A_315 = arith.constant 0 : i32
      %dma_start3A_316 = arith.constant 0 : i32
      %dma_start3A_317 = tpu.memref_slice %arg5[%select_n3A, %add3A_310, %dma_start3A_315, %dma_start3A_316] : memref<8x4096x12x64xf32, #tpu.memory_space<hbm>> -> memref<1x40x12x64xf32, #tpu.memory_space<hbm>>
      %dma_start3A_318 = tpu.memref_squeeze %dma_start3A_317 : memref<1x40x12x64xf32, #tpu.memory_space<hbm>> -> memref<40x12x64xf32, #tpu.memory_space<hbm>>
      tpu.enqueue_dma source(%run_scoped3A : memref<40x12x64xf32, #tpu.memory_space<vmem>>) target(%dma_start3A_318 : memref<40x12x64xf32, #tpu.memory_space<hbm>>) target_semaphore(%arg9 : memref<!tpu.dma_semaphore, #tpu.memory_space<semaphore_mem>>)
      %add3A_319 = arith.constant 240 : i32
      %add3A_320 = arith.addi %add3A_39, %add3A_319 : i32
      %dma_wait3A_321 = arith.constant 0 : i32
      %dma_wait3A_322 = arith.constant 0 : i32
      %dma_wait3A_323 = tpu.memref_slice %arg5[%select_n3A, %add3A_320, %dma_wait3A_321, %dma_wait3A_322] : memref<8x4096x12x64xf32, #tpu.memory_space<hbm>> -> memref<1x40x12x64xf32, #tpu.memory_space<hbm>>
      %dma_wait3A_324 = tpu.memref_squeeze %dma_wait3A_323 : memref<1x40x12x64xf32, #tpu.memory_space<hbm>> -> memref<40x12x64xf32, #tpu.memory_space<hbm>>
      %dma_wait3A_325 = arith.constant 0 : i32
      %dma_wait3A_326 = arith.constant 0 : i32
      %dma_wait3A_327 = tpu.memref_slice %arg5[%select_n3A, %add3A_320, %dma_wait3A_325, %dma_wait3A_326] : memref<8x4096x12x64xf32, #tpu.memory_space<hbm>> -> memref<1x40x12x64xf32, #tpu.memory_space<hbm>>
      %dma_wait3A_328 = tpu.memref_squeeze %dma_wait3A_327 : memref<1x40x12x64xf32, #tpu.memory_space<hbm>> -> memref<40x12x64xf32, #tpu.memory_space<hbm>>
      tpu.wait_dma2 semaphore(%arg9 : memref<!tpu.dma_semaphore, #tpu.memory_space<semaphore_mem>>) src(%run_scoped3A : memref<40x12x64xf32, #tpu.memory_space<vmem>>) dst(%dma_wait3A_328 : memref<40x12x64xf32, #tpu.memory_space<hbm>>)
      %add3A_329 = arith.constant 320 : i32
      %add3A_330 = arith.addi %add3A_35, %add3A_329 : i32
      %dma_start3A_331 = arith.constant 0 : i32
      %dma_start3A_332 = arith.constant 0 : i32
      %dma_start3A_333 = tpu.memref_slice %arg2[%select_n3A, %add3A_330, %dma_start3A_331, %dma_start3A_332] : memref<8x4096x12x64xf32, #tpu.memory_space<hbm>> -> memref<1x40x12x64xf32, #tpu.memory_space<hbm>>
      %dma_start3A_334 = tpu.memref_squeeze %dma_start3A_333 : memref<1x40x12x64xf32, #tpu.memory_space<hbm>> -> memref<40x12x64xf32, #tpu.memory_space<hbm>>
      %dma_start3A_335 = arith.constant 0 : i32
      %dma_start3A_336 = arith.constant 0 : i32
      %dma_start3A_337 = tpu.memref_slice %arg2[%select_n3A, %add3A_330, %dma_start3A_335, %dma_start3A_336] : memref<8x4096x12x64xf32, #tpu.memory_space<hbm>> -> memref<1x40x12x64xf32, #tpu.memory_space<hbm>>
      %dma_start3A_338 = tpu.memref_squeeze %dma_start3A_337 : memref<1x40x12x64xf32, #tpu.memory_space<hbm>> -> memref<40x12x64xf32, #tpu.memory_space<hbm>>
      tpu.enqueue_dma source(%dma_start3A_338 : memref<40x12x64xf32, #tpu.memory_space<hbm>>) target(%run_scoped3A : memref<40x12x64xf32, #tpu.memory_space<vmem>>) target_semaphore(%arg7 : memref<!tpu.dma_semaphore, #tpu.memory_space<semaphore_mem>>)
      %add3A_339 = arith.constant 280 : i32
      %add3A_340 = arith.addi %add3A_35, %add3A_339 : i32
      %dma_wait3A_341 = arith.constant 0 : i32
      %dma_wait3A_342 = arith.constant 0 : i32
      %dma_wait3A_343 = tpu.memref_slice %arg2[%select_n3A, %add3A_340, %dma_wait3A_341, %dma_wait3A_342] : memref<8x4096x12x64xf32, #tpu.memory_space<hbm>> -> memref<1x40x12x64xf32, #tpu.memory_space<hbm>>
      %dma_wait3A_344 = tpu.memref_squeeze %dma_wait3A_343 : memref<1x40x12x64xf32, #tpu.memory_space<hbm>> -> memref<40x12x64xf32, #tpu.memory_space<hbm>>
      %dma_wait3A_345 = arith.constant 0 : i32
      %dma_wait3A_346 = arith.constant 0 : i32
      %dma_wait3A_347 = tpu.memref_slice %arg2[%select_n3A, %add3A_340, %dma_wait3A_345, %dma_wait3A_346] : memref<8x4096x12x64xf32, #tpu.memory_space<hbm>> -> memref<1x40x12x64xf32, #tpu.memory_space<hbm>>
      %dma_wait3A_348 = tpu.memref_squeeze %dma_wait3A_347 : memref<1x40x12x64xf32, #tpu.memory_space<hbm>> -> memref<40x12x64xf32, #tpu.memory_space<hbm>>
      tpu.wait_dma2 semaphore(%arg8 : memref<!tpu.dma_semaphore, #tpu.memory_space<semaphore_mem>>) src(%dma_wait3A_348 : memref<40x12x64xf32, #tpu.memory_space<hbm>>) dst(%run_scoped3A_40 : memref<40x12x64xf32, #tpu.memory_space<vmem>>)
      %add3A_349 = arith.constant 280 : i32
      %add3A_350 = arith.addi %add3A_39, %add3A_349 : i32
      %dma_start3A_351 = arith.constant 0 : i32
      %dma_start3A_352 = arith.constant 0 : i32
      %dma_start3A_353 = tpu.memref_slice %arg5[%select_n3A, %add3A_350, %dma_start3A_351, %dma_start3A_352] : memref<8x4096x12x64xf32, #tpu.memory_space<hbm>> -> memref<1x40x12x64xf32, #tpu.memory_space<hbm>>
      %dma_start3A_354 = tpu.memref_squeeze %dma_start3A_353 : memref<1x40x12x64xf32, #tpu.memory_space<hbm>> -> memref<40x12x64xf32, #tpu.memory_space<hbm>>
      %dma_start3A_355 = arith.constant 0 : i32
      %dma_start3A_356 = arith.constant 0 : i32
      %dma_start3A_357 = tpu.memref_slice %arg5[%select_n3A, %add3A_350, %dma_start3A_355, %dma_start3A_356] : memref<8x4096x12x64xf32, #tpu.memory_space<hbm>> -> memref<1x40x12x64xf32, #tpu.memory_space<hbm>>
      %dma_start3A_358 = tpu.memref_squeeze %dma_start3A_357 : memref<1x40x12x64xf32, #tpu.memory_space<hbm>> -> memref<40x12x64xf32, #tpu.memory_space<hbm>>
      tpu.enqueue_dma source(%run_scoped3A_40 : memref<40x12x64xf32, #tpu.memory_space<vmem>>) target(%dma_start3A_358 : memref<40x12x64xf32, #tpu.memory_space<hbm>>) target_semaphore(%arg10 : memref<!tpu.dma_semaphore, #tpu.memory_space<semaphore_mem>>)
      %add3A_359 = arith.constant 280 : i32
      %add3A_360 = arith.addi %add3A_39, %add3A_359 : i32
      %dma_wait3A_361 = arith.constant 0 : i32
      %dma_wait3A_362 = arith.constant 0 : i32
      %dma_wait3A_363 = tpu.memref_slice %arg5[%select_n3A, %add3A_360, %dma_wait3A_361, %dma_wait3A_362] : memref<8x4096x12x64xf32, #tpu.memory_space<hbm>> -> memref<1x40x12x64xf32, #tpu.memory_space<hbm>>
      %dma_wait3A_364 = tpu.memref_squeeze %dma_wait3A_363 : memref<1x40x12x64xf32, #tpu.memory_space<hbm>> -> memref<40x12x64xf32, #tpu.memory_space<hbm>>
      %dma_wait3A_365 = arith.constant 0 : i32
      %dma_wait3A_366 = arith.constant 0 : i32
      %dma_wait3A_367 = tpu.memref_slice %arg5[%select_n3A, %add3A_360, %dma_wait3A_365, %dma_wait3A_366] : memref<8x4096x12x64xf32, #tpu.memory_space<hbm>> -> memref<1x40x12x64xf32, #tpu.memory_space<hbm>>
      %dma_wait3A_368 = tpu.memref_squeeze %dma_wait3A_367 : memref<1x40x12x64xf32, #tpu.memory_space<hbm>> -> memref<40x12x64xf32, #tpu.memory_space<hbm>>
      tpu.wait_dma2 semaphore(%arg10 : memref<!tpu.dma_semaphore, #tpu.memory_space<semaphore_mem>>) src(%run_scoped3A_40 : memref<40x12x64xf32, #tpu.memory_space<vmem>>) dst(%dma_wait3A_368 : memref<40x12x64xf32, #tpu.memory_space<hbm>>)
      %add3A_369 = arith.constant 360 : i32
      %add3A_370 = arith.addi %add3A_35, %add3A_369 : i32
      %dma_start3A_371 = arith.constant 0 : i32
      %dma_start3A_372 = arith.constant 0 : i32
      %dma_start3A_373 = tpu.memref_slice %arg2[%select_n3A, %add3A_370, %dma_start3A_371, %dma_start3A_372] : memref<8x4096x12x64xf32, #tpu.memory_space<hbm>> -> memref<1x40x12x64xf32, #tpu.memory_space<hbm>>
      %dma_start3A_374 = tpu.memref_squeeze %dma_start3A_373 : memref<1x40x12x64xf32, #tpu.memory_space<hbm>> -> memref<40x12x64xf32, #tpu.memory_space<hbm>>
      %dma_start3A_375 = arith.constant 0 : i32
      %dma_start3A_376 = arith.constant 0 : i32
      %dma_start3A_377 = tpu.memref_slice %arg2[%select_n3A, %add3A_370, %dma_start3A_375, %dma_start3A_376] : memref<8x4096x12x64xf32, #tpu.memory_space<hbm>> -> memref<1x40x12x64xf32, #tpu.memory_space<hbm>>
      %dma_start3A_378 = tpu.memref_squeeze %dma_start3A_377 : memref<1x40x12x64xf32, #tpu.memory_space<hbm>> -> memref<40x12x64xf32, #tpu.memory_space<hbm>>
      tpu.enqueue_dma source(%dma_start3A_378 : memref<40x12x64xf32, #tpu.memory_space<hbm>>) target(%run_scoped3A_40 : memref<40x12x64xf32, #tpu.memory_space<vmem>>) target_semaphore(%arg8 : memref<!tpu.dma_semaphore, #tpu.memory_space<semaphore_mem>>)
      %add3A_379 = arith.constant 320 : i32
      %add3A_380 = arith.addi %add3A_35, %add3A_379 : i32
      %dma_wait3A_381 = arith.constant 0 : i32
      %dma_wait3A_382 = arith.constant 0 : i32
      %dma_wait3A_383 = tpu.memref_slice %arg2[%select_n3A, %add3A_380, %dma_wait3A_381, %dma_wait3A_382] : memref<8x4096x12x64xf32, #tpu.memory_space<hbm>> -> memref<1x40x12x64xf32, #tpu.memory_space<hbm>>
      %dma_wait3A_384 = tpu.memref_squeeze %dma_wait3A_383 : memref<1x40x12x64xf32, #tpu.memory_space<hbm>> -> memref<40x12x64xf32, #tpu.memory_space<hbm>>
      %dma_wait3A_385 = arith.constant 0 : i32
      %dma_wait3A_386 = arith.constant 0 : i32
      %dma_wait3A_387 = tpu.memref_slice %arg2[%select_n3A, %add3A_380, %dma_wait3A_385, %dma_wait3A_386] : memref<8x4096x12x64xf32, #tpu.memory_space<hbm>> -> memref<1x40x12x64xf32, #tpu.memory_space<hbm>>
      %dma_wait3A_388 = tpu.memref_squeeze %dma_wait3A_387 : memref<1x40x12x64xf32, #tpu.memory_space<hbm>> -> memref<40x12x64xf32, #tpu.memory_space<hbm>>
      tpu.wait_dma2 semaphore(%arg7 : memref<!tpu.dma_semaphore, #tpu.memory_space<semaphore_mem>>) src(%dma_wait3A_388 : memref<40x12x64xf32, #tpu.memory_space<hbm>>) dst(%run_scoped3A : memref<40x12x64xf32, #tpu.memory_space<vmem>>)
      %add3A_389 = arith.constant 320 : i32
      %add3A_390 = arith.addi %add3A_39, %add3A_389 : i32
      %dma_start3A_391 = arith.constant 0 : i32
      %dma_start3A_392 = arith.constant 0 : i32
      %dma_start3A_393 = tpu.memref_slice %arg5[%select_n3A, %add3A_390, %dma_start3A_391, %dma_start3A_392] : memref<8x4096x12x64xf32, #tpu.memory_space<hbm>> -> memref<1x40x12x64xf32, #tpu.memory_space<hbm>>
      %dma_start3A_394 = tpu.memref_squeeze %dma_start3A_393 : memref<1x40x12x64xf32, #tpu.memory_space<hbm>> -> memref<40x12x64xf32, #tpu.memory_space<hbm>>
      %dma_start3A_395 = arith.constant 0 : i32
      %dma_start3A_396 = arith.constant 0 : i32
      %dma_start3A_397 = tpu.memref_slice %arg5[%select_n3A, %add3A_390, %dma_start3A_395, %dma_start3A_396] : memref<8x4096x12x64xf32, #tpu.memory_space<hbm>> -> memref<1x40x12x64xf32, #tpu.memory_space<hbm>>
      %dma_start3A_398 = tpu.memref_squeeze %dma_start3A_397 : memref<1x40x12x64xf32, #tpu.memory_space<hbm>> -> memref<40x12x64xf32, #tpu.memory_space<hbm>>
      tpu.enqueue_dma source(%run_scoped3A : memref<40x12x64xf32, #tpu.memory_space<vmem>>) target(%dma_start3A_398 : memref<40x12x64xf32, #tpu.memory_space<hbm>>) target_semaphore(%arg9 : memref<!tpu.dma_semaphore, #tpu.memory_space<semaphore_mem>>)
      %add3A_399 = arith.constant 320 : i32
      %add3A_400 = arith.addi %add3A_39, %add3A_399 : i32
      %dma_wait3A_401 = arith.constant 0 : i32
      %dma_wait3A_402 = arith.constant 0 : i32
      %dma_wait3A_403 = tpu.memref_slice %arg5[%select_n3A, %add3A_400, %dma_wait3A_401, %dma_wait3A_402] : memref<8x4096x12x64xf32, #tpu.memory_space<hbm>> -> memref<1x40x12x64xf32, #tpu.memory_space<hbm>>
      %dma_wait3A_404 = tpu.memref_squeeze %dma_wait3A_403 : memref<1x40x12x64xf32, #tpu.memory_space<hbm>> -> memref<40x12x64xf32, #tpu.memory_space<hbm>>
      %dma_wait3A_405 = arith.constant 0 : i32
      %dma_wait3A_406 = arith.constant 0 : i32
      %dma_wait3A_407 = tpu.memref_slice %arg5[%select_n3A, %add3A_400, %dma_wait3A_405, %dma_wait3A_406] : memref<8x4096x12x64xf32, #tpu.memory_space<hbm>> -> memref<1x40x12x64xf32, #tpu.memory_space<hbm>>
      %dma_wait3A_408 = tpu.memref_squeeze %dma_wait3A_407 : memref<1x40x12x64xf32, #tpu.memory_space<hbm>> -> memref<40x12x64xf32, #tpu.memory_space<hbm>>
      tpu.wait_dma2 semaphore(%arg9 : memref<!tpu.dma_semaphore, #tpu.memory_space<semaphore_mem>>) src(%run_scoped3A : memref<40x12x64xf32, #tpu.memory_space<vmem>>) dst(%dma_wait3A_408 : memref<40x12x64xf32, #tpu.memory_space<hbm>>)
      %add3A_409 = arith.constant 400 : i32
      %add3A_410 = arith.addi %add3A_35, %add3A_409 : i32
      %dma_start3A_411 = arith.constant 0 : i32
      %dma_start3A_412 = arith.constant 0 : i32
      %dma_start3A_413 = tpu.memref_slice %arg2[%select_n3A, %add3A_410, %dma_start3A_411, %dma_start3A_412] : memref<8x4096x12x64xf32, #tpu.memory_space<hbm>> -> memref<1x40x12x64xf32, #tpu.memory_space<hbm>>
      %dma_start3A_414 = tpu.memref_squeeze %dma_start3A_413 : memref<1x40x12x64xf32, #tpu.memory_space<hbm>> -> memref<40x12x64xf32, #tpu.memory_space<hbm>>
      %dma_start3A_415 = arith.constant 0 : i32
      %dma_start3A_416 = arith.constant 0 : i32
      %dma_start3A_417 = tpu.memref_slice %arg2[%select_n3A, %add3A_410, %dma_start3A_415, %dma_start3A_416] : memref<8x4096x12x64xf32, #tpu.memory_space<hbm>> -> memref<1x40x12x64xf32, #tpu.memory_space<hbm>>
      %dma_start3A_418 = tpu.memref_squeeze %dma_start3A_417 : memref<1x40x12x64xf32, #tpu.memory_space<hbm>> -> memref<40x12x64xf32, #tpu.memory_space<hbm>>
      tpu.enqueue_dma source(%dma_start3A_418 : memref<40x12x64xf32, #tpu.memory_space<hbm>>) target(%run_scoped3A : memref<40x12x64xf32, #tpu.memory_space<vmem>>) target_semaphore(%arg7 : memref<!tpu.dma_semaphore, #tpu.memory_space<semaphore_mem>>)
      %add3A_419 = arith.constant 360 : i32
      %add3A_420 = arith.addi %add3A_35, %add3A_419 : i32
      %dma_wait3A_421 = arith.constant 0 : i32
      %dma_wait3A_422 = arith.constant 0 : i32
      %dma_wait3A_423 = tpu.memref_slice %arg2[%select_n3A, %add3A_420, %dma_wait3A_421, %dma_wait3A_422] : memref<8x4096x12x64xf32, #tpu.memory_space<hbm>> -> memref<1x40x12x64xf32, #tpu.memory_space<hbm>>
      %dma_wait3A_424 = tpu.memref_squeeze %dma_wait3A_423 : memref<1x40x12x64xf32, #tpu.memory_space<hbm>> -> memref<40x12x64xf32, #tpu.memory_space<hbm>>
      %dma_wait3A_425 = arith.constant 0 : i32
      %dma_wait3A_426 = arith.constant 0 : i32
      %dma_wait3A_427 = tpu.memref_slice %arg2[%select_n3A, %add3A_420, %dma_wait3A_425, %dma_wait3A_426] : memref<8x4096x12x64xf32, #tpu.memory_space<hbm>> -> memref<1x40x12x64xf32, #tpu.memory_space<hbm>>
      %dma_wait3A_428 = tpu.memref_squeeze %dma_wait3A_427 : memref<1x40x12x64xf32, #tpu.memory_space<hbm>> -> memref<40x12x64xf32, #tpu.memory_space<hbm>>
      tpu.wait_dma2 semaphore(%arg8 : memref<!tpu.dma_semaphore, #tpu.memory_space<semaphore_mem>>) src(%dma_wait3A_428 : memref<40x12x64xf32, #tpu.memory_space<hbm>>) dst(%run_scoped3A_40 : memref<40x12x64xf32, #tpu.memory_space<vmem>>)
      %add3A_429 = arith.constant 360 : i32
      %add3A_430 = arith.addi %add3A_39, %add3A_429 : i32
      %dma_start3A_431 = arith.constant 0 : i32
      %dma_start3A_432 = arith.constant 0 : i32
      %dma_start3A_433 = tpu.memref_slice %arg5[%select_n3A, %add3A_430, %dma_start3A_431, %dma_start3A_432] : memref<8x4096x12x64xf32, #tpu.memory_space<hbm>> -> memref<1x40x12x64xf32, #tpu.memory_space<hbm>>
      %dma_start3A_434 = tpu.memref_squeeze %dma_start3A_433 : memref<1x40x12x64xf32, #tpu.memory_space<hbm>> -> memref<40x12x64xf32, #tpu.memory_space<hbm>>
      %dma_start3A_435 = arith.constant 0 : i32
      %dma_start3A_436 = arith.constant 0 : i32
      %dma_start3A_437 = tpu.memref_slice %arg5[%select_n3A, %add3A_430, %dma_start3A_435, %dma_start3A_436] : memref<8x4096x12x64xf32, #tpu.memory_space<hbm>> -> memref<1x40x12x64xf32, #tpu.memory_space<hbm>>
      %dma_start3A_438 = tpu.memref_squeeze %dma_start3A_437 : memref<1x40x12x64xf32, #tpu.memory_space<hbm>> -> memref<40x12x64xf32, #tpu.memory_space<hbm>>
      tpu.enqueue_dma source(%run_scoped3A_40 : memref<40x12x64xf32, #tpu.memory_space<vmem>>) target(%dma_start3A_438 : memref<40x12x64xf32, #tpu.memory_space<hbm>>) target_semaphore(%arg10 : memref<!tpu.dma_semaphore, #tpu.memory_space<semaphore_mem>>)
      %add3A_439 = arith.constant 360 : i32
      %add3A_440 = arith.addi %add3A_39, %add3A_439 : i32
      %dma_wait3A_441 = arith.constant 0 : i32
      %dma_wait3A_442 = arith.constant 0 : i32
      %dma_wait3A_443 = tpu.memref_slice %arg5[%select_n3A, %add3A_440, %dma_wait3A_441, %dma_wait3A_442] : memref<8x4096x12x64xf32, #tpu.memory_space<hbm>> -> memref<1x40x12x64xf32, #tpu.memory_space<hbm>>
      %dma_wait3A_444 = tpu.memref_squeeze %dma_wait3A_443 : memref<1x40x12x64xf32, #tpu.memory_space<hbm>> -> memref<40x12x64xf32, #tpu.memory_space<hbm>>
      %dma_wait3A_445 = arith.constant 0 : i32
      %dma_wait3A_446 = arith.constant 0 : i32
      %dma_wait3A_447 = tpu.memref_slice %arg5[%select_n3A, %add3A_440, %dma_wait3A_445, %dma_wait3A_446] : memref<8x4096x12x64xf32, #tpu.memory_space<hbm>> -> memref<1x40x12x64xf32, #tpu.memory_space<hbm>>
      %dma_wait3A_448 = tpu.memref_squeeze %dma_wait3A_447 : memref<1x40x12x64xf32, #tpu.memory_space<hbm>> -> memref<40x12x64xf32, #tpu.memory_space<hbm>>
      tpu.wait_dma2 semaphore(%arg10 : memref<!tpu.dma_semaphore, #tpu.memory_space<semaphore_mem>>) src(%run_scoped3A_40 : memref<40x12x64xf32, #tpu.memory_space<vmem>>) dst(%dma_wait3A_448 : memref<40x12x64xf32, #tpu.memory_space<hbm>>)
      %add3A_449 = arith.constant 440 : i32
      %add3A_450 = arith.addi %add3A_35, %add3A_449 : i32
      %dma_start3A_451 = arith.constant 0 : i32
      %dma_start3A_452 = arith.constant 0 : i32
      %dma_start3A_453 = tpu.memref_slice %arg2[%select_n3A, %add3A_450, %dma_start3A_451, %dma_start3A_452] : memref<8x4096x12x64xf32, #tpu.memory_space<hbm>> -> memref<1x40x12x64xf32, #tpu.memory_space<hbm>>
      %dma_start3A_454 = tpu.memref_squeeze %dma_start3A_453 : memref<1x40x12x64xf32, #tpu.memory_space<hbm>> -> memref<40x12x64xf32, #tpu.memory_space<hbm>>
      %dma_start3A_455 = arith.constant 0 : i32
      %dma_start3A_456 = arith.constant 0 : i32
      %dma_start3A_457 = tpu.memref_slice %arg2[%select_n3A, %add3A_450, %dma_start3A_455, %dma_start3A_456] : memref<8x4096x12x64xf32, #tpu.memory_space<hbm>> -> memref<1x40x12x64xf32, #tpu.memory_space<hbm>>
      %dma_start3A_458 = tpu.memref_squeeze %dma_start3A_457 : memref<1x40x12x64xf32, #tpu.memory_space<hbm>> -> memref<40x12x64xf32, #tpu.memory_space<hbm>>
      tpu.enqueue_dma source(%dma_start3A_458 : memref<40x12x64xf32, #tpu.memory_space<hbm>>) target(%run_scoped3A_40 : memref<40x12x64xf32, #tpu.memory_space<vmem>>) target_semaphore(%arg8 : memref<!tpu.dma_semaphore, #tpu.memory_space<semaphore_mem>>)
      %add3A_459 = arith.constant 400 : i32
      %add3A_460 = arith.addi %add3A_35, %add3A_459 : i32
      %dma_wait3A_461 = arith.constant 0 : i32
      %dma_wait3A_462 = arith.constant 0 : i32
      %dma_wait3A_463 = tpu.memref_slice %arg2[%select_n3A, %add3A_460, %dma_wait3A_461, %dma_wait3A_462] : memref<8x4096x12x64xf32, #tpu.memory_space<hbm>> -> memref<1x40x12x64xf32, #tpu.memory_space<hbm>>
      %dma_wait3A_464 = tpu.memref_squeeze %dma_wait3A_463 : memref<1x40x12x64xf32, #tpu.memory_space<hbm>> -> memref<40x12x64xf32, #tpu.memory_space<hbm>>
      %dma_wait3A_465 = arith.constant 0 : i32
      %dma_wait3A_466 = arith.constant 0 : i32
      %dma_wait3A_467 = tpu.memref_slice %arg2[%select_n3A, %add3A_460, %dma_wait3A_465, %dma_wait3A_466] : memref<8x4096x12x64xf32, #tpu.memory_space<hbm>> -> memref<1x40x12x64xf32, #tpu.memory_space<hbm>>
      %dma_wait3A_468 = tpu.memref_squeeze %dma_wait3A_467 : memref<1x40x12x64xf32, #tpu.memory_space<hbm>> -> memref<40x12x64xf32, #tpu.memory_space<hbm>>
      tpu.wait_dma2 semaphore(%arg7 : memref<!tpu.dma_semaphore, #tpu.memory_space<semaphore_mem>>) src(%dma_wait3A_468 : memref<40x12x64xf32, #tpu.memory_space<hbm>>) dst(%run_scoped3A : memref<40x12x64xf32, #tpu.memory_space<vmem>>)
      %add3A_469 = arith.constant 400 : i32
      %add3A_470 = arith.addi %add3A_39, %add3A_469 : i32
      %dma_start3A_471 = arith.constant 0 : i32
      %dma_start3A_472 = arith.constant 0 : i32
      %dma_start3A_473 = tpu.memref_slice %arg5[%select_n3A, %add3A_470, %dma_start3A_471, %dma_start3A_472] : memref<8x4096x12x64xf32, #tpu.memory_space<hbm>> -> memref<1x40x12x64xf32, #tpu.memory_space<hbm>>
      %dma_start3A_474 = tpu.memref_squeeze %dma_start3A_473 : memref<1x40x12x64xf32, #tpu.memory_space<hbm>> -> memref<40x12x64xf32, #tpu.memory_space<hbm>>
      %dma_start3A_475 = arith.constant 0 : i32
      %dma_start3A_476 = arith.constant 0 : i32
      %dma_start3A_477 = tpu.memref_slice %arg5[%select_n3A, %add3A_470, %dma_start3A_475, %dma_start3A_476] : memref<8x4096x12x64xf32, #tpu.memory_space<hbm>> -> memref<1x40x12x64xf32, #tpu.memory_space<hbm>>
      %dma_start3A_478 = tpu.memref_squeeze %dma_start3A_477 : memref<1x40x12x64xf32, #tpu.memory_space<hbm>> -> memref<40x12x64xf32, #tpu.memory_space<hbm>>
      tpu.enqueue_dma source(%run_scoped3A : memref<40x12x64xf32, #tpu.memory_space<vmem>>) target(%dma_start3A_478 : memref<40x12x64xf32, #tpu.memory_space<hbm>>) target_semaphore(%arg9 : memref<!tpu.dma_semaphore, #tpu.memory_space<semaphore_mem>>)
      %add3A_479 = arith.constant 400 : i32
      %add3A_480 = arith.addi %add3A_39, %add3A_479 : i32
      %dma_wait3A_481 = arith.constant 0 : i32
      %dma_wait3A_482 = arith.constant 0 : i32
      %dma_wait3A_483 = tpu.memref_slice %arg5[%select_n3A, %add3A_480, %dma_wait3A_481, %dma_wait3A_482] : memref<8x4096x12x64xf32, #tpu.memory_space<hbm>> -> memref<1x40x12x64xf32, #tpu.memory_space<hbm>>
      %dma_wait3A_484 = tpu.memref_squeeze %dma_wait3A_483 : memref<1x40x12x64xf32, #tpu.memory_space<hbm>> -> memref<40x12x64xf32, #tpu.memory_space<hbm>>
      %dma_wait3A_485 = arith.constant 0 : i32
      %dma_wait3A_486 = arith.constant 0 : i32
      %dma_wait3A_487 = tpu.memref_slice %arg5[%select_n3A, %add3A_480, %dma_wait3A_485, %dma_wait3A_486] : memref<8x4096x12x64xf32, #tpu.memory_space<hbm>> -> memref<1x40x12x64xf32, #tpu.memory_space<hbm>>
      %dma_wait3A_488 = tpu.memref_squeeze %dma_wait3A_487 : memref<1x40x12x64xf32, #tpu.memory_space<hbm>> -> memref<40x12x64xf32, #tpu.memory_space<hbm>>
      tpu.wait_dma2 semaphore(%arg9 : memref<!tpu.dma_semaphore, #tpu.memory_space<semaphore_mem>>) src(%run_scoped3A : memref<40x12x64xf32, #tpu.memory_space<vmem>>) dst(%dma_wait3A_488 : memref<40x12x64xf32, #tpu.memory_space<hbm>>)
      %add3A_489 = arith.constant 480 : i32
      %add3A_490 = arith.addi %add3A_35, %add3A_489 : i32
      %dma_start3A_491 = arith.constant 0 : i32
      %dma_start3A_492 = arith.constant 0 : i32
      %dma_start3A_493 = tpu.memref_slice %arg2[%select_n3A, %add3A_490, %dma_start3A_491, %dma_start3A_492] : memref<8x4096x12x64xf32, #tpu.memory_space<hbm>> -> memref<1x40x12x64xf32, #tpu.memory_space<hbm>>
      %dma_start3A_494 = tpu.memref_squeeze %dma_start3A_493 : memref<1x40x12x64xf32, #tpu.memory_space<hbm>> -> memref<40x12x64xf32, #tpu.memory_space<hbm>>
      %dma_start3A_495 = arith.constant 0 : i32
      %dma_start3A_496 = arith.constant 0 : i32
      %dma_start3A_497 = tpu.memref_slice %arg2[%select_n3A, %add3A_490, %dma_start3A_495, %dma_start3A_496] : memref<8x4096x12x64xf32, #tpu.memory_space<hbm>> -> memref<1x40x12x64xf32, #tpu.memory_space<hbm>>
      %dma_start3A_498 = tpu.memref_squeeze %dma_start3A_497 : memref<1x40x12x64xf32, #tpu.memory_space<hbm>> -> memref<40x12x64xf32, #tpu.memory_space<hbm>>
      tpu.enqueue_dma source(%dma_start3A_498 : memref<40x12x64xf32, #tpu.memory_space<hbm>>) target(%run_scoped3A : memref<40x12x64xf32, #tpu.memory_space<vmem>>) target_semaphore(%arg7 : memref<!tpu.dma_semaphore, #tpu.memory_space<semaphore_mem>>)
      %add3A_499 = arith.constant 440 : i32
      %add3A_500 = arith.addi %add3A_35, %add3A_499 : i32
      %dma_wait3A_501 = arith.constant 0 : i32
      %dma_wait3A_502 = arith.constant 0 : i32
      %dma_wait3A_503 = tpu.memref_slice %arg2[%select_n3A, %add3A_500, %dma_wait3A_501, %dma_wait3A_502] : memref<8x4096x12x64xf32, #tpu.memory_space<hbm>> -> memref<1x40x12x64xf32, #tpu.memory_space<hbm>>
      %dma_wait3A_504 = tpu.memref_squeeze %dma_wait3A_503 : memref<1x40x12x64xf32, #tpu.memory_space<hbm>> -> memref<40x12x64xf32, #tpu.memory_space<hbm>>
      %dma_wait3A_505 = arith.constant 0 : i32
      %dma_wait3A_506 = arith.constant 0 : i32
      %dma_wait3A_507 = tpu.memref_slice %arg2[%select_n3A, %add3A_500, %dma_wait3A_505, %dma_wait3A_506] : memref<8x4096x12x64xf32, #tpu.memory_space<hbm>> -> memref<1x40x12x64xf32, #tpu.memory_space<hbm>>
      %dma_wait3A_508 = tpu.memref_squeeze %dma_wait3A_507 : memref<1x40x12x64xf32, #tpu.memory_space<hbm>> -> memref<40x12x64xf32, #tpu.memory_space<hbm>>
      tpu.wait_dma2 semaphore(%arg8 : memref<!tpu.dma_semaphore, #tpu.memory_space<semaphore_mem>>) src(%dma_wait3A_508 : memref<40x12x64xf32, #tpu.memory_space<hbm>>) dst(%run_scoped3A_40 : memref<40x12x64xf32, #tpu.memory_space<vmem>>)
      %add3A_509 = arith.constant 440 : i32
      %add3A_510 = arith.addi %add3A_39, %add3A_509 : i32
      %dma_start3A_511 = arith.constant 0 : i32
      %dma_start3A_512 = arith.constant 0 : i32
      %dma_start3A_513 = tpu.memref_slice %arg5[%select_n3A, %add3A_510, %dma_start3A_511, %dma_start3A_512] : memref<8x4096x12x64xf32, #tpu.memory_space<hbm>> -> memref<1x40x12x64xf32, #tpu.memory_space<hbm>>
      %dma_start3A_514 = tpu.memref_squeeze %dma_start3A_513 : memref<1x40x12x64xf32, #tpu.memory_space<hbm>> -> memref<40x12x64xf32, #tpu.memory_space<hbm>>
      %dma_start3A_515 = arith.constant 0 : i32
      %dma_start3A_516 = arith.constant 0 : i32
      %dma_start3A_517 = tpu.memref_slice %arg5[%select_n3A, %add3A_510, %dma_start3A_515, %dma_start3A_516] : memref<8x4096x12x64xf32, #tpu.memory_space<hbm>> -> memref<1x40x12x64xf32, #tpu.memory_space<hbm>>
      %dma_start3A_518 = tpu.memref_squeeze %dma_start3A_517 : memref<1x40x12x64xf32, #tpu.memory_space<hbm>> -> memref<40x12x64xf32, #tpu.memory_space<hbm>>
      tpu.enqueue_dma source(%run_scoped3A_40 : memref<40x12x64xf32, #tpu.memory_space<vmem>>) target(%dma_start3A_518 : memref<40x12x64xf32, #tpu.memory_space<hbm>>) target_semaphore(%arg10 : memref<!tpu.dma_semaphore, #tpu.memory_space<semaphore_mem>>)
      %add3A_519 = arith.constant 440 : i32
      %add3A_520 = arith.addi %add3A_39, %add3A_519 : i32
      %dma_wait3A_521 = arith.constant 0 : i32
      %dma_wait3A_522 = arith.constant 0 : i32
      %dma_wait3A_523 = tpu.memref_slice %arg5[%select_n3A, %add3A_520, %dma_wait3A_521, %dma_wait3A_522] : memref<8x4096x12x64xf32, #tpu.memory_space<hbm>> -> memref<1x40x12x64xf32, #tpu.memory_space<hbm>>
      %dma_wait3A_524 = tpu.memref_squeeze %dma_wait3A_523 : memref<1x40x12x64xf32, #tpu.memory_space<hbm>> -> memref<40x12x64xf32, #tpu.memory_space<hbm>>
      %dma_wait3A_525 = arith.constant 0 : i32
      %dma_wait3A_526 = arith.constant 0 : i32
      %dma_wait3A_527 = tpu.memref_slice %arg5[%select_n3A, %add3A_520, %dma_wait3A_525, %dma_wait3A_526] : memref<8x4096x12x64xf32, #tpu.memory_space<hbm>> -> memref<1x40x12x64xf32, #tpu.memory_space<hbm>>
      %dma_wait3A_528 = tpu.memref_squeeze %dma_wait3A_527 : memref<1x40x12x64xf32, #tpu.memory_space<hbm>> -> memref<40x12x64xf32, #tpu.memory_space<hbm>>
      tpu.wait_dma2 semaphore(%arg10 : memref<!tpu.dma_semaphore, #tpu.memory_space<semaphore_mem>>) src(%run_scoped3A_40 : memref<40x12x64xf32, #tpu.memory_space<vmem>>) dst(%dma_wait3A_528 : memref<40x12x64xf32, #tpu.memory_space<hbm>>)
      %add3A_529 = arith.constant 520 : i32
      %add3A_530 = arith.addi %add3A_35, %add3A_529 : i32
      %dma_start3A_531 = arith.constant 0 : i32
      %dma_start3A_532 = arith.constant 0 : i32
      %dma_start3A_533 = tpu.memref_slice %arg2[%select_n3A, %add3A_530, %dma_start3A_531, %dma_start3A_532] : memref<8x4096x12x64xf32, #tpu.memory_space<hbm>> -> memref<1x40x12x64xf32, #tpu.memory_space<hbm>>
      %dma_start3A_534 = tpu.memref_squeeze %dma_start3A_533 : memref<1x40x12x64xf32, #tpu.memory_space<hbm>> -> memref<40x12x64xf32, #tpu.memory_space<hbm>>
      %dma_start3A_535 = arith.constant 0 : i32
      %dma_start3A_536 = arith.constant 0 : i32
      %dma_start3A_537 = tpu.memref_slice %arg2[%select_n3A, %add3A_530, %dma_start3A_535, %dma_start3A_536] : memref<8x4096x12x64xf32, #tpu.memory_space<hbm>> -> memref<1x40x12x64xf32, #tpu.memory_space<hbm>>
      %dma_start3A_538 = tpu.memref_squeeze %dma_start3A_537 : memref<1x40x12x64xf32, #tpu.memory_space<hbm>> -> memref<40x12x64xf32, #tpu.memory_space<hbm>>
      tpu.enqueue_dma source(%dma_start3A_538 : memref<40x12x64xf32, #tpu.memory_space<hbm>>) target(%run_scoped3A_40 : memref<40x12x64xf32, #tpu.memory_space<vmem>>) target_semaphore(%arg8 : memref<!tpu.dma_semaphore, #tpu.memory_space<semaphore_mem>>)
      %add3A_539 = arith.constant 480 : i32
      %add3A_540 = arith.addi %add3A_35, %add3A_539 : i32
      %dma_wait3A_541 = arith.constant 0 : i32
      %dma_wait3A_542 = arith.constant 0 : i32
      %dma_wait3A_543 = tpu.memref_slice %arg2[%select_n3A, %add3A_540, %dma_wait3A_541, %dma_wait3A_542] : memref<8x4096x12x64xf32, #tpu.memory_space<hbm>> -> memref<1x40x12x64xf32, #tpu.memory_space<hbm>>
      %dma_wait3A_544 = tpu.memref_squeeze %dma_wait3A_543 : memref<1x40x12x64xf32, #tpu.memory_space<hbm>> -> memref<40x12x64xf32, #tpu.memory_space<hbm>>
      %dma_wait3A_545 = arith.constant 0 : i32
      %dma_wait3A_546 = arith.constant 0 : i32
      %dma_wait3A_547 = tpu.memref_slice %arg2[%select_n3A, %add3A_540, %dma_wait3A_545, %dma_wait3A_546] : memref<8x4096x12x64xf32, #tpu.memory_space<hbm>> -> memref<1x40x12x64xf32, #tpu.memory_space<hbm>>
      %dma_wait3A_548 = tpu.memref_squeeze %dma_wait3A_547 : memref<1x40x12x64xf32, #tpu.memory_space<hbm>> -> memref<40x12x64xf32, #tpu.memory_space<hbm>>
      tpu.wait_dma2 semaphore(%arg7 : memref<!tpu.dma_semaphore, #tpu.memory_space<semaphore_mem>>) src(%dma_wait3A_548 : memref<40x12x64xf32, #tpu.memory_space<hbm>>) dst(%run_scoped3A : memref<40x12x64xf32, #tpu.memory_space<vmem>>)
      %add3A_549 = arith.constant 480 : i32
      %add3A_550 = arith.addi %add3A_39, %add3A_549 : i32
      %dma_start3A_551 = arith.constant 0 : i32
      %dma_start3A_552 = arith.constant 0 : i32
      %dma_start3A_553 = tpu.memref_slice %arg5[%select_n3A, %add3A_550, %dma_start3A_551, %dma_start3A_552] : memref<8x4096x12x64xf32, #tpu.memory_space<hbm>> -> memref<1x40x12x64xf32, #tpu.memory_space<hbm>>
      %dma_start3A_554 = tpu.memref_squeeze %dma_start3A_553 : memref<1x40x12x64xf32, #tpu.memory_space<hbm>> -> memref<40x12x64xf32, #tpu.memory_space<hbm>>
      %dma_start3A_555 = arith.constant 0 : i32
      %dma_start3A_556 = arith.constant 0 : i32
      %dma_start3A_557 = tpu.memref_slice %arg5[%select_n3A, %add3A_550, %dma_start3A_555, %dma_start3A_556] : memref<8x4096x12x64xf32, #tpu.memory_space<hbm>> -> memref<1x40x12x64xf32, #tpu.memory_space<hbm>>
      %dma_start3A_558 = tpu.memref_squeeze %dma_start3A_557 : memref<1x40x12x64xf32, #tpu.memory_space<hbm>> -> memref<40x12x64xf32, #tpu.memory_space<hbm>>
      tpu.enqueue_dma source(%run_scoped3A : memref<40x12x64xf32, #tpu.memory_space<vmem>>) target(%dma_start3A_558 : memref<40x12x64xf32, #tpu.memory_space<hbm>>) target_semaphore(%arg9 : memref<!tpu.dma_semaphore, #tpu.memory_space<semaphore_mem>>)
      %add3A_559 = arith.constant 480 : i32
      %add3A_560 = arith.addi %add3A_39, %add3A_559 : i32
      %dma_wait3A_561 = arith.constant 0 : i32
      %dma_wait3A_562 = arith.constant 0 : i32
      %dma_wait3A_563 = tpu.memref_slice %arg5[%select_n3A, %add3A_560, %dma_wait3A_561, %dma_wait3A_562] : memref<8x4096x12x64xf32, #tpu.memory_space<hbm>> -> memref<1x40x12x64xf32, #tpu.memory_space<hbm>>
      %dma_wait3A_564 = tpu.memref_squeeze %dma_wait3A_563 : memref<1x40x12x64xf32, #tpu.memory_space<hbm>> -> memref<40x12x64xf32, #tpu.memory_space<hbm>>
      %dma_wait3A_565 = arith.constant 0 : i32
      %dma_wait3A_566 = arith.constant 0 : i32
      %dma_wait3A_567 = tpu.memref_slice %arg5[%select_n3A, %add3A_560, %dma_wait3A_565, %dma_wait3A_566] : memref<8x4096x12x64xf32, #tpu.memory_space<hbm>> -> memref<1x40x12x64xf32, #tpu.memory_space<hbm>>
      %dma_wait3A_568 = tpu.memref_squeeze %dma_wait3A_567 : memref<1x40x12x64xf32, #tpu.memory_space<hbm>> -> memref<40x12x64xf32, #tpu.memory_space<hbm>>
      tpu.wait_dma2 semaphore(%arg9 : memref<!tpu.dma_semaphore, #tpu.memory_space<semaphore_mem>>) src(%run_scoped3A : memref<40x12x64xf32, #tpu.memory_space<vmem>>) dst(%dma_wait3A_568 : memref<40x12x64xf32, #tpu.memory_space<hbm>>)
      %add3A_569 = arith.constant 560 : i32
      %add3A_570 = arith.addi %add3A_35, %add3A_569 : i32
      %dma_start3A_571 = arith.constant 0 : i32
      %dma_start3A_572 = arith.constant 0 : i32
      %dma_start3A_573 = tpu.memref_slice %arg2[%select_n3A, %add3A_570, %dma_start3A_571, %dma_start3A_572] : memref<8x4096x12x64xf32, #tpu.memory_space<hbm>> -> memref<1x40x12x64xf32, #tpu.memory_space<hbm>>
      %dma_start3A_574 = tpu.memref_squeeze %dma_start3A_573 : memref<1x40x12x64xf32, #tpu.memory_space<hbm>> -> memref<40x12x64xf32, #tpu.memory_space<hbm>>
      %dma_start3A_575 = arith.constant 0 : i32
      %dma_start3A_576 = arith.constant 0 : i32
      %dma_start3A_577 = tpu.memref_slice %arg2[%select_n3A, %add3A_570, %dma_start3A_575, %dma_start3A_576] : memref<8x4096x12x64xf32, #tpu.memory_space<hbm>> -> memref<1x40x12x64xf32, #tpu.memory_space<hbm>>
      %dma_start3A_578 = tpu.memref_squeeze %dma_start3A_577 : memref<1x40x12x64xf32, #tpu.memory_space<hbm>> -> memref<40x12x64xf32, #tpu.memory_space<hbm>>
      tpu.enqueue_dma source(%dma_start3A_578 : memref<40x12x64xf32, #tpu.memory_space<hbm>>) target(%run_scoped3A : memref<40x12x64xf32, #tpu.memory_space<vmem>>) target_semaphore(%arg7 : memref<!tpu.dma_semaphore, #tpu.memory_space<semaphore_mem>>)
      %add3A_579 = arith.constant 520 : i32
      %add3A_580 = arith.addi %add3A_35, %add3A_579 : i32
      %dma_wait3A_581 = arith.constant 0 : i32
      %dma_wait3A_582 = arith.constant 0 : i32
      %dma_wait3A_583 = tpu.memref_slice %arg2[%select_n3A, %add3A_580, %dma_wait3A_581, %dma_wait3A_582] : memref<8x4096x12x64xf32, #tpu.memory_space<hbm>> -> memref<1x40x12x64xf32, #tpu.memory_space<hbm>>
      %dma_wait3A_584 = tpu.memref_squeeze %dma_wait3A_583 : memref<1x40x12x64xf32, #tpu.memory_space<hbm>> -> memref<40x12x64xf32, #tpu.memory_space<hbm>>
      %dma_wait3A_585 = arith.constant 0 : i32
      %dma_wait3A_586 = arith.constant 0 : i32
      %dma_wait3A_587 = tpu.memref_slice %arg2[%select_n3A, %add3A_580, %dma_wait3A_585, %dma_wait3A_586] : memref<8x4096x12x64xf32, #tpu.memory_space<hbm>> -> memref<1x40x12x64xf32, #tpu.memory_space<hbm>>
      %dma_wait3A_588 = tpu.memref_squeeze %dma_wait3A_587 : memref<1x40x12x64xf32, #tpu.memory_space<hbm>> -> memref<40x12x64xf32, #tpu.memory_space<hbm>>
      tpu.wait_dma2 semaphore(%arg8 : memref<!tpu.dma_semaphore, #tpu.memory_space<semaphore_mem>>) src(%dma_wait3A_588 : memref<40x12x64xf32, #tpu.memory_space<hbm>>) dst(%run_scoped3A_40 : memref<40x12x64xf32, #tpu.memory_space<vmem>>)
      %add3A_589 = arith.constant 520 : i32
      %add3A_590 = arith.addi %add3A_39, %add3A_589 : i32
      %dma_start3A_591 = arith.constant 0 : i32
      %dma_start3A_592 = arith.constant 0 : i32
      %dma_start3A_593 = tpu.memref_slice %arg5[%select_n3A, %add3A_590, %dma_start3A_591, %dma_start3A_592] : memref<8x4096x12x64xf32, #tpu.memory_space<hbm>> -> memref<1x40x12x64xf32, #tpu.memory_space<hbm>>
      %dma_start3A_594 = tpu.memref_squeeze %dma_start3A_593 : memref<1x40x12x64xf32, #tpu.memory_space<hbm>> -> memref<40x12x64xf32, #tpu.memory_space<hbm>>
      %dma_start3A_595 = arith.constant 0 : i32
      %dma_start3A_596 = arith.constant 0 : i32
      %dma_start3A_597 = tpu.memref_slice %arg5[%select_n3A, %add3A_590, %dma_start3A_595, %dma_start3A_596] : memref<8x4096x12x64xf32, #tpu.memory_space<hbm>> -> memref<1x40x12x64xf32, #tpu.memory_space<hbm>>
      %dma_start3A_598 = tpu.memref_squeeze %dma_start3A_597 : memref<1x40x12x64xf32, #tpu.memory_space<hbm>> -> memref<40x12x64xf32, #tpu.memory_space<hbm>>
      tpu.enqueue_dma source(%run_scoped3A_40 : memref<40x12x64xf32, #tpu.memory_space<vmem>>) target(%dma_start3A_598 : memref<40x12x64xf32, #tpu.memory_space<hbm>>) target_semaphore(%arg10 : memref<!tpu.dma_semaphore, #tpu.memory_space<semaphore_mem>>)
      %add3A_599 = arith.constant 520 : i32
      %add3A_600 = arith.addi %add3A_39, %add3A_599 : i32
      %dma_wait3A_601 = arith.constant 0 : i32
      %dma_wait3A_602 = arith.constant 0 : i32
      %dma_wait3A_603 = tpu.memref_slice %arg5[%select_n3A, %add3A_600, %dma_wait3A_601, %dma_wait3A_602] : memref<8x4096x12x64xf32, #tpu.memory_space<hbm>> -> memref<1x40x12x64xf32, #tpu.memory_space<hbm>>
      %dma_wait3A_604 = tpu.memref_squeeze %dma_wait3A_603 : memref<1x40x12x64xf32, #tpu.memory_space<hbm>> -> memref<40x12x64xf32, #tpu.memory_space<hbm>>
      %dma_wait3A_605 = arith.constant 0 : i32
      %dma_wait3A_606 = arith.constant 0 : i32
      %dma_wait3A_607 = tpu.memref_slice %arg5[%select_n3A, %add3A_600, %dma_wait3A_605, %dma_wait3A_606] : memref<8x4096x12x64xf32, #tpu.memory_space<hbm>> -> memref<1x40x12x64xf32, #tpu.memory_space<hbm>>
      %dma_wait3A_608 = tpu.memref_squeeze %dma_wait3A_607 : memref<1x40x12x64xf32, #tpu.memory_space<hbm>> -> memref<40x12x64xf32, #tpu.memory_space<hbm>>
      tpu.wait_dma2 semaphore(%arg10 : memref<!tpu.dma_semaphore, #tpu.memory_space<semaphore_mem>>) src(%run_scoped3A_40 : memref<40x12x64xf32, #tpu.memory_space<vmem>>) dst(%dma_wait3A_608 : memref<40x12x64xf32, #tpu.memory_space<hbm>>)
      %add3A_609 = arith.constant 600 : i32
      %add3A_610 = arith.addi %add3A_35, %add3A_609 : i32
      %dma_start3A_611 = arith.constant 0 : i32
      %dma_start3A_612 = arith.constant 0 : i32
      %dma_start3A_613 = tpu.memref_slice %arg2[%select_n3A, %add3A_610, %dma_start3A_611, %dma_start3A_612] : memref<8x4096x12x64xf32, #tpu.memory_space<hbm>> -> memref<1x40x12x64xf32, #tpu.memory_space<hbm>>
      %dma_start3A_614 = tpu.memref_squeeze %dma_start3A_613 : memref<1x40x12x64xf32, #tpu.memory_space<hbm>> -> memref<40x12x64xf32, #tpu.memory_space<hbm>>
      %dma_start3A_615 = arith.constant 0 : i32
      %dma_start3A_616 = arith.constant 0 : i32
      %dma_start3A_617 = tpu.memref_slice %arg2[%select_n3A, %add3A_610, %dma_start3A_615, %dma_start3A_616] : memref<8x4096x12x64xf32, #tpu.memory_space<hbm>> -> memref<1x40x12x64xf32, #tpu.memory_space<hbm>>
      %dma_start3A_618 = tpu.memref_squeeze %dma_start3A_617 : memref<1x40x12x64xf32, #tpu.memory_space<hbm>> -> memref<40x12x64xf32, #tpu.memory_space<hbm>>
      tpu.enqueue_dma source(%dma_start3A_618 : memref<40x12x64xf32, #tpu.memory_space<hbm>>) target(%run_scoped3A_40 : memref<40x12x64xf32, #tpu.memory_space<vmem>>) target_semaphore(%arg8 : memref<!tpu.dma_semaphore, #tpu.memory_space<semaphore_mem>>)
      %add3A_619 = arith.constant 560 : i32
      %add3A_620 = arith.addi %add3A_35, %add3A_619 : i32
      %dma_wait3A_621 = arith.constant 0 : i32
      %dma_wait3A_622 = arith.constant 0 : i32
      %dma_wait3A_623 = tpu.memref_slice %arg2[%select_n3A, %add3A_620, %dma_wait3A_621, %dma_wait3A_622] : memref<8x4096x12x64xf32, #tpu.memory_space<hbm>> -> memref<1x40x12x64xf32, #tpu.memory_space<hbm>>
      %dma_wait3A_624 = tpu.memref_squeeze %dma_wait3A_623 : memref<1x40x12x64xf32, #tpu.memory_space<hbm>> -> memref<40x12x64xf32, #tpu.memory_space<hbm>>
      %dma_wait3A_625 = arith.constant 0 : i32
      %dma_wait3A_626 = arith.constant 0 : i32
      %dma_wait3A_627 = tpu.memref_slice %arg2[%select_n3A, %add3A_620, %dma_wait3A_625, %dma_wait3A_626] : memref<8x4096x12x64xf32, #tpu.memory_space<hbm>> -> memref<1x40x12x64xf32, #tpu.memory_space<hbm>>
      %dma_wait3A_628 = tpu.memref_squeeze %dma_wait3A_627 : memref<1x40x12x64xf32, #tpu.memory_space<hbm>> -> memref<40x12x64xf32, #tpu.memory_space<hbm>>
      tpu.wait_dma2 semaphore(%arg7 : memref<!tpu.dma_semaphore, #tpu.memory_space<semaphore_mem>>) src(%dma_wait3A_628 : memref<40x12x64xf32, #tpu.memory_space<hbm>>) dst(%run_scoped3A : memref<40x12x64xf32, #tpu.memory_space<vmem>>)
      %add3A_629 = arith.constant 560 : i32
      %add3A_630 = arith.addi %add3A_39, %add3A_629 : i32
      %dma_start3A_631 = arith.constant 0 : i32
      %dma_start3A_632 = arith.constant 0 : i32
      %dma_start3A_633 = tpu.memref_slice %arg5[%select_n3A, %add3A_630, %dma_start3A_631, %dma_start3A_632] : memref<8x4096x12x64xf32, #tpu.memory_space<hbm>> -> memref<1x40x12x64xf32, #tpu.memory_space<hbm>>
      %dma_start3A_634 = tpu.memref_squeeze %dma_start3A_633 : memref<1x40x12x64xf32, #tpu.memory_space<hbm>> -> memref<40x12x64xf32, #tpu.memory_space<hbm>>
      %dma_start3A_635 = arith.constant 0 : i32
      %dma_start3A_636 = arith.constant 0 : i32
      %dma_start3A_637 = tpu.memref_slice %arg5[%select_n3A, %add3A_630, %dma_start3A_635, %dma_start3A_636] : memref<8x4096x12x64xf32, #tpu.memory_space<hbm>> -> memref<1x40x12x64xf32, #tpu.memory_space<hbm>>
      %dma_start3A_638 = tpu.memref_squeeze %dma_start3A_637 : memref<1x40x12x64xf32, #tpu.memory_space<hbm>> -> memref<40x12x64xf32, #tpu.memory_space<hbm>>
      tpu.enqueue_dma source(%run_scoped3A : memref<40x12x64xf32, #tpu.memory_space<vmem>>) target(%dma_start3A_638 : memref<40x12x64xf32, #tpu.memory_space<hbm>>) target_semaphore(%arg9 : memref<!tpu.dma_semaphore, #tpu.memory_space<semaphore_mem>>)
      %add3A_639 = arith.constant 560 : i32
      %add3A_640 = arith.addi %add3A_39, %add3A_639 : i32
      %dma_wait3A_641 = arith.constant 0 : i32
      %dma_wait3A_642 = arith.constant 0 : i32
      %dma_wait3A_643 = tpu.memref_slice %arg5[%select_n3A, %add3A_640, %dma_wait3A_641, %dma_wait3A_642] : memref<8x4096x12x64xf32, #tpu.memory_space<hbm>> -> memref<1x40x12x64xf32, #tpu.memory_space<hbm>>
      %dma_wait3A_644 = tpu.memref_squeeze %dma_wait3A_643 : memref<1x40x12x64xf32, #tpu.memory_space<hbm>> -> memref<40x12x64xf32, #tpu.memory_space<hbm>>
      %dma_wait3A_645 = arith.constant 0 : i32
      %dma_wait3A_646 = arith.constant 0 : i32
      %dma_wait3A_647 = tpu.memref_slice %arg5[%select_n3A, %add3A_640, %dma_wait3A_645, %dma_wait3A_646] : memref<8x4096x12x64xf32, #tpu.memory_space<hbm>> -> memref<1x40x12x64xf32, #tpu.memory_space<hbm>>
      %dma_wait3A_648 = tpu.memref_squeeze %dma_wait3A_647 : memref<1x40x12x64xf32, #tpu.memory_space<hbm>> -> memref<40x12x64xf32, #tpu.memory_space<hbm>>
      tpu.wait_dma2 semaphore(%arg9 : memref<!tpu.dma_semaphore, #tpu.memory_space<semaphore_mem>>) src(%run_scoped3A : memref<40x12x64xf32, #tpu.memory_space<vmem>>) dst(%dma_wait3A_648 : memref<40x12x64xf32, #tpu.memory_space<hbm>>)
      %add3A_649 = arith.constant 640 : i32
      %add3A_650 = arith.addi %add3A_35, %add3A_649 : i32
      %dma_start3A_651 = arith.constant 0 : i32
      %dma_start3A_652 = arith.constant 0 : i32
      %dma_start3A_653 = tpu.memref_slice %arg2[%select_n3A, %add3A_650, %dma_start3A_651, %dma_start3A_652] : memref<8x4096x12x64xf32, #tpu.memory_space<hbm>> -> memref<1x40x12x64xf32, #tpu.memory_space<hbm>>
      %dma_start3A_654 = tpu.memref_squeeze %dma_start3A_653 : memref<1x40x12x64xf32, #tpu.memory_space<hbm>> -> memref<40x12x64xf32, #tpu.memory_space<hbm>>
      %dma_start3A_655 = arith.constant 0 : i32
      %dma_start3A_656 = arith.constant 0 : i32
      %dma_start3A_657 = tpu.memref_slice %arg2[%select_n3A, %add3A_650, %dma_start3A_655, %dma_start3A_656] : memref<8x4096x12x64xf32, #tpu.memory_space<hbm>> -> memref<1x40x12x64xf32, #tpu.memory_space<hbm>>
      %dma_start3A_658 = tpu.memref_squeeze %dma_start3A_657 : memref<1x40x12x64xf32, #tpu.memory_space<hbm>> -> memref<40x12x64xf32, #tpu.memory_space<hbm>>
      tpu.enqueue_dma source(%dma_start3A_658 : memref<40x12x64xf32, #tpu.memory_space<hbm>>) target(%run_scoped3A : memref<40x12x64xf32, #tpu.memory_space<vmem>>) target_semaphore(%arg7 : memref<!tpu.dma_semaphore, #tpu.memory_space<semaphore_mem>>)
      %add3A_659 = arith.constant 600 : i32
      %add3A_660 = arith.addi %add3A_35, %add3A_659 : i32
      %dma_wait3A_661 = arith.constant 0 : i32
      %dma_wait3A_662 = arith.constant 0 : i32
      %dma_wait3A_663 = tpu.memref_slice %arg2[%select_n3A, %add3A_660, %dma_wait3A_661, %dma_wait3A_662] : memref<8x4096x12x64xf32, #tpu.memory_space<hbm>> -> memref<1x40x12x64xf32, #tpu.memory_space<hbm>>
      %dma_wait3A_664 = tpu.memref_squeeze %dma_wait3A_663 : memref<1x40x12x64xf32, #tpu.memory_space<hbm>> -> memref<40x12x64xf32, #tpu.memory_space<hbm>>
      %dma_wait3A_665 = arith.constant 0 : i32
      %dma_wait3A_666 = arith.constant 0 : i32
      %dma_wait3A_667 = tpu.memref_slice %arg2[%select_n3A, %add3A_660, %dma_wait3A_665, %dma_wait3A_666] : memref<8x4096x12x64xf32, #tpu.memory_space<hbm>> -> memref<1x40x12x64xf32, #tpu.memory_space<hbm>>
      %dma_wait3A_668 = tpu.memref_squeeze %dma_wait3A_667 : memref<1x40x12x64xf32, #tpu.memory_space<hbm>> -> memref<40x12x64xf32, #tpu.memory_space<hbm>>
      tpu.wait_dma2 semaphore(%arg8 : memref<!tpu.dma_semaphore, #tpu.memory_space<semaphore_mem>>) src(%dma_wait3A_668 : memref<40x12x64xf32, #tpu.memory_space<hbm>>) dst(%run_scoped3A_40 : memref<40x12x64xf32, #tpu.memory_space<vmem>>)
      %add3A_669 = arith.constant 600 : i32
      %add3A_670 = arith.addi %add3A_39, %add3A_669 : i32
      %dma_start3A_671 = arith.constant 0 : i32
      %dma_start3A_672 = arith.constant 0 : i32
      %dma_start3A_673 = tpu.memref_slice %arg5[%select_n3A, %add3A_670, %dma_start3A_671, %dma_start3A_672] : memref<8x4096x12x64xf32, #tpu.memory_space<hbm>> -> memref<1x40x12x64xf32, #tpu.memory_space<hbm>>
      %dma_start3A_674 = tpu.memref_squeeze %dma_start3A_673 : memref<1x40x12x64xf32, #tpu.memory_space<hbm>> -> memref<40x12x64xf32, #tpu.memory_space<hbm>>
      %dma_start3A_675 = arith.constant 0 : i32
      %dma_start3A_676 = arith.constant 0 : i32
      %dma_start3A_677 = tpu.memref_slice %arg5[%select_n3A, %add3A_670, %dma_start3A_675, %dma_start3A_676] : memref<8x4096x12x64xf32, #tpu.memory_space<hbm>> -> memref<1x40x12x64xf32, #tpu.memory_space<hbm>>
      %dma_start3A_678 = tpu.memref_squeeze %dma_start3A_677 : memref<1x40x12x64xf32, #tpu.memory_space<hbm>> -> memref<40x12x64xf32, #tpu.memory_space<hbm>>
      tpu.enqueue_dma source(%run_scoped3A_40 : memref<40x12x64xf32, #tpu.memory_space<vmem>>) target(%dma_start3A_678 : memref<40x12x64xf32, #tpu.memory_space<hbm>>) target_semaphore(%arg10 : memref<!tpu.dma_semaphore, #tpu.memory_space<semaphore_mem>>)
      %add3A_679 = arith.constant 600 : i32
      %add3A_680 = arith.addi %add3A_39, %add3A_679 : i32
      %dma_wait3A_681 = arith.constant 0 : i32
      %dma_wait3A_682 = arith.constant 0 : i32
      %dma_wait3A_683 = tpu.memref_slice %arg5[%select_n3A, %add3A_680, %dma_wait3A_681, %dma_wait3A_682] : memref<8x4096x12x64xf32, #tpu.memory_space<hbm>> -> memref<1x40x12x64xf32, #tpu.memory_space<hbm>>
      %dma_wait3A_684 = tpu.memref_squeeze %dma_wait3A_683 : memref<1x40x12x64xf32, #tpu.memory_space<hbm>> -> memref<40x12x64xf32, #tpu.memory_space<hbm>>
      %dma_wait3A_685 = arith.constant 0 : i32
      %dma_wait3A_686 = arith.constant 0 : i32
      %dma_wait3A_687 = tpu.memref_slice %arg5[%select_n3A, %add3A_680, %dma_wait3A_685, %dma_wait3A_686] : memref<8x4096x12x64xf32, #tpu.memory_space<hbm>> -> memref<1x40x12x64xf32, #tpu.memory_space<hbm>>
      %dma_wait3A_688 = tpu.memref_squeeze %dma_wait3A_687 : memref<1x40x12x64xf32, #tpu.memory_space<hbm>> -> memref<40x12x64xf32, #tpu.memory_space<hbm>>
      tpu.wait_dma2 semaphore(%arg10 : memref<!tpu.dma_semaphore, #tpu.memory_space<semaphore_mem>>) src(%run_scoped3A_40 : memref<40x12x64xf32, #tpu.memory_space<vmem>>) dst(%dma_wait3A_688 : memref<40x12x64xf32, #tpu.memory_space<hbm>>)
      %add3A_689 = arith.constant 680 : i32
      %add3A_690 = arith.addi %add3A_35, %add3A_689 : i32
      %dma_start3A_691 = arith.constant 0 : i32
      %dma_start3A_692 = arith.constant 0 : i32
      %dma_start3A_693 = tpu.memref_slice %arg2[%select_n3A, %add3A_690, %dma_start3A_691, %dma_start3A_692] : memref<8x4096x12x64xf32, #tpu.memory_space<hbm>> -> memref<1x40x12x64xf32, #tpu.memory_space<hbm>>
      %dma_start3A_694 = tpu.memref_squeeze %dma_start3A_693 : memref<1x40x12x64xf32, #tpu.memory_space<hbm>> -> memref<40x12x64xf32, #tpu.memory_space<hbm>>
      %dma_start3A_695 = arith.constant 0 : i32
      %dma_start3A_696 = arith.constant 0 : i32
      %dma_start3A_697 = tpu.memref_slice %arg2[%select_n3A, %add3A_690, %dma_start3A_695, %dma_start3A_696] : memref<8x4096x12x64xf32, #tpu.memory_space<hbm>> -> memref<1x40x12x64xf32, #tpu.memory_space<hbm>>
      %dma_start3A_698 = tpu.memref_squeeze %dma_start3A_697 : memref<1x40x12x64xf32, #tpu.memory_space<hbm>> -> memref<40x12x64xf32, #tpu.memory_space<hbm>>
      tpu.enqueue_dma source(%dma_start3A_698 : memref<40x12x64xf32, #tpu.memory_space<hbm>>) target(%run_scoped3A_40 : memref<40x12x64xf32, #tpu.memory_space<vmem>>) target_semaphore(%arg8 : memref<!tpu.dma_semaphore, #tpu.memory_space<semaphore_mem>>)
      %add3A_699 = arith.constant 640 : i32
      %add3A_700 = arith.addi %add3A_35, %add3A_699 : i32
      %dma_wait3A_701 = arith.constant 0 : i32
      %dma_wait3A_702 = arith.constant 0 : i32
      %dma_wait3A_703 = tpu.memref_slice %arg2[%select_n3A, %add3A_700, %dma_wait3A_701, %dma_wait3A_702] : memref<8x4096x12x64xf32, #tpu.memory_space<hbm>> -> memref<1x40x12x64xf32, #tpu.memory_space<hbm>>
      %dma_wait3A_704 = tpu.memref_squeeze %dma_wait3A_703 : memref<1x40x12x64xf32, #tpu.memory_space<hbm>> -> memref<40x12x64xf32, #tpu.memory_space<hbm>>
      %dma_wait3A_705 = arith.constant 0 : i32
      %dma_wait3A_706 = arith.constant 0 : i32
      %dma_wait3A_707 = tpu.memref_slice %arg2[%select_n3A, %add3A_700, %dma_wait3A_705, %dma_wait3A_706] : memref<8x4096x12x64xf32, #tpu.memory_space<hbm>> -> memref<1x40x12x64xf32, #tpu.memory_space<hbm>>
      %dma_wait3A_708 = tpu.memref_squeeze %dma_wait3A_707 : memref<1x40x12x64xf32, #tpu.memory_space<hbm>> -> memref<40x12x64xf32, #tpu.memory_space<hbm>>
      tpu.wait_dma2 semaphore(%arg7 : memref<!tpu.dma_semaphore, #tpu.memory_space<semaphore_mem>>) src(%dma_wait3A_708 : memref<40x12x64xf32, #tpu.memory_space<hbm>>) dst(%run_scoped3A : memref<40x12x64xf32, #tpu.memory_space<vmem>>)
      %add3A_709 = arith.constant 640 : i32
      %add3A_710 = arith.addi %add3A_39, %add3A_709 : i32
      %dma_start3A_711 = arith.constant 0 : i32
      %dma_start3A_712 = arith.constant 0 : i32
      %dma_start3A_713 = tpu.memref_slice %arg5[%select_n3A, %add3A_710, %dma_start3A_711, %dma_start3A_712] : memref<8x4096x12x64xf32, #tpu.memory_space<hbm>> -> memref<1x40x12x64xf32, #tpu.memory_space<hbm>>
      %dma_start3A_714 = tpu.memref_squeeze %dma_start3A_713 : memref<1x40x12x64xf32, #tpu.memory_space<hbm>> -> memref<40x12x64xf32, #tpu.memory_space<hbm>>
      %dma_start3A_715 = arith.constant 0 : i32
      %dma_start3A_716 = arith.constant 0 : i32
      %dma_start3A_717 = tpu.memref_slice %arg5[%select_n3A, %add3A_710, %dma_start3A_715, %dma_start3A_716] : memref<8x4096x12x64xf32, #tpu.memory_space<hbm>> -> memref<1x40x12x64xf32, #tpu.memory_space<hbm>>
      %dma_start3A_718 = tpu.memref_squeeze %dma_start3A_717 : memref<1x40x12x64xf32, #tpu.memory_space<hbm>> -> memref<40x12x64xf32, #tpu.memory_space<hbm>>
      tpu.enqueue_dma source(%run_scoped3A : memref<40x12x64xf32, #tpu.memory_space<vmem>>) target(%dma_start3A_718 : memref<40x12x64xf32, #tpu.memory_space<hbm>>) target_semaphore(%arg9 : memref<!tpu.dma_semaphore, #tpu.memory_space<semaphore_mem>>)
      %add3A_719 = arith.constant 640 : i32
      %add3A_720 = arith.addi %add3A_39, %add3A_719 : i32
      %dma_wait3A_721 = arith.constant 0 : i32
      %dma_wait3A_722 = arith.constant 0 : i32
      %dma_wait3A_723 = tpu.memref_slice %arg5[%select_n3A, %add3A_720, %dma_wait3A_721, %dma_wait3A_722] : memref<8x4096x12x64xf32, #tpu.memory_space<hbm>> -> memref<1x40x12x64xf32, #tpu.memory_space<hbm>>
      %dma_wait3A_724 = tpu.memref_squeeze %dma_wait3A_723 : memref<1x40x12x64xf32, #tpu.memory_space<hbm>> -> memref<40x12x64xf32, #tpu.memory_space<hbm>>
      %dma_wait3A_725 = arith.constant 0 : i32
      %dma_wait3A_726 = arith.constant 0 : i32
      %dma_wait3A_727 = tpu.memref_slice %arg5[%select_n3A, %add3A_720, %dma_wait3A_725, %dma_wait3A_726] : memref<8x4096x12x64xf32, #tpu.memory_space<hbm>> -> memref<1x40x12x64xf32, #tpu.memory_space<hbm>>
      %dma_wait3A_728 = tpu.memref_squeeze %dma_wait3A_727 : memref<1x40x12x64xf32, #tpu.memory_space<hbm>> -> memref<40x12x64xf32, #tpu.memory_space<hbm>>
      tpu.wait_dma2 semaphore(%arg9 : memref<!tpu.dma_semaphore, #tpu.memory_space<semaphore_mem>>) src(%run_scoped3A : memref<40x12x64xf32, #tpu.memory_space<vmem>>) dst(%dma_wait3A_728 : memref<40x12x64xf32, #tpu.memory_space<hbm>>)
      %add3A_729 = arith.constant 720 : i32
      %add3A_730 = arith.addi %add3A_35, %add3A_729 : i32
      %dma_start3A_731 = arith.constant 0 : i32
      %dma_start3A_732 = arith.constant 0 : i32
      %dma_start3A_733 = tpu.memref_slice %arg2[%select_n3A, %add3A_730, %dma_start3A_731, %dma_start3A_732] : memref<8x4096x12x64xf32, #tpu.memory_space<hbm>> -> memref<1x40x12x64xf32, #tpu.memory_space<hbm>>
      %dma_start3A_734 = tpu.memref_squeeze %dma_start3A_733 : memref<1x40x12x64xf32, #tpu.memory_space<hbm>> -> memref<40x12x64xf32, #tpu.memory_space<hbm>>
      %dma_start3A_735 = arith.constant 0 : i32
      %dma_start3A_736 = arith.constant 0 : i32
      %dma_start3A_737 = tpu.memref_slice %arg2[%select_n3A, %add3A_730, %dma_start3A_735, %dma_start3A_736] : memref<8x4096x12x64xf32, #tpu.memory_space<hbm>> -> memref<1x40x12x64xf32, #tpu.memory_space<hbm>>
      %dma_start3A_738 = tpu.memref_squeeze %dma_start3A_737 : memref<1x40x12x64xf32, #tpu.memory_space<hbm>> -> memref<40x12x64xf32, #tpu.memory_space<hbm>>
      tpu.enqueue_dma source(%dma_start3A_738 : memref<40x12x64xf32, #tpu.memory_space<hbm>>) target(%run_scoped3A : memref<40x12x64xf32, #tpu.memory_space<vmem>>) target_semaphore(%arg7 : memref<!tpu.dma_semaphore, #tpu.memory_space<semaphore_mem>>)
      %add3A_739 = arith.constant 680 : i32
      %add3A_740 = arith.addi %add3A_35, %add3A_739 : i32
      %dma_wait3A_741 = arith.constant 0 : i32
      %dma_wait3A_742 = arith.constant 0 : i32
      %dma_wait3A_743 = tpu.memref_slice %arg2[%select_n3A, %add3A_740, %dma_wait3A_741, %dma_wait3A_742] : memref<8x4096x12x64xf32, #tpu.memory_space<hbm>> -> memref<1x40x12x64xf32, #tpu.memory_space<hbm>>
      %dma_wait3A_744 = tpu.memref_squeeze %dma_wait3A_743 : memref<1x40x12x64xf32, #tpu.memory_space<hbm>> -> memref<40x12x64xf32, #tpu.memory_space<hbm>>
      %dma_wait3A_745 = arith.constant 0 : i32
      %dma_wait3A_746 = arith.constant 0 : i32
      %dma_wait3A_747 = tpu.memref_slice %arg2[%select_n3A, %add3A_740, %dma_wait3A_745, %dma_wait3A_746] : memref<8x4096x12x64xf32, #tpu.memory_space<hbm>> -> memref<1x40x12x64xf32, #tpu.memory_space<hbm>>
      %dma_wait3A_748 = tpu.memref_squeeze %dma_wait3A_747 : memref<1x40x12x64xf32, #tpu.memory_space<hbm>> -> memref<40x12x64xf32, #tpu.memory_space<hbm>>
      tpu.wait_dma2 semaphore(%arg8 : memref<!tpu.dma_semaphore, #tpu.memory_space<semaphore_mem>>) src(%dma_wait3A_748 : memref<40x12x64xf32, #tpu.memory_space<hbm>>) dst(%run_scoped3A_40 : memref<40x12x64xf32, #tpu.memory_space<vmem>>)
      %add3A_749 = arith.constant 680 : i32
      %add3A_750 = arith.addi %add3A_39, %add3A_749 : i32
      %dma_start3A_751 = arith.constant 0 : i32
      %dma_start3A_752 = arith.constant 0 : i32
      %dma_start3A_753 = tpu.memref_slice %arg5[%select_n3A, %add3A_750, %dma_start3A_751, %dma_start3A_752] : memref<8x4096x12x64xf32, #tpu.memory_space<hbm>> -> memref<1x40x12x64xf32, #tpu.memory_space<hbm>>
      %dma_start3A_754 = tpu.memref_squeeze %dma_start3A_753 : memref<1x40x12x64xf32, #tpu.memory_space<hbm>> -> memref<40x12x64xf32, #tpu.memory_space<hbm>>
      %dma_start3A_755 = arith.constant 0 : i32
      %dma_start3A_756 = arith.constant 0 : i32
      %dma_start3A_757 = tpu.memref_slice %arg5[%select_n3A, %add3A_750, %dma_start3A_755, %dma_start3A_756] : memref<8x4096x12x64xf32, #tpu.memory_space<hbm>> -> memref<1x40x12x64xf32, #tpu.memory_space<hbm>>
      %dma_start3A_758 = tpu.memref_squeeze %dma_start3A_757 : memref<1x40x12x64xf32, #tpu.memory_space<hbm>> -> memref<40x12x64xf32, #tpu.memory_space<hbm>>
      tpu.enqueue_dma source(%run_scoped3A_40 : memref<40x12x64xf32, #tpu.memory_space<vmem>>) target(%dma_start3A_758 : memref<40x12x64xf32, #tpu.memory_space<hbm>>) target_semaphore(%arg10 : memref<!tpu.dma_semaphore, #tpu.memory_space<semaphore_mem>>)
      %add3A_759 = arith.constant 680 : i32
      %add3A_760 = arith.addi %add3A_39, %add3A_759 : i32
      %dma_wait3A_761 = arith.constant 0 : i32
      %dma_wait3A_762 = arith.constant 0 : i32
      %dma_wait3A_763 = tpu.memref_slice %arg5[%select_n3A, %add3A_760, %dma_wait3A_761, %dma_wait3A_762] : memref<8x4096x12x64xf32, #tpu.memory_space<hbm>> -> memref<1x40x12x64xf32, #tpu.memory_space<hbm>>
      %dma_wait3A_764 = tpu.memref_squeeze %dma_wait3A_763 : memref<1x40x12x64xf32, #tpu.memory_space<hbm>> -> memref<40x12x64xf32, #tpu.memory_space<hbm>>
      %dma_wait3A_765 = arith.constant 0 : i32
      %dma_wait3A_766 = arith.constant 0 : i32
      %dma_wait3A_767 = tpu.memref_slice %arg5[%select_n3A, %add3A_760, %dma_wait3A_765, %dma_wait3A_766] : memref<8x4096x12x64xf32, #tpu.memory_space<hbm>> -> memref<1x40x12x64xf32, #tpu.memory_space<hbm>>
      %dma_wait3A_768 = tpu.memref_squeeze %dma_wait3A_767 : memref<1x40x12x64xf32, #tpu.memory_space<hbm>> -> memref<40x12x64xf32, #tpu.memory_space<hbm>>
      tpu.wait_dma2 semaphore(%arg10 : memref<!tpu.dma_semaphore, #tpu.memory_space<semaphore_mem>>) src(%run_scoped3A_40 : memref<40x12x64xf32, #tpu.memory_space<vmem>>) dst(%dma_wait3A_768 : memref<40x12x64xf32, #tpu.memory_space<hbm>>)
      %add3A_769 = arith.constant 760 : i32
      %add3A_770 = arith.addi %add3A_35, %add3A_769 : i32
      %dma_start3A_771 = arith.constant 0 : i32
      %dma_start3A_772 = arith.constant 0 : i32
      %dma_start3A_773 = tpu.memref_slice %arg2[%select_n3A, %add3A_770, %dma_start3A_771, %dma_start3A_772] : memref<8x4096x12x64xf32, #tpu.memory_space<hbm>> -> memref<1x40x12x64xf32, #tpu.memory_space<hbm>>
      %dma_start3A_774 = tpu.memref_squeeze %dma_start3A_773 : memref<1x40x12x64xf32, #tpu.memory_space<hbm>> -> memref<40x12x64xf32, #tpu.memory_space<hbm>>
      %dma_start3A_775 = arith.constant 0 : i32
      %dma_start3A_776 = arith.constant 0 : i32
      %dma_start3A_777 = tpu.memref_slice %arg2[%select_n3A, %add3A_770, %dma_start3A_775, %dma_start3A_776] : memref<8x4096x12x64xf32, #tpu.memory_space<hbm>> -> memref<1x40x12x64xf32, #tpu.memory_space<hbm>>
      %dma_start3A_778 = tpu.memref_squeeze %dma_start3A_777 : memref<1x40x12x64xf32, #tpu.memory_space<hbm>> -> memref<40x12x64xf32, #tpu.memory_space<hbm>>
      tpu.enqueue_dma source(%dma_start3A_778 : memref<40x12x64xf32, #tpu.memory_space<hbm>>) target(%run_scoped3A_40 : memref<40x12x64xf32, #tpu.memory_space<vmem>>) target_semaphore(%arg8 : memref<!tpu.dma_semaphore, #tpu.memory_space<semaphore_mem>>)
      %add3A_779 = arith.constant 720 : i32
      %add3A_780 = arith.addi %add3A_35, %add3A_779 : i32
      %dma_wait3A_781 = arith.constant 0 : i32
      %dma_wait3A_782 = arith.constant 0 : i32
      %dma_wait3A_783 = tpu.memref_slice %arg2[%select_n3A, %add3A_780, %dma_wait3A_781, %dma_wait3A_782] : memref<8x4096x12x64xf32, #tpu.memory_space<hbm>> -> memref<1x40x12x64xf32, #tpu.memory_space<hbm>>
      %dma_wait3A_784 = tpu.memref_squeeze %dma_wait3A_783 : memref<1x40x12x64xf32, #tpu.memory_space<hbm>> -> memref<40x12x64xf32, #tpu.memory_space<hbm>>
      %dma_wait3A_785 = arith.constant 0 : i32
      %dma_wait3A_786 = arith.constant 0 : i32
      %dma_wait3A_787 = tpu.memref_slice %arg2[%select_n3A, %add3A_780, %dma_wait3A_785, %dma_wait3A_786] : memref<8x4096x12x64xf32, #tpu.memory_space<hbm>> -> memref<1x40x12x64xf32, #tpu.memory_space<hbm>>
      %dma_wait3A_788 = tpu.memref_squeeze %dma_wait3A_787 : memref<1x40x12x64xf32, #tpu.memory_space<hbm>> -> memref<40x12x64xf32, #tpu.memory_space<hbm>>
      tpu.wait_dma2 semaphore(%arg7 : memref<!tpu.dma_semaphore, #tpu.memory_space<semaphore_mem>>) src(%dma_wait3A_788 : memref<40x12x64xf32, #tpu.memory_space<hbm>>) dst(%run_scoped3A : memref<40x12x64xf32, #tpu.memory_space<vmem>>)
      %add3A_789 = arith.constant 720 : i32
      %add3A_790 = arith.addi %add3A_39, %add3A_789 : i32
      %dma_start3A_791 = arith.constant 0 : i32
      %dma_start3A_792 = arith.constant 0 : i32
      %dma_start3A_793 = tpu.memref_slice %arg5[%select_n3A, %add3A_790, %dma_start3A_791, %dma_start3A_792] : memref<8x4096x12x64xf32, #tpu.memory_space<hbm>> -> memref<1x40x12x64xf32, #tpu.memory_space<hbm>>
      %dma_start3A_794 = tpu.memref_squeeze %dma_start3A_793 : memref<1x40x12x64xf32, #tpu.memory_space<hbm>> -> memref<40x12x64xf32, #tpu.memory_space<hbm>>
      %dma_start3A_795 = arith.constant 0 : i32
      %dma_start3A_796 = arith.constant 0 : i32
      %dma_start3A_797 = tpu.memref_slice %arg5[%select_n3A, %add3A_790, %dma_start3A_795, %dma_start3A_796] : memref<8x4096x12x64xf32, #tpu.memory_space<hbm>> -> memref<1x40x12x64xf32, #tpu.memory_space<hbm>>
      %dma_start3A_798 = tpu.memref_squeeze %dma_start3A_797 : memref<1x40x12x64xf32, #tpu.memory_space<hbm>> -> memref<40x12x64xf32, #tpu.memory_space<hbm>>
      tpu.enqueue_dma source(%run_scoped3A : memref<40x12x64xf32, #tpu.memory_space<vmem>>) target(%dma_start3A_798 : memref<40x12x64xf32, #tpu.memory_space<hbm>>) target_semaphore(%arg9 : memref<!tpu.dma_semaphore, #tpu.memory_space<semaphore_mem>>)
      %add3A_799 = arith.constant 720 : i32
      %add3A_800 = arith.addi %add3A_39, %add3A_799 : i32
      %dma_wait3A_801 = arith.constant 0 : i32
      %dma_wait3A_802 = arith.constant 0 : i32
      %dma_wait3A_803 = tpu.memref_slice %arg5[%select_n3A, %add3A_800, %dma_wait3A_801, %dma_wait3A_802] : memref<8x4096x12x64xf32, #tpu.memory_space<hbm>> -> memref<1x40x12x64xf32, #tpu.memory_space<hbm>>
      %dma_wait3A_804 = tpu.memref_squeeze %dma_wait3A_803 : memref<1x40x12x64xf32, #tpu.memory_space<hbm>> -> memref<40x12x64xf32, #tpu.memory_space<hbm>>
      %dma_wait3A_805 = arith.constant 0 : i32
      %dma_wait3A_806 = arith.constant 0 : i32
      %dma_wait3A_807 = tpu.memref_slice %arg5[%select_n3A, %add3A_800, %dma_wait3A_805, %dma_wait3A_806] : memref<8x4096x12x64xf32, #tpu.memory_space<hbm>> -> memref<1x40x12x64xf32, #tpu.memory_space<hbm>>
      %dma_wait3A_808 = tpu.memref_squeeze %dma_wait3A_807 : memref<1x40x12x64xf32, #tpu.memory_space<hbm>> -> memref<40x12x64xf32, #tpu.memory_space<hbm>>
      tpu.wait_dma2 semaphore(%arg9 : memref<!tpu.dma_semaphore, #tpu.memory_space<semaphore_mem>>) src(%run_scoped3A : memref<40x12x64xf32, #tpu.memory_space<vmem>>) dst(%dma_wait3A_808 : memref<40x12x64xf32, #tpu.memory_space<hbm>>)
      %add3A_809 = arith.constant 800 : i32
      %add3A_810 = arith.addi %add3A_35, %add3A_809 : i32
      %dma_start3A_811 = arith.constant 0 : i32
      %dma_start3A_812 = arith.constant 0 : i32
      %dma_start3A_813 = tpu.memref_slice %arg2[%select_n3A, %add3A_810, %dma_start3A_811, %dma_start3A_812] : memref<8x4096x12x64xf32, #tpu.memory_space<hbm>> -> memref<1x40x12x64xf32, #tpu.memory_space<hbm>>
      %dma_start3A_814 = tpu.memref_squeeze %dma_start3A_813 : memref<1x40x12x64xf32, #tpu.memory_space<hbm>> -> memref<40x12x64xf32, #tpu.memory_space<hbm>>
      %dma_start3A_815 = arith.constant 0 : i32
      %dma_start3A_816 = arith.constant 0 : i32
      %dma_start3A_817 = tpu.memref_slice %arg2[%select_n3A, %add3A_810, %dma_start3A_815, %dma_start3A_816] : memref<8x4096x12x64xf32, #tpu.memory_space<hbm>> -> memref<1x40x12x64xf32, #tpu.memory_space<hbm>>
      %dma_start3A_818 = tpu.memref_squeeze %dma_start3A_817 : memref<1x40x12x64xf32, #tpu.memory_space<hbm>> -> memref<40x12x64xf32, #tpu.memory_space<hbm>>
      tpu.enqueue_dma source(%dma_start3A_818 : memref<40x12x64xf32, #tpu.memory_space<hbm>>) target(%run_scoped3A : memref<40x12x64xf32, #tpu.memory_space<vmem>>) target_semaphore(%arg7 : memref<!tpu.dma_semaphore, #tpu.memory_space<semaphore_mem>>)
      %add3A_819 = arith.constant 760 : i32
      %add3A_820 = arith.addi %add3A_35, %add3A_819 : i32
      %dma_wait3A_821 = arith.constant 0 : i32
      %dma_wait3A_822 = arith.constant 0 : i32
      %dma_wait3A_823 = tpu.memref_slice %arg2[%select_n3A, %add3A_820, %dma_wait3A_821, %dma_wait3A_822] : memref<8x4096x12x64xf32, #tpu.memory_space<hbm>> -> memref<1x40x12x64xf32, #tpu.memory_space<hbm>>
      %dma_wait3A_824 = tpu.memref_squeeze %dma_wait3A_823 : memref<1x40x12x64xf32, #tpu.memory_space<hbm>> -> memref<40x12x64xf32, #tpu.memory_space<hbm>>
      %dma_wait3A_825 = arith.constant 0 : i32
      %dma_wait3A_826 = arith.constant 0 : i32
      %dma_wait3A_827 = tpu.memref_slice %arg2[%select_n3A, %add3A_820, %dma_wait3A_825, %dma_wait3A_826] : memref<8x4096x12x64xf32, #tpu.memory_space<hbm>> -> memref<1x40x12x64xf32, #tpu.memory_space<hbm>>
      %dma_wait3A_828 = tpu.memref_squeeze %dma_wait3A_827 : memref<1x40x12x64xf32, #tpu.memory_space<hbm>> -> memref<40x12x64xf32, #tpu.memory_space<hbm>>
      tpu.wait_dma2 semaphore(%arg8 : memref<!tpu.dma_semaphore, #tpu.memory_space<semaphore_mem>>) src(%dma_wait3A_828 : memref<40x12x64xf32, #tpu.memory_space<hbm>>) dst(%run_scoped3A_40 : memref<40x12x64xf32, #tpu.memory_space<vmem>>)
      %add3A_829 = arith.constant 760 : i32
      %add3A_830 = arith.addi %add3A_39, %add3A_829 : i32
      %dma_start3A_831 = arith.constant 0 : i32
      %dma_start3A_832 = arith.constant 0 : i32
      %dma_start3A_833 = tpu.memref_slice %arg5[%select_n3A, %add3A_830, %dma_start3A_831, %dma_start3A_832] : memref<8x4096x12x64xf32, #tpu.memory_space<hbm>> -> memref<1x40x12x64xf32, #tpu.memory_space<hbm>>
      %dma_start3A_834 = tpu.memref_squeeze %dma_start3A_833 : memref<1x40x12x64xf32, #tpu.memory_space<hbm>> -> memref<40x12x64xf32, #tpu.memory_space<hbm>>
      %dma_start3A_835 = arith.constant 0 : i32
      %dma_start3A_836 = arith.constant 0 : i32
      %dma_start3A_837 = tpu.memref_slice %arg5[%select_n3A, %add3A_830, %dma_start3A_835, %dma_start3A_836] : memref<8x4096x12x64xf32, #tpu.memory_space<hbm>> -> memref<1x40x12x64xf32, #tpu.memory_space<hbm>>
      %dma_start3A_838 = tpu.memref_squeeze %dma_start3A_837 : memref<1x40x12x64xf32, #tpu.memory_space<hbm>> -> memref<40x12x64xf32, #tpu.memory_space<hbm>>
      tpu.enqueue_dma source(%run_scoped3A_40 : memref<40x12x64xf32, #tpu.memory_space<vmem>>) target(%dma_start3A_838 : memref<40x12x64xf32, #tpu.memory_space<hbm>>) target_semaphore(%arg10 : memref<!tpu.dma_semaphore, #tpu.memory_space<semaphore_mem>>)
      %add3A_839 = arith.constant 760 : i32
      %add3A_840 = arith.addi %add3A_39, %add3A_839 : i32
      %dma_wait3A_841 = arith.constant 0 : i32
      %dma_wait3A_842 = arith.constant 0 : i32
      %dma_wait3A_843 = tpu.memref_slice %arg5[%select_n3A, %add3A_840, %dma_wait3A_841, %dma_wait3A_842] : memref<8x4096x12x64xf32, #tpu.memory_space<hbm>> -> memref<1x40x12x64xf32, #tpu.memory_space<hbm>>
      %dma_wait3A_844 = tpu.memref_squeeze %dma_wait3A_843 : memref<1x40x12x64xf32, #tpu.memory_space<hbm>> -> memref<40x12x64xf32, #tpu.memory_space<hbm>>
      %dma_wait3A_845 = arith.constant 0 : i32
      %dma_wait3A_846 = arith.constant 0 : i32
      %dma_wait3A_847 = tpu.memref_slice %arg5[%select_n3A, %add3A_840, %dma_wait3A_845, %dma_wait3A_846] : memref<8x4096x12x64xf32, #tpu.memory_space<hbm>> -> memref<1x40x12x64xf32, #tpu.memory_space<hbm>>
      %dma_wait3A_848 = tpu.memref_squeeze %dma_wait3A_847 : memref<1x40x12x64xf32, #tpu.memory_space<hbm>> -> memref<40x12x64xf32, #tpu.memory_space<hbm>>
      tpu.wait_dma2 semaphore(%arg10 : memref<!tpu.dma_semaphore, #tpu.memory_space<semaphore_mem>>) src(%run_scoped3A_40 : memref<40x12x64xf32, #tpu.memory_space<vmem>>) dst(%dma_wait3A_848 : memref<40x12x64xf32, #tpu.memory_space<hbm>>)
      %add3A_849 = arith.constant 840 : i32
      %add3A_850 = arith.addi %add3A_35, %add3A_849 : i32
      %dma_start3A_851 = arith.constant 0 : i32
      %dma_start3A_852 = arith.constant 0 : i32
      %dma_start3A_853 = tpu.memref_slice %arg2[%select_n3A, %add3A_850, %dma_start3A_851, %dma_start3A_852] : memref<8x4096x12x64xf32, #tpu.memory_space<hbm>> -> memref<1x40x12x64xf32, #tpu.memory_space<hbm>>
      %dma_start3A_854 = tpu.memref_squeeze %dma_start3A_853 : memref<1x40x12x64xf32, #tpu.memory_space<hbm>> -> memref<40x12x64xf32, #tpu.memory_space<hbm>>
      %dma_start3A_855 = arith.constant 0 : i32
      %dma_start3A_856 = arith.constant 0 : i32
      %dma_start3A_857 = tpu.memref_slice %arg2[%select_n3A, %add3A_850, %dma_start3A_855, %dma_start3A_856] : memref<8x4096x12x64xf32, #tpu.memory_space<hbm>> -> memref<1x40x12x64xf32, #tpu.memory_space<hbm>>
      %dma_start3A_858 = tpu.memref_squeeze %dma_start3A_857 : memref<1x40x12x64xf32, #tpu.memory_space<hbm>> -> memref<40x12x64xf32, #tpu.memory_space<hbm>>
      tpu.enqueue_dma source(%dma_start3A_858 : memref<40x12x64xf32, #tpu.memory_space<hbm>>) target(%run_scoped3A_40 : memref<40x12x64xf32, #tpu.memory_space<vmem>>) target_semaphore(%arg8 : memref<!tpu.dma_semaphore, #tpu.memory_space<semaphore_mem>>)
      %add3A_859 = arith.constant 800 : i32
      %add3A_860 = arith.addi %add3A_35, %add3A_859 : i32
      %dma_wait3A_861 = arith.constant 0 : i32
      %dma_wait3A_862 = arith.constant 0 : i32
      %dma_wait3A_863 = tpu.memref_slice %arg2[%select_n3A, %add3A_860, %dma_wait3A_861, %dma_wait3A_862] : memref<8x4096x12x64xf32, #tpu.memory_space<hbm>> -> memref<1x40x12x64xf32, #tpu.memory_space<hbm>>
      %dma_wait3A_864 = tpu.memref_squeeze %dma_wait3A_863 : memref<1x40x12x64xf32, #tpu.memory_space<hbm>> -> memref<40x12x64xf32, #tpu.memory_space<hbm>>
      %dma_wait3A_865 = arith.constant 0 : i32
      %dma_wait3A_866 = arith.constant 0 : i32
      %dma_wait3A_867 = tpu.memref_slice %arg2[%select_n3A, %add3A_860, %dma_wait3A_865, %dma_wait3A_866] : memref<8x4096x12x64xf32, #tpu.memory_space<hbm>> -> memref<1x40x12x64xf32, #tpu.memory_space<hbm>>
      %dma_wait3A_868 = tpu.memref_squeeze %dma_wait3A_867 : memref<1x40x12x64xf32, #tpu.memory_space<hbm>> -> memref<40x12x64xf32, #tpu.memory_space<hbm>>
      tpu.wait_dma2 semaphore(%arg7 : memref<!tpu.dma_semaphore, #tpu.memory_space<semaphore_mem>>) src(%dma_wait3A_868 : memref<40x12x64xf32, #tpu.memory_space<hbm>>) dst(%run_scoped3A : memref<40x12x64xf32, #tpu.memory_space<vmem>>)
      %add3A_869 = arith.constant 800 : i32
      %add3A_870 = arith.addi %add3A_39, %add3A_869 : i32
      %dma_start3A_871 = arith.constant 0 : i32
      %dma_start3A_872 = arith.constant 0 : i32
      %dma_start3A_873 = tpu.memref_slice %arg5[%select_n3A, %add3A_870, %dma_start3A_871, %dma_start3A_872] : memref<8x4096x12x64xf32, #tpu.memory_space<hbm>> -> memref<1x40x12x64xf32, #tpu.memory_space<hbm>>
      %dma_start3A_874 = tpu.memref_squeeze %dma_start3A_873 : memref<1x40x12x64xf32, #tpu.memory_space<hbm>> -> memref<40x12x64xf32, #tpu.memory_space<hbm>>
      %dma_start3A_875 = arith.constant 0 : i32
      %dma_start3A_876 = arith.constant 0 : i32
      %dma_start3A_877 = tpu.memref_slice %arg5[%select_n3A, %add3A_870, %dma_start3A_875, %dma_start3A_876] : memref<8x4096x12x64xf32, #tpu.memory_space<hbm>> -> memref<1x40x12x64xf32, #tpu.memory_space<hbm>>
      %dma_start3A_878 = tpu.memref_squeeze %dma_start3A_877 : memref<1x40x12x64xf32, #tpu.memory_space<hbm>> -> memref<40x12x64xf32, #tpu.memory_space<hbm>>
      tpu.enqueue_dma source(%run_scoped3A : memref<40x12x64xf32, #tpu.memory_space<vmem>>) target(%dma_start3A_878 : memref<40x12x64xf32, #tpu.memory_space<hbm>>) target_semaphore(%arg9 : memref<!tpu.dma_semaphore, #tpu.memory_space<semaphore_mem>>)
      %add3A_879 = arith.constant 800 : i32
      %add3A_880 = arith.addi %add3A_39, %add3A_879 : i32
      %dma_wait3A_881 = arith.constant 0 : i32
      %dma_wait3A_882 = arith.constant 0 : i32
      %dma_wait3A_883 = tpu.memref_slice %arg5[%select_n3A, %add3A_880, %dma_wait3A_881, %dma_wait3A_882] : memref<8x4096x12x64xf32, #tpu.memory_space<hbm>> -> memref<1x40x12x64xf32, #tpu.memory_space<hbm>>
      %dma_wait3A_884 = tpu.memref_squeeze %dma_wait3A_883 : memref<1x40x12x64xf32, #tpu.memory_space<hbm>> -> memref<40x12x64xf32, #tpu.memory_space<hbm>>
      %dma_wait3A_885 = arith.constant 0 : i32
      %dma_wait3A_886 = arith.constant 0 : i32
      %dma_wait3A_887 = tpu.memref_slice %arg5[%select_n3A, %add3A_880, %dma_wait3A_885, %dma_wait3A_886] : memref<8x4096x12x64xf32, #tpu.memory_space<hbm>> -> memref<1x40x12x64xf32, #tpu.memory_space<hbm>>
      %dma_wait3A_888 = tpu.memref_squeeze %dma_wait3A_887 : memref<1x40x12x64xf32, #tpu.memory_space<hbm>> -> memref<40x12x64xf32, #tpu.memory_space<hbm>>
      tpu.wait_dma2 semaphore(%arg9 : memref<!tpu.dma_semaphore, #tpu.memory_space<semaphore_mem>>) src(%run_scoped3A : memref<40x12x64xf32, #tpu.memory_space<vmem>>) dst(%dma_wait3A_888 : memref<40x12x64xf32, #tpu.memory_space<hbm>>)
      %add3A_889 = arith.constant 880 : i32
      %add3A_890 = arith.addi %add3A_35, %add3A_889 : i32
      %dma_start3A_891 = arith.constant 0 : i32
      %dma_start3A_892 = arith.constant 0 : i32
      %dma_start3A_893 = tpu.memref_slice %arg2[%select_n3A, %add3A_890, %dma_start3A_891, %dma_start3A_892] : memref<8x4096x12x64xf32, #tpu.memory_space<hbm>> -> memref<1x40x12x64xf32, #tpu.memory_space<hbm>>
      %dma_start3A_894 = tpu.memref_squeeze %dma_start3A_893 : memref<1x40x12x64xf32, #tpu.memory_space<hbm>> -> memref<40x12x64xf32, #tpu.memory_space<hbm>>
      %dma_start3A_895 = arith.constant 0 : i32
      %dma_start3A_896 = arith.constant 0 : i32
      %dma_start3A_897 = tpu.memref_slice %arg2[%select_n3A, %add3A_890, %dma_start3A_895, %dma_start3A_896] : memref<8x4096x12x64xf32, #tpu.memory_space<hbm>> -> memref<1x40x12x64xf32, #tpu.memory_space<hbm>>
      %dma_start3A_898 = tpu.memref_squeeze %dma_start3A_897 : memref<1x40x12x64xf32, #tpu.memory_space<hbm>> -> memref<40x12x64xf32, #tpu.memory_space<hbm>>
      tpu.enqueue_dma source(%dma_start3A_898 : memref<40x12x64xf32, #tpu.memory_space<hbm>>) target(%run_scoped3A : memref<40x12x64xf32, #tpu.memory_space<vmem>>) target_semaphore(%arg7 : memref<!tpu.dma_semaphore, #tpu.memory_space<semaphore_mem>>)
      %add3A_899 = arith.constant 840 : i32
      %add3A_900 = arith.addi %add3A_35, %add3A_899 : i32
      %dma_wait3A_901 = arith.constant 0 : i32
      %dma_wait3A_902 = arith.constant 0 : i32
      %dma_wait3A_903 = tpu.memref_slice %arg2[%select_n3A, %add3A_900, %dma_wait3A_901, %dma_wait3A_902] : memref<8x4096x12x64xf32, #tpu.memory_space<hbm>> -> memref<1x40x12x64xf32, #tpu.memory_space<hbm>>
      %dma_wait3A_904 = tpu.memref_squeeze %dma_wait3A_903 : memref<1x40x12x64xf32, #tpu.memory_space<hbm>> -> memref<40x12x64xf32, #tpu.memory_space<hbm>>
      %dma_wait3A_905 = arith.constant 0 : i32
      %dma_wait3A_906 = arith.constant 0 : i32
      %dma_wait3A_907 = tpu.memref_slice %arg2[%select_n3A, %add3A_900, %dma_wait3A_905, %dma_wait3A_906] : memref<8x4096x12x64xf32, #tpu.memory_space<hbm>> -> memref<1x40x12x64xf32, #tpu.memory_space<hbm>>
      %dma_wait3A_908 = tpu.memref_squeeze %dma_wait3A_907 : memref<1x40x12x64xf32, #tpu.memory_space<hbm>> -> memref<40x12x64xf32, #tpu.memory_space<hbm>>
      tpu.wait_dma2 semaphore(%arg8 : memref<!tpu.dma_semaphore, #tpu.memory_space<semaphore_mem>>) src(%dma_wait3A_908 : memref<40x12x64xf32, #tpu.memory_space<hbm>>) dst(%run_scoped3A_40 : memref<40x12x64xf32, #tpu.memory_space<vmem>>)
      %add3A_909 = arith.constant 840 : i32
      %add3A_910 = arith.addi %add3A_39, %add3A_909 : i32
      %dma_start3A_911 = arith.constant 0 : i32
      %dma_start3A_912 = arith.constant 0 : i32
      %dma_start3A_913 = tpu.memref_slice %arg5[%select_n3A, %add3A_910, %dma_start3A_911, %dma_start3A_912] : memref<8x4096x12x64xf32, #tpu.memory_space<hbm>> -> memref<1x40x12x64xf32, #tpu.memory_space<hbm>>
      %dma_start3A_914 = tpu.memref_squeeze %dma_start3A_913 : memref<1x40x12x64xf32, #tpu.memory_space<hbm>> -> memref<40x12x64xf32, #tpu.memory_space<hbm>>
      %dma_start3A_915 = arith.constant 0 : i32
      %dma_start3A_916 = arith.constant 0 : i32
      %dma_start3A_917 = tpu.memref_slice %arg5[%select_n3A, %add3A_910, %dma_start3A_915, %dma_start3A_916] : memref<8x4096x12x64xf32, #tpu.memory_space<hbm>> -> memref<1x40x12x64xf32, #tpu.memory_space<hbm>>
      %dma_start3A_918 = tpu.memref_squeeze %dma_start3A_917 : memref<1x40x12x64xf32, #tpu.memory_space<hbm>> -> memref<40x12x64xf32, #tpu.memory_space<hbm>>
      tpu.enqueue_dma source(%run_scoped3A_40 : memref<40x12x64xf32, #tpu.memory_space<vmem>>) target(%dma_start3A_918 : memref<40x12x64xf32, #tpu.memory_space<hbm>>) target_semaphore(%arg10 : memref<!tpu.dma_semaphore, #tpu.memory_space<semaphore_mem>>)
      %add3A_919 = arith.constant 840 : i32
      %add3A_920 = arith.addi %add3A_39, %add3A_919 : i32
      %dma_wait3A_921 = arith.constant 0 : i32
      %dma_wait3A_922 = arith.constant 0 : i32
      %dma_wait3A_923 = tpu.memref_slice %arg5[%select_n3A, %add3A_920, %dma_wait3A_921, %dma_wait3A_922] : memref<8x4096x12x64xf32, #tpu.memory_space<hbm>> -> memref<1x40x12x64xf32, #tpu.memory_space<hbm>>
      %dma_wait3A_924 = tpu.memref_squeeze %dma_wait3A_923 : memref<1x40x12x64xf32, #tpu.memory_space<hbm>> -> memref<40x12x64xf32, #tpu.memory_space<hbm>>
      %dma_wait3A_925 = arith.constant 0 : i32
      %dma_wait3A_926 = arith.constant 0 : i32
      %dma_wait3A_927 = tpu.memref_slice %arg5[%select_n3A, %add3A_920, %dma_wait3A_925, %dma_wait3A_926] : memref<8x4096x12x64xf32, #tpu.memory_space<hbm>> -> memref<1x40x12x64xf32, #tpu.memory_space<hbm>>
      %dma_wait3A_928 = tpu.memref_squeeze %dma_wait3A_927 : memref<1x40x12x64xf32, #tpu.memory_space<hbm>> -> memref<40x12x64xf32, #tpu.memory_space<hbm>>
      tpu.wait_dma2 semaphore(%arg10 : memref<!tpu.dma_semaphore, #tpu.memory_space<semaphore_mem>>) src(%run_scoped3A_40 : memref<40x12x64xf32, #tpu.memory_space<vmem>>) dst(%dma_wait3A_928 : memref<40x12x64xf32, #tpu.memory_space<hbm>>)
      %add3A_929 = arith.constant 920 : i32
      %add3A_930 = arith.addi %add3A_35, %add3A_929 : i32
      %dma_start3A_931 = arith.constant 0 : i32
      %dma_start3A_932 = arith.constant 0 : i32
      %dma_start3A_933 = tpu.memref_slice %arg2[%select_n3A, %add3A_930, %dma_start3A_931, %dma_start3A_932] : memref<8x4096x12x64xf32, #tpu.memory_space<hbm>> -> memref<1x40x12x64xf32, #tpu.memory_space<hbm>>
      %dma_start3A_934 = tpu.memref_squeeze %dma_start3A_933 : memref<1x40x12x64xf32, #tpu.memory_space<hbm>> -> memref<40x12x64xf32, #tpu.memory_space<hbm>>
      %dma_start3A_935 = arith.constant 0 : i32
      %dma_start3A_936 = arith.constant 0 : i32
      %dma_start3A_937 = tpu.memref_slice %arg2[%select_n3A, %add3A_930, %dma_start3A_935, %dma_start3A_936] : memref<8x4096x12x64xf32, #tpu.memory_space<hbm>> -> memref<1x40x12x64xf32, #tpu.memory_space<hbm>>
      %dma_start3A_938 = tpu.memref_squeeze %dma_start3A_937 : memref<1x40x12x64xf32, #tpu.memory_space<hbm>> -> memref<40x12x64xf32, #tpu.memory_space<hbm>>
      tpu.enqueue_dma source(%dma_start3A_938 : memref<40x12x64xf32, #tpu.memory_space<hbm>>) target(%run_scoped3A_40 : memref<40x12x64xf32, #tpu.memory_space<vmem>>) target_semaphore(%arg8 : memref<!tpu.dma_semaphore, #tpu.memory_space<semaphore_mem>>)
      %add3A_939 = arith.constant 880 : i32
      %add3A_940 = arith.addi %add3A_35, %add3A_939 : i32
      %dma_wait3A_941 = arith.constant 0 : i32
      %dma_wait3A_942 = arith.constant 0 : i32
      %dma_wait3A_943 = tpu.memref_slice %arg2[%select_n3A, %add3A_940, %dma_wait3A_941, %dma_wait3A_942] : memref<8x4096x12x64xf32, #tpu.memory_space<hbm>> -> memref<1x40x12x64xf32, #tpu.memory_space<hbm>>
      %dma_wait3A_944 = tpu.memref_squeeze %dma_wait3A_943 : memref<1x40x12x64xf32, #tpu.memory_space<hbm>> -> memref<40x12x64xf32, #tpu.memory_space<hbm>>
      %dma_wait3A_945 = arith.constant 0 : i32
      %dma_wait3A_946 = arith.constant 0 : i32
      %dma_wait3A_947 = tpu.memref_slice %arg2[%select_n3A, %add3A_940, %dma_wait3A_945, %dma_wait3A_946] : memref<8x4096x12x64xf32, #tpu.memory_space<hbm>> -> memref<1x40x12x64xf32, #tpu.memory_space<hbm>>
      %dma_wait3A_948 = tpu.memref_squeeze %dma_wait3A_947 : memref<1x40x12x64xf32, #tpu.memory_space<hbm>> -> memref<40x12x64xf32, #tpu.memory_space<hbm>>
      tpu.wait_dma2 semaphore(%arg7 : memref<!tpu.dma_semaphore, #tpu.memory_space<semaphore_mem>>) src(%dma_wait3A_948 : memref<40x12x64xf32, #tpu.memory_space<hbm>>) dst(%run_scoped3A : memref<40x12x64xf32, #tpu.memory_space<vmem>>)
      %add3A_949 = arith.constant 880 : i32
      %add3A_950 = arith.addi %add3A_39, %add3A_949 : i32
      %dma_start3A_951 = arith.constant 0 : i32
      %dma_start3A_952 = arith.constant 0 : i32
      %dma_start3A_953 = tpu.memref_slice %arg5[%select_n3A, %add3A_950, %dma_start3A_951, %dma_start3A_952] : memref<8x4096x12x64xf32, #tpu.memory_space<hbm>> -> memref<1x40x12x64xf32, #tpu.memory_space<hbm>>
      %dma_start3A_954 = tpu.memref_squeeze %dma_start3A_953 : memref<1x40x12x64xf32, #tpu.memory_space<hbm>> -> memref<40x12x64xf32, #tpu.memory_space<hbm>>
      %dma_start3A_955 = arith.constant 0 : i32
      %dma_start3A_956 = arith.constant 0 : i32
      %dma_start3A_957 = tpu.memref_slice %arg5[%select_n3A, %add3A_950, %dma_start3A_955, %dma_start3A_956] : memref<8x4096x12x64xf32, #tpu.memory_space<hbm>> -> memref<1x40x12x64xf32, #tpu.memory_space<hbm>>
      %dma_start3A_958 = tpu.memref_squeeze %dma_start3A_957 : memref<1x40x12x64xf32, #tpu.memory_space<hbm>> -> memref<40x12x64xf32, #tpu.memory_space<hbm>>
      tpu.enqueue_dma source(%run_scoped3A : memref<40x12x64xf32, #tpu.memory_space<vmem>>) target(%dma_start3A_958 : memref<40x12x64xf32, #tpu.memory_space<hbm>>) target_semaphore(%arg9 : memref<!tpu.dma_semaphore, #tpu.memory_space<semaphore_mem>>)
      %add3A_959 = arith.constant 880 : i32
      %add3A_960 = arith.addi %add3A_39, %add3A_959 : i32
      %dma_wait3A_961 = arith.constant 0 : i32
      %dma_wait3A_962 = arith.constant 0 : i32
      %dma_wait3A_963 = tpu.memref_slice %arg5[%select_n3A, %add3A_960, %dma_wait3A_961, %dma_wait3A_962] : memref<8x4096x12x64xf32, #tpu.memory_space<hbm>> -> memref<1x40x12x64xf32, #tpu.memory_space<hbm>>
      %dma_wait3A_964 = tpu.memref_squeeze %dma_wait3A_963 : memref<1x40x12x64xf32, #tpu.memory_space<hbm>> -> memref<40x12x64xf32, #tpu.memory_space<hbm>>
      %dma_wait3A_965 = arith.constant 0 : i32
      %dma_wait3A_966 = arith.constant 0 : i32
      %dma_wait3A_967 = tpu.memref_slice %arg5[%select_n3A, %add3A_960, %dma_wait3A_965, %dma_wait3A_966] : memref<8x4096x12x64xf32, #tpu.memory_space<hbm>> -> memref<1x40x12x64xf32, #tpu.memory_space<hbm>>
      %dma_wait3A_968 = tpu.memref_squeeze %dma_wait3A_967 : memref<1x40x12x64xf32, #tpu.memory_space<hbm>> -> memref<40x12x64xf32, #tpu.memory_space<hbm>>
      tpu.wait_dma2 semaphore(%arg9 : memref<!tpu.dma_semaphore, #tpu.memory_space<semaphore_mem>>) src(%run_scoped3A : memref<40x12x64xf32, #tpu.memory_space<vmem>>) dst(%dma_wait3A_968 : memref<40x12x64xf32, #tpu.memory_space<hbm>>)
      %add3A_969 = arith.constant 960 : i32
      %add3A_970 = arith.addi %add3A_35, %add3A_969 : i32
      %dma_start3A_971 = arith.constant 0 : i32
      %dma_start3A_972 = arith.constant 0 : i32
      %dma_start3A_973 = tpu.memref_slice %arg2[%select_n3A, %add3A_970, %dma_start3A_971, %dma_start3A_972] : memref<8x4096x12x64xf32, #tpu.memory_space<hbm>> -> memref<1x40x12x64xf32, #tpu.memory_space<hbm>>
      %dma_start3A_974 = tpu.memref_squeeze %dma_start3A_973 : memref<1x40x12x64xf32, #tpu.memory_space<hbm>> -> memref<40x12x64xf32, #tpu.memory_space<hbm>>
      %dma_start3A_975 = arith.constant 0 : i32
      %dma_start3A_976 = arith.constant 0 : i32
      %dma_start3A_977 = tpu.memref_slice %arg2[%select_n3A, %add3A_970, %dma_start3A_975, %dma_start3A_976] : memref<8x4096x12x64xf32, #tpu.memory_space<hbm>> -> memref<1x40x12x64xf32, #tpu.memory_space<hbm>>
      %dma_start3A_978 = tpu.memref_squeeze %dma_start3A_977 : memref<1x40x12x64xf32, #tpu.memory_space<hbm>> -> memref<40x12x64xf32, #tpu.memory_space<hbm>>
      tpu.enqueue_dma source(%dma_start3A_978 : memref<40x12x64xf32, #tpu.memory_space<hbm>>) target(%run_scoped3A : memref<40x12x64xf32, #tpu.memory_space<vmem>>) target_semaphore(%arg7 : memref<!tpu.dma_semaphore, #tpu.memory_space<semaphore_mem>>)
      %add3A_979 = arith.constant 920 : i32
      %add3A_980 = arith.addi %add3A_35, %add3A_979 : i32
      %dma_wait3A_981 = arith.constant 0 : i32
      %dma_wait3A_982 = arith.constant 0 : i32
      %dma_wait3A_983 = tpu.memref_slice %arg2[%select_n3A, %add3A_980, %dma_wait3A_981, %dma_wait3A_982] : memref<8x4096x12x64xf32, #tpu.memory_space<hbm>> -> memref<1x40x12x64xf32, #tpu.memory_space<hbm>>
      %dma_wait3A_984 = tpu.memref_squeeze %dma_wait3A_983 : memref<1x40x12x64xf32, #tpu.memory_space<hbm>> -> memref<40x12x64xf32, #tpu.memory_space<hbm>>
      %dma_wait3A_985 = arith.constant 0 : i32
      %dma_wait3A_986 = arith.constant 0 : i32
      %dma_wait3A_987 = tpu.memref_slice %arg2[%select_n3A, %add3A_980, %dma_wait3A_985, %dma_wait3A_986] : memref<8x4096x12x64xf32, #tpu.memory_space<hbm>> -> memref<1x40x12x64xf32, #tpu.memory_space<hbm>>
      %dma_wait3A_988 = tpu.memref_squeeze %dma_wait3A_987 : memref<1x40x12x64xf32, #tpu.memory_space<hbm>> -> memref<40x12x64xf32, #tpu.memory_space<hbm>>
      tpu.wait_dma2 semaphore(%arg8 : memref<!tpu.dma_semaphore, #tpu.memory_space<semaphore_mem>>) src(%dma_wait3A_988 : memref<40x12x64xf32, #tpu.memory_space<hbm>>) dst(%run_scoped3A_40 : memref<40x12x64xf32, #tpu.memory_space<vmem>>)
      %add3A_989 = arith.constant 920 : i32
      %add3A_990 = arith.addi %add3A_39, %add3A_989 : i32
      %dma_start3A_991 = arith.constant 0 : i32
      %dma_start3A_992 = arith.constant 0 : i32
      %dma_start3A_993 = tpu.memref_slice %arg5[%select_n3A, %add3A_990, %dma_start3A_991, %dma_start3A_992] : memref<8x4096x12x64xf32, #tpu.memory_space<hbm>> -> memref<1x40x12x64xf32, #tpu.memory_space<hbm>>
      %dma_start3A_994 = tpu.memref_squeeze %dma_start3A_993 : memref<1x40x12x64xf32, #tpu.memory_space<hbm>> -> memref<40x12x64xf32, #tpu.memory_space<hbm>>
      %dma_start3A_995 = arith.constant 0 : i32
      %dma_start3A_996 = arith.constant 0 : i32
      %dma_start3A_997 = tpu.memref_slice %arg5[%select_n3A, %add3A_990, %dma_start3A_995, %dma_start3A_996] : memref<8x4096x12x64xf32, #tpu.memory_space<hbm>> -> memref<1x40x12x64xf32, #tpu.memory_space<hbm>>
      %dma_start3A_998 = tpu.memref_squeeze %dma_start3A_997 : memref<1x40x12x64xf32, #tpu.memory_space<hbm>> -> memref<40x12x64xf32, #tpu.memory_space<hbm>>
      tpu.enqueue_dma source(%run_scoped3A_40 : memref<40x12x64xf32, #tpu.memory_space<vmem>>) target(%dma_start3A_998 : memref<40x12x64xf32, #tpu.memory_space<hbm>>) target_semaphore(%arg10 : memref<!tpu.dma_semaphore, #tpu.memory_space<semaphore_mem>>)
      %add3A_999 = arith.constant 960 : i32
      %add3A_1000 = arith.addi %add3A_35, %add3A_999 : i32
      %dma_wait3A_1001 = arith.constant 0 : i32
      %dma_wait3A_1002 = arith.constant 0 : i32
      %dma_wait3A_1003 = tpu.memref_slice %arg2[%select_n3A, %add3A_1000, %dma_wait3A_1001, %dma_wait3A_1002] : memref<8x4096x12x64xf32, #tpu.memory_space<hbm>> -> memref<1x40x12x64xf32, #tpu.memory_space<hbm>>
      %dma_wait3A_1004 = tpu.memref_squeeze %dma_wait3A_1003 : memref<1x40x12x64xf32, #tpu.memory_space<hbm>> -> memref<40x12x64xf32, #tpu.memory_space<hbm>>
      %dma_wait3A_1005 = arith.constant 0 : i32
      %dma_wait3A_1006 = arith.constant 0 : i32
      %dma_wait3A_1007 = tpu.memref_slice %arg2[%select_n3A, %add3A_1000, %dma_wait3A_1005, %dma_wait3A_1006] : memref<8x4096x12x64xf32, #tpu.memory_space<hbm>> -> memref<1x40x12x64xf32, #tpu.memory_space<hbm>>
      %dma_wait3A_1008 = tpu.memref_squeeze %dma_wait3A_1007 : memref<1x40x12x64xf32, #tpu.memory_space<hbm>> -> memref<40x12x64xf32, #tpu.memory_space<hbm>>
      tpu.wait_dma2 semaphore(%arg7 : memref<!tpu.dma_semaphore, #tpu.memory_space<semaphore_mem>>) src(%dma_wait3A_1008 : memref<40x12x64xf32, #tpu.memory_space<hbm>>) dst(%run_scoped3A : memref<40x12x64xf32, #tpu.memory_space<vmem>>)
      %add3A_1009 = arith.constant 960 : i32
      %add3A_1010 = arith.addi %add3A_39, %add3A_1009 : i32
      %dma_start3A_1011 = arith.constant 0 : i32
      %dma_start3A_1012 = arith.constant 0 : i32
      %dma_start3A_1013 = tpu.memref_slice %arg5[%select_n3A, %add3A_1010, %dma_start3A_1011, %dma_start3A_1012] : memref<8x4096x12x64xf32, #tpu.memory_space<hbm>> -> memref<1x40x12x64xf32, #tpu.memory_space<hbm>>
      %dma_start3A_1014 = tpu.memref_squeeze %dma_start3A_1013 : memref<1x40x12x64xf32, #tpu.memory_space<hbm>> -> memref<40x12x64xf32, #tpu.memory_space<hbm>>
      %dma_start3A_1015 = arith.constant 0 : i32
      %dma_start3A_1016 = arith.constant 0 : i32
      %dma_start3A_1017 = tpu.memref_slice %arg5[%select_n3A, %add3A_1010, %dma_start3A_1015, %dma_start3A_1016] : memref<8x4096x12x64xf32, #tpu.memory_space<hbm>> -> memref<1x40x12x64xf32, #tpu.memory_space<hbm>>
      %dma_start3A_1018 = tpu.memref_squeeze %dma_start3A_1017 : memref<1x40x12x64xf32, #tpu.memory_space<hbm>> -> memref<40x12x64xf32, #tpu.memory_space<hbm>>
      tpu.enqueue_dma source(%run_scoped3A : memref<40x12x64xf32, #tpu.memory_space<vmem>>) target(%dma_start3A_1018 : memref<40x12x64xf32, #tpu.memory_space<hbm>>) target_semaphore(%arg9 : memref<!tpu.dma_semaphore, #tpu.memory_space<semaphore_mem>>)
      %add3A_1019 = arith.constant 920 : i32
      %add3A_1020 = arith.addi %add3A_39, %add3A_1019 : i32
      %dma_wait3A_1021 = arith.constant 0 : i32
      %dma_wait3A_1022 = arith.constant 0 : i32
      %dma_wait3A_1023 = tpu.memref_slice %arg5[%select_n3A, %add3A_1020, %dma_wait3A_1021, %dma_wait3A_1022] : memref<8x4096x12x64xf32, #tpu.memory_space<hbm>> -> memref<1x40x12x64xf32, #tpu.memory_space<hbm>>
      %dma_wait3A_1024 = tpu.memref_squeeze %dma_wait3A_1023 : memref<1x40x12x64xf32, #tpu.memory_space<hbm>> -> memref<40x12x64xf32, #tpu.memory_space<hbm>>
      %dma_wait3A_1025 = arith.constant 0 : i32
      %dma_wait3A_1026 = arith.constant 0 : i32
      %dma_wait3A_1027 = tpu.memref_slice %arg5[%select_n3A, %add3A_1020, %dma_wait3A_1025, %dma_wait3A_1026] : memref<8x4096x12x64xf32, #tpu.memory_space<hbm>> -> memref<1x40x12x64xf32, #tpu.memory_space<hbm>>
      %dma_wait3A_1028 = tpu.memref_squeeze %dma_wait3A_1027 : memref<1x40x12x64xf32, #tpu.memory_space<hbm>> -> memref<40x12x64xf32, #tpu.memory_space<hbm>>
      tpu.wait_dma2 semaphore(%arg10 : memref<!tpu.dma_semaphore, #tpu.memory_space<semaphore_mem>>) src(%run_scoped3A_40 : memref<40x12x64xf32, #tpu.memory_space<vmem>>) dst(%dma_wait3A_1028 : memref<40x12x64xf32, #tpu.memory_space<hbm>>)
      %add3A_1029 = arith.constant 960 : i32
      %add3A_1030 = arith.addi %add3A_39, %add3A_1029 : i32
      %dma_wait3A_1031 = arith.constant 0 : i32
      %dma_wait3A_1032 = arith.constant 0 : i32
      %dma_wait3A_1033 = tpu.memref_slice %arg5[%select_n3A, %add3A_1030, %dma_wait3A_1031, %dma_wait3A_1032] : memref<8x4096x12x64xf32, #tpu.memory_space<hbm>> -> memref<1x40x12x64xf32, #tpu.memory_space<hbm>>
      %dma_wait3A_1034 = tpu.memref_squeeze %dma_wait3A_1033 : memref<1x40x12x64xf32, #tpu.memory_space<hbm>> -> memref<40x12x64xf32, #tpu.memory_space<hbm>>
      %dma_wait3A_1035 = arith.constant 0 : i32
      %dma_wait3A_1036 = arith.constant 0 : i32
      %dma_wait3A_1037 = tpu.memref_slice %arg5[%select_n3A, %add3A_1030, %dma_wait3A_1035, %dma_wait3A_1036] : memref<8x4096x12x64xf32, #tpu.memory_space<hbm>> -> memref<1x40x12x64xf32, #tpu.memory_space<hbm>>
      %dma_wait3A_1038 = tpu.memref_squeeze %dma_wait3A_1037 : memref<1x40x12x64xf32, #tpu.memory_space<hbm>> -> memref<40x12x64xf32, #tpu.memory_space<hbm>>
      tpu.wait_dma2 semaphore(%arg9 : memref<!tpu.dma_semaphore, #tpu.memory_space<semaphore_mem>>) src(%run_scoped3A : memref<40x12x64xf32, #tpu.memory_space<vmem>>) dst(%dma_wait3A_1038 : memref<40x12x64xf32, #tpu.memory_space<hbm>>)
      %eq3A_1039 = arith.constant 0 : i32
      %eq3A_1040 = arith.cmpi eq, %select_n3A_30, %eq3A_1039 : i32
      %convert_element_type3A = arith.extui %eq3A_1040 : i1 to i32
      %cond3A = arith.constant 0 : i32
      %cond3A_1041 = arith.cmpi ne, %convert_element_type3A, %cond3A : i32
      scf.if %cond3A_1041 {
        "tpu.region"() ({
          %run_scoped3A_1047 = tpu.sem_alloc : memref<!tpu.dma_semaphore, #tpu.memory_space<semaphore_mem>>
          %dma_start3A_1048 = arith.constant 0 : i32
          %dma_start3A_1049 = arith.constant 0 : i32
          %dma_start3A_1050 = arith.constant 0 : i32
          %dma_start3A_1051 = tpu.memref_slice %run_scoped3A[%dma_start3A_1048, %dma_start3A_1049, %dma_start3A_1050] : memref<40x12x64xf32, #tpu.memory_space<vmem>> -> memref<40x12x64xf32, #tpu.memory_space<vmem>>
          %dma_start3A_1052 = arith.constant 0 : i32
          %dma_start3A_1053 = arith.constant 0 : i32
          %dma_start3A_1054 = arith.constant 0 : i32
          %dma_start3A_1055 = tpu.memref_slice %arg2[%select_n3A, %dma_start3A_1052, %dma_start3A_1053, %dma_start3A_1054] : memref<8x4096x12x64xf32, #tpu.memory_space<hbm>> -> memref<1x40x12x64xf32, #tpu.memory_space<hbm>>
          %dma_start3A_1056 = tpu.memref_squeeze %dma_start3A_1055 : memref<1x40x12x64xf32, #tpu.memory_space<hbm>> -> memref<40x12x64xf32, #tpu.memory_space<hbm>>
          %dma_start3A_1057 = arith.constant 0 : i32
          %dma_start3A_1058 = arith.constant 0 : i32
          %dma_start3A_1059 = arith.constant 0 : i32
          %dma_start3A_1060 = tpu.memref_slice %run_scoped3A[%dma_start3A_1057, %dma_start3A_1058, %dma_start3A_1059] : memref<40x12x64xf32, #tpu.memory_space<vmem>> -> memref<40x12x64xf32, #tpu.memory_space<vmem>>
          %dma_start3A_1061 = arith.constant 0 : i32
          %dma_start3A_1062 = arith.constant 0 : i32
          %dma_start3A_1063 = arith.constant 0 : i32
          %dma_start3A_1064 = tpu.memref_slice %arg2[%select_n3A, %dma_start3A_1061, %dma_start3A_1062, %dma_start3A_1063] : memref<8x4096x12x64xf32, #tpu.memory_space<hbm>> -> memref<1x40x12x64xf32, #tpu.memory_space<hbm>>
          %dma_start3A_1065 = tpu.memref_squeeze %dma_start3A_1064 : memref<1x40x12x64xf32, #tpu.memory_space<hbm>> -> memref<40x12x64xf32, #tpu.memory_space<hbm>>
          tpu.enqueue_dma source(%dma_start3A_1065 : memref<40x12x64xf32, #tpu.memory_space<hbm>>) target(%dma_start3A_1060 : memref<40x12x64xf32, #tpu.memory_space<vmem>>) target_semaphore(%run_scoped3A_1047 : memref<!tpu.dma_semaphore, #tpu.memory_space<semaphore_mem>>)
          %dma_wait3A_1066 = arith.constant 0 : i32
          %dma_wait3A_1067 = arith.constant 0 : i32
          %dma_wait3A_1068 = arith.constant 0 : i32
          %dma_wait3A_1069 = tpu.memref_slice %run_scoped3A[%dma_wait3A_1066, %dma_wait3A_1067, %dma_wait3A_1068] : memref<40x12x64xf32, #tpu.memory_space<vmem>> -> memref<40x12x64xf32, #tpu.memory_space<vmem>>
          %dma_wait3A_1070 = arith.constant 0 : i32
          %dma_wait3A_1071 = arith.constant 0 : i32
          %dma_wait3A_1072 = arith.constant 0 : i32
          %dma_wait3A_1073 = tpu.memref_slice %arg2[%select_n3A, %dma_wait3A_1070, %dma_wait3A_1071, %dma_wait3A_1072] : memref<8x4096x12x64xf32, #tpu.memory_space<hbm>> -> memref<1x40x12x64xf32, #tpu.memory_space<hbm>>
          %dma_wait3A_1074 = tpu.memref_squeeze %dma_wait3A_1073 : memref<1x40x12x64xf32, #tpu.memory_space<hbm>> -> memref<40x12x64xf32, #tpu.memory_space<hbm>>
          %dma_wait3A_1075 = arith.constant 0 : i32
          %dma_wait3A_1076 = arith.constant 0 : i32
          %dma_wait3A_1077 = arith.constant 0 : i32
          %dma_wait3A_1078 = tpu.memref_slice %run_scoped3A[%dma_wait3A_1075, %dma_wait3A_1076, %dma_wait3A_1077] : memref<40x12x64xf32, #tpu.memory_space<vmem>> -> memref<40x12x64xf32, #tpu.memory_space<vmem>>
          %dma_wait3A_1079 = arith.constant 0 : i32
          %dma_wait3A_1080 = arith.constant 0 : i32
          %dma_wait3A_1081 = arith.constant 0 : i32
          %dma_wait3A_1082 = tpu.memref_slice %arg2[%select_n3A, %dma_wait3A_1079, %dma_wait3A_1080, %dma_wait3A_1081] : memref<8x4096x12x64xf32, #tpu.memory_space<hbm>> -> memref<1x40x12x64xf32, #tpu.memory_space<hbm>>
          %dma_wait3A_1083 = tpu.memref_squeeze %dma_wait3A_1082 : memref<1x40x12x64xf32, #tpu.memory_space<hbm>> -> memref<40x12x64xf32, #tpu.memory_space<hbm>>
          tpu.wait_dma2 semaphore(%run_scoped3A_1047 : memref<!tpu.dma_semaphore, #tpu.memory_space<semaphore_mem>>) src(%dma_wait3A_1083 : memref<40x12x64xf32, #tpu.memory_space<hbm>>) dst(%dma_wait3A_1078 : memref<40x12x64xf32, #tpu.memory_space<vmem>>)
          tpu.yield
        }) : () -> ()
        "tpu.region"() ({
          %run_scoped3A_1047 = tpu.sem_alloc : memref<!tpu.dma_semaphore, #tpu.memory_space<semaphore_mem>>
          %dma_start3A_1048 = arith.constant 0 : i32
          %dma_start3A_1049 = arith.constant 0 : i32
          %dma_start3A_1050 = arith.constant 0 : i32
          %dma_start3A_1051 = tpu.memref_slice %run_scoped3A[%dma_start3A_1048, %dma_start3A_1049, %dma_start3A_1050] : memref<40x12x64xf32, #tpu.memory_space<vmem>> -> memref<40x12x64xf32, #tpu.memory_space<vmem>>
          %dma_start3A_1052 = arith.constant 0 : i32
          %dma_start3A_1053 = arith.constant 0 : i32
          %dma_start3A_1054 = arith.constant 0 : i32
          %dma_start3A_1055 = tpu.memref_slice %arg5[%select_n3A, %dma_start3A_1052, %dma_start3A_1053, %dma_start3A_1054] : memref<8x4096x12x64xf32, #tpu.memory_space<hbm>> -> memref<1x40x12x64xf32, #tpu.memory_space<hbm>>
          %dma_start3A_1056 = tpu.memref_squeeze %dma_start3A_1055 : memref<1x40x12x64xf32, #tpu.memory_space<hbm>> -> memref<40x12x64xf32, #tpu.memory_space<hbm>>
          %dma_start3A_1057 = arith.constant 0 : i32
          %dma_start3A_1058 = arith.constant 0 : i32
          %dma_start3A_1059 = arith.constant 0 : i32
          %dma_start3A_1060 = tpu.memref_slice %arg5[%select_n3A, %dma_start3A_1057, %dma_start3A_1058, %dma_start3A_1059] : memref<8x4096x12x64xf32, #tpu.memory_space<hbm>> -> memref<1x40x12x64xf32, #tpu.memory_space<hbm>>
          %dma_start3A_1061 = tpu.memref_squeeze %dma_start3A_1060 : memref<1x40x12x64xf32, #tpu.memory_space<hbm>> -> memref<40x12x64xf32, #tpu.memory_space<hbm>>
          %dma_start3A_1062 = arith.constant 0 : i32
          %dma_start3A_1063 = arith.constant 0 : i32
          %dma_start3A_1064 = arith.constant 0 : i32
          %dma_start3A_1065 = tpu.memref_slice %run_scoped3A[%dma_start3A_1062, %dma_start3A_1063, %dma_start3A_1064] : memref<40x12x64xf32, #tpu.memory_space<vmem>> -> memref<40x12x64xf32, #tpu.memory_space<vmem>>
          tpu.enqueue_dma source(%dma_start3A_1065 : memref<40x12x64xf32, #tpu.memory_space<vmem>>) target(%dma_start3A_1061 : memref<40x12x64xf32, #tpu.memory_space<hbm>>) target_semaphore(%run_scoped3A_1047 : memref<!tpu.dma_semaphore, #tpu.memory_space<semaphore_mem>>)
          %dma_wait3A_1066 = arith.constant 0 : i32
          %dma_wait3A_1067 = arith.constant 0 : i32
          %dma_wait3A_1068 = arith.constant 0 : i32
          %dma_wait3A_1069 = tpu.memref_slice %run_scoped3A[%dma_wait3A_1066, %dma_wait3A_1067, %dma_wait3A_1068] : memref<40x12x64xf32, #tpu.memory_space<vmem>> -> memref<40x12x64xf32, #tpu.memory_space<vmem>>
          %dma_wait3A_1070 = arith.constant 0 : i32
          %dma_wait3A_1071 = arith.constant 0 : i32
          %dma_wait3A_1072 = arith.constant 0 : i32
          %dma_wait3A_1073 = tpu.memref_slice %arg5[%select_n3A, %dma_wait3A_1070, %dma_wait3A_1071, %dma_wait3A_1072] : memref<8x4096x12x64xf32, #tpu.memory_space<hbm>> -> memref<1x40x12x64xf32, #tpu.memory_space<hbm>>
          %dma_wait3A_1074 = tpu.memref_squeeze %dma_wait3A_1073 : memref<1x40x12x64xf32, #tpu.memory_space<hbm>> -> memref<40x12x64xf32, #tpu.memory_space<hbm>>
          %dma_wait3A_1075 = arith.constant 0 : i32
          %dma_wait3A_1076 = arith.constant 0 : i32
          %dma_wait3A_1077 = arith.constant 0 : i32
          %dma_wait3A_1078 = tpu.memref_slice %arg5[%select_n3A, %dma_wait3A_1075, %dma_wait3A_1076, %dma_wait3A_1077] : memref<8x4096x12x64xf32, #tpu.memory_space<hbm>> -> memref<1x40x12x64xf32, #tpu.memory_space<hbm>>
          %dma_wait3A_1079 = tpu.memref_squeeze %dma_wait3A_1078 : memref<1x40x12x64xf32, #tpu.memory_space<hbm>> -> memref<40x12x64xf32, #tpu.memory_space<hbm>>
          %dma_wait3A_1080 = arith.constant 0 : i32
          %dma_wait3A_1081 = arith.constant 0 : i32
          %dma_wait3A_1082 = arith.constant 0 : i32
          %dma_wait3A_1083 = tpu.memref_slice %run_scoped3A[%dma_wait3A_1080, %dma_wait3A_1081, %dma_wait3A_1082] : memref<40x12x64xf32, #tpu.memory_space<vmem>> -> memref<40x12x64xf32, #tpu.memory_space<vmem>>
          tpu.wait_dma2 semaphore(%run_scoped3A_1047 : memref<!tpu.dma_semaphore, #tpu.memory_space<semaphore_mem>>) src(%dma_wait3A_1083 : memref<40x12x64xf32, #tpu.memory_space<vmem>>) dst(%dma_wait3A_1079 : memref<40x12x64xf32, #tpu.memory_space<hbm>>)
          tpu.yield
        }) : () -> ()
        "tpu.region"() ({
          %run_scoped3A_1047 = tpu.sem_alloc : memref<!tpu.dma_semaphore, #tpu.memory_space<semaphore_mem>>
          %dma_start3A_1048 = arith.constant 0 : i32
          %dma_start3A_1049 = arith.constant 0 : i32
          %dma_start3A_1050 = arith.constant 0 : i32
          %dma_start3A_1051 = tpu.memref_slice %run_scoped3A[%dma_start3A_1048, %dma_start3A_1049, %dma_start3A_1050] : memref<40x12x64xf32, #tpu.memory_space<vmem>> -> memref<24x12x64xf32, #tpu.memory_space<vmem>>
          %dma_start3A_1052 = arith.constant 40 : i32
          %dma_start3A_1053 = arith.constant 0 : i32
          %dma_start3A_1054 = arith.constant 0 : i32
          %dma_start3A_1055 = tpu.memref_slice %arg2[%select_n3A, %dma_start3A_1052, %dma_start3A_1053, %dma_start3A_1054] : memref<8x4096x12x64xf32, #tpu.memory_space<hbm>> -> memref<1x24x12x64xf32, #tpu.memory_space<hbm>>
          %dma_start3A_1056 = tpu.memref_squeeze %dma_start3A_1055 : memref<1x24x12x64xf32, #tpu.memory_space<hbm>> -> memref<24x12x64xf32, #tpu.memory_space<hbm>>
          %dma_start3A_1057 = arith.constant 0 : i32
          %dma_start3A_1058 = arith.constant 0 : i32
          %dma_start3A_1059 = arith.constant 0 : i32
          %dma_start3A_1060 = tpu.memref_slice %run_scoped3A[%dma_start3A_1057, %dma_start3A_1058, %dma_start3A_1059] : memref<40x12x64xf32, #tpu.memory_space<vmem>> -> memref<24x12x64xf32, #tpu.memory_space<vmem>>
          %dma_start3A_1061 = arith.constant 40 : i32
          %dma_start3A_1062 = arith.constant 0 : i32
          %dma_start3A_1063 = arith.constant 0 : i32
          %dma_start3A_1064 = tpu.memref_slice %arg2[%select_n3A, %dma_start3A_1061, %dma_start3A_1062, %dma_start3A_1063] : memref<8x4096x12x64xf32, #tpu.memory_space<hbm>> -> memref<1x24x12x64xf32, #tpu.memory_space<hbm>>
          %dma_start3A_1065 = tpu.memref_squeeze %dma_start3A_1064 : memref<1x24x12x64xf32, #tpu.memory_space<hbm>> -> memref<24x12x64xf32, #tpu.memory_space<hbm>>
          tpu.enqueue_dma source(%dma_start3A_1065 : memref<24x12x64xf32, #tpu.memory_space<hbm>>) target(%dma_start3A_1060 : memref<24x12x64xf32, #tpu.memory_space<vmem>>) target_semaphore(%run_scoped3A_1047 : memref<!tpu.dma_semaphore, #tpu.memory_space<semaphore_mem>>)
          %dma_wait3A_1066 = arith.constant 0 : i32
          %dma_wait3A_1067 = arith.constant 0 : i32
          %dma_wait3A_1068 = arith.constant 0 : i32
          %dma_wait3A_1069 = tpu.memref_slice %run_scoped3A[%dma_wait3A_1066, %dma_wait3A_1067, %dma_wait3A_1068] : memref<40x12x64xf32, #tpu.memory_space<vmem>> -> memref<24x12x64xf32, #tpu.memory_space<vmem>>
          %dma_wait3A_1070 = arith.constant 40 : i32
          %dma_wait3A_1071 = arith.constant 0 : i32
          %dma_wait3A_1072 = arith.constant 0 : i32
          %dma_wait3A_1073 = tpu.memref_slice %arg2[%select_n3A, %dma_wait3A_1070, %dma_wait3A_1071, %dma_wait3A_1072] : memref<8x4096x12x64xf32, #tpu.memory_space<hbm>> -> memref<1x24x12x64xf32, #tpu.memory_space<hbm>>
          %dma_wait3A_1074 = tpu.memref_squeeze %dma_wait3A_1073 : memref<1x24x12x64xf32, #tpu.memory_space<hbm>> -> memref<24x12x64xf32, #tpu.memory_space<hbm>>
          %dma_wait3A_1075 = arith.constant 0 : i32
          %dma_wait3A_1076 = arith.constant 0 : i32
          %dma_wait3A_1077 = arith.constant 0 : i32
          %dma_wait3A_1078 = tpu.memref_slice %run_scoped3A[%dma_wait3A_1075, %dma_wait3A_1076, %dma_wait3A_1077] : memref<40x12x64xf32, #tpu.memory_space<vmem>> -> memref<24x12x64xf32, #tpu.memory_space<vmem>>
          %dma_wait3A_1079 = arith.constant 40 : i32
          %dma_wait3A_1080 = arith.constant 0 : i32
          %dma_wait3A_1081 = arith.constant 0 : i32
          %dma_wait3A_1082 = tpu.memref_slice %arg2[%select_n3A, %dma_wait3A_1079, %dma_wait3A_1080, %dma_wait3A_1081] : memref<8x4096x12x64xf32, #tpu.memory_space<hbm>> -> memref<1x24x12x64xf32, #tpu.memory_space<hbm>>
          %dma_wait3A_1083 = tpu.memref_squeeze %dma_wait3A_1082 : memref<1x24x12x64xf32, #tpu.memory_space<hbm>> -> memref<24x12x64xf32, #tpu.memory_space<hbm>>
          tpu.wait_dma2 semaphore(%run_scoped3A_1047 : memref<!tpu.dma_semaphore, #tpu.memory_space<semaphore_mem>>) src(%dma_wait3A_1083 : memref<24x12x64xf32, #tpu.memory_space<hbm>>) dst(%dma_wait3A_1078 : memref<24x12x64xf32, #tpu.memory_space<vmem>>)
          tpu.yield
        }) : () -> ()
        "tpu.region"() ({
          %run_scoped3A_1047 = tpu.sem_alloc : memref<!tpu.dma_semaphore, #tpu.memory_space<semaphore_mem>>
          %dma_start3A_1048 = arith.constant 0 : i32
          %dma_start3A_1049 = arith.constant 0 : i32
          %dma_start3A_1050 = arith.constant 0 : i32
          %dma_start3A_1051 = tpu.memref_slice %run_scoped3A[%dma_start3A_1048, %dma_start3A_1049, %dma_start3A_1050] : memref<40x12x64xf32, #tpu.memory_space<vmem>> -> memref<24x12x64xf32, #tpu.memory_space<vmem>>
          %dma_start3A_1052 = arith.constant 40 : i32
          %dma_start3A_1053 = arith.constant 0 : i32
          %dma_start3A_1054 = arith.constant 0 : i32
          %dma_start3A_1055 = tpu.memref_slice %arg5[%select_n3A, %dma_start3A_1052, %dma_start3A_1053, %dma_start3A_1054] : memref<8x4096x12x64xf32, #tpu.memory_space<hbm>> -> memref<1x24x12x64xf32, #tpu.memory_space<hbm>>
          %dma_start3A_1056 = tpu.memref_squeeze %dma_start3A_1055 : memref<1x24x12x64xf32, #tpu.memory_space<hbm>> -> memref<24x12x64xf32, #tpu.memory_space<hbm>>
          %dma_start3A_1057 = arith.constant 40 : i32
          %dma_start3A_1058 = arith.constant 0 : i32
          %dma_start3A_1059 = arith.constant 0 : i32
          %dma_start3A_1060 = tpu.memref_slice %arg5[%select_n3A, %dma_start3A_1057, %dma_start3A_1058, %dma_start3A_1059] : memref<8x4096x12x64xf32, #tpu.memory_space<hbm>> -> memref<1x24x12x64xf32, #tpu.memory_space<hbm>>
          %dma_start3A_1061 = tpu.memref_squeeze %dma_start3A_1060 : memref<1x24x12x64xf32, #tpu.memory_space<hbm>> -> memref<24x12x64xf32, #tpu.memory_space<hbm>>
          %dma_start3A_1062 = arith.constant 0 : i32
          %dma_start3A_1063 = arith.constant 0 : i32
          %dma_start3A_1064 = arith.constant 0 : i32
          %dma_start3A_1065 = tpu.memref_slice %run_scoped3A[%dma_start3A_1062, %dma_start3A_1063, %dma_start3A_1064] : memref<40x12x64xf32, #tpu.memory_space<vmem>> -> memref<24x12x64xf32, #tpu.memory_space<vmem>>
          tpu.enqueue_dma source(%dma_start3A_1065 : memref<24x12x64xf32, #tpu.memory_space<vmem>>) target(%dma_start3A_1061 : memref<24x12x64xf32, #tpu.memory_space<hbm>>) target_semaphore(%run_scoped3A_1047 : memref<!tpu.dma_semaphore, #tpu.memory_space<semaphore_mem>>)
          %dma_wait3A_1066 = arith.constant 0 : i32
          %dma_wait3A_1067 = arith.constant 0 : i32
          %dma_wait3A_1068 = arith.constant 0 : i32
          %dma_wait3A_1069 = tpu.memref_slice %run_scoped3A[%dma_wait3A_1066, %dma_wait3A_1067, %dma_wait3A_1068] : memref<40x12x64xf32, #tpu.memory_space<vmem>> -> memref<24x12x64xf32, #tpu.memory_space<vmem>>
          %dma_wait3A_1070 = arith.constant 40 : i32
          %dma_wait3A_1071 = arith.constant 0 : i32
          %dma_wait3A_1072 = arith.constant 0 : i32
          %dma_wait3A_1073 = tpu.memref_slice %arg5[%select_n3A, %dma_wait3A_1070, %dma_wait3A_1071, %dma_wait3A_1072] : memref<8x4096x12x64xf32, #tpu.memory_space<hbm>> -> memref<1x24x12x64xf32, #tpu.memory_space<hbm>>
          %dma_wait3A_1074 = tpu.memref_squeeze %dma_wait3A_1073 : memref<1x24x12x64xf32, #tpu.memory_space<hbm>> -> memref<24x12x64xf32, #tpu.memory_space<hbm>>
          %dma_wait3A_1075 = arith.constant 40 : i32
          %dma_wait3A_1076 = arith.constant 0 : i32
          %dma_wait3A_1077 = arith.constant 0 : i32
          %dma_wait3A_1078 = tpu.memref_slice %arg5[%select_n3A, %dma_wait3A_1075, %dma_wait3A_1076, %dma_wait3A_1077] : memref<8x4096x12x64xf32, #tpu.memory_space<hbm>> -> memref<1x24x12x64xf32, #tpu.memory_space<hbm>>
          %dma_wait3A_1079 = tpu.memref_squeeze %dma_wait3A_1078 : memref<1x24x12x64xf32, #tpu.memory_space<hbm>> -> memref<24x12x64xf32, #tpu.memory_space<hbm>>
          %dma_wait3A_1080 = arith.constant 0 : i32
          %dma_wait3A_1081 = arith.constant 0 : i32
          %dma_wait3A_1082 = arith.constant 0 : i32
          %dma_wait3A_1083 = tpu.memref_slice %run_scoped3A[%dma_wait3A_1080, %dma_wait3A_1081, %dma_wait3A_1082] : memref<40x12x64xf32, #tpu.memory_space<vmem>> -> memref<24x12x64xf32, #tpu.memory_space<vmem>>
          tpu.wait_dma2 semaphore(%run_scoped3A_1047 : memref<!tpu.dma_semaphore, #tpu.memory_space<semaphore_mem>>) src(%dma_wait3A_1083 : memref<24x12x64xf32, #tpu.memory_space<vmem>>) dst(%dma_wait3A_1079 : memref<24x12x64xf32, #tpu.memory_space<hbm>>)
          tpu.yield
        }) : () -> ()
      } else {
      }
      %eq3A_1042 = arith.constant 3 : i32
      %eq3A_1043 = arith.cmpi eq, %select_n3A_30, %eq3A_1042 : i32
      %convert_element_type3A_1044 = arith.extui %eq3A_1043 : i1 to i32
      %cond3A_1045 = arith.constant 0 : i32
      %cond3A_1046 = arith.cmpi ne, %convert_element_type3A_1044, %cond3A_1045 : i32
      scf.if %cond3A_1046 {
        "tpu.region"() ({
          %run_scoped3A_1047 = tpu.sem_alloc : memref<!tpu.dma_semaphore, #tpu.memory_space<semaphore_mem>>
          %dma_start3A_1048 = arith.constant 0 : i32
          %dma_start3A_1049 = arith.constant 0 : i32
          %dma_start3A_1050 = arith.constant 0 : i32
          %dma_start3A_1051 = tpu.memref_slice %run_scoped3A[%dma_start3A_1048, %dma_start3A_1049, %dma_start3A_1050] : memref<40x12x64xf32, #tpu.memory_space<vmem>> -> memref<32x12x64xf32, #tpu.memory_space<vmem>>
          %dma_start3A_1052 = arith.constant 0 : i32
          %dma_start3A_1053 = arith.constant 0 : i32
          %dma_start3A_1054 = arith.constant 0 : i32
          %dma_start3A_1055 = tpu.memref_slice %arg3[%select_n3A, %dma_start3A_1052, %dma_start3A_1053, %dma_start3A_1054] : memref<8x32x12x64xf32, #tpu.memory_space<hbm>> -> memref<1x32x12x64xf32, #tpu.memory_space<hbm>>
          %dma_start3A_1056 = tpu.memref_squeeze %dma_start3A_1055 : memref<1x32x12x64xf32, #tpu.memory_space<hbm>> -> memref<32x12x64xf32, #tpu.memory_space<hbm>>
          %dma_start3A_1057 = arith.constant 0 : i32
          %dma_start3A_1058 = arith.constant 0 : i32
          %dma_start3A_1059 = arith.constant 0 : i32
          %dma_start3A_1060 = tpu.memref_slice %run_scoped3A[%dma_start3A_1057, %dma_start3A_1058, %dma_start3A_1059] : memref<40x12x64xf32, #tpu.memory_space<vmem>> -> memref<32x12x64xf32, #tpu.memory_space<vmem>>
          %dma_start3A_1061 = arith.constant 0 : i32
          %dma_start3A_1062 = arith.constant 0 : i32
          %dma_start3A_1063 = arith.constant 0 : i32
          %dma_start3A_1064 = tpu.memref_slice %arg3[%select_n3A, %dma_start3A_1061, %dma_start3A_1062, %dma_start3A_1063] : memref<8x32x12x64xf32, #tpu.memory_space<hbm>> -> memref<1x32x12x64xf32, #tpu.memory_space<hbm>>
          %dma_start3A_1065 = tpu.memref_squeeze %dma_start3A_1064 : memref<1x32x12x64xf32, #tpu.memory_space<hbm>> -> memref<32x12x64xf32, #tpu.memory_space<hbm>>
          tpu.enqueue_dma source(%dma_start3A_1065 : memref<32x12x64xf32, #tpu.memory_space<hbm>>) target(%dma_start3A_1060 : memref<32x12x64xf32, #tpu.memory_space<vmem>>) target_semaphore(%run_scoped3A_1047 : memref<!tpu.dma_semaphore, #tpu.memory_space<semaphore_mem>>)
          %dma_wait3A_1066 = arith.constant 0 : i32
          %dma_wait3A_1067 = arith.constant 0 : i32
          %dma_wait3A_1068 = arith.constant 0 : i32
          %dma_wait3A_1069 = tpu.memref_slice %run_scoped3A[%dma_wait3A_1066, %dma_wait3A_1067, %dma_wait3A_1068] : memref<40x12x64xf32, #tpu.memory_space<vmem>> -> memref<32x12x64xf32, #tpu.memory_space<vmem>>
          %dma_wait3A_1070 = arith.constant 0 : i32
          %dma_wait3A_1071 = arith.constant 0 : i32
          %dma_wait3A_1072 = arith.constant 0 : i32
          %dma_wait3A_1073 = tpu.memref_slice %arg3[%select_n3A, %dma_wait3A_1070, %dma_wait3A_1071, %dma_wait3A_1072] : memref<8x32x12x64xf32, #tpu.memory_space<hbm>> -> memref<1x32x12x64xf32, #tpu.memory_space<hbm>>
          %dma_wait3A_1074 = tpu.memref_squeeze %dma_wait3A_1073 : memref<1x32x12x64xf32, #tpu.memory_space<hbm>> -> memref<32x12x64xf32, #tpu.memory_space<hbm>>
          %dma_wait3A_1075 = arith.constant 0 : i32
          %dma_wait3A_1076 = arith.constant 0 : i32
          %dma_wait3A_1077 = arith.constant 0 : i32
          %dma_wait3A_1078 = tpu.memref_slice %run_scoped3A[%dma_wait3A_1075, %dma_wait3A_1076, %dma_wait3A_1077] : memref<40x12x64xf32, #tpu.memory_space<vmem>> -> memref<32x12x64xf32, #tpu.memory_space<vmem>>
          %dma_wait3A_1079 = arith.constant 0 : i32
          %dma_wait3A_1080 = arith.constant 0 : i32
          %dma_wait3A_1081 = arith.constant 0 : i32
          %dma_wait3A_1082 = tpu.memref_slice %arg3[%select_n3A, %dma_wait3A_1079, %dma_wait3A_1080, %dma_wait3A_1081] : memref<8x32x12x64xf32, #tpu.memory_space<hbm>> -> memref<1x32x12x64xf32, #tpu.memory_space<hbm>>
          %dma_wait3A_1083 = tpu.memref_squeeze %dma_wait3A_1082 : memref<1x32x12x64xf32, #tpu.memory_space<hbm>> -> memref<32x12x64xf32, #tpu.memory_space<hbm>>
          tpu.wait_dma2 semaphore(%run_scoped3A_1047 : memref<!tpu.dma_semaphore, #tpu.memory_space<semaphore_mem>>) src(%dma_wait3A_1083 : memref<32x12x64xf32, #tpu.memory_space<hbm>>) dst(%dma_wait3A_1078 : memref<32x12x64xf32, #tpu.memory_space<vmem>>)
          tpu.yield
        }) : () -> ()
        "tpu.region"() ({
          %run_scoped3A_1047 = tpu.sem_alloc : memref<!tpu.dma_semaphore, #tpu.memory_space<semaphore_mem>>
          %dma_start3A_1048 = arith.constant 0 : i32
          %dma_start3A_1049 = arith.constant 0 : i32
          %dma_start3A_1050 = arith.constant 0 : i32
          %dma_start3A_1051 = tpu.memref_slice %run_scoped3A[%dma_start3A_1048, %dma_start3A_1049, %dma_start3A_1050] : memref<40x12x64xf32, #tpu.memory_space<vmem>> -> memref<32x12x64xf32, #tpu.memory_space<vmem>>
          %dma_start3A_1052 = arith.constant 4064 : i32
          %dma_start3A_1053 = arith.constant 0 : i32
          %dma_start3A_1054 = arith.constant 0 : i32
          %dma_start3A_1055 = tpu.memref_slice %arg5[%select_n3A, %dma_start3A_1052, %dma_start3A_1053, %dma_start3A_1054] : memref<8x4096x12x64xf32, #tpu.memory_space<hbm>> -> memref<1x32x12x64xf32, #tpu.memory_space<hbm>>
          %dma_start3A_1056 = tpu.memref_squeeze %dma_start3A_1055 : memref<1x32x12x64xf32, #tpu.memory_space<hbm>> -> memref<32x12x64xf32, #tpu.memory_space<hbm>>
          %dma_start3A_1057 = arith.constant 4064 : i32
          %dma_start3A_1058 = arith.constant 0 : i32
          %dma_start3A_1059 = arith.constant 0 : i32
          %dma_start3A_1060 = tpu.memref_slice %arg5[%select_n3A, %dma_start3A_1057, %dma_start3A_1058, %dma_start3A_1059] : memref<8x4096x12x64xf32, #tpu.memory_space<hbm>> -> memref<1x32x12x64xf32, #tpu.memory_space<hbm>>
          %dma_start3A_1061 = tpu.memref_squeeze %dma_start3A_1060 : memref<1x32x12x64xf32, #tpu.memory_space<hbm>> -> memref<32x12x64xf32, #tpu.memory_space<hbm>>
          %dma_start3A_1062 = arith.constant 0 : i32
          %dma_start3A_1063 = arith.constant 0 : i32
          %dma_start3A_1064 = arith.constant 0 : i32
          %dma_start3A_1065 = tpu.memref_slice %run_scoped3A[%dma_start3A_1062, %dma_start3A_1063, %dma_start3A_1064] : memref<40x12x64xf32, #tpu.memory_space<vmem>> -> memref<32x12x64xf32, #tpu.memory_space<vmem>>
          tpu.enqueue_dma source(%dma_start3A_1065 : memref<32x12x64xf32, #tpu.memory_space<vmem>>) target(%dma_start3A_1061 : memref<32x12x64xf32, #tpu.memory_space<hbm>>) target_semaphore(%run_scoped3A_1047 : memref<!tpu.dma_semaphore, #tpu.memory_space<semaphore_mem>>)
          %dma_wait3A_1066 = arith.constant 0 : i32
          %dma_wait3A_1067 = arith.constant 0 : i32
          %dma_wait3A_1068 = arith.constant 0 : i32
          %dma_wait3A_1069 = tpu.memref_slice %run_scoped3A[%dma_wait3A_1066, %dma_wait3A_1067, %dma_wait3A_1068] : memref<40x12x64xf32, #tpu.memory_space<vmem>> -> memref<32x12x64xf32, #tpu.memory_space<vmem>>
          %dma_wait3A_1070 = arith.constant 4064 : i32
          %dma_wait3A_1071 = arith.constant 0 : i32
          %dma_wait3A_1072 = arith.constant 0 : i32
          %dma_wait3A_1073 = tpu.memref_slice %arg5[%select_n3A, %dma_wait3A_1070, %dma_wait3A_1071, %dma_wait3A_1072] : memref<8x4096x12x64xf32, #tpu.memory_space<hbm>> -> memref<1x32x12x64xf32, #tpu.memory_space<hbm>>
          %dma_wait3A_1074 = tpu.memref_squeeze %dma_wait3A_1073 : memref<1x32x12x64xf32, #tpu.memory_space<hbm>> -> memref<32x12x64xf32, #tpu.memory_space<hbm>>
          %dma_wait3A_1075 = arith.constant 4064 : i32
          %dma_wait3A_1076 = arith.constant 0 : i32
          %dma_wait3A_1077 = arith.constant 0 : i32
          %dma_wait3A_1078 = tpu.memref_slice %arg5[%select_n3A, %dma_wait3A_1075, %dma_wait3A_1076, %dma_wait3A_1077] : memref<8x4096x12x64xf32, #tpu.memory_space<hbm>> -> memref<1x32x12x64xf32, #tpu.memory_space<hbm>>
          %dma_wait3A_1079 = tpu.memref_squeeze %dma_wait3A_1078 : memref<1x32x12x64xf32, #tpu.memory_space<hbm>> -> memref<32x12x64xf32, #tpu.memory_space<hbm>>
          %dma_wait3A_1080 = arith.constant 0 : i32
          %dma_wait3A_1081 = arith.constant 0 : i32
          %dma_wait3A_1082 = arith.constant 0 : i32
          %dma_wait3A_1083 = tpu.memref_slice %run_scoped3A[%dma_wait3A_1080, %dma_wait3A_1081, %dma_wait3A_1082] : memref<40x12x64xf32, #tpu.memory_space<vmem>> -> memref<32x12x64xf32, #tpu.memory_space<vmem>>
          tpu.wait_dma2 semaphore(%run_scoped3A_1047 : memref<!tpu.dma_semaphore, #tpu.memory_space<semaphore_mem>>) src(%dma_wait3A_1083 : memref<32x12x64xf32, #tpu.memory_space<vmem>>) dst(%dma_wait3A_1079 : memref<32x12x64xf32, #tpu.memory_space<hbm>>)
          tpu.yield
        }) : () -> ()
      } else {
      }
      tpu.yield
    }) : () -> ()
    return
  }
}

#map = affine_map<(d0, d1) -> (0, 0, 0, 0)>
#map1 = affine_map<(d0, d1) -> (0)>
module attributes {stable_mosaic.version = 14 : i64} {
  func.func @_sc_copy(%arg0: i32, %arg1: i32, %arg2: memref<8x4096x12x64xf32, #tpu.memory_space<hbm>>, %arg3: memref<8x32x12x64xf32, #tpu.memory_space<hbm>>, %arg4: memref<16xi32, #tpu.memory_space<hbm>>, %arg5: memref<8x4096x12x64xf32, #tpu.memory_space<hbm>>, %arg6: memref<16xi32, #tpu.memory_space<vmem>>, %arg7: memref<!tpu.dma_semaphore, #tpu.memory_space<semaphore_mem>>, %arg8: memref<!tpu.dma_semaphore, #tpu.memory_space<semaphore_mem>>, %arg9: memref<!tpu.dma_semaphore, #tpu.memory_space<semaphore_mem>>, %arg10: memref<!tpu.dma_semaphore, #tpu.memory_space<semaphore_mem>>) attributes {dimension_semantics = [#tpu.dimension_semantics<core_parallel>, #tpu.dimension_semantics<subcore_parallel>], iteration_bounds = array<i64: 2, 16>, scalar_prefetch = 0 : i64, scratch_operands = 5 : i64, tpu.core_type = #tpu.core_type<sc_vector_subcore>, window_params = [{transform_indices = #map}, {transform_indices = #map}, {transform_indices = #map1}, {transform_indices = #map}]} {
    %mul3A = arith.constant 2 : i32
    %mul3A_0 = arith.muli %arg1, %mul3A : i32
    %add3A = arith.addi %mul3A_0, %arg0 : i32
    %jit3A = arith.constant 4 : i32
    %div3A = arith.divsi %add3A, %jit3A : i32
    %sign3A = arith.constant 0 : i32
    %sign3A_1 = arith.cmpi sgt, %add3A, %sign3A : i32
    %sign3A_2 = arith.extui %sign3A_1 : i1 to i32
    %sign3A_3 = arith.constant 0 : i32
    %sign3A_4 = arith.cmpi slt, %add3A, %sign3A_3 : i32
    %sign3A_5 = arith.extui %sign3A_4 : i1 to i32
    %sign3A_6 = arith.subi %sign3A_2, %sign3A_5 : i32
    %sign3A_7 = arith.constant 0 : i32
    %sign3A_8 = arith.cmpi sgt, %jit3A, %sign3A_7 : i32
    %sign3A_9 = arith.extui %sign3A_8 : i1 to i32
    %sign3A_10 = arith.constant 0 : i32
    %sign3A_11 = arith.cmpi slt, %jit3A, %sign3A_10 : i32
    %sign3A_12 = arith.extui %sign3A_11 : i1 to i32
    %sign3A_13 = arith.subi %sign3A_9, %sign3A_12 : i32
    %ne3A = arith.cmpi ne, %sign3A_6, %sign3A_13 : i32
    %rem3A = arith.remsi %add3A, %jit3A : i32
    %ne3A_14 = arith.constant 0 : i32
    %ne3A_15 = arith.cmpi ne, %rem3A, %ne3A_14 : i32
    %and3A = arith.andi %ne3A, %ne3A_15 : i1
    %sub3A = arith.constant 1 : i32
    %sub3A_16 = arith.subi %div3A, %sub3A : i32
    %select_n3A = arith.select %and3A, %sub3A_16, %div3A : i32
    %jit3A_17 = arith.constant 4 : i32
    %eq3A = arith.constant 0 : i32
    %eq3A_18 = arith.cmpi eq, %jit3A_17, %eq3A : i32
    %jit3A_19 = arith.constant 1 : i32
    %select_n3A_20 = arith.select %eq3A_18, %jit3A_19, %jit3A_17 : i32
    %rem3A_21 = arith.remsi %add3A, %select_n3A_20 : i32
    %ne3A_22 = arith.constant 0 : i32
    %ne3A_23 = arith.cmpi ne, %rem3A_21, %ne3A_22 : i32
    %lt3A = arith.constant 0 : i32
    %lt3A_24 = arith.cmpi slt, %rem3A_21, %lt3A : i32
    %lt3A_25 = arith.constant 0 : i32
    %lt3A_26 = arith.cmpi slt, %select_n3A_20, %lt3A_25 : i32
    %ne3A_27 = arith.xori %lt3A_24, %lt3A_26 : i1
    %and3A_28 = arith.andi %ne3A_27, %ne3A_23 : i1
    %add3A_29 = arith.addi %rem3A_21, %select_n3A_20 : i32
    %select_n3A_30 = arith.select %and3A_28, %add3A_29, %rem3A_21 : i32
    "tpu.region"() ({
      %run_scoped3A = tpu.sem_alloc : memref<!tpu.dma_semaphore, #tpu.memory_space<semaphore_mem>>
      tpu.enqueue_dma source(%arg4 : memref<16xi32, #tpu.memory_space<hbm>>) target(%arg6 : memref<16xi32, #tpu.memory_space<vmem>>) target_semaphore(%run_scoped3A : memref<!tpu.dma_semaphore, #tpu.memory_space<semaphore_mem>>)
      tpu.wait_dma2 semaphore(%run_scoped3A : memref<!tpu.dma_semaphore, #tpu.memory_space<semaphore_mem>>) src(%arg4 : memref<16xi32, #tpu.memory_space<hbm>>) dst(%arg6 : memref<16xi32, #tpu.memory_space<vmem>>)
      tpu.yield
    }) : () -> ()
    %get3A = arith.constant 0 : index
    %get3A_31 = tpu.vector_load %arg6[%get3A] {strides = array<i32>} : memref<16xi32, #tpu.memory_space<vmem>>, vector<16xi32>,
    %get3A_32 = vector.shape_cast %get3A_31 : vector<16xi32> to vector<16xi32>
    %slice3A = vector.extract_strided_slice %get3A_32 {offsets = [0], sizes = [1], strides = [1]} : vector<16xi32> to vector<1xi32>
    %squeeze3A = vector.extract %slice3A[0] : i32 from vector<1xi32>
    %mul3A_33 = arith.constant 1000 : i32
    %mul3A_34 = arith.muli %select_n3A_30, %mul3A_33 : i32
    %add3A_35 = arith.addi %squeeze3A, %mul3A_34 : i32
    %mul3A_36 = arith.constant 1000 : i32
    %mul3A_37 = arith.muli %select_n3A_30, %mul3A_36 : i32
    %add3A_38 = arith.constant 64 : i32
    %add3A_39 = arith.addi %add3A_38, %mul3A_37 : i32
    "tpu.region"() ({
      %run_scoped3A = memref.alloca() : memref<40x12x64xf32, #tpu.memory_space<vmem>>
      %run_scoped3A_40 = memref.alloca() : memref<40x12x64xf32, #tpu.memory_space<vmem>>
      %add3A_41 = arith.constant 0 : i32
      %add3A_42 = arith.addi %add3A_35, %add3A_41 : i32
      %dma_start3A = arith.constant 0 : i32
      %dma_start3A_43 = arith.constant 0 : i32
      %dma_start3A_44 = tpu.memref_slice %arg2[%select_n3A, %add3A_42, %dma_start3A, %dma_start3A_43] : memref<8x4096x12x64xf32, #tpu.memory_space<hbm>> -> memref<1x40x12x64xf32, #tpu.memory_space<hbm>>
      %dma_start3A_45 = tpu.memref_squeeze %dma_start3A_44 : memref<1x40x12x64xf32, #tpu.memory_space<hbm>> -> memref<40x12x64xf32, #tpu.memory_space<hbm>>
      %dma_start3A_46 = arith.constant 0 : i32
      %dma_start3A_47 = arith.constant 0 : i32
      %dma_start3A_48 = tpu.memref_slice %arg2[%select_n3A, %add3A_42, %dma_start3A_46, %dma_start3A_47] : memref<8x4096x12x64xf32, #tpu.memory_space<hbm>> -> memref<1x40x12x64xf32, #tpu.memory_space<hbm>>
      %dma_start3A_49 = tpu.memref_squeeze %dma_start3A_48 : memref<1x40x12x64xf32, #tpu.memory_space<hbm>> -> memref<40x12x64xf32, #tpu.memory_space<hbm>>
      tpu.enqueue_dma source(%dma_start3A_49 : memref<40x12x64xf32, #tpu.memory_space<hbm>>) target(%run_scoped3A : memref<40x12x64xf32, #tpu.memory_space<vmem>>) target_semaphore(%arg7 : memref<!tpu.dma_semaphore, #tpu.memory_space<semaphore_mem>>)
      %add3A_50 = arith.constant 40 : i32
      %add3A_51 = arith.addi %add3A_35, %add3A_50 : i32
      %dma_start3A_52 = arith.constant 0 : i32
      %dma_start3A_53 = arith.constant 0 : i32
      %dma_start3A_54 = tpu.memref_slice %arg2[%select_n3A, %add3A_51, %dma_start3A_52, %dma_start3A_53] : memref<8x4096x12x64xf32, #tpu.memory_space<hbm>> -> memref<1x40x12x64xf32, #tpu.memory_space<hbm>>
      %dma_start3A_55 = tpu.memref_squeeze %dma_start3A_54 : memref<1x40x12x64xf32, #tpu.memory_space<hbm>> -> memref<40x12x64xf32, #tpu.memory_space<hbm>>
      %dma_start3A_56 = arith.constant 0 : i32
      %dma_start3A_57 = arith.constant 0 : i32
      %dma_start3A_58 = tpu.memref_slice %arg2[%select_n3A, %add3A_51, %dma_start3A_56, %dma_start3A_57] : memref<8x4096x12x64xf32, #tpu.memory_space<hbm>> -> memref<1x40x12x64xf32, #tpu.memory_space<hbm>>
      %dma_start3A_59 = tpu.memref_squeeze %dma_start3A_58 : memref<1x40x12x64xf32, #tpu.memory_space<hbm>> -> memref<40x12x64xf32, #tpu.memory_space<hbm>>
      tpu.enqueue_dma source(%dma_start3A_59 : memref<40x12x64xf32, #tpu.memory_space<hbm>>) target(%run_scoped3A_40 : memref<40x12x64xf32, #tpu.memory_space<vmem>>) target_semaphore(%arg8 : memref<!tpu.dma_semaphore, #tpu.memory_space<semaphore_mem>>)
      %add3A_60 = arith.constant 0 : i32
      %add3A_61 = arith.addi %add3A_35, %add3A_60 : i32
      %dma_wait3A = arith.constant 0 : i32
      %dma_wait3A_62 = arith.constant 0 : i32
      %dma_wait3A_63 = tpu.memref_slice %arg2[%select_n3A, %add3A_61, %dma_wait3A, %dma_wait3A_62] : memref<8x4096x12x64xf32, #tpu.memory_space<hbm>> -> memref<1x40x12x64xf32, #tpu.memory_space<hbm>>
      %dma_wait3A_64 = tpu.memref_squeeze %dma_wait3A_63 : memref<1x40x12x64xf32, #tpu.memory_space<hbm>> -> memref<40x12x64xf32, #tpu.memory_space<hbm>>
      %dma_wait3A_65 = arith.constant 0 : i32
      %dma_wait3A_66 = arith.constant 0 : i32
      %dma_wait3A_67 = tpu.memref_slice %arg2[%select_n3A, %add3A_61, %dma_wait3A_65, %dma_wait3A_66] : memref<8x4096x12x64xf32, #tpu.memory_space<hbm>> -> memref<1x40x12x64xf32, #tpu.memory_space<hbm>>
      %dma_wait3A_68 = tpu.memref_squeeze %dma_wait3A_67 : memref<1x40x12x64xf32, #tpu.memory_space<hbm>> -> memref<40x12x64xf32, #tpu.memory_space<hbm>>
      tpu.wait_dma2 semaphore(%arg7 : memref<!tpu.dma_semaphore, #tpu.memory_space<semaphore_mem>>) src(%dma_wait3A_68 : memref<40x12x64xf32, #tpu.memory_space<hbm>>) dst(%run_scoped3A : memref<40x12x64xf32, #tpu.memory_space<vmem>>)
      %add3A_69 = arith.constant 0 : i32
      %add3A_70 = arith.addi %add3A_39, %add3A_69 : i32
      %dma_start3A_71 = arith.constant 0 : i32
      %dma_start3A_72 = arith.constant 0 : i32
      %dma_start3A_73 = tpu.memref_slice %arg5[%select_n3A, %add3A_70, %dma_start3A_71, %dma_start3A_72] : memref<8x4096x12x64xf32, #tpu.memory_space<hbm>> -> memref<1x40x12x64xf32, #tpu.memory_space<hbm>>
      %dma_start3A_74 = tpu.memref_squeeze %dma_start3A_73 : memref<1x40x12x64xf32, #tpu.memory_space<hbm>> -> memref<40x12x64xf32, #tpu.memory_space<hbm>>
      %dma_start3A_75 = arith.constant 0 : i32
      %dma_start3A_76 = arith.constant 0 : i32
      %dma_start3A_77 = tpu.memref_slice %arg5[%select_n3A, %add3A_70, %dma_start3A_75, %dma_start3A_76] : memref<8x4096x12x64xf32, #tpu.memory_space<hbm>> -> memref<1x40x12x64xf32, #tpu.memory_space<hbm>>
      %dma_start3A_78 = tpu.memref_squeeze %dma_start3A_77 : memref<1x40x12x64xf32, #tpu.memory_space<hbm>> -> memref<40x12x64xf32, #tpu.memory_space<hbm>>
      tpu.enqueue_dma source(%run_scoped3A : memref<40x12x64xf32, #tpu.memory_space<vmem>>) target(%dma_start3A_78 : memref<40x12x64xf32, #tpu.memory_space<hbm>>) target_semaphore(%arg9 : memref<!tpu.dma_semaphore, #tpu.memory_space<semaphore_mem>>)
      %add3A_79 = arith.constant 0 : i32
      %add3A_80 = arith.addi %add3A_39, %add3A_79 : i32
      %dma_wait3A_81 = arith.constant 0 : i32
      %dma_wait3A_82 = arith.constant 0 : i32
      %dma_wait3A_83 = tpu.memref_slice %arg5[%select_n3A, %add3A_80, %dma_wait3A_81, %dma_wait3A_82] : memref<8x4096x12x64xf32, #tpu.memory_space<hbm>> -> memref<1x40x12x64xf32, #tpu.memory_space<hbm>>
      %dma_wait3A_84 = tpu.memref_squeeze %dma_wait3A_83 : memref<1x40x12x64xf32, #tpu.memory_space<hbm>> -> memref<40x12x64xf32, #tpu.memory_space<hbm>>
      %dma_wait3A_85 = arith.constant 0 : i32
      %dma_wait3A_86 = arith.constant 0 : i32
      %dma_wait3A_87 = tpu.memref_slice %arg5[%select_n3A, %add3A_80, %dma_wait3A_85, %dma_wait3A_86] : memref<8x4096x12x64xf32, #tpu.memory_space<hbm>> -> memref<1x40x12x64xf32, #tpu.memory_space<hbm>>
      %dma_wait3A_88 = tpu.memref_squeeze %dma_wait3A_87 : memref<1x40x12x64xf32, #tpu.memory_space<hbm>> -> memref<40x12x64xf32, #tpu.memory_space<hbm>>
      tpu.wait_dma2 semaphore(%arg9 : memref<!tpu.dma_semaphore, #tpu.memory_space<semaphore_mem>>) src(%run_scoped3A : memref<40x12x64xf32, #tpu.memory_space<vmem>>) dst(%dma_wait3A_88 : memref<40x12x64xf32, #tpu.memory_space<hbm>>)
      %add3A_89 = arith.constant 80 : i32
      %add3A_90 = arith.addi %add3A_35, %add3A_89 : i32
      %dma_start3A_91 = arith.constant 0 : i32
      %dma_start3A_92 = arith.constant 0 : i32
      %dma_start3A_93 = tpu.memref_slice %arg2[%select_n3A, %add3A_90, %dma_start3A_91, %dma_start3A_92] : memref<8x4096x12x64xf32, #tpu.memory_space<hbm>> -> memref<1x40x12x64xf32, #tpu.memory_space<hbm>>
      %dma_start3A_94 = tpu.memref_squeeze %dma_start3A_93 : memref<1x40x12x64xf32, #tpu.memory_space<hbm>> -> memref<40x12x64xf32, #tpu.memory_space<hbm>>
      %dma_start3A_95 = arith.constant 0 : i32
      %dma_start3A_96 = arith.constant 0 : i32
      %dma_start3A_97 = tpu.memref_slice %arg2[%select_n3A, %add3A_90, %dma_start3A_95, %dma_start3A_96] : memref<8x4096x12x64xf32, #tpu.memory_space<hbm>> -> memref<1x40x12x64xf32, #tpu.memory_space<hbm>>
      %dma_start3A_98 = tpu.memref_squeeze %dma_start3A_97 : memref<1x40x12x64xf32, #tpu.memory_space<hbm>> -> memref<40x12x64xf32, #tpu.memory_space<hbm>>
      tpu.enqueue_dma source(%dma_start3A_98 : memref<40x12x64xf32, #tpu.memory_space<hbm>>) target(%run_scoped3A : memref<40x12x64xf32, #tpu.memory_space<vmem>>) target_semaphore(%arg7 : memref<!tpu.dma_semaphore, #tpu.memory_space<semaphore_mem>>)
      %add3A_99 = arith.constant 40 : i32
      %add3A_100 = arith.addi %add3A_35, %add3A_99 : i32
      %dma_wait3A_101 = arith.constant 0 : i32
      %dma_wait3A_102 = arith.constant 0 : i32
      %dma_wait3A_103 = tpu.memref_slice %arg2[%select_n3A, %add3A_100, %dma_wait3A_101, %dma_wait3A_102] : memref<8x4096x12x64xf32, #tpu.memory_space<hbm>> -> memref<1x40x12x64xf32, #tpu.memory_space<hbm>>
      %dma_wait3A_104 = tpu.memref_squeeze %dma_wait3A_103 : memref<1x40x12x64xf32, #tpu.memory_space<hbm>> -> memref<40x12x64xf32, #tpu.memory_space<hbm>>
      %dma_wait3A_105 = arith.constant 0 : i32
      %dma_wait3A_106 = arith.constant 0 : i32
      %dma_wait3A_107 = tpu.memref_slice %arg2[%select_n3A, %add3A_100, %dma_wait3A_105, %dma_wait3A_106] : memref<8x4096x12x64xf32, #tpu.memory_space<hbm>> -> memref<1x40x12x64xf32, #tpu.memory_space<hbm>>
      %dma_wait3A_108 = tpu.memref_squeeze %dma_wait3A_107 : memref<1x40x12x64xf32, #tpu.memory_space<hbm>> -> memref<40x12x64xf32, #tpu.memory_space<hbm>>
      tpu.wait_dma2 semaphore(%arg8 : memref<!tpu.dma_semaphore, #tpu.memory_space<semaphore_mem>>) src(%dma_wait3A_108 : memref<40x12x64xf32, #tpu.memory_space<hbm>>) dst(%run_scoped3A_40 : memref<40x12x64xf32, #tpu.memory_space<vmem>>)
      %add3A_109 = arith.constant 40 : i32
      %add3A_110 = arith.addi %add3A_39, %add3A_109 : i32
      %dma_start3A_111 = arith.constant 0 : i32
      %dma_start3A_112 = arith.constant 0 : i32
      %dma_start3A_113 = tpu.memref_slice %arg5[%select_n3A, %add3A_110, %dma_start3A_111, %dma_start3A_112] : memref<8x4096x12x64xf32, #tpu.memory_space<hbm>> -> memref<1x40x12x64xf32, #tpu.memory_space<hbm>>
      %dma_start3A_114 = tpu.memref_squeeze %dma_start3A_113 : memref<1x40x12x64xf32, #tpu.memory_space<hbm>> -> memref<40x12x64xf32, #tpu.memory_space<hbm>>
      %dma_start3A_115 = arith.constant 0 : i32
      %dma_start3A_116 = arith.constant 0 : i32
      %dma_start3A_117 = tpu.memref_slice %arg5[%select_n3A, %add3A_110, %dma_start3A_115, %dma_start3A_116] : memref<8x4096x12x64xf32, #tpu.memory_space<hbm>> -> memref<1x40x12x64xf32, #tpu.memory_space<hbm>>
      %dma_start3A_118 = tpu.memref_squeeze %dma_start3A_117 : memref<1x40x12x64xf32, #tpu.memory_space<hbm>> -> memref<40x12x64xf32, #tpu.memory_space<hbm>>
      tpu.enqueue_dma source(%run_scoped3A_40 : memref<40x12x64xf32, #tpu.memory_space<vmem>>) target(%dma_start3A_118 : memref<40x12x64xf32, #tpu.memory_space<hbm>>) target_semaphore(%arg10 : memref<!tpu.dma_semaphore, #tpu.memory_space<semaphore_mem>>)
      %add3A_119 = arith.constant 40 : i32
      %add3A_120 = arith.addi %add3A_39, %add3A_119 : i32
      %dma_wait3A_121 = arith.constant 0 : i32
      %dma_wait3A_122 = arith.constant 0 : i32
      %dma_wait3A_123 = tpu.memref_slice %arg5[%select_n3A, %add3A_120, %dma_wait3A_121, %dma_wait3A_122] : memref<8x4096x12x64xf32, #tpu.memory_space<hbm>> -> memref<1x40x12x64xf32, #tpu.memory_space<hbm>>
      %dma_wait3A_124 = tpu.memref_squeeze %dma_wait3A_123 : memref<1x40x12x64xf32, #tpu.memory_space<hbm>> -> memref<40x12x64xf32, #tpu.memory_space<hbm>>
      %dma_wait3A_125 = arith.constant 0 : i32
      %dma_wait3A_126 = arith.constant 0 : i32
      %dma_wait3A_127 = tpu.memref_slice %arg5[%select_n3A, %add3A_120, %dma_wait3A_125, %dma_wait3A_126] : memref<8x4096x12x64xf32, #tpu.memory_space<hbm>> -> memref<1x40x12x64xf32, #tpu.memory_space<hbm>>
      %dma_wait3A_128 = tpu.memref_squeeze %dma_wait3A_127 : memref<1x40x12x64xf32, #tpu.memory_space<hbm>> -> memref<40x12x64xf32, #tpu.memory_space<hbm>>
      tpu.wait_dma2 semaphore(%arg10 : memref<!tpu.dma_semaphore, #tpu.memory_space<semaphore_mem>>) src(%run_scoped3A_40 : memref<40x12x64xf32, #tpu.memory_space<vmem>>) dst(%dma_wait3A_128 : memref<40x12x64xf32, #tpu.memory_space<hbm>>)
      %add3A_129 = arith.constant 120 : i32
      %add3A_130 = arith.addi %add3A_35, %add3A_129 : i32
      %dma_start3A_131 = arith.constant 0 : i32
      %dma_start3A_132 = arith.constant 0 : i32
      %dma_start3A_133 = tpu.memref_slice %arg2[%select_n3A, %add3A_130, %dma_start3A_131, %dma_start3A_132] : memref<8x4096x12x64xf32, #tpu.memory_space<hbm>> -> memref<1x40x12x64xf32, #tpu.memory_space<hbm>>
      %dma_start3A_134 = tpu.memref_squeeze %dma_start3A_133 : memref<1x40x12x64xf32, #tpu.memory_space<hbm>> -> memref<40x12x64xf32, #tpu.memory_space<hbm>>
      %dma_start3A_135 = arith.constant 0 : i32
      %dma_start3A_136 = arith.constant 0 : i32
      %dma_start3A_137 = tpu.memref_slice %arg2[%select_n3A, %add3A_130, %dma_start3A_135, %dma_start3A_136] : memref<8x4096x12x64xf32, #tpu.memory_space<hbm>> -> memref<1x40x12x64xf32, #tpu.memory_space<hbm>>
      %dma_start3A_138 = tpu.memref_squeeze %dma_start3A_137 : memref<1x40x12x64xf32, #tpu.memory_space<hbm>> -> memref<40x12x64xf32, #tpu.memory_space<hbm>>
      tpu.enqueue_dma source(%dma_start3A_138 : memref<40x12x64xf32, #tpu.memory_space<hbm>>) target(%run_scoped3A_40 : memref<40x12x64xf32, #tpu.memory_space<vmem>>) target_semaphore(%arg8 : memref<!tpu.dma_semaphore, #tpu.memory_space<semaphore_mem>>)
      %add3A_139 = arith.constant 80 : i32
      %add3A_140 = arith.addi %add3A_35, %add3A_139 : i32
      %dma_wait3A_141 = arith.constant 0 : i32
      %dma_wait3A_142 = arith.constant 0 : i32
      %dma_wait3A_143 = tpu.memref_slice %arg2[%select_n3A, %add3A_140, %dma_wait3A_141, %dma_wait3A_142] : memref<8x4096x12x64xf32, #tpu.memory_space<hbm>> -> memref<1x40x12x64xf32, #tpu.memory_space<hbm>>
      %dma_wait3A_144 = tpu.memref_squeeze %dma_wait3A_143 : memref<1x40x12x64xf32, #tpu.memory_space<hbm>> -> memref<40x12x64xf32, #tpu.memory_space<hbm>>
      %dma_wait3A_145 = arith.constant 0 : i32
      %dma_wait3A_146 = arith.constant 0 : i32
      %dma_wait3A_147 = tpu.memref_slice %arg2[%select_n3A, %add3A_140, %dma_wait3A_145, %dma_wait3A_146] : memref<8x4096x12x64xf32, #tpu.memory_space<hbm>> -> memref<1x40x12x64xf32, #tpu.memory_space<hbm>>
      %dma_wait3A_148 = tpu.memref_squeeze %dma_wait3A_147 : memref<1x40x12x64xf32, #tpu.memory_space<hbm>> -> memref<40x12x64xf32, #tpu.memory_space<hbm>>
      tpu.wait_dma2 semaphore(%arg7 : memref<!tpu.dma_semaphore, #tpu.memory_space<semaphore_mem>>) src(%dma_wait3A_148 : memref<40x12x64xf32, #tpu.memory_space<hbm>>) dst(%run_scoped3A : memref<40x12x64xf32, #tpu.memory_space<vmem>>)
      %add3A_149 = arith.constant 80 : i32
      %add3A_150 = arith.addi %add3A_39, %add3A_149 : i32
      %dma_start3A_151 = arith.constant 0 : i32
      %dma_start3A_152 = arith.constant 0 : i32
      %dma_start3A_153 = tpu.memref_slice %arg5[%select_n3A, %add3A_150, %dma_start3A_151, %dma_start3A_152] : memref<8x4096x12x64xf32, #tpu.memory_space<hbm>> -> memref<1x40x12x64xf32, #tpu.memory_space<hbm>>
      %dma_start3A_154 = tpu.memref_squeeze %dma_start3A_153 : memref<1x40x12x64xf32, #tpu.memory_space<hbm>> -> memref<40x12x64xf32, #tpu.memory_space<hbm>>
      %dma_start3A_155 = arith.constant 0 : i32
      %dma_start3A_156 = arith.constant 0 : i32
      %dma_start3A_157 = tpu.memref_slice %arg5[%select_n3A, %add3A_150, %dma_start3A_155, %dma_start3A_156] : memref<8x4096x12x64xf32, #tpu.memory_space<hbm>> -> memref<1x40x12x64xf32, #tpu.memory_space<hbm>>
      %dma_start3A_158 = tpu.memref_squeeze %dma_start3A_157 : memref<1x40x12x64xf32, #tpu.memory_space<hbm>> -> memref<40x12x64xf32, #tpu.memory_space<hbm>>
      tpu.enqueue_dma source(%run_scoped3A : memref<40x12x64xf32, #tpu.memory_space<vmem>>) target(%dma_start3A_158 : memref<40x12x64xf32, #tpu.memory_space<hbm>>) target_semaphore(%arg9 : memref<!tpu.dma_semaphore, #tpu.memory_space<semaphore_mem>>)
      %add3A_159 = arith.constant 80 : i32
      %add3A_160 = arith.addi %add3A_39, %add3A_159 : i32
      %dma_wait3A_161 = arith.constant 0 : i32
      %dma_wait3A_162 = arith.constant 0 : i32
      %dma_wait3A_163 = tpu.memref_slice %arg5[%select_n3A, %add3A_160, %dma_wait3A_161, %dma_wait3A_162] : memref<8x4096x12x64xf32, #tpu.memory_space<hbm>> -> memref<1x40x12x64xf32, #tpu.memory_space<hbm>>
      %dma_wait3A_164 = tpu.memref_squeeze %dma_wait3A_163 : memref<1x40x12x64xf32, #tpu.memory_space<hbm>> -> memref<40x12x64xf32, #tpu.memory_space<hbm>>
      %dma_wait3A_165 = arith.constant 0 : i32
      %dma_wait3A_166 = arith.constant 0 : i32
      %dma_wait3A_167 = tpu.memref_slice %arg5[%select_n3A, %add3A_160, %dma_wait3A_165, %dma_wait3A_166] : memref<8x4096x12x64xf32, #tpu.memory_space<hbm>> -> memref<1x40x12x64xf32, #tpu.memory_space<hbm>>
      %dma_wait3A_168 = tpu.memref_squeeze %dma_wait3A_167 : memref<1x40x12x64xf32, #tpu.memory_space<hbm>> -> memref<40x12x64xf32, #tpu.memory_space<hbm>>
      tpu.wait_dma2 semaphore(%arg9 : memref<!tpu.dma_semaphore, #tpu.memory_space<semaphore_mem>>) src(%run_scoped3A : memref<40x12x64xf32, #tpu.memory_space<vmem>>) dst(%dma_wait3A_168 : memref<40x12x64xf32, #tpu.memory_space<hbm>>)
      %add3A_169 = arith.constant 160 : i32
      %add3A_170 = arith.addi %add3A_35, %add3A_169 : i32
      %dma_start3A_171 = arith.constant 0 : i32
      %dma_start3A_172 = arith.constant 0 : i32
      %dma_start3A_173 = tpu.memref_slice %arg2[%select_n3A, %add3A_170, %dma_start3A_171, %dma_start3A_172] : memref<8x4096x12x64xf32, #tpu.memory_space<hbm>> -> memref<1x40x12x64xf32, #tpu.memory_space<hbm>>
      %dma_start3A_174 = tpu.memref_squeeze %dma_start3A_173 : memref<1x40x12x64xf32, #tpu.memory_space<hbm>> -> memref<40x12x64xf32, #tpu.memory_space<hbm>>
      %dma_start3A_175 = arith.constant 0 : i32
      %dma_start3A_176 = arith.constant 0 : i32
      %dma_start3A_177 = tpu.memref_slice %arg2[%select_n3A, %add3A_170, %dma_start3A_175, %dma_start3A_176] : memref<8x4096x12x64xf32, #tpu.memory_space<hbm>> -> memref<1x40x12x64xf32, #tpu.memory_space<hbm>>
      %dma_start3A_178 = tpu.memref_squeeze %dma_start3A_177 : memref<1x40x12x64xf32, #tpu.memory_space<hbm>> -> memref<40x12x64xf32, #tpu.memory_space<hbm>>
      tpu.enqueue_dma source(%dma_start3A_178 : memref<40x12x64xf32, #tpu.memory_space<hbm>>) target(%run_scoped3A : memref<40x12x64xf32, #tpu.memory_space<vmem>>) target_semaphore(%arg7 : memref<!tpu.dma_semaphore, #tpu.memory_space<semaphore_mem>>)
      %add3A_179 = arith.constant 120 : i32
      %add3A_180 = arith.addi %add3A_35, %add3A_179 : i32
      %dma_wait3A_181 = arith.constant 0 : i32
      %dma_wait3A_182 = arith.constant 0 : i32
      %dma_wait3A_183 = tpu.memref_slice %arg2[%select_n3A, %add3A_180, %dma_wait3A_181, %dma_wait3A_182] : memref<8x4096x12x64xf32, #tpu.memory_space<hbm>> -> memref<1x40x12x64xf32, #tpu.memory_space<hbm>>
      %dma_wait3A_184 = tpu.memref_squeeze %dma_wait3A_183 : memref<1x40x12x64xf32, #tpu.memory_space<hbm>> -> memref<40x12x64xf32, #tpu.memory_space<hbm>>
      %dma_wait3A_185 = arith.constant 0 : i32
      %dma_wait3A_186 = arith.constant 0 : i32
      %dma_wait3A_187 = tpu.memref_slice %arg2[%select_n3A, %add3A_180, %dma_wait3A_185, %dma_wait3A_186] : memref<8x4096x12x64xf32, #tpu.memory_space<hbm>> -> memref<1x40x12x64xf32, #tpu.memory_space<hbm>>
      %dma_wait3A_188 = tpu.memref_squeeze %dma_wait3A_187 : memref<1x40x12x64xf32, #tpu.memory_space<hbm>> -> memref<40x12x64xf32, #tpu.memory_space<hbm>>
      tpu.wait_dma2 semaphore(%arg8 : memref<!tpu.dma_semaphore, #tpu.memory_space<semaphore_mem>>) src(%dma_wait3A_188 : memref<40x12x64xf32, #tpu.memory_space<hbm>>) dst(%run_scoped3A_40 : memref<40x12x64xf32, #tpu.memory_space<vmem>>)
      %add3A_189 = arith.constant 120 : i32
      %add3A_190 = arith.addi %add3A_39, %add3A_189 : i32
      %dma_start3A_191 = arith.constant 0 : i32
      %dma_start3A_192 = arith.constant 0 : i32
      %dma_start3A_193 = tpu.memref_slice %arg5[%select_n3A, %add3A_190, %dma_start3A_191, %dma_start3A_192] : memref<8x4096x12x64xf32, #tpu.memory_space<hbm>> -> memref<1x40x12x64xf32, #tpu.memory_space<hbm>>
      %dma_start3A_194 = tpu.memref_squeeze %dma_start3A_193 : memref<1x40x12x64xf32, #tpu.memory_space<hbm>> -> memref<40x12x64xf32, #tpu.memory_space<hbm>>
      %dma_start3A_195 = arith.constant 0 : i32
      %dma_start3A_196 = arith.constant 0 : i32
      %dma_start3A_197 = tpu.memref_slice %arg5[%select_n3A, %add3A_190, %dma_start3A_195, %dma_start3A_196] : memref<8x4096x12x64xf32, #tpu.memory_space<hbm>> -> memref<1x40x12x64xf32, #tpu.memory_space<hbm>>
      %dma_start3A_198 = tpu.memref_squeeze %dma_start3A_197 : memref<1x40x12x64xf32, #tpu.memory_space<hbm>> -> memref<40x12x64xf32, #tpu.memory_space<hbm>>
      tpu.enqueue_dma source(%run_scoped3A_40 : memref<40x12x64xf32, #tpu.memory_space<vmem>>) target(%dma_start3A_198 : memref<40x12x64xf32, #tpu.memory_space<hbm>>) target_semaphore(%arg10 : memref<!tpu.dma_semaphore, #tpu.memory_space<semaphore_mem>>)
      %add3A_199 = arith.constant 120 : i32
      %add3A_200 = arith.addi %add3A_39, %add3A_199 : i32
      %dma_wait3A_201 = arith.constant 0 : i32
      %dma_wait3A_202 = arith.constant 0 : i32
      %dma_wait3A_203 = tpu.memref_slice %arg5[%select_n3A, %add3A_200, %dma_wait3A_201, %dma_wait3A_202] : memref<8x4096x12x64xf32, #tpu.memory_space<hbm>> -> memref<1x40x12x64xf32, #tpu.memory_space<hbm>>
      %dma_wait3A_204 = tpu.memref_squeeze %dma_wait3A_203 : memref<1x40x12x64xf32, #tpu.memory_space<hbm>> -> memref<40x12x64xf32, #tpu.memory_space<hbm>>
      %dma_wait3A_205 = arith.constant 0 : i32
      %dma_wait3A_206 = arith.constant 0 : i32
      %dma_wait3A_207 = tpu.memref_slice %arg5[%select_n3A, %add3A_200, %dma_wait3A_205, %dma_wait3A_206] : memref<8x4096x12x64xf32, #tpu.memory_space<hbm>> -> memref<1x40x12x64xf32, #tpu.memory_space<hbm>>
      %dma_wait3A_208 = tpu.memref_squeeze %dma_wait3A_207 : memref<1x40x12x64xf32, #tpu.memory_space<hbm>> -> memref<40x12x64xf32, #tpu.memory_space<hbm>>
      tpu.wait_dma2 semaphore(%arg10 : memref<!tpu.dma_semaphore, #tpu.memory_space<semaphore_mem>>) src(%run_scoped3A_40 : memref<40x12x64xf32, #tpu.memory_space<vmem>>) dst(%dma_wait3A_208 : memref<40x12x64xf32, #tpu.memory_space<hbm>>)
      %add3A_209 = arith.constant 200 : i32
      %add3A_210 = arith.addi %add3A_35, %add3A_209 : i32
      %dma_start3A_211 = arith.constant 0 : i32
      %dma_start3A_212 = arith.constant 0 : i32
      %dma_start3A_213 = tpu.memref_slice %arg2[%select_n3A, %add3A_210, %dma_start3A_211, %dma_start3A_212] : memref<8x4096x12x64xf32, #tpu.memory_space<hbm>> -> memref<1x40x12x64xf32, #tpu.memory_space<hbm>>
      %dma_start3A_214 = tpu.memref_squeeze %dma_start3A_213 : memref<1x40x12x64xf32, #tpu.memory_space<hbm>> -> memref<40x12x64xf32, #tpu.memory_space<hbm>>
      %dma_start3A_215 = arith.constant 0 : i32
      %dma_start3A_216 = arith.constant 0 : i32
      %dma_start3A_217 = tpu.memref_slice %arg2[%select_n3A, %add3A_210, %dma_start3A_215, %dma_start3A_216] : memref<8x4096x12x64xf32, #tpu.memory_space<hbm>> -> memref<1x40x12x64xf32, #tpu.memory_space<hbm>>
      %dma_start3A_218 = tpu.memref_squeeze %dma_start3A_217 : memref<1x40x12x64xf32, #tpu.memory_space<hbm>> -> memref<40x12x64xf32, #tpu.memory_space<hbm>>
      tpu.enqueue_dma source(%dma_start3A_218 : memref<40x12x64xf32, #tpu.memory_space<hbm>>) target(%run_scoped3A_40 : memref<40x12x64xf32, #tpu.memory_space<vmem>>) target_semaphore(%arg8 : memref<!tpu.dma_semaphore, #tpu.memory_space<semaphore_mem>>)
      %add3A_219 = arith.constant 160 : i32
      %add3A_220 = arith.addi %add3A_35, %add3A_219 : i32
      %dma_wait3A_221 = arith.constant 0 : i32
      %dma_wait3A_222 = arith.constant 0 : i32
      %dma_wait3A_223 = tpu.memref_slice %arg2[%select_n3A, %add3A_220, %dma_wait3A_221, %dma_wait3A_222] : memref<8x4096x12x64xf32, #tpu.memory_space<hbm>> -> memref<1x40x12x64xf32, #tpu.memory_space<hbm>>
      %dma_wait3A_224 = tpu.memref_squeeze %dma_wait3A_223 : memref<1x40x12x64xf32, #tpu.memory_space<hbm>> -> memref<40x12x64xf32, #tpu.memory_space<hbm>>
      %dma_wait3A_225 = arith.constant 0 : i32
      %dma_wait3A_226 = arith.constant 0 : i32
      %dma_wait3A_227 = tpu.memref_slice %arg2[%select_n3A, %add3A_220, %dma_wait3A_225, %dma_wait3A_226] : memref<8x4096x12x64xf32, #tpu.memory_space<hbm>> -> memref<1x40x12x64xf32, #tpu.memory_space<hbm>>
      %dma_wait3A_228 = tpu.memref_squeeze %dma_wait3A_227 : memref<1x40x12x64xf32, #tpu.memory_space<hbm>> -> memref<40x12x64xf32, #tpu.memory_space<hbm>>
      tpu.wait_dma2 semaphore(%arg7 : memref<!tpu.dma_semaphore, #tpu.memory_space<semaphore_mem>>) src(%dma_wait3A_228 : memref<40x12x64xf32, #tpu.memory_space<hbm>>) dst(%run_scoped3A : memref<40x12x64xf32, #tpu.memory_space<vmem>>)
      %add3A_229 = arith.constant 160 : i32
      %add3A_230 = arith.addi %add3A_39, %add3A_229 : i32
      %dma_start3A_231 = arith.constant 0 : i32
      %dma_start3A_232 = arith.constant 0 : i32
      %dma_start3A_233 = tpu.memref_slice %arg5[%select_n3A, %add3A_230, %dma_start3A_231, %dma_start3A_232] : memref<8x4096x12x64xf32, #tpu.memory_space<hbm>> -> memref<1x40x12x64xf32, #tpu.memory_space<hbm>>
      %dma_start3A_234 = tpu.memref_squeeze %dma_start3A_233 : memref<1x40x12x64xf32, #tpu.memory_space<hbm>> -> memref<40x12x64xf32, #tpu.memory_space<hbm>>
      %dma_start3A_235 = arith.constant 0 : i32
      %dma_start3A_236 = arith.constant 0 : i32
      %dma_start3A_237 = tpu.memref_slice %arg5[%select_n3A, %add3A_230, %dma_start3A_235, %dma_start3A_236] : memref<8x4096x12x64xf32, #tpu.memory_space<hbm>> -> memref<1x40x12x64xf32, #tpu.memory_space<hbm>>
      %dma_start3A_238 = tpu.memref_squeeze %dma_start3A_237 : memref<1x40x12x64xf32, #tpu.memory_space<hbm>> -> memref<40x12x64xf32, #tpu.memory_space<hbm>>
      tpu.enqueue_dma source(%run_scoped3A : memref<40x12x64xf32, #tpu.memory_space<vmem>>) target(%dma_start3A_238 : memref<40x12x64xf32, #tpu.memory_space<hbm>>) target_semaphore(%arg9 : memref<!tpu.dma_semaphore, #tpu.memory_space<semaphore_mem>>)
      %add3A_239 = arith.constant 160 : i32
      %add3A_240 = arith.addi %add3A_39, %add3A_239 : i32
      %dma_wait3A_241 = arith.constant 0 : i32
      %dma_wait3A_242 = arith.constant 0 : i32
      %dma_wait3A_243 = tpu.memref_slice %arg5[%select_n3A, %add3A_240, %dma_wait3A_241, %dma_wait3A_242] : memref<8x4096x12x64xf32, #tpu.memory_space<hbm>> -> memref<1x40x12x64xf32, #tpu.memory_space<hbm>>
      %dma_wait3A_244 = tpu.memref_squeeze %dma_wait3A_243 : memref<1x40x12x64xf32, #tpu.memory_space<hbm>> -> memref<40x12x64xf32, #tpu.memory_space<hbm>>
      %dma_wait3A_245 = arith.constant 0 : i32
      %dma_wait3A_246 = arith.constant 0 : i32
      %dma_wait3A_247 = tpu.memref_slice %arg5[%select_n3A, %add3A_240, %dma_wait3A_245, %dma_wait3A_246] : memref<8x4096x12x64xf32, #tpu.memory_space<hbm>> -> memref<1x40x12x64xf32, #tpu.memory_space<hbm>>
      %dma_wait3A_248 = tpu.memref_squeeze %dma_wait3A_247 : memref<1x40x12x64xf32, #tpu.memory_space<hbm>> -> memref<40x12x64xf32, #tpu.memory_space<hbm>>
      tpu.wait_dma2 semaphore(%arg9 : memref<!tpu.dma_semaphore, #tpu.memory_space<semaphore_mem>>) src(%run_scoped3A : memref<40x12x64xf32, #tpu.memory_space<vmem>>) dst(%dma_wait3A_248 : memref<40x12x64xf32, #tpu.memory_space<hbm>>)
      %add3A_249 = arith.constant 240 : i32
      %add3A_250 = arith.addi %add3A_35, %add3A_249 : i32
      %dma_start3A_251 = arith.constant 0 : i32
      %dma_start3A_252 = arith.constant 0 : i32
      %dma_start3A_253 = tpu.memref_slice %arg2[%select_n3A, %add3A_250, %dma_start3A_251, %dma_start3A_252] : memref<8x4096x12x64xf32, #tpu.memory_space<hbm>> -> memref<1x40x12x64xf32, #tpu.memory_space<hbm>>
      %dma_start3A_254 = tpu.memref_squeeze %dma_start3A_253 : memref<1x40x12x64xf32, #tpu.memory_space<hbm>> -> memref<40x12x64xf32, #tpu.memory_space<hbm>>
      %dma_start3A_255 = arith.constant 0 : i32
      %dma_start3A_256 = arith.constant 0 : i32
      %dma_start3A_257 = tpu.memref_slice %arg2[%select_n3A, %add3A_250, %dma_start3A_255, %dma_start3A_256] : memref<8x4096x12x64xf32, #tpu.memory_space<hbm>> -> memref<1x40x12x64xf32, #tpu.memory_space<hbm>>
      %dma_start3A_258 = tpu.memref_squeeze %dma_start3A_257 : memref<1x40x12x64xf32, #tpu.memory_space<hbm>> -> memref<40x12x64xf32, #tpu.memory_space<hbm>>
      tpu.enqueue_dma source(%dma_start3A_258 : memref<40x12x64xf32, #tpu.memory_space<hbm>>) target(%run_scoped3A : memref<40x12x64xf32, #tpu.memory_space<vmem>>) target_semaphore(%arg7 : memref<!tpu.dma_semaphore, #tpu.memory_space<semaphore_mem>>)
      %add3A_259 = arith.constant 200 : i32
      %add3A_260 = arith.addi %add3A_35, %add3A_259 : i32
      %dma_wait3A_261 = arith.constant 0 : i32
      %dma_wait3A_262 = arith.constant 0 : i32
      %dma_wait3A_263 = tpu.memref_slice %arg2[%select_n3A, %add3A_260, %dma_wait3A_261, %dma_wait3A_262] : memref<8x4096x12x64xf32, #tpu.memory_space<hbm>> -> memref<1x40x12x64xf32, #tpu.memory_space<hbm>>
      %dma_wait3A_264 = tpu.memref_squeeze %dma_wait3A_263 : memref<1x40x12x64xf32, #tpu.memory_space<hbm>> -> memref<40x12x64xf32, #tpu.memory_space<hbm>>
      %dma_wait3A_265 = arith.constant 0 : i32
      %dma_wait3A_266 = arith.constant 0 : i32
      %dma_wait3A_267 = tpu.memref_slice %arg2[%select_n3A, %add3A_260, %dma_wait3A_265, %dma_wait3A_266] : memref<8x4096x12x64xf32, #tpu.memory_space<hbm>> -> memref<1x40x12x64xf32, #tpu.memory_space<hbm>>
      %dma_wait3A_268 = tpu.memref_squeeze %dma_wait3A_267 : memref<1x40x12x64xf32, #tpu.memory_space<hbm>> -> memref<40x12x64xf32, #tpu.memory_space<hbm>>
      tpu.wait_dma2 semaphore(%arg8 : memref<!tpu.dma_semaphore, #tpu.memory_space<semaphore_mem>>) src(%dma_wait3A_268 : memref<40x12x64xf32, #tpu.memory_space<hbm>>) dst(%run_scoped3A_40 : memref<40x12x64xf32, #tpu.memory_space<vmem>>)
      %add3A_269 = arith.constant 200 : i32
      %add3A_270 = arith.addi %add3A_39, %add3A_269 : i32
      %dma_start3A_271 = arith.constant 0 : i32
      %dma_start3A_272 = arith.constant 0 : i32
      %dma_start3A_273 = tpu.memref_slice %arg5[%select_n3A, %add3A_270, %dma_start3A_271, %dma_start3A_272] : memref<8x4096x12x64xf32, #tpu.memory_space<hbm>> -> memref<1x40x12x64xf32, #tpu.memory_space<hbm>>
      %dma_start3A_274 = tpu.memref_squeeze %dma_start3A_273 : memref<1x40x12x64xf32, #tpu.memory_space<hbm>> -> memref<40x12x64xf32, #tpu.memory_space<hbm>>
      %dma_start3A_275 = arith.constant 0 : i32
      %dma_start3A_276 = arith.constant 0 : i32
      %dma_start3A_277 = tpu.memref_slice %arg5[%select_n3A, %add3A_270, %dma_start3A_275, %dma_start3A_276] : memref<8x4096x12x64xf32, #tpu.memory_space<hbm>> -> memref<1x40x12x64xf32, #tpu.memory_space<hbm>>
      %dma_start3A_278 = tpu.memref_squeeze %dma_start3A_277 : memref<1x40x12x64xf32, #tpu.memory_space<hbm>> -> memref<40x12x64xf32, #tpu.memory_space<hbm>>
      tpu.enqueue_dma source(%run_scoped3A_40 : memref<40x12x64xf32, #tpu.memory_space<vmem>>) target(%dma_start3A_278 : memref<40x12x64xf32, #tpu.memory_space<hbm>>) target_semaphore(%arg10 : memref<!tpu.dma_semaphore, #tpu.memory_space<semaphore_mem>>)
      %add3A_279 = arith.constant 200 : i32
      %add3A_280 = arith.addi %add3A_39, %add3A_279 : i32
      %dma_wait3A_281 = arith.constant 0 : i32
      %dma_wait3A_282 = arith.constant 0 : i32
      %dma_wait3A_283 = tpu.memref_slice %arg5[%select_n3A, %add3A_280, %dma_wait3A_281, %dma_wait3A_282] : memref<8x4096x12x64xf32, #tpu.memory_space<hbm>> -> memref<1x40x12x64xf32, #tpu.memory_space<hbm>>
      %dma_wait3A_284 = tpu.memref_squeeze %dma_wait3A_283 : memref<1x40x12x64xf32, #tpu.memory_space<hbm>> -> memref<40x12x64xf32, #tpu.memory_space<hbm>>
      %dma_wait3A_285 = arith.constant 0 : i32
      %dma_wait3A_286 = arith.constant 0 : i32
      %dma_wait3A_287 = tpu.memref_slice %arg5[%select_n3A, %add3A_280, %dma_wait3A_285, %dma_wait3A_286] : memref<8x4096x12x64xf32, #tpu.memory_space<hbm>> -> memref<1x40x12x64xf32, #tpu.memory_space<hbm>>
      %dma_wait3A_288 = tpu.memref_squeeze %dma_wait3A_287 : memref<1x40x12x64xf32, #tpu.memory_space<hbm>> -> memref<40x12x64xf32, #tpu.memory_space<hbm>>
      tpu.wait_dma2 semaphore(%arg10 : memref<!tpu.dma_semaphore, #tpu.memory_space<semaphore_mem>>) src(%run_scoped3A_40 : memref<40x12x64xf32, #tpu.memory_space<vmem>>) dst(%dma_wait3A_288 : memref<40x12x64xf32, #tpu.memory_space<hbm>>)
      %add3A_289 = arith.constant 280 : i32
      %add3A_290 = arith.addi %add3A_35, %add3A_289 : i32
      %dma_start3A_291 = arith.constant 0 : i32
      %dma_start3A_292 = arith.constant 0 : i32
      %dma_start3A_293 = tpu.memref_slice %arg2[%select_n3A, %add3A_290, %dma_start3A_291, %dma_start3A_292] : memref<8x4096x12x64xf32, #tpu.memory_space<hbm>> -> memref<1x40x12x64xf32, #tpu.memory_space<hbm>>
      %dma_start3A_294 = tpu.memref_squeeze %dma_start3A_293 : memref<1x40x12x64xf32, #tpu.memory_space<hbm>> -> memref<40x12x64xf32, #tpu.memory_space<hbm>>
      %dma_start3A_295 = arith.constant 0 : i32
      %dma_start3A_296 = arith.constant 0 : i32
      %dma_start3A_297 = tpu.memref_slice %arg2[%select_n3A, %add3A_290, %dma_start3A_295, %dma_start3A_296] : memref<8x4096x12x64xf32, #tpu.memory_space<hbm>> -> memref<1x40x12x64xf32, #tpu.memory_space<hbm>>
      %dma_start3A_298 = tpu.memref_squeeze %dma_start3A_297 : memref<1x40x12x64xf32, #tpu.memory_space<hbm>> -> memref<40x12x64xf32, #tpu.memory_space<hbm>>
      tpu.enqueue_dma source(%dma_start3A_298 : memref<40x12x64xf32, #tpu.memory_space<hbm>>) target(%run_scoped3A_40 : memref<40x12x64xf32, #tpu.memory_space<vmem>>) target_semaphore(%arg8 : memref<!tpu.dma_semaphore, #tpu.memory_space<semaphore_mem>>)
      %add3A_299 = arith.constant 240 : i32
      %add3A_300 = arith.addi %add3A_35, %add3A_299 : i32
      %dma_wait3A_301 = arith.constant 0 : i32
      %dma_wait3A_302 = arith.constant 0 : i32
      %dma_wait3A_303 = tpu.memref_slice %arg2[%select_n3A, %add3A_300, %dma_wait3A_301, %dma_wait3A_302] : memref<8x4096x12x64xf32, #tpu.memory_space<hbm>> -> memref<1x40x12x64xf32, #tpu.memory_space<hbm>>
      %dma_wait3A_304 = tpu.memref_squeeze %dma_wait3A_303 : memref<1x40x12x64xf32, #tpu.memory_space<hbm>> -> memref<40x12x64xf32, #tpu.memory_space<hbm>>
      %dma_wait3A_305 = arith.constant 0 : i32
      %dma_wait3A_306 = arith.constant 0 : i32
      %dma_wait3A_307 = tpu.memref_slice %arg2[%select_n3A, %add3A_300, %dma_wait3A_305, %dma_wait3A_306] : memref<8x4096x12x64xf32, #tpu.memory_space<hbm>> -> memref<1x40x12x64xf32, #tpu.memory_space<hbm>>
      %dma_wait3A_308 = tpu.memref_squeeze %dma_wait3A_307 : memref<1x40x12x64xf32, #tpu.memory_space<hbm>> -> memref<40x12x64xf32, #tpu.memory_space<hbm>>
      tpu.wait_dma2 semaphore(%arg7 : memref<!tpu.dma_semaphore, #tpu.memory_space<semaphore_mem>>) src(%dma_wait3A_308 : memref<40x12x64xf32, #tpu.memory_space<hbm>>) dst(%run_scoped3A : memref<40x12x64xf32, #tpu.memory_space<vmem>>)
      %add3A_309 = arith.constant 240 : i32
      %add3A_310 = arith.addi %add3A_39, %add3A_309 : i32
      %dma_start3A_311 = arith.constant 0 : i32
      %dma_start3A_312 = arith.constant 0 : i32
      %dma_start3A_313 = tpu.memref_slice %arg5[%select_n3A, %add3A_310, %dma_start3A_311, %dma_start3A_312] : memref<8x4096x12x64xf32, #tpu.memory_space<hbm>> -> memref<1x40x12x64xf32, #tpu.memory_space<hbm>>
      %dma_start3A_314 = tpu.memref_squeeze %dma_start3A_313 : memref<1x40x12x64xf32, #tpu.memory_space<hbm>> -> memref<40x12x64xf32, #tpu.memory_space<hbm>>
      %dma_start3A_315 = arith.constant 0 : i32
      %dma_start3A_316 = arith.constant 0 : i32
      %dma_start3A_317 = tpu.memref_slice %arg5[%select_n3A, %add3A_310, %dma_start3A_315, %dma_start3A_316] : memref<8x4096x12x64xf32, #tpu.memory_space<hbm>> -> memref<1x40x12x64xf32, #tpu.memory_space<hbm>>
      %dma_start3A_318 = tpu.memref_squeeze %dma_start3A_317 : memref<1x40x12x64xf32, #tpu.memory_space<hbm>> -> memref<40x12x64xf32, #tpu.memory_space<hbm>>
      tpu.enqueue_dma source(%run_scoped3A : memref<40x12x64xf32, #tpu.memory_space<vmem>>) target(%dma_start3A_318 : memref<40x12x64xf32, #tpu.memory_space<hbm>>) target_semaphore(%arg9 : memref<!tpu.dma_semaphore, #tpu.memory_space<semaphore_mem>>)
      %add3A_319 = arith.constant 240 : i32
      %add3A_320 = arith.addi %add3A_39, %add3A_319 : i32
      %dma_wait3A_321 = arith.constant 0 : i32
      %dma_wait3A_322 = arith.constant 0 : i32
      %dma_wait3A_323 = tpu.memref_slice %arg5[%select_n3A, %add3A_320, %dma_wait3A_321, %dma_wait3A_322] : memref<8x4096x12x64xf32, #tpu.memory_space<hbm>> -> memref<1x40x12x64xf32, #tpu.memory_space<hbm>>
      %dma_wait3A_324 = tpu.memref_squeeze %dma_wait3A_323 : memref<1x40x12x64xf32, #tpu.memory_space<hbm>> -> memref<40x12x64xf32, #tpu.memory_space<hbm>>
      %dma_wait3A_325 = arith.constant 0 : i32
      %dma_wait3A_326 = arith.constant 0 : i32
      %dma_wait3A_327 = tpu.memref_slice %arg5[%select_n3A, %add3A_320, %dma_wait3A_325, %dma_wait3A_326] : memref<8x4096x12x64xf32, #tpu.memory_space<hbm>> -> memref<1x40x12x64xf32, #tpu.memory_space<hbm>>
      %dma_wait3A_328 = tpu.memref_squeeze %dma_wait3A_327 : memref<1x40x12x64xf32, #tpu.memory_space<hbm>> -> memref<40x12x64xf32, #tpu.memory_space<hbm>>
      tpu.wait_dma2 semaphore(%arg9 : memref<!tpu.dma_semaphore, #tpu.memory_space<semaphore_mem>>) src(%run_scoped3A : memref<40x12x64xf32, #tpu.memory_space<vmem>>) dst(%dma_wait3A_328 : memref<40x12x64xf32, #tpu.memory_space<hbm>>)
      %add3A_329 = arith.constant 320 : i32
      %add3A_330 = arith.addi %add3A_35, %add3A_329 : i32
      %dma_start3A_331 = arith.constant 0 : i32
      %dma_start3A_332 = arith.constant 0 : i32
      %dma_start3A_333 = tpu.memref_slice %arg2[%select_n3A, %add3A_330, %dma_start3A_331, %dma_start3A_332] : memref<8x4096x12x64xf32, #tpu.memory_space<hbm>> -> memref<1x40x12x64xf32, #tpu.memory_space<hbm>>
      %dma_start3A_334 = tpu.memref_squeeze %dma_start3A_333 : memref<1x40x12x64xf32, #tpu.memory_space<hbm>> -> memref<40x12x64xf32, #tpu.memory_space<hbm>>
      %dma_start3A_335 = arith.constant 0 : i32
      %dma_start3A_336 = arith.constant 0 : i32
      %dma_start3A_337 = tpu.memref_slice %arg2[%select_n3A, %add3A_330, %dma_start3A_335, %dma_start3A_336] : memref<8x4096x12x64xf32, #tpu.memory_space<hbm>> -> memref<1x40x12x64xf32, #tpu.memory_space<hbm>>
      %dma_start3A_338 = tpu.memref_squeeze %dma_start3A_337 : memref<1x40x12x64xf32, #tpu.memory_space<hbm>> -> memref<40x12x64xf32, #tpu.memory_space<hbm>>
      tpu.enqueue_dma source(%dma_start3A_338 : memref<40x12x64xf32, #tpu.memory_space<hbm>>) target(%run_scoped3A : memref<40x12x64xf32, #tpu.memory_space<vmem>>) target_semaphore(%arg7 : memref<!tpu.dma_semaphore, #tpu.memory_space<semaphore_mem>>)
      %add3A_339 = arith.constant 280 : i32
      %add3A_340 = arith.addi %add3A_35, %add3A_339 : i32
      %dma_wait3A_341 = arith.constant 0 : i32
      %dma_wait3A_342 = arith.constant 0 : i32
      %dma_wait3A_343 = tpu.memref_slice %arg2[%select_n3A, %add3A_340, %dma_wait3A_341, %dma_wait3A_342] : memref<8x4096x12x64xf32, #tpu.memory_space<hbm>> -> memref<1x40x12x64xf32, #tpu.memory_space<hbm>>
      %dma_wait3A_344 = tpu.memref_squeeze %dma_wait3A_343 : memref<1x40x12x64xf32, #tpu.memory_space<hbm>> -> memref<40x12x64xf32, #tpu.memory_space<hbm>>
      %dma_wait3A_345 = arith.constant 0 : i32
      %dma_wait3A_346 = arith.constant 0 : i32
      %dma_wait3A_347 = tpu.memref_slice %arg2[%select_n3A, %add3A_340, %dma_wait3A_345, %dma_wait3A_346] : memref<8x4096x12x64xf32, #tpu.memory_space<hbm>> -> memref<1x40x12x64xf32, #tpu.memory_space<hbm>>
      %dma_wait3A_348 = tpu.memref_squeeze %dma_wait3A_347 : memref<1x40x12x64xf32, #tpu.memory_space<hbm>> -> memref<40x12x64xf32, #tpu.memory_space<hbm>>
      tpu.wait_dma2 semaphore(%arg8 : memref<!tpu.dma_semaphore, #tpu.memory_space<semaphore_mem>>) src(%dma_wait3A_348 : memref<40x12x64xf32, #tpu.memory_space<hbm>>) dst(%run_scoped3A_40 : memref<40x12x64xf32, #tpu.memory_space<vmem>>)
      %add3A_349 = arith.constant 280 : i32
      %add3A_350 = arith.addi %add3A_39, %add3A_349 : i32
      %dma_start3A_351 = arith.constant 0 : i32
      %dma_start3A_352 = arith.constant 0 : i32
      %dma_start3A_353 = tpu.memref_slice %arg5[%select_n3A, %add3A_350, %dma_start3A_351, %dma_start3A_352] : memref<8x4096x12x64xf32, #tpu.memory_space<hbm>> -> memref<1x40x12x64xf32, #tpu.memory_space<hbm>>
      %dma_start3A_354 = tpu.memref_squeeze %dma_start3A_353 : memref<1x40x12x64xf32, #tpu.memory_space<hbm>> -> memref<40x12x64xf32, #tpu.memory_space<hbm>>
      %dma_start3A_355 = arith.constant 0 : i32
      %dma_start3A_356 = arith.constant 0 : i32
      %dma_start3A_357 = tpu.memref_slice %arg5[%select_n3A, %add3A_350, %dma_start3A_355, %dma_start3A_356] : memref<8x4096x12x64xf32, #tpu.memory_space<hbm>> -> memref<1x40x12x64xf32, #tpu.memory_space<hbm>>
      %dma_start3A_358 = tpu.memref_squeeze %dma_start3A_357 : memref<1x40x12x64xf32, #tpu.memory_space<hbm>> -> memref<40x12x64xf32, #tpu.memory_space<hbm>>
      tpu.enqueue_dma source(%run_scoped3A_40 : memref<40x12x64xf32, #tpu.memory_space<vmem>>) target(%dma_start3A_358 : memref<40x12x64xf32, #tpu.memory_space<hbm>>) target_semaphore(%arg10 : memref<!tpu.dma_semaphore, #tpu.memory_space<semaphore_mem>>)
      %add3A_359 = arith.constant 280 : i32
      %add3A_360 = arith.addi %add3A_39, %add3A_359 : i32
      %dma_wait3A_361 = arith.constant 0 : i32
      %dma_wait3A_362 = arith.constant 0 : i32
      %dma_wait3A_363 = tpu.memref_slice %arg5[%select_n3A, %add3A_360, %dma_wait3A_361, %dma_wait3A_362] : memref<8x4096x12x64xf32, #tpu.memory_space<hbm>> -> memref<1x40x12x64xf32, #tpu.memory_space<hbm>>
      %dma_wait3A_364 = tpu.memref_squeeze %dma_wait3A_363 : memref<1x40x12x64xf32, #tpu.memory_space<hbm>> -> memref<40x12x64xf32, #tpu.memory_space<hbm>>
      %dma_wait3A_365 = arith.constant 0 : i32
      %dma_wait3A_366 = arith.constant 0 : i32
      %dma_wait3A_367 = tpu.memref_slice %arg5[%select_n3A, %add3A_360, %dma_wait3A_365, %dma_wait3A_366] : memref<8x4096x12x64xf32, #tpu.memory_space<hbm>> -> memref<1x40x12x64xf32, #tpu.memory_space<hbm>>
      %dma_wait3A_368 = tpu.memref_squeeze %dma_wait3A_367 : memref<1x40x12x64xf32, #tpu.memory_space<hbm>> -> memref<40x12x64xf32, #tpu.memory_space<hbm>>
      tpu.wait_dma2 semaphore(%arg10 : memref<!tpu.dma_semaphore, #tpu.memory_space<semaphore_mem>>) src(%run_scoped3A_40 : memref<40x12x64xf32, #tpu.memory_space<vmem>>) dst(%dma_wait3A_368 : memref<40x12x64xf32, #tpu.memory_space<hbm>>)
      %add3A_369 = arith.constant 360 : i32
      %add3A_370 = arith.addi %add3A_35, %add3A_369 : i32
      %dma_start3A_371 = arith.constant 0 : i32
      %dma_start3A_372 = arith.constant 0 : i32
      %dma_start3A_373 = tpu.memref_slice %arg2[%select_n3A, %add3A_370, %dma_start3A_371, %dma_start3A_372] : memref<8x4096x12x64xf32, #tpu.memory_space<hbm>> -> memref<1x40x12x64xf32, #tpu.memory_space<hbm>>
      %dma_start3A_374 = tpu.memref_squeeze %dma_start3A_373 : memref<1x40x12x64xf32, #tpu.memory_space<hbm>> -> memref<40x12x64xf32, #tpu.memory_space<hbm>>
      %dma_start3A_375 = arith.constant 0 : i32
      %dma_start3A_376 = arith.constant 0 : i32
      %dma_start3A_377 = tpu.memref_slice %arg2[%select_n3A, %add3A_370, %dma_start3A_375, %dma_start3A_376] : memref<8x4096x12x64xf32, #tpu.memory_space<hbm>> -> memref<1x40x12x64xf32, #tpu.memory_space<hbm>>
      %dma_start3A_378 = tpu.memref_squeeze %dma_start3A_377 : memref<1x40x12x64xf32, #tpu.memory_space<hbm>> -> memref<40x12x64xf32, #tpu.memory_space<hbm>>
      tpu.enqueue_dma source(%dma_start3A_378 : memref<40x12x64xf32, #tpu.memory_space<hbm>>) target(%run_scoped3A_40 : memref<40x12x64xf32, #tpu.memory_space<vmem>>) target_semaphore(%arg8 : memref<!tpu.dma_semaphore, #tpu.memory_space<semaphore_mem>>)
      %add3A_379 = arith.constant 320 : i32
      %add3A_380 = arith.addi %add3A_35, %add3A_379 : i32
      %dma_wait3A_381 = arith.constant 0 : i32
      %dma_wait3A_382 = arith.constant 0 : i32
      %dma_wait3A_383 = tpu.memref_slice %arg2[%select_n3A, %add3A_380, %dma_wait3A_381, %dma_wait3A_382] : memref<8x4096x12x64xf32, #tpu.memory_space<hbm>> -> memref<1x40x12x64xf32, #tpu.memory_space<hbm>>
      %dma_wait3A_384 = tpu.memref_squeeze %dma_wait3A_383 : memref<1x40x12x64xf32, #tpu.memory_space<hbm>> -> memref<40x12x64xf32, #tpu.memory_space<hbm>>
      %dma_wait3A_385 = arith.constant 0 : i32
      %dma_wait3A_386 = arith.constant 0 : i32
      %dma_wait3A_387 = tpu.memref_slice %arg2[%select_n3A, %add3A_380, %dma_wait3A_385, %dma_wait3A_386] : memref<8x4096x12x64xf32, #tpu.memory_space<hbm>> -> memref<1x40x12x64xf32, #tpu.memory_space<hbm>>
      %dma_wait3A_388 = tpu.memref_squeeze %dma_wait3A_387 : memref<1x40x12x64xf32, #tpu.memory_space<hbm>> -> memref<40x12x64xf32, #tpu.memory_space<hbm>>
      tpu.wait_dma2 semaphore(%arg7 : memref<!tpu.dma_semaphore, #tpu.memory_space<semaphore_mem>>) src(%dma_wait3A_388 : memref<40x12x64xf32, #tpu.memory_space<hbm>>) dst(%run_scoped3A : memref<40x12x64xf32, #tpu.memory_space<vmem>>)
      %add3A_389 = arith.constant 320 : i32
      %add3A_390 = arith.addi %add3A_39, %add3A_389 : i32
      %dma_start3A_391 = arith.constant 0 : i32
      %dma_start3A_392 = arith.constant 0 : i32
      %dma_start3A_393 = tpu.memref_slice %arg5[%select_n3A, %add3A_390, %dma_start3A_391, %dma_start3A_392] : memref<8x4096x12x64xf32, #tpu.memory_space<hbm>> -> memref<1x40x12x64xf32, #tpu.memory_space<hbm>>
      %dma_start3A_394 = tpu.memref_squeeze %dma_start3A_393 : memref<1x40x12x64xf32, #tpu.memory_space<hbm>> -> memref<40x12x64xf32, #tpu.memory_space<hbm>>
      %dma_start3A_395 = arith.constant 0 : i32
      %dma_start3A_396 = arith.constant 0 : i32
      %dma_start3A_397 = tpu.memref_slice %arg5[%select_n3A, %add3A_390, %dma_start3A_395, %dma_start3A_396] : memref<8x4096x12x64xf32, #tpu.memory_space<hbm>> -> memref<1x40x12x64xf32, #tpu.memory_space<hbm>>
      %dma_start3A_398 = tpu.memref_squeeze %dma_start3A_397 : memref<1x40x12x64xf32, #tpu.memory_space<hbm>> -> memref<40x12x64xf32, #tpu.memory_space<hbm>>
      tpu.enqueue_dma source(%run_scoped3A : memref<40x12x64xf32, #tpu.memory_space<vmem>>) target(%dma_start3A_398 : memref<40x12x64xf32, #tpu.memory_space<hbm>>) target_semaphore(%arg9 : memref<!tpu.dma_semaphore, #tpu.memory_space<semaphore_mem>>)
      %add3A_399 = arith.constant 320 : i32
      %add3A_400 = arith.addi %add3A_39, %add3A_399 : i32
      %dma_wait3A_401 = arith.constant 0 : i32
      %dma_wait3A_402 = arith.constant 0 : i32
      %dma_wait3A_403 = tpu.memref_slice %arg5[%select_n3A, %add3A_400, %dma_wait3A_401, %dma_wait3A_402] : memref<8x4096x12x64xf32, #tpu.memory_space<hbm>> -> memref<1x40x12x64xf32, #tpu.memory_space<hbm>>
      %dma_wait3A_404 = tpu.memref_squeeze %dma_wait3A_403 : memref<1x40x12x64xf32, #tpu.memory_space<hbm>> -> memref<40x12x64xf32, #tpu.memory_space<hbm>>
      %dma_wait3A_405 = arith.constant 0 : i32
      %dma_wait3A_406 = arith.constant 0 : i32
      %dma_wait3A_407 = tpu.memref_slice %arg5[%select_n3A, %add3A_400, %dma_wait3A_405, %dma_wait3A_406] : memref<8x4096x12x64xf32, #tpu.memory_space<hbm>> -> memref<1x40x12x64xf32, #tpu.memory_space<hbm>>
      %dma_wait3A_408 = tpu.memref_squeeze %dma_wait3A_407 : memref<1x40x12x64xf32, #tpu.memory_space<hbm>> -> memref<40x12x64xf32, #tpu.memory_space<hbm>>
      tpu.wait_dma2 semaphore(%arg9 : memref<!tpu.dma_semaphore, #tpu.memory_space<semaphore_mem>>) src(%run_scoped3A : memref<40x12x64xf32, #tpu.memory_space<vmem>>) dst(%dma_wait3A_408 : memref<40x12x64xf32, #tpu.memory_space<hbm>>)
      %add3A_409 = arith.constant 400 : i32
      %add3A_410 = arith.addi %add3A_35, %add3A_409 : i32
      %dma_start3A_411 = arith.constant 0 : i32
      %dma_start3A_412 = arith.constant 0 : i32
      %dma_start3A_413 = tpu.memref_slice %arg2[%select_n3A, %add3A_410, %dma_start3A_411, %dma_start3A_412] : memref<8x4096x12x64xf32, #tpu.memory_space<hbm>> -> memref<1x40x12x64xf32, #tpu.memory_space<hbm>>
      %dma_start3A_414 = tpu.memref_squeeze %dma_start3A_413 : memref<1x40x12x64xf32, #tpu.memory_space<hbm>> -> memref<40x12x64xf32, #tpu.memory_space<hbm>>
      %dma_start3A_415 = arith.constant 0 : i32
      %dma_start3A_416 = arith.constant 0 : i32
      %dma_start3A_417 = tpu.memref_slice %arg2[%select_n3A, %add3A_410, %dma_start3A_415, %dma_start3A_416] : memref<8x4096x12x64xf32, #tpu.memory_space<hbm>> -> memref<1x40x12x64xf32, #tpu.memory_space<hbm>>
      %dma_start3A_418 = tpu.memref_squeeze %dma_start3A_417 : memref<1x40x12x64xf32, #tpu.memory_space<hbm>> -> memref<40x12x64xf32, #tpu.memory_space<hbm>>
      tpu.enqueue_dma source(%dma_start3A_418 : memref<40x12x64xf32, #tpu.memory_space<hbm>>) target(%run_scoped3A : memref<40x12x64xf32, #tpu.memory_space<vmem>>) target_semaphore(%arg7 : memref<!tpu.dma_semaphore, #tpu.memory_space<semaphore_mem>>)
      %add3A_419 = arith.constant 360 : i32
      %add3A_420 = arith.addi %add3A_35, %add3A_419 : i32
      %dma_wait3A_421 = arith.constant 0 : i32
      %dma_wait3A_422 = arith.constant 0 : i32
      %dma_wait3A_423 = tpu.memref_slice %arg2[%select_n3A, %add3A_420, %dma_wait3A_421, %dma_wait3A_422] : memref<8x4096x12x64xf32, #tpu.memory_space<hbm>> -> memref<1x40x12x64xf32, #tpu.memory_space<hbm>>
      %dma_wait3A_424 = tpu.memref_squeeze %dma_wait3A_423 : memref<1x40x12x64xf32, #tpu.memory_space<hbm>> -> memref<40x12x64xf32, #tpu.memory_space<hbm>>
      %dma_wait3A_425 = arith.constant 0 : i32
      %dma_wait3A_426 = arith.constant 0 : i32
      %dma_wait3A_427 = tpu.memref_slice %arg2[%select_n3A, %add3A_420, %dma_wait3A_425, %dma_wait3A_426] : memref<8x4096x12x64xf32, #tpu.memory_space<hbm>> -> memref<1x40x12x64xf32, #tpu.memory_space<hbm>>
      %dma_wait3A_428 = tpu.memref_squeeze %dma_wait3A_427 : memref<1x40x12x64xf32, #tpu.memory_space<hbm>> -> memref<40x12x64xf32, #tpu.memory_space<hbm>>
      tpu.wait_dma2 semaphore(%arg8 : memref<!tpu.dma_semaphore, #tpu.memory_space<semaphore_mem>>) src(%dma_wait3A_428 : memref<40x12x64xf32, #tpu.memory_space<hbm>>) dst(%run_scoped3A_40 : memref<40x12x64xf32, #tpu.memory_space<vmem>>)
      %add3A_429 = arith.constant 360 : i32
      %add3A_430 = arith.addi %add3A_39, %add3A_429 : i32
      %dma_start3A_431 = arith.constant 0 : i32
      %dma_start3A_432 = arith.constant 0 : i32
      %dma_start3A_433 = tpu.memref_slice %arg5[%select_n3A, %add3A_430, %dma_start3A_431, %dma_start3A_432] : memref<8x4096x12x64xf32, #tpu.memory_space<hbm>> -> memref<1x40x12x64xf32, #tpu.memory_space<hbm>>
      %dma_start3A_434 = tpu.memref_squeeze %dma_start3A_433 : memref<1x40x12x64xf32, #tpu.memory_space<hbm>> -> memref<40x12x64xf32, #tpu.memory_space<hbm>>
      %dma_start3A_435 = arith.constant 0 : i32
      %dma_start3A_436 = arith.constant 0 : i32
      %dma_start3A_437 = tpu.memref_slice %arg5[%select_n3A, %add3A_430, %dma_start3A_435, %dma_start3A_436] : memref<8x4096x12x64xf32, #tpu.memory_space<hbm>> -> memref<1x40x12x64xf32, #tpu.memory_space<hbm>>
      %dma_start3A_438 = tpu.memref_squeeze %dma_start3A_437 : memref<1x40x12x64xf32, #tpu.memory_space<hbm>> -> memref<40x12x64xf32, #tpu.memory_space<hbm>>
      tpu.enqueue_dma source(%run_scoped3A_40 : memref<40x12x64xf32, #tpu.memory_space<vmem>>) target(%dma_start3A_438 : memref<40x12x64xf32, #tpu.memory_space<hbm>>) target_semaphore(%arg10 : memref<!tpu.dma_semaphore, #tpu.memory_space<semaphore_mem>>)
      %add3A_439 = arith.constant 360 : i32
      %add3A_440 = arith.addi %add3A_39, %add3A_439 : i32
      %dma_wait3A_441 = arith.constant 0 : i32
      %dma_wait3A_442 = arith.constant 0 : i32
      %dma_wait3A_443 = tpu.memref_slice %arg5[%select_n3A, %add3A_440, %dma_wait3A_441, %dma_wait3A_442] : memref<8x4096x12x64xf32, #tpu.memory_space<hbm>> -> memref<1x40x12x64xf32, #tpu.memory_space<hbm>>
      %dma_wait3A_444 = tpu.memref_squeeze %dma_wait3A_443 : memref<1x40x12x64xf32, #tpu.memory_space<hbm>> -> memref<40x12x64xf32, #tpu.memory_space<hbm>>
      %dma_wait3A_445 = arith.constant 0 : i32
      %dma_wait3A_446 = arith.constant 0 : i32
      %dma_wait3A_447 = tpu.memref_slice %arg5[%select_n3A, %add3A_440, %dma_wait3A_445, %dma_wait3A_446] : memref<8x4096x12x64xf32, #tpu.memory_space<hbm>> -> memref<1x40x12x64xf32, #tpu.memory_space<hbm>>
      %dma_wait3A_448 = tpu.memref_squeeze %dma_wait3A_447 : memref<1x40x12x64xf32, #tpu.memory_space<hbm>> -> memref<40x12x64xf32, #tpu.memory_space<hbm>>
      tpu.wait_dma2 semaphore(%arg10 : memref<!tpu.dma_semaphore, #tpu.memory_space<semaphore_mem>>) src(%run_scoped3A_40 : memref<40x12x64xf32, #tpu.memory_space<vmem>>) dst(%dma_wait3A_448 : memref<40x12x64xf32, #tpu.memory_space<hbm>>)
      %add3A_449 = arith.constant 440 : i32
      %add3A_450 = arith.addi %add3A_35, %add3A_449 : i32
      %dma_start3A_451 = arith.constant 0 : i32
      %dma_start3A_452 = arith.constant 0 : i32
      %dma_start3A_453 = tpu.memref_slice %arg2[%select_n3A, %add3A_450, %dma_start3A_451, %dma_start3A_452] : memref<8x4096x12x64xf32, #tpu.memory_space<hbm>> -> memref<1x40x12x64xf32, #tpu.memory_space<hbm>>
      %dma_start3A_454 = tpu.memref_squeeze %dma_start3A_453 : memref<1x40x12x64xf32, #tpu.memory_space<hbm>> -> memref<40x12x64xf32, #tpu.memory_space<hbm>>
      %dma_start3A_455 = arith.constant 0 : i32
      %dma_start3A_456 = arith.constant 0 : i32
      %dma_start3A_457 = tpu.memref_slice %arg2[%select_n3A, %add3A_450, %dma_start3A_455, %dma_start3A_456] : memref<8x4096x12x64xf32, #tpu.memory_space<hbm>> -> memref<1x40x12x64xf32, #tpu.memory_space<hbm>>
      %dma_start3A_458 = tpu.memref_squeeze %dma_start3A_457 : memref<1x40x12x64xf32, #tpu.memory_space<hbm>> -> memref<40x12x64xf32, #tpu.memory_space<hbm>>
      tpu.enqueue_dma source(%dma_start3A_458 : memref<40x12x64xf32, #tpu.memory_space<hbm>>) target(%run_scoped3A_40 : memref<40x12x64xf32, #tpu.memory_space<vmem>>) target_semaphore(%arg8 : memref<!tpu.dma_semaphore, #tpu.memory_space<semaphore_mem>>)
      %add3A_459 = arith.constant 400 : i32
      %add3A_460 = arith.addi %add3A_35, %add3A_459 : i32
      %dma_wait3A_461 = arith.constant 0 : i32
      %dma_wait3A_462 = arith.constant 0 : i32
      %dma_wait3A_463 = tpu.memref_slice %arg2[%select_n3A, %add3A_460, %dma_wait3A_461, %dma_wait3A_462] : memref<8x4096x12x64xf32, #tpu.memory_space<hbm>> -> memref<1x40x12x64xf32, #tpu.memory_space<hbm>>
      %dma_wait3A_464 = tpu.memref_squeeze %dma_wait3A_463 : memref<1x40x12x64xf32, #tpu.memory_space<hbm>> -> memref<40x12x64xf32, #tpu.memory_space<hbm>>
      %dma_wait3A_465 = arith.constant 0 : i32
      %dma_wait3A_466 = arith.constant 0 : i32
      %dma_wait3A_467 = tpu.memref_slice %arg2[%select_n3A, %add3A_460, %dma_wait3A_465, %dma_wait3A_466] : memref<8x4096x12x64xf32, #tpu.memory_space<hbm>> -> memref<1x40x12x64xf32, #tpu.memory_space<hbm>>
      %dma_wait3A_468 = tpu.memref_squeeze %dma_wait3A_467 : memref<1x40x12x64xf32, #tpu.memory_space<hbm>> -> memref<40x12x64xf32, #tpu.memory_space<hbm>>
      tpu.wait_dma2 semaphore(%arg7 : memref<!tpu.dma_semaphore, #tpu.memory_space<semaphore_mem>>) src(%dma_wait3A_468 : memref<40x12x64xf32, #tpu.memory_space<hbm>>) dst(%run_scoped3A : memref<40x12x64xf32, #tpu.memory_space<vmem>>)
      %add3A_469 = arith.constant 400 : i32
      %add3A_470 = arith.addi %add3A_39, %add3A_469 : i32
      %dma_start3A_471 = arith.constant 0 : i32
      %dma_start3A_472 = arith.constant 0 : i32
      %dma_start3A_473 = tpu.memref_slice %arg5[%select_n3A, %add3A_470, %dma_start3A_471, %dma_start3A_472] : memref<8x4096x12x64xf32, #tpu.memory_space<hbm>> -> memref<1x40x12x64xf32, #tpu.memory_space<hbm>>
      %dma_start3A_474 = tpu.memref_squeeze %dma_start3A_473 : memref<1x40x12x64xf32, #tpu.memory_space<hbm>> -> memref<40x12x64xf32, #tpu.memory_space<hbm>>
      %dma_start3A_475 = arith.constant 0 : i32
      %dma_start3A_476 = arith.constant 0 : i32
      %dma_start3A_477 = tpu.memref_slice %arg5[%select_n3A, %add3A_470, %dma_start3A_475, %dma_start3A_476] : memref<8x4096x12x64xf32, #tpu.memory_space<hbm>> -> memref<1x40x12x64xf32, #tpu.memory_space<hbm>>
      %dma_start3A_478 = tpu.memref_squeeze %dma_start3A_477 : memref<1x40x12x64xf32, #tpu.memory_space<hbm>> -> memref<40x12x64xf32, #tpu.memory_space<hbm>>
      tpu.enqueue_dma source(%run_scoped3A : memref<40x12x64xf32, #tpu.memory_space<vmem>>) target(%dma_start3A_478 : memref<40x12x64xf32, #tpu.memory_space<hbm>>) target_semaphore(%arg9 : memref<!tpu.dma_semaphore, #tpu.memory_space<semaphore_mem>>)
      %add3A_479 = arith.constant 400 : i32
      %add3A_480 = arith.addi %add3A_39, %add3A_479 : i32
      %dma_wait3A_481 = arith.constant 0 : i32
      %dma_wait3A_482 = arith.constant 0 : i32
      %dma_wait3A_483 = tpu.memref_slice %arg5[%select_n3A, %add3A_480, %dma_wait3A_481, %dma_wait3A_482] : memref<8x4096x12x64xf32, #tpu.memory_space<hbm>> -> memref<1x40x12x64xf32, #tpu.memory_space<hbm>>
      %dma_wait3A_484 = tpu.memref_squeeze %dma_wait3A_483 : memref<1x40x12x64xf32, #tpu.memory_space<hbm>> -> memref<40x12x64xf32, #tpu.memory_space<hbm>>
      %dma_wait3A_485 = arith.constant 0 : i32
      %dma_wait3A_486 = arith.constant 0 : i32
      %dma_wait3A_487 = tpu.memref_slice %arg5[%select_n3A, %add3A_480, %dma_wait3A_485, %dma_wait3A_486] : memref<8x4096x12x64xf32, #tpu.memory_space<hbm>> -> memref<1x40x12x64xf32, #tpu.memory_space<hbm>>
      %dma_wait3A_488 = tpu.memref_squeeze %dma_wait3A_487 : memref<1x40x12x64xf32, #tpu.memory_space<hbm>> -> memref<40x12x64xf32, #tpu.memory_space<hbm>>
      tpu.wait_dma2 semaphore(%arg9 : memref<!tpu.dma_semaphore, #tpu.memory_space<semaphore_mem>>) src(%run_scoped3A : memref<40x12x64xf32, #tpu.memory_space<vmem>>) dst(%dma_wait3A_488 : memref<40x12x64xf32, #tpu.memory_space<hbm>>)
      %add3A_489 = arith.constant 480 : i32
      %add3A_490 = arith.addi %add3A_35, %add3A_489 : i32
      %dma_start3A_491 = arith.constant 0 : i32
      %dma_start3A_492 = arith.constant 0 : i32
      %dma_start3A_493 = tpu.memref_slice %arg2[%select_n3A, %add3A_490, %dma_start3A_491, %dma_start3A_492] : memref<8x4096x12x64xf32, #tpu.memory_space<hbm>> -> memref<1x40x12x64xf32, #tpu.memory_space<hbm>>
      %dma_start3A_494 = tpu.memref_squeeze %dma_start3A_493 : memref<1x40x12x64xf32, #tpu.memory_space<hbm>> -> memref<40x12x64xf32, #tpu.memory_space<hbm>>
      %dma_start3A_495 = arith.constant 0 : i32
      %dma_start3A_496 = arith.constant 0 : i32
      %dma_start3A_497 = tpu.memref_slice %arg2[%select_n3A, %add3A_490, %dma_start3A_495, %dma_start3A_496] : memref<8x4096x12x64xf32, #tpu.memory_space<hbm>> -> memref<1x40x12x64xf32, #tpu.memory_space<hbm>>
      %dma_start3A_498 = tpu.memref_squeeze %dma_start3A_497 : memref<1x40x12x64xf32, #tpu.memory_space<hbm>> -> memref<40x12x64xf32, #tpu.memory_space<hbm>>
      tpu.enqueue_dma source(%dma_start3A_498 : memref<40x12x64xf32, #tpu.memory_space<hbm>>) target(%run_scoped3A : memref<40x12x64xf32, #tpu.memory_space<vmem>>) target_semaphore(%arg7 : memref<!tpu.dma_semaphore, #tpu.memory_space<semaphore_mem>>)
      %add3A_499 = arith.constant 440 : i32
      %add3A_500 = arith.addi %add3A_35, %add3A_499 : i32
      %dma_wait3A_501 = arith.constant 0 : i32
      %dma_wait3A_502 = arith.constant 0 : i32
      %dma_wait3A_503 = tpu.memref_slice %arg2[%select_n3A, %add3A_500, %dma_wait3A_501, %dma_wait3A_502] : memref<8x4096x12x64xf32, #tpu.memory_space<hbm>> -> memref<1x40x12x64xf32, #tpu.memory_space<hbm>>
      %dma_wait3A_504 = tpu.memref_squeeze %dma_wait3A_503 : memref<1x40x12x64xf32, #tpu.memory_space<hbm>> -> memref<40x12x64xf32, #tpu.memory_space<hbm>>
      %dma_wait3A_505 = arith.constant 0 : i32
      %dma_wait3A_506 = arith.constant 0 : i32
      %dma_wait3A_507 = tpu.memref_slice %arg2[%select_n3A, %add3A_500, %dma_wait3A_505, %dma_wait3A_506] : memref<8x4096x12x64xf32, #tpu.memory_space<hbm>> -> memref<1x40x12x64xf32, #tpu.memory_space<hbm>>
      %dma_wait3A_508 = tpu.memref_squeeze %dma_wait3A_507 : memref<1x40x12x64xf32, #tpu.memory_space<hbm>> -> memref<40x12x64xf32, #tpu.memory_space<hbm>>
      tpu.wait_dma2 semaphore(%arg8 : memref<!tpu.dma_semaphore, #tpu.memory_space<semaphore_mem>>) src(%dma_wait3A_508 : memref<40x12x64xf32, #tpu.memory_space<hbm>>) dst(%run_scoped3A_40 : memref<40x12x64xf32, #tpu.memory_space<vmem>>)
      %add3A_509 = arith.constant 440 : i32
      %add3A_510 = arith.addi %add3A_39, %add3A_509 : i32
      %dma_start3A_511 = arith.constant 0 : i32
      %dma_start3A_512 = arith.constant 0 : i32
      %dma_start3A_513 = tpu.memref_slice %arg5[%select_n3A, %add3A_510, %dma_start3A_511, %dma_start3A_512] : memref<8x4096x12x64xf32, #tpu.memory_space<hbm>> -> memref<1x40x12x64xf32, #tpu.memory_space<hbm>>
      %dma_start3A_514 = tpu.memref_squeeze %dma_start3A_513 : memref<1x40x12x64xf32, #tpu.memory_space<hbm>> -> memref<40x12x64xf32, #tpu.memory_space<hbm>>
      %dma_start3A_515 = arith.constant 0 : i32
      %dma_start3A_516 = arith.constant 0 : i32
      %dma_start3A_517 = tpu.memref_slice %arg5[%select_n3A, %add3A_510, %dma_start3A_515, %dma_start3A_516] : memref<8x4096x12x64xf32, #tpu.memory_space<hbm>> -> memref<1x40x12x64xf32, #tpu.memory_space<hbm>>
      %dma_start3A_518 = tpu.memref_squeeze %dma_start3A_517 : memref<1x40x12x64xf32, #tpu.memory_space<hbm>> -> memref<40x12x64xf32, #tpu.memory_space<hbm>>
      tpu.enqueue_dma source(%run_scoped3A_40 : memref<40x12x64xf32, #tpu.memory_space<vmem>>) target(%dma_start3A_518 : memref<40x12x64xf32, #tpu.memory_space<hbm>>) target_semaphore(%arg10 : memref<!tpu.dma_semaphore, #tpu.memory_space<semaphore_mem>>)
      %add3A_519 = arith.constant 440 : i32
      %add3A_520 = arith.addi %add3A_39, %add3A_519 : i32
      %dma_wait3A_521 = arith.constant 0 : i32
      %dma_wait3A_522 = arith.constant 0 : i32
      %dma_wait3A_523 = tpu.memref_slice %arg5[%select_n3A, %add3A_520, %dma_wait3A_521, %dma_wait3A_522] : memref<8x4096x12x64xf32, #tpu.memory_space<hbm>> -> memref<1x40x12x64xf32, #tpu.memory_space<hbm>>
      %dma_wait3A_524 = tpu.memref_squeeze %dma_wait3A_523 : memref<1x40x12x64xf32, #tpu.memory_space<hbm>> -> memref<40x12x64xf32, #tpu.memory_space<hbm>>
      %dma_wait3A_525 = arith.constant 0 : i32
      %dma_wait3A_526 = arith.constant 0 : i32
      %dma_wait3A_527 = tpu.memref_slice %arg5[%select_n3A, %add3A_520, %dma_wait3A_525, %dma_wait3A_526] : memref<8x4096x12x64xf32, #tpu.memory_space<hbm>> -> memref<1x40x12x64xf32, #tpu.memory_space<hbm>>
      %dma_wait3A_528 = tpu.memref_squeeze %dma_wait3A_527 : memref<1x40x12x64xf32, #tpu.memory_space<hbm>> -> memref<40x12x64xf32, #tpu.memory_space<hbm>>
      tpu.wait_dma2 semaphore(%arg10 : memref<!tpu.dma_semaphore, #tpu.memory_space<semaphore_mem>>) src(%run_scoped3A_40 : memref<40x12x64xf32, #tpu.memory_space<vmem>>) dst(%dma_wait3A_528 : memref<40x12x64xf32, #tpu.memory_space<hbm>>)
      %add3A_529 = arith.constant 520 : i32
      %add3A_530 = arith.addi %add3A_35, %add3A_529 : i32
      %dma_start3A_531 = arith.constant 0 : i32
      %dma_start3A_532 = arith.constant 0 : i32
      %dma_start3A_533 = tpu.memref_slice %arg2[%select_n3A, %add3A_530, %dma_start3A_531, %dma_start3A_532] : memref<8x4096x12x64xf32, #tpu.memory_space<hbm>> -> memref<1x40x12x64xf32, #tpu.memory_space<hbm>>
      %dma_start3A_534 = tpu.memref_squeeze %dma_start3A_533 : memref<1x40x12x64xf32, #tpu.memory_space<hbm>> -> memref<40x12x64xf32, #tpu.memory_space<hbm>>
      %dma_start3A_535 = arith.constant 0 : i32
      %dma_start3A_536 = arith.constant 0 : i32
      %dma_start3A_537 = tpu.memref_slice %arg2[%select_n3A, %add3A_530, %dma_start3A_535, %dma_start3A_536] : memref<8x4096x12x64xf32, #tpu.memory_space<hbm>> -> memref<1x40x12x64xf32, #tpu.memory_space<hbm>>
      %dma_start3A_538 = tpu.memref_squeeze %dma_start3A_537 : memref<1x40x12x64xf32, #tpu.memory_space<hbm>> -> memref<40x12x64xf32, #tpu.memory_space<hbm>>
      tpu.enqueue_dma source(%dma_start3A_538 : memref<40x12x64xf32, #tpu.memory_space<hbm>>) target(%run_scoped3A_40 : memref<40x12x64xf32, #tpu.memory_space<vmem>>) target_semaphore(%arg8 : memref<!tpu.dma_semaphore, #tpu.memory_space<semaphore_mem>>)
      %add3A_539 = arith.constant 480 : i32
      %add3A_540 = arith.addi %add3A_35, %add3A_539 : i32
      %dma_wait3A_541 = arith.constant 0 : i32
      %dma_wait3A_542 = arith.constant 0 : i32
      %dma_wait3A_543 = tpu.memref_slice %arg2[%select_n3A, %add3A_540, %dma_wait3A_541, %dma_wait3A_542] : memref<8x4096x12x64xf32, #tpu.memory_space<hbm>> -> memref<1x40x12x64xf32, #tpu.memory_space<hbm>>
      %dma_wait3A_544 = tpu.memref_squeeze %dma_wait3A_543 : memref<1x40x12x64xf32, #tpu.memory_space<hbm>> -> memref<40x12x64xf32, #tpu.memory_space<hbm>>
      %dma_wait3A_545 = arith.constant 0 : i32
      %dma_wait3A_546 = arith.constant 0 : i32
      %dma_wait3A_547 = tpu.memref_slice %arg2[%select_n3A, %add3A_540, %dma_wait3A_545, %dma_wait3A_546] : memref<8x4096x12x64xf32, #tpu.memory_space<hbm>> -> memref<1x40x12x64xf32, #tpu.memory_space<hbm>>
      %dma_wait3A_548 = tpu.memref_squeeze %dma_wait3A_547 : memref<1x40x12x64xf32, #tpu.memory_space<hbm>> -> memref<40x12x64xf32, #tpu.memory_space<hbm>>
      tpu.wait_dma2 semaphore(%arg7 : memref<!tpu.dma_semaphore, #tpu.memory_space<semaphore_mem>>) src(%dma_wait3A_548 : memref<40x12x64xf32, #tpu.memory_space<hbm>>) dst(%run_scoped3A : memref<40x12x64xf32, #tpu.memory_space<vmem>>)
      %add3A_549 = arith.constant 480 : i32
      %add3A_550 = arith.addi %add3A_39, %add3A_549 : i32
      %dma_start3A_551 = arith.constant 0 : i32
      %dma_start3A_552 = arith.constant 0 : i32
      %dma_start3A_553 = tpu.memref_slice %arg5[%select_n3A, %add3A_550, %dma_start3A_551, %dma_start3A_552] : memref<8x4096x12x64xf32, #tpu.memory_space<hbm>> -> memref<1x40x12x64xf32, #tpu.memory_space<hbm>>
      %dma_start3A_554 = tpu.memref_squeeze %dma_start3A_553 : memref<1x40x12x64xf32, #tpu.memory_space<hbm>> -> memref<40x12x64xf32, #tpu.memory_space<hbm>>
      %dma_start3A_555 = arith.constant 0 : i32
      %dma_start3A_556 = arith.constant 0 : i32
      %dma_start3A_557 = tpu.memref_slice %arg5[%select_n3A, %add3A_550, %dma_start3A_555, %dma_start3A_556] : memref<8x4096x12x64xf32, #tpu.memory_space<hbm>> -> memref<1x40x12x64xf32, #tpu.memory_space<hbm>>
      %dma_start3A_558 = tpu.memref_squeeze %dma_start3A_557 : memref<1x40x12x64xf32, #tpu.memory_space<hbm>> -> memref<40x12x64xf32, #tpu.memory_space<hbm>>
      tpu.enqueue_dma source(%run_scoped3A : memref<40x12x64xf32, #tpu.memory_space<vmem>>) target(%dma_start3A_558 : memref<40x12x64xf32, #tpu.memory_space<hbm>>) target_semaphore(%arg9 : memref<!tpu.dma_semaphore, #tpu.memory_space<semaphore_mem>>)
      %add3A_559 = arith.constant 480 : i32
      %add3A_560 = arith.addi %add3A_39, %add3A_559 : i32
      %dma_wait3A_561 = arith.constant 0 : i32
      %dma_wait3A_562 = arith.constant 0 : i32
      %dma_wait3A_563 = tpu.memref_slice %arg5[%select_n3A, %add3A_560, %dma_wait3A_561, %dma_wait3A_562] : memref<8x4096x12x64xf32, #tpu.memory_space<hbm>> -> memref<1x40x12x64xf32, #tpu.memory_space<hbm>>
      %dma_wait3A_564 = tpu.memref_squeeze %dma_wait3A_563 : memref<1x40x12x64xf32, #tpu.memory_space<hbm>> -> memref<40x12x64xf32, #tpu.memory_space<hbm>>
      %dma_wait3A_565 = arith.constant 0 : i32
      %dma_wait3A_566 = arith.constant 0 : i32
      %dma_wait3A_567 = tpu.memref_slice %arg5[%select_n3A, %add3A_560, %dma_wait3A_565, %dma_wait3A_566] : memref<8x4096x12x64xf32, #tpu.memory_space<hbm>> -> memref<1x40x12x64xf32, #tpu.memory_space<hbm>>
      %dma_wait3A_568 = tpu.memref_squeeze %dma_wait3A_567 : memref<1x40x12x64xf32, #tpu.memory_space<hbm>> -> memref<40x12x64xf32, #tpu.memory_space<hbm>>
      tpu.wait_dma2 semaphore(%arg9 : memref<!tpu.dma_semaphore, #tpu.memory_space<semaphore_mem>>) src(%run_scoped3A : memref<40x12x64xf32, #tpu.memory_space<vmem>>) dst(%dma_wait3A_568 : memref<40x12x64xf32, #tpu.memory_space<hbm>>)
      %add3A_569 = arith.constant 560 : i32
      %add3A_570 = arith.addi %add3A_35, %add3A_569 : i32
      %dma_start3A_571 = arith.constant 0 : i32
      %dma_start3A_572 = arith.constant 0 : i32
      %dma_start3A_573 = tpu.memref_slice %arg2[%select_n3A, %add3A_570, %dma_start3A_571, %dma_start3A_572] : memref<8x4096x12x64xf32, #tpu.memory_space<hbm>> -> memref<1x40x12x64xf32, #tpu.memory_space<hbm>>
      %dma_start3A_574 = tpu.memref_squeeze %dma_start3A_573 : memref<1x40x12x64xf32, #tpu.memory_space<hbm>> -> memref<40x12x64xf32, #tpu.memory_space<hbm>>
      %dma_start3A_575 = arith.constant 0 : i32
      %dma_start3A_576 = arith.constant 0 : i32
      %dma_start3A_577 = tpu.memref_slice %arg2[%select_n3A, %add3A_570, %dma_start3A_575, %dma_start3A_576] : memref<8x4096x12x64xf32, #tpu.memory_space<hbm>> -> memref<1x40x12x64xf32, #tpu.memory_space<hbm>>
      %dma_start3A_578 = tpu.memref_squeeze %dma_start3A_577 : memref<1x40x12x64xf32, #tpu.memory_space<hbm>> -> memref<40x12x64xf32, #tpu.memory_space<hbm>>
      tpu.enqueue_dma source(%dma_start3A_578 : memref<40x12x64xf32, #tpu.memory_space<hbm>>) target(%run_scoped3A : memref<40x12x64xf32, #tpu.memory_space<vmem>>) target_semaphore(%arg7 : memref<!tpu.dma_semaphore, #tpu.memory_space<semaphore_mem>>)
      %add3A_579 = arith.constant 520 : i32
      %add3A_580 = arith.addi %add3A_35, %add3A_579 : i32
      %dma_wait3A_581 = arith.constant 0 : i32
      %dma_wait3A_582 = arith.constant 0 : i32
      %dma_wait3A_583 = tpu.memref_slice %arg2[%select_n3A, %add3A_580, %dma_wait3A_581, %dma_wait3A_582] : memref<8x4096x12x64xf32, #tpu.memory_space<hbm>> -> memref<1x40x12x64xf32, #tpu.memory_space<hbm>>
      %dma_wait3A_584 = tpu.memref_squeeze %dma_wait3A_583 : memref<1x40x12x64xf32, #tpu.memory_space<hbm>> -> memref<40x12x64xf32, #tpu.memory_space<hbm>>
      %dma_wait3A_585 = arith.constant 0 : i32
      %dma_wait3A_586 = arith.constant 0 : i32
      %dma_wait3A_587 = tpu.memref_slice %arg2[%select_n3A, %add3A_580, %dma_wait3A_585, %dma_wait3A_586] : memref<8x4096x12x64xf32, #tpu.memory_space<hbm>> -> memref<1x40x12x64xf32, #tpu.memory_space<hbm>>
      %dma_wait3A_588 = tpu.memref_squeeze %dma_wait3A_587 : memref<1x40x12x64xf32, #tpu.memory_space<hbm>> -> memref<40x12x64xf32, #tpu.memory_space<hbm>>
      tpu.wait_dma2 semaphore(%arg8 : memref<!tpu.dma_semaphore, #tpu.memory_space<semaphore_mem>>) src(%dma_wait3A_588 : memref<40x12x64xf32, #tpu.memory_space<hbm>>) dst(%run_scoped3A_40 : memref<40x12x64xf32, #tpu.memory_space<vmem>>)
      %add3A_589 = arith.constant 520 : i32
      %add3A_590 = arith.addi %add3A_39, %add3A_589 : i32
      %dma_start3A_591 = arith.constant 0 : i32
      %dma_start3A_592 = arith.constant 0 : i32
      %dma_start3A_593 = tpu.memref_slice %arg5[%select_n3A, %add3A_590, %dma_start3A_591, %dma_start3A_592] : memref<8x4096x12x64xf32, #tpu.memory_space<hbm>> -> memref<1x40x12x64xf32, #tpu.memory_space<hbm>>
      %dma_start3A_594 = tpu.memref_squeeze %dma_start3A_593 : memref<1x40x12x64xf32, #tpu.memory_space<hbm>> -> memref<40x12x64xf32, #tpu.memory_space<hbm>>
      %dma_start3A_595 = arith.constant 0 : i32
      %dma_start3A_596 = arith.constant 0 : i32
      %dma_start3A_597 = tpu.memref_slice %arg5[%select_n3A, %add3A_590, %dma_start3A_595, %dma_start3A_596] : memref<8x4096x12x64xf32, #tpu.memory_space<hbm>> -> memref<1x40x12x64xf32, #tpu.memory_space<hbm>>
      %dma_start3A_598 = tpu.memref_squeeze %dma_start3A_597 : memref<1x40x12x64xf32, #tpu.memory_space<hbm>> -> memref<40x12x64xf32, #tpu.memory_space<hbm>>
      tpu.enqueue_dma source(%run_scoped3A_40 : memref<40x12x64xf32, #tpu.memory_space<vmem>>) target(%dma_start3A_598 : memref<40x12x64xf32, #tpu.memory_space<hbm>>) target_semaphore(%arg10 : memref<!tpu.dma_semaphore, #tpu.memory_space<semaphore_mem>>)
      %add3A_599 = arith.constant 520 : i32
      %add3A_600 = arith.addi %add3A_39, %add3A_599 : i32
      %dma_wait3A_601 = arith.constant 0 : i32
      %dma_wait3A_602 = arith.constant 0 : i32
      %dma_wait3A_603 = tpu.memref_slice %arg5[%select_n3A, %add3A_600, %dma_wait3A_601, %dma_wait3A_602] : memref<8x4096x12x64xf32, #tpu.memory_space<hbm>> -> memref<1x40x12x64xf32, #tpu.memory_space<hbm>>
      %dma_wait3A_604 = tpu.memref_squeeze %dma_wait3A_603 : memref<1x40x12x64xf32, #tpu.memory_space<hbm>> -> memref<40x12x64xf32, #tpu.memory_space<hbm>>
      %dma_wait3A_605 = arith.constant 0 : i32
      %dma_wait3A_606 = arith.constant 0 : i32
      %dma_wait3A_607 = tpu.memref_slice %arg5[%select_n3A, %add3A_600, %dma_wait3A_605, %dma_wait3A_606] : memref<8x4096x12x64xf32, #tpu.memory_space<hbm>> -> memref<1x40x12x64xf32, #tpu.memory_space<hbm>>
      %dma_wait3A_608 = tpu.memref_squeeze %dma_wait3A_607 : memref<1x40x12x64xf32, #tpu.memory_space<hbm>> -> memref<40x12x64xf32, #tpu.memory_space<hbm>>
      tpu.wait_dma2 semaphore(%arg10 : memref<!tpu.dma_semaphore, #tpu.memory_space<semaphore_mem>>) src(%run_scoped3A_40 : memref<40x12x64xf32, #tpu.memory_space<vmem>>) dst(%dma_wait3A_608 : memref<40x12x64xf32, #tpu.memory_space<hbm>>)
      %add3A_609 = arith.constant 600 : i32
      %add3A_610 = arith.addi %add3A_35, %add3A_609 : i32
      %dma_start3A_611 = arith.constant 0 : i32
      %dma_start3A_612 = arith.constant 0 : i32
      %dma_start3A_613 = tpu.memref_slice %arg2[%select_n3A, %add3A_610, %dma_start3A_611, %dma_start3A_612] : memref<8x4096x12x64xf32, #tpu.memory_space<hbm>> -> memref<1x40x12x64xf32, #tpu.memory_space<hbm>>
      %dma_start3A_614 = tpu.memref_squeeze %dma_start3A_613 : memref<1x40x12x64xf32, #tpu.memory_space<hbm>> -> memref<40x12x64xf32, #tpu.memory_space<hbm>>
      %dma_start3A_615 = arith.constant 0 : i32
      %dma_start3A_616 = arith.constant 0 : i32
      %dma_start3A_617 = tpu.memref_slice %arg2[%select_n3A, %add3A_610, %dma_start3A_615, %dma_start3A_616] : memref<8x4096x12x64xf32, #tpu.memory_space<hbm>> -> memref<1x40x12x64xf32, #tpu.memory_space<hbm>>
      %dma_start3A_618 = tpu.memref_squeeze %dma_start3A_617 : memref<1x40x12x64xf32, #tpu.memory_space<hbm>> -> memref<40x12x64xf32, #tpu.memory_space<hbm>>
      tpu.enqueue_dma source(%dma_start3A_618 : memref<40x12x64xf32, #tpu.memory_space<hbm>>) target(%run_scoped3A_40 : memref<40x12x64xf32, #tpu.memory_space<vmem>>) target_semaphore(%arg8 : memref<!tpu.dma_semaphore, #tpu.memory_space<semaphore_mem>>)
      %add3A_619 = arith.constant 560 : i32
      %add3A_620 = arith.addi %add3A_35, %add3A_619 : i32
      %dma_wait3A_621 = arith.constant 0 : i32
      %dma_wait3A_622 = arith.constant 0 : i32
      %dma_wait3A_623 = tpu.memref_slice %arg2[%select_n3A, %add3A_620, %dma_wait3A_621, %dma_wait3A_622] : memref<8x4096x12x64xf32, #tpu.memory_space<hbm>> -> memref<1x40x12x64xf32, #tpu.memory_space<hbm>>
      %dma_wait3A_624 = tpu.memref_squeeze %dma_wait3A_623 : memref<1x40x12x64xf32, #tpu.memory_space<hbm>> -> memref<40x12x64xf32, #tpu.memory_space<hbm>>
      %dma_wait3A_625 = arith.constant 0 : i32
      %dma_wait3A_626 = arith.constant 0 : i32
      %dma_wait3A_627 = tpu.memref_slice %arg2[%select_n3A, %add3A_620, %dma_wait3A_625, %dma_wait3A_626] : memref<8x4096x12x64xf32, #tpu.memory_space<hbm>> -> memref<1x40x12x64xf32, #tpu.memory_space<hbm>>
      %dma_wait3A_628 = tpu.memref_squeeze %dma_wait3A_627 : memref<1x40x12x64xf32, #tpu.memory_space<hbm>> -> memref<40x12x64xf32, #tpu.memory_space<hbm>>
      tpu.wait_dma2 semaphore(%arg7 : memref<!tpu.dma_semaphore, #tpu.memory_space<semaphore_mem>>) src(%dma_wait3A_628 : memref<40x12x64xf32, #tpu.memory_space<hbm>>) dst(%run_scoped3A : memref<40x12x64xf32, #tpu.memory_space<vmem>>)
      %add3A_629 = arith.constant 560 : i32
      %add3A_630 = arith.addi %add3A_39, %add3A_629 : i32
      %dma_start3A_631 = arith.constant 0 : i32
      %dma_start3A_632 = arith.constant 0 : i32
      %dma_start3A_633 = tpu.memref_slice %arg5[%select_n3A, %add3A_630, %dma_start3A_631, %dma_start3A_632] : memref<8x4096x12x64xf32, #tpu.memory_space<hbm>> -> memref<1x40x12x64xf32, #tpu.memory_space<hbm>>
      %dma_start3A_634 = tpu.memref_squeeze %dma_start3A_633 : memref<1x40x12x64xf32, #tpu.memory_space<hbm>> -> memref<40x12x64xf32, #tpu.memory_space<hbm>>
      %dma_start3A_635 = arith.constant 0 : i32
      %dma_start3A_636 = arith.constant 0 : i32
      %dma_start3A_637 = tpu.memref_slice %arg5[%select_n3A, %add3A_630, %dma_start3A_635, %dma_start3A_636] : memref<8x4096x12x64xf32, #tpu.memory_space<hbm>> -> memref<1x40x12x64xf32, #tpu.memory_space<hbm>>
      %dma_start3A_638 = tpu.memref_squeeze %dma_start3A_637 : memref<1x40x12x64xf32, #tpu.memory_space<hbm>> -> memref<40x12x64xf32, #tpu.memory_space<hbm>>
      tpu.enqueue_dma source(%run_scoped3A : memref<40x12x64xf32, #tpu.memory_space<vmem>>) target(%dma_start3A_638 : memref<40x12x64xf32, #tpu.memory_space<hbm>>) target_semaphore(%arg9 : memref<!tpu.dma_semaphore, #tpu.memory_space<semaphore_mem>>)
      %add3A_639 = arith.constant 560 : i32
      %add3A_640 = arith.addi %add3A_39, %add3A_639 : i32
      %dma_wait3A_641 = arith.constant 0 : i32
      %dma_wait3A_642 = arith.constant 0 : i32
      %dma_wait3A_643 = tpu.memref_slice %arg5[%select_n3A, %add3A_640, %dma_wait3A_641, %dma_wait3A_642] : memref<8x4096x12x64xf32, #tpu.memory_space<hbm>> -> memref<1x40x12x64xf32, #tpu.memory_space<hbm>>
      %dma_wait3A_644 = tpu.memref_squeeze %dma_wait3A_643 : memref<1x40x12x64xf32, #tpu.memory_space<hbm>> -> memref<40x12x64xf32, #tpu.memory_space<hbm>>
      %dma_wait3A_645 = arith.constant 0 : i32
      %dma_wait3A_646 = arith.constant 0 : i32
      %dma_wait3A_647 = tpu.memref_slice %arg5[%select_n3A, %add3A_640, %dma_wait3A_645, %dma_wait3A_646] : memref<8x4096x12x64xf32, #tpu.memory_space<hbm>> -> memref<1x40x12x64xf32, #tpu.memory_space<hbm>>
      %dma_wait3A_648 = tpu.memref_squeeze %dma_wait3A_647 : memref<1x40x12x64xf32, #tpu.memory_space<hbm>> -> memref<40x12x64xf32, #tpu.memory_space<hbm>>
      tpu.wait_dma2 semaphore(%arg9 : memref<!tpu.dma_semaphore, #tpu.memory_space<semaphore_mem>>) src(%run_scoped3A : memref<40x12x64xf32, #tpu.memory_space<vmem>>) dst(%dma_wait3A_648 : memref<40x12x64xf32, #tpu.memory_space<hbm>>)
      %add3A_649 = arith.constant 640 : i32
      %add3A_650 = arith.addi %add3A_35, %add3A_649 : i32
      %dma_start3A_651 = arith.constant 0 : i32
      %dma_start3A_652 = arith.constant 0 : i32
      %dma_start3A_653 = tpu.memref_slice %arg2[%select_n3A, %add3A_650, %dma_start3A_651, %dma_start3A_652] : memref<8x4096x12x64xf32, #tpu.memory_space<hbm>> -> memref<1x40x12x64xf32, #tpu.memory_space<hbm>>
      %dma_start3A_654 = tpu.memref_squeeze %dma_start3A_653 : memref<1x40x12x64xf32, #tpu.memory_space<hbm>> -> memref<40x12x64xf32, #tpu.memory_space<hbm>>
      %dma_start3A_655 = arith.constant 0 : i32
      %dma_start3A_656 = arith.constant 0 : i32
      %dma_start3A_657 = tpu.memref_slice %arg2[%select_n3A, %add3A_650, %dma_start3A_655, %dma_start3A_656] : memref<8x4096x12x64xf32, #tpu.memory_space<hbm>> -> memref<1x40x12x64xf32, #tpu.memory_space<hbm>>
      %dma_start3A_658 = tpu.memref_squeeze %dma_start3A_657 : memref<1x40x12x64xf32, #tpu.memory_space<hbm>> -> memref<40x12x64xf32, #tpu.memory_space<hbm>>
      tpu.enqueue_dma source(%dma_start3A_658 : memref<40x12x64xf32, #tpu.memory_space<hbm>>) target(%run_scoped3A : memref<40x12x64xf32, #tpu.memory_space<vmem>>) target_semaphore(%arg7 : memref<!tpu.dma_semaphore, #tpu.memory_space<semaphore_mem>>)
      %add3A_659 = arith.constant 600 : i32
      %add3A_660 = arith.addi %add3A_35, %add3A_659 : i32
      %dma_wait3A_661 = arith.constant 0 : i32
      %dma_wait3A_662 = arith.constant 0 : i32
      %dma_wait3A_663 = tpu.memref_slice %arg2[%select_n3A, %add3A_660, %dma_wait3A_661, %dma_wait3A_662] : memref<8x4096x12x64xf32, #tpu.memory_space<hbm>> -> memref<1x40x12x64xf32, #tpu.memory_space<hbm>>
      %dma_wait3A_664 = tpu.memref_squeeze %dma_wait3A_663 : memref<1x40x12x64xf32, #tpu.memory_space<hbm>> -> memref<40x12x64xf32, #tpu.memory_space<hbm>>
      %dma_wait3A_665 = arith.constant 0 : i32
      %dma_wait3A_666 = arith.constant 0 : i32
      %dma_wait3A_667 = tpu.memref_slice %arg2[%select_n3A, %add3A_660, %dma_wait3A_665, %dma_wait3A_666] : memref<8x4096x12x64xf32, #tpu.memory_space<hbm>> -> memref<1x40x12x64xf32, #tpu.memory_space<hbm>>
      %dma_wait3A_668 = tpu.memref_squeeze %dma_wait3A_667 : memref<1x40x12x64xf32, #tpu.memory_space<hbm>> -> memref<40x12x64xf32, #tpu.memory_space<hbm>>
      tpu.wait_dma2 semaphore(%arg8 : memref<!tpu.dma_semaphore, #tpu.memory_space<semaphore_mem>>) src(%dma_wait3A_668 : memref<40x12x64xf32, #tpu.memory_space<hbm>>) dst(%run_scoped3A_40 : memref<40x12x64xf32, #tpu.memory_space<vmem>>)
      %add3A_669 = arith.constant 600 : i32
      %add3A_670 = arith.addi %add3A_39, %add3A_669 : i32
      %dma_start3A_671 = arith.constant 0 : i32
      %dma_start3A_672 = arith.constant 0 : i32
      %dma_start3A_673 = tpu.memref_slice %arg5[%select_n3A, %add3A_670, %dma_start3A_671, %dma_start3A_672] : memref<8x4096x12x64xf32, #tpu.memory_space<hbm>> -> memref<1x40x12x64xf32, #tpu.memory_space<hbm>>
      %dma_start3A_674 = tpu.memref_squeeze %dma_start3A_673 : memref<1x40x12x64xf32, #tpu.memory_space<hbm>> -> memref<40x12x64xf32, #tpu.memory_space<hbm>>
      %dma_start3A_675 = arith.constant 0 : i32
      %dma_start3A_676 = arith.constant 0 : i32
      %dma_start3A_677 = tpu.memref_slice %arg5[%select_n3A, %add3A_670, %dma_start3A_675, %dma_start3A_676] : memref<8x4096x12x64xf32, #tpu.memory_space<hbm>> -> memref<1x40x12x64xf32, #tpu.memory_space<hbm>>
      %dma_start3A_678 = tpu.memref_squeeze %dma_start3A_677 : memref<1x40x12x64xf32, #tpu.memory_space<hbm>> -> memref<40x12x64xf32, #tpu.memory_space<hbm>>
      tpu.enqueue_dma source(%run_scoped3A_40 : memref<40x12x64xf32, #tpu.memory_space<vmem>>) target(%dma_start3A_678 : memref<40x12x64xf32, #tpu.memory_space<hbm>>) target_semaphore(%arg10 : memref<!tpu.dma_semaphore, #tpu.memory_space<semaphore_mem>>)
      %add3A_679 = arith.constant 600 : i32
      %add3A_680 = arith.addi %add3A_39, %add3A_679 : i32
      %dma_wait3A_681 = arith.constant 0 : i32
      %dma_wait3A_682 = arith.constant 0 : i32
      %dma_wait3A_683 = tpu.memref_slice %arg5[%select_n3A, %add3A_680, %dma_wait3A_681, %dma_wait3A_682] : memref<8x4096x12x64xf32, #tpu.memory_space<hbm>> -> memref<1x40x12x64xf32, #tpu.memory_space<hbm>>
      %dma_wait3A_684 = tpu.memref_squeeze %dma_wait3A_683 : memref<1x40x12x64xf32, #tpu.memory_space<hbm>> -> memref<40x12x64xf32, #tpu.memory_space<hbm>>
      %dma_wait3A_685 = arith.constant 0 : i32
      %dma_wait3A_686 = arith.constant 0 : i32
      %dma_wait3A_687 = tpu.memref_slice %arg5[%select_n3A, %add3A_680, %dma_wait3A_685, %dma_wait3A_686] : memref<8x4096x12x64xf32, #tpu.memory_space<hbm>> -> memref<1x40x12x64xf32, #tpu.memory_space<hbm>>
      %dma_wait3A_688 = tpu.memref_squeeze %dma_wait3A_687 : memref<1x40x12x64xf32, #tpu.memory_space<hbm>> -> memref<40x12x64xf32, #tpu.memory_space<hbm>>
      tpu.wait_dma2 semaphore(%arg10 : memref<!tpu.dma_semaphore, #tpu.memory_space<semaphore_mem>>) src(%run_scoped3A_40 : memref<40x12x64xf32, #tpu.memory_space<vmem>>) dst(%dma_wait3A_688 : memref<40x12x64xf32, #tpu.memory_space<hbm>>)
      %add3A_689 = arith.constant 680 : i32
      %add3A_690 = arith.addi %add3A_35, %add3A_689 : i32
      %dma_start3A_691 = arith.constant 0 : i32
      %dma_start3A_692 = arith.constant 0 : i32
      %dma_start3A_693 = tpu.memref_slice %arg2[%select_n3A, %add3A_690, %dma_start3A_691, %dma_start3A_692] : memref<8x4096x12x64xf32, #tpu.memory_space<hbm>> -> memref<1x40x12x64xf32, #tpu.memory_space<hbm>>
      %dma_start3A_694 = tpu.memref_squeeze %dma_start3A_693 : memref<1x40x12x64xf32, #tpu.memory_space<hbm>> -> memref<40x12x64xf32, #tpu.memory_space<hbm>>
      %dma_start3A_695 = arith.constant 0 : i32
      %dma_start3A_696 = arith.constant 0 : i32
      %dma_start3A_697 = tpu.memref_slice %arg2[%select_n3A, %add3A_690, %dma_start3A_695, %dma_start3A_696] : memref<8x4096x12x64xf32, #tpu.memory_space<hbm>> -> memref<1x40x12x64xf32, #tpu.memory_space<hbm>>
      %dma_start3A_698 = tpu.memref_squeeze %dma_start3A_697 : memref<1x40x12x64xf32, #tpu.memory_space<hbm>> -> memref<40x12x64xf32, #tpu.memory_space<hbm>>
      tpu.enqueue_dma source(%dma_start3A_698 : memref<40x12x64xf32, #tpu.memory_space<hbm>>) target(%run_scoped3A_40 : memref<40x12x64xf32, #tpu.memory_space<vmem>>) target_semaphore(%arg8 : memref<!tpu.dma_semaphore, #tpu.memory_space<semaphore_mem>>)
      %add3A_699 = arith.constant 640 : i32
      %add3A_700 = arith.addi %add3A_35, %add3A_699 : i32
      %dma_wait3A_701 = arith.constant 0 : i32
      %dma_wait3A_702 = arith.constant 0 : i32
      %dma_wait3A_703 = tpu.memref_slice %arg2[%select_n3A, %add3A_700, %dma_wait3A_701, %dma_wait3A_702] : memref<8x4096x12x64xf32, #tpu.memory_space<hbm>> -> memref<1x40x12x64xf32, #tpu.memory_space<hbm>>
      %dma_wait3A_704 = tpu.memref_squeeze %dma_wait3A_703 : memref<1x40x12x64xf32, #tpu.memory_space<hbm>> -> memref<40x12x64xf32, #tpu.memory_space<hbm>>
      %dma_wait3A_705 = arith.constant 0 : i32
      %dma_wait3A_706 = arith.constant 0 : i32
      %dma_wait3A_707 = tpu.memref_slice %arg2[%select_n3A, %add3A_700, %dma_wait3A_705, %dma_wait3A_706] : memref<8x4096x12x64xf32, #tpu.memory_space<hbm>> -> memref<1x40x12x64xf32, #tpu.memory_space<hbm>>
      %dma_wait3A_708 = tpu.memref_squeeze %dma_wait3A_707 : memref<1x40x12x64xf32, #tpu.memory_space<hbm>> -> memref<40x12x64xf32, #tpu.memory_space<hbm>>
      tpu.wait_dma2 semaphore(%arg7 : memref<!tpu.dma_semaphore, #tpu.memory_space<semaphore_mem>>) src(%dma_wait3A_708 : memref<40x12x64xf32, #tpu.memory_space<hbm>>) dst(%run_scoped3A : memref<40x12x64xf32, #tpu.memory_space<vmem>>)
      %add3A_709 = arith.constant 640 : i32
      %add3A_710 = arith.addi %add3A_39, %add3A_709 : i32
      %dma_start3A_711 = arith.constant 0 : i32
      %dma_start3A_712 = arith.constant 0 : i32
      %dma_start3A_713 = tpu.memref_slice %arg5[%select_n3A, %add3A_710, %dma_start3A_711, %dma_start3A_712] : memref<8x4096x12x64xf32, #tpu.memory_space<hbm>> -> memref<1x40x12x64xf32, #tpu.memory_space<hbm>>
      %dma_start3A_714 = tpu.memref_squeeze %dma_start3A_713 : memref<1x40x12x64xf32, #tpu.memory_space<hbm>> -> memref<40x12x64xf32, #tpu.memory_space<hbm>>
      %dma_start3A_715 = arith.constant 0 : i32
      %dma_start3A_716 = arith.constant 0 : i32
      %dma_start3A_717 = tpu.memref_slice %arg5[%select_n3A, %add3A_710, %dma_start3A_715, %dma_start3A_716] : memref<8x4096x12x64xf32, #tpu.memory_space<hbm>> -> memref<1x40x12x64xf32, #tpu.memory_space<hbm>>
      %dma_start3A_718 = tpu.memref_squeeze %dma_start3A_717 : memref<1x40x12x64xf32, #tpu.memory_space<hbm>> -> memref<40x12x64xf32, #tpu.memory_space<hbm>>
      tpu.enqueue_dma source(%run_scoped3A : memref<40x12x64xf32, #tpu.memory_space<vmem>>) target(%dma_start3A_718 : memref<40x12x64xf32, #tpu.memory_space<hbm>>) target_semaphore(%arg9 : memref<!tpu.dma_semaphore, #tpu.memory_space<semaphore_mem>>)
      %add3A_719 = arith.constant 640 : i32
      %add3A_720 = arith.addi %add3A_39, %add3A_719 : i32
      %dma_wait3A_721 = arith.constant 0 : i32
      %dma_wait3A_722 = arith.constant 0 : i32
      %dma_wait3A_723 = tpu.memref_slice %arg5[%select_n3A, %add3A_720, %dma_wait3A_721, %dma_wait3A_722] : memref<8x4096x12x64xf32, #tpu.memory_space<hbm>> -> memref<1x40x12x64xf32, #tpu.memory_space<hbm>>
      %dma_wait3A_724 = tpu.memref_squeeze %dma_wait3A_723 : memref<1x40x12x64xf32, #tpu.memory_space<hbm>> -> memref<40x12x64xf32, #tpu.memory_space<hbm>>
      %dma_wait3A_725 = arith.constant 0 : i32
      %dma_wait3A_726 = arith.constant 0 : i32
      %dma_wait3A_727 = tpu.memref_slice %arg5[%select_n3A, %add3A_720, %dma_wait3A_725, %dma_wait3A_726] : memref<8x4096x12x64xf32, #tpu.memory_space<hbm>> -> memref<1x40x12x64xf32, #tpu.memory_space<hbm>>
      %dma_wait3A_728 = tpu.memref_squeeze %dma_wait3A_727 : memref<1x40x12x64xf32, #tpu.memory_space<hbm>> -> memref<40x12x64xf32, #tpu.memory_space<hbm>>
      tpu.wait_dma2 semaphore(%arg9 : memref<!tpu.dma_semaphore, #tpu.memory_space<semaphore_mem>>) src(%run_scoped3A : memref<40x12x64xf32, #tpu.memory_space<vmem>>) dst(%dma_wait3A_728 : memref<40x12x64xf32, #tpu.memory_space<hbm>>)
      %add3A_729 = arith.constant 720 : i32
      %add3A_730 = arith.addi %add3A_35, %add3A_729 : i32
      %dma_start3A_731 = arith.constant 0 : i32
      %dma_start3A_732 = arith.constant 0 : i32
      %dma_start3A_733 = tpu.memref_slice %arg2[%select_n3A, %add3A_730, %dma_start3A_731, %dma_start3A_732] : memref<8x4096x12x64xf32, #tpu.memory_space<hbm>> -> memref<1x40x12x64xf32, #tpu.memory_space<hbm>>
      %dma_start3A_734 = tpu.memref_squeeze %dma_start3A_733 : memref<1x40x12x64xf32, #tpu.memory_space<hbm>> -> memref<40x12x64xf32, #tpu.memory_space<hbm>>
      %dma_start3A_735 = arith.constant 0 : i32
      %dma_start3A_736 = arith.constant 0 : i32
      %dma_start3A_737 = tpu.memref_slice %arg2[%select_n3A, %add3A_730, %dma_start3A_735, %dma_start3A_736] : memref<8x4096x12x64xf32, #tpu.memory_space<hbm>> -> memref<1x40x12x64xf32, #tpu.memory_space<hbm>>
      %dma_start3A_738 = tpu.memref_squeeze %dma_start3A_737 : memref<1x40x12x64xf32, #tpu.memory_space<hbm>> -> memref<40x12x64xf32, #tpu.memory_space<hbm>>
      tpu.enqueue_dma source(%dma_start3A_738 : memref<40x12x64xf32, #tpu.memory_space<hbm>>) target(%run_scoped3A : memref<40x12x64xf32, #tpu.memory_space<vmem>>) target_semaphore(%arg7 : memref<!tpu.dma_semaphore, #tpu.memory_space<semaphore_mem>>)
      %add3A_739 = arith.constant 680 : i32
      %add3A_740 = arith.addi %add3A_35, %add3A_739 : i32
      %dma_wait3A_741 = arith.constant 0 : i32
      %dma_wait3A_742 = arith.constant 0 : i32
      %dma_wait3A_743 = tpu.memref_slice %arg2[%select_n3A, %add3A_740, %dma_wait3A_741, %dma_wait3A_742] : memref<8x4096x12x64xf32, #tpu.memory_space<hbm>> -> memref<1x40x12x64xf32, #tpu.memory_space<hbm>>
      %dma_wait3A_744 = tpu.memref_squeeze %dma_wait3A_743 : memref<1x40x12x64xf32, #tpu.memory_space<hbm>> -> memref<40x12x64xf32, #tpu.memory_space<hbm>>
      %dma_wait3A_745 = arith.constant 0 : i32
      %dma_wait3A_746 = arith.constant 0 : i32
      %dma_wait3A_747 = tpu.memref_slice %arg2[%select_n3A, %add3A_740, %dma_wait3A_745, %dma_wait3A_746] : memref<8x4096x12x64xf32, #tpu.memory_space<hbm>> -> memref<1x40x12x64xf32, #tpu.memory_space<hbm>>
      %dma_wait3A_748 = tpu.memref_squeeze %dma_wait3A_747 : memref<1x40x12x64xf32, #tpu.memory_space<hbm>> -> memref<40x12x64xf32, #tpu.memory_space<hbm>>
      tpu.wait_dma2 semaphore(%arg8 : memref<!tpu.dma_semaphore, #tpu.memory_space<semaphore_mem>>) src(%dma_wait3A_748 : memref<40x12x64xf32, #tpu.memory_space<hbm>>) dst(%run_scoped3A_40 : memref<40x12x64xf32, #tpu.memory_space<vmem>>)
      %add3A_749 = arith.constant 680 : i32
      %add3A_750 = arith.addi %add3A_39, %add3A_749 : i32
      %dma_start3A_751 = arith.constant 0 : i32
      %dma_start3A_752 = arith.constant 0 : i32
      %dma_start3A_753 = tpu.memref_slice %arg5[%select_n3A, %add3A_750, %dma_start3A_751, %dma_start3A_752] : memref<8x4096x12x64xf32, #tpu.memory_space<hbm>> -> memref<1x40x12x64xf32, #tpu.memory_space<hbm>>
      %dma_start3A_754 = tpu.memref_squeeze %dma_start3A_753 : memref<1x40x12x64xf32, #tpu.memory_space<hbm>> -> memref<40x12x64xf32, #tpu.memory_space<hbm>>
      %dma_start3A_755 = arith.constant 0 : i32
      %dma_start3A_756 = arith.constant 0 : i32
      %dma_start3A_757 = tpu.memref_slice %arg5[%select_n3A, %add3A_750, %dma_start3A_755, %dma_start3A_756] : memref<8x4096x12x64xf32, #tpu.memory_space<hbm>> -> memref<1x40x12x64xf32, #tpu.memory_space<hbm>>
      %dma_start3A_758 = tpu.memref_squeeze %dma_start3A_757 : memref<1x40x12x64xf32, #tpu.memory_space<hbm>> -> memref<40x12x64xf32, #tpu.memory_space<hbm>>
      tpu.enqueue_dma source(%run_scoped3A_40 : memref<40x12x64xf32, #tpu.memory_space<vmem>>) target(%dma_start3A_758 : memref<40x12x64xf32, #tpu.memory_space<hbm>>) target_semaphore(%arg10 : memref<!tpu.dma_semaphore, #tpu.memory_space<semaphore_mem>>)
      %add3A_759 = arith.constant 680 : i32
      %add3A_760 = arith.addi %add3A_39, %add3A_759 : i32
      %dma_wait3A_761 = arith.constant 0 : i32
      %dma_wait3A_762 = arith.constant 0 : i32
      %dma_wait3A_763 = tpu.memref_slice %arg5[%select_n3A, %add3A_760, %dma_wait3A_761, %dma_wait3A_762] : memref<8x4096x12x64xf32, #tpu.memory_space<hbm>> -> memref<1x40x12x64xf32, #tpu.memory_space<hbm>>
      %dma_wait3A_764 = tpu.memref_squeeze %dma_wait3A_763 : memref<1x40x12x64xf32, #tpu.memory_space<hbm>> -> memref<40x12x64xf32, #tpu.memory_space<hbm>>
      %dma_wait3A_765 = arith.constant 0 : i32
      %dma_wait3A_766 = arith.constant 0 : i32
      %dma_wait3A_767 = tpu.memref_slice %arg5[%select_n3A, %add3A_760, %dma_wait3A_765, %dma_wait3A_766] : memref<8x4096x12x64xf32, #tpu.memory_space<hbm>> -> memref<1x40x12x64xf32, #tpu.memory_space<hbm>>
      %dma_wait3A_768 = tpu.memref_squeeze %dma_wait3A_767 : memref<1x40x12x64xf32, #tpu.memory_space<hbm>> -> memref<40x12x64xf32, #tpu.memory_space<hbm>>
      tpu.wait_dma2 semaphore(%arg10 : memref<!tpu.dma_semaphore, #tpu.memory_space<semaphore_mem>>) src(%run_scoped3A_40 : memref<40x12x64xf32, #tpu.memory_space<vmem>>) dst(%dma_wait3A_768 : memref<40x12x64xf32, #tpu.memory_space<hbm>>)
      %add3A_769 = arith.constant 760 : i32
      %add3A_770 = arith.addi %add3A_35, %add3A_769 : i32
      %dma_start3A_771 = arith.constant 0 : i32
      %dma_start3A_772 = arith.constant 0 : i32
      %dma_start3A_773 = tpu.memref_slice %arg2[%select_n3A, %add3A_770, %dma_start3A_771, %dma_start3A_772] : memref<8x4096x12x64xf32, #tpu.memory_space<hbm>> -> memref<1x40x12x64xf32, #tpu.memory_space<hbm>>
      %dma_start3A_774 = tpu.memref_squeeze %dma_start3A_773 : memref<1x40x12x64xf32, #tpu.memory_space<hbm>> -> memref<40x12x64xf32, #tpu.memory_space<hbm>>
      %dma_start3A_775 = arith.constant 0 : i32
      %dma_start3A_776 = arith.constant 0 : i32
      %dma_start3A_777 = tpu.memref_slice %arg2[%select_n3A, %add3A_770, %dma_start3A_775, %dma_start3A_776] : memref<8x4096x12x64xf32, #tpu.memory_space<hbm>> -> memref<1x40x12x64xf32, #tpu.memory_space<hbm>>
      %dma_start3A_778 = tpu.memref_squeeze %dma_start3A_777 : memref<1x40x12x64xf32, #tpu.memory_space<hbm>> -> memref<40x12x64xf32, #tpu.memory_space<hbm>>
      tpu.enqueue_dma source(%dma_start3A_778 : memref<40x12x64xf32, #tpu.memory_space<hbm>>) target(%run_scoped3A_40 : memref<40x12x64xf32, #tpu.memory_space<vmem>>) target_semaphore(%arg8 : memref<!tpu.dma_semaphore, #tpu.memory_space<semaphore_mem>>)
      %add3A_779 = arith.constant 720 : i32
      %add3A_780 = arith.addi %add3A_35, %add3A_779 : i32
      %dma_wait3A_781 = arith.constant 0 : i32
      %dma_wait3A_782 = arith.constant 0 : i32
      %dma_wait3A_783 = tpu.memref_slice %arg2[%select_n3A, %add3A_780, %dma_wait3A_781, %dma_wait3A_782] : memref<8x4096x12x64xf32, #tpu.memory_space<hbm>> -> memref<1x40x12x64xf32, #tpu.memory_space<hbm>>
      %dma_wait3A_784 = tpu.memref_squeeze %dma_wait3A_783 : memref<1x40x12x64xf32, #tpu.memory_space<hbm>> -> memref<40x12x64xf32, #tpu.memory_space<hbm>>
      %dma_wait3A_785 = arith.constant 0 : i32
      %dma_wait3A_786 = arith.constant 0 : i32
      %dma_wait3A_787 = tpu.memref_slice %arg2[%select_n3A, %add3A_780, %dma_wait3A_785, %dma_wait3A_786] : memref<8x4096x12x64xf32, #tpu.memory_space<hbm>> -> memref<1x40x12x64xf32, #tpu.memory_space<hbm>>
      %dma_wait3A_788 = tpu.memref_squeeze %dma_wait3A_787 : memref<1x40x12x64xf32, #tpu.memory_space<hbm>> -> memref<40x12x64xf32, #tpu.memory_space<hbm>>
      tpu.wait_dma2 semaphore(%arg7 : memref<!tpu.dma_semaphore, #tpu.memory_space<semaphore_mem>>) src(%dma_wait3A_788 : memref<40x12x64xf32, #tpu.memory_space<hbm>>) dst(%run_scoped3A : memref<40x12x64xf32, #tpu.memory_space<vmem>>)
      %add3A_789 = arith.constant 720 : i32
      %add3A_790 = arith.addi %add3A_39, %add3A_789 : i32
      %dma_start3A_791 = arith.constant 0 : i32
      %dma_start3A_792 = arith.constant 0 : i32
      %dma_start3A_793 = tpu.memref_slice %arg5[%select_n3A, %add3A_790, %dma_start3A_791, %dma_start3A_792] : memref<8x4096x12x64xf32, #tpu.memory_space<hbm>> -> memref<1x40x12x64xf32, #tpu.memory_space<hbm>>
      %dma_start3A_794 = tpu.memref_squeeze %dma_start3A_793 : memref<1x40x12x64xf32, #tpu.memory_space<hbm>> -> memref<40x12x64xf32, #tpu.memory_space<hbm>>
      %dma_start3A_795 = arith.constant 0 : i32
      %dma_start3A_796 = arith.constant 0 : i32
      %dma_start3A_797 = tpu.memref_slice %arg5[%select_n3A, %add3A_790, %dma_start3A_795, %dma_start3A_796] : memref<8x4096x12x64xf32, #tpu.memory_space<hbm>> -> memref<1x40x12x64xf32, #tpu.memory_space<hbm>>
      %dma_start3A_798 = tpu.memref_squeeze %dma_start3A_797 : memref<1x40x12x64xf32, #tpu.memory_space<hbm>> -> memref<40x12x64xf32, #tpu.memory_space<hbm>>
      tpu.enqueue_dma source(%run_scoped3A : memref<40x12x64xf32, #tpu.memory_space<vmem>>) target(%dma_start3A_798 : memref<40x12x64xf32, #tpu.memory_space<hbm>>) target_semaphore(%arg9 : memref<!tpu.dma_semaphore, #tpu.memory_space<semaphore_mem>>)
      %add3A_799 = arith.constant 720 : i32
      %add3A_800 = arith.addi %add3A_39, %add3A_799 : i32
      %dma_wait3A_801 = arith.constant 0 : i32
      %dma_wait3A_802 = arith.constant 0 : i32
      %dma_wait3A_803 = tpu.memref_slice %arg5[%select_n3A, %add3A_800, %dma_wait3A_801, %dma_wait3A_802] : memref<8x4096x12x64xf32, #tpu.memory_space<hbm>> -> memref<1x40x12x64xf32, #tpu.memory_space<hbm>>
      %dma_wait3A_804 = tpu.memref_squeeze %dma_wait3A_803 : memref<1x40x12x64xf32, #tpu.memory_space<hbm>> -> memref<40x12x64xf32, #tpu.memory_space<hbm>>
      %dma_wait3A_805 = arith.constant 0 : i32
      %dma_wait3A_806 = arith.constant 0 : i32
      %dma_wait3A_807 = tpu.memref_slice %arg5[%select_n3A, %add3A_800, %dma_wait3A_805, %dma_wait3A_806] : memref<8x4096x12x64xf32, #tpu.memory_space<hbm>> -> memref<1x40x12x64xf32, #tpu.memory_space<hbm>>
      %dma_wait3A_808 = tpu.memref_squeeze %dma_wait3A_807 : memref<1x40x12x64xf32, #tpu.memory_space<hbm>> -> memref<40x12x64xf32, #tpu.memory_space<hbm>>
      tpu.wait_dma2 semaphore(%arg9 : memref<!tpu.dma_semaphore, #tpu.memory_space<semaphore_mem>>) src(%run_scoped3A : memref<40x12x64xf32, #tpu.memory_space<vmem>>) dst(%dma_wait3A_808 : memref<40x12x64xf32, #tpu.memory_space<hbm>>)
      %add3A_809 = arith.constant 800 : i32
      %add3A_810 = arith.addi %add3A_35, %add3A_809 : i32
      %dma_start3A_811 = arith.constant 0 : i32
      %dma_start3A_812 = arith.constant 0 : i32
      %dma_start3A_813 = tpu.memref_slice %arg2[%select_n3A, %add3A_810, %dma_start3A_811, %dma_start3A_812] : memref<8x4096x12x64xf32, #tpu.memory_space<hbm>> -> memref<1x40x12x64xf32, #tpu.memory_space<hbm>>
      %dma_start3A_814 = tpu.memref_squeeze %dma_start3A_813 : memref<1x40x12x64xf32, #tpu.memory_space<hbm>> -> memref<40x12x64xf32, #tpu.memory_space<hbm>>
      %dma_start3A_815 = arith.constant 0 : i32
      %dma_start3A_816 = arith.constant 0 : i32
      %dma_start3A_817 = tpu.memref_slice %arg2[%select_n3A, %add3A_810, %dma_start3A_815, %dma_start3A_816] : memref<8x4096x12x64xf32, #tpu.memory_space<hbm>> -> memref<1x40x12x64xf32, #tpu.memory_space<hbm>>
      %dma_start3A_818 = tpu.memref_squeeze %dma_start3A_817 : memref<1x40x12x64xf32, #tpu.memory_space<hbm>> -> memref<40x12x64xf32, #tpu.memory_space<hbm>>
      tpu.enqueue_dma source(%dma_start3A_818 : memref<40x12x64xf32, #tpu.memory_space<hbm>>) target(%run_scoped3A : memref<40x12x64xf32, #tpu.memory_space<vmem>>) target_semaphore(%arg7 : memref<!tpu.dma_semaphore, #tpu.memory_space<semaphore_mem>>)
      %add3A_819 = arith.constant 760 : i32
      %add3A_820 = arith.addi %add3A_35, %add3A_819 : i32
      %dma_wait3A_821 = arith.constant 0 : i32
      %dma_wait3A_822 = arith.constant 0 : i32
      %dma_wait3A_823 = tpu.memref_slice %arg2[%select_n3A, %add3A_820, %dma_wait3A_821, %dma_wait3A_822] : memref<8x4096x12x64xf32, #tpu.memory_space<hbm>> -> memref<1x40x12x64xf32, #tpu.memory_space<hbm>>
      %dma_wait3A_824 = tpu.memref_squeeze %dma_wait3A_823 : memref<1x40x12x64xf32, #tpu.memory_space<hbm>> -> memref<40x12x64xf32, #tpu.memory_space<hbm>>
      %dma_wait3A_825 = arith.constant 0 : i32
      %dma_wait3A_826 = arith.constant 0 : i32
      %dma_wait3A_827 = tpu.memref_slice %arg2[%select_n3A, %add3A_820, %dma_wait3A_825, %dma_wait3A_826] : memref<8x4096x12x64xf32, #tpu.memory_space<hbm>> -> memref<1x40x12x64xf32, #tpu.memory_space<hbm>>
      %dma_wait3A_828 = tpu.memref_squeeze %dma_wait3A_827 : memref<1x40x12x64xf32, #tpu.memory_space<hbm>> -> memref<40x12x64xf32, #tpu.memory_space<hbm>>
      tpu.wait_dma2 semaphore(%arg8 : memref<!tpu.dma_semaphore, #tpu.memory_space<semaphore_mem>>) src(%dma_wait3A_828 : memref<40x12x64xf32, #tpu.memory_space<hbm>>) dst(%run_scoped3A_40 : memref<40x12x64xf32, #tpu.memory_space<vmem>>)
      %add3A_829 = arith.constant 760 : i32
      %add3A_830 = arith.addi %add3A_39, %add3A_829 : i32
      %dma_start3A_831 = arith.constant 0 : i32
      %dma_start3A_832 = arith.constant 0 : i32
      %dma_start3A_833 = tpu.memref_slice %arg5[%select_n3A, %add3A_830, %dma_start3A_831, %dma_start3A_832] : memref<8x4096x12x64xf32, #tpu.memory_space<hbm>> -> memref<1x40x12x64xf32, #tpu.memory_space<hbm>>
      %dma_start3A_834 = tpu.memref_squeeze %dma_start3A_833 : memref<1x40x12x64xf32, #tpu.memory_space<hbm>> -> memref<40x12x64xf32, #tpu.memory_space<hbm>>
      %dma_start3A_835 = arith.constant 0 : i32
      %dma_start3A_836 = arith.constant 0 : i32
      %dma_start3A_837 = tpu.memref_slice %arg5[%select_n3A, %add3A_830, %dma_start3A_835, %dma_start3A_836] : memref<8x4096x12x64xf32, #tpu.memory_space<hbm>> -> memref<1x40x12x64xf32, #tpu.memory_space<hbm>>
      %dma_start3A_838 = tpu.memref_squeeze %dma_start3A_837 : memref<1x40x12x64xf32, #tpu.memory_space<hbm>> -> memref<40x12x64xf32, #tpu.memory_space<hbm>>
      tpu.enqueue_dma source(%run_scoped3A_40 : memref<40x12x64xf32, #tpu.memory_space<vmem>>) target(%dma_start3A_838 : memref<40x12x64xf32, #tpu.memory_space<hbm>>) target_semaphore(%arg10 : memref<!tpu.dma_semaphore, #tpu.memory_space<semaphore_mem>>)
      %add3A_839 = arith.constant 760 : i32
      %add3A_840 = arith.addi %add3A_39, %add3A_839 : i32
      %dma_wait3A_841 = arith.constant 0 : i32
      %dma_wait3A_842 = arith.constant 0 : i32
      %dma_wait3A_843 = tpu.memref_slice %arg5[%select_n3A, %add3A_840, %dma_wait3A_841, %dma_wait3A_842] : memref<8x4096x12x64xf32, #tpu.memory_space<hbm>> -> memref<1x40x12x64xf32, #tpu.memory_space<hbm>>
      %dma_wait3A_844 = tpu.memref_squeeze %dma_wait3A_843 : memref<1x40x12x64xf32, #tpu.memory_space<hbm>> -> memref<40x12x64xf32, #tpu.memory_space<hbm>>
      %dma_wait3A_845 = arith.constant 0 : i32
      %dma_wait3A_846 = arith.constant 0 : i32
      %dma_wait3A_847 = tpu.memref_slice %arg5[%select_n3A, %add3A_840, %dma_wait3A_845, %dma_wait3A_846] : memref<8x4096x12x64xf32, #tpu.memory_space<hbm>> -> memref<1x40x12x64xf32, #tpu.memory_space<hbm>>
      %dma_wait3A_848 = tpu.memref_squeeze %dma_wait3A_847 : memref<1x40x12x64xf32, #tpu.memory_space<hbm>> -> memref<40x12x64xf32, #tpu.memory_space<hbm>>
      tpu.wait_dma2 semaphore(%arg10 : memref<!tpu.dma_semaphore, #tpu.memory_space<semaphore_mem>>) src(%run_scoped3A_40 : memref<40x12x64xf32, #tpu.memory_space<vmem>>) dst(%dma_wait3A_848 : memref<40x12x64xf32, #tpu.memory_space<hbm>>)
      %add3A_849 = arith.constant 840 : i32
      %add3A_850 = arith.addi %add3A_35, %add3A_849 : i32
      %dma_start3A_851 = arith.constant 0 : i32
      %dma_start3A_852 = arith.constant 0 : i32
      %dma_start3A_853 = tpu.memref_slice %arg2[%select_n3A, %add3A_850, %dma_start3A_851, %dma_start3A_852] : memref<8x4096x12x64xf32, #tpu.memory_space<hbm>> -> memref<1x40x12x64xf32, #tpu.memory_space<hbm>>
      %dma_start3A_854 = tpu.memref_squeeze %dma_start3A_853 : memref<1x40x12x64xf32, #tpu.memory_space<hbm>> -> memref<40x12x64xf32, #tpu.memory_space<hbm>>
      %dma_start3A_855 = arith.constant 0 : i32
      %dma_start3A_856 = arith.constant 0 : i32
      %dma_start3A_857 = tpu.memref_slice %arg2[%select_n3A, %add3A_850, %dma_start3A_855, %dma_start3A_856] : memref<8x4096x12x64xf32, #tpu.memory_space<hbm>> -> memref<1x40x12x64xf32, #tpu.memory_space<hbm>>
      %dma_start3A_858 = tpu.memref_squeeze %dma_start3A_857 : memref<1x40x12x64xf32, #tpu.memory_space<hbm>> -> memref<40x12x64xf32, #tpu.memory_space<hbm>>
      tpu.enqueue_dma source(%dma_start3A_858 : memref<40x12x64xf32, #tpu.memory_space<hbm>>) target(%run_scoped3A_40 : memref<40x12x64xf32, #tpu.memory_space<vmem>>) target_semaphore(%arg8 : memref<!tpu.dma_semaphore, #tpu.memory_space<semaphore_mem>>)
      %add3A_859 = arith.constant 800 : i32
      %add3A_860 = arith.addi %add3A_35, %add3A_859 : i32
      %dma_wait3A_861 = arith.constant 0 : i32
      %dma_wait3A_862 = arith.constant 0 : i32
      %dma_wait3A_863 = tpu.memref_slice %arg2[%select_n3A, %add3A_860, %dma_wait3A_861, %dma_wait3A_862] : memref<8x4096x12x64xf32, #tpu.memory_space<hbm>> -> memref<1x40x12x64xf32, #tpu.memory_space<hbm>>
      %dma_wait3A_864 = tpu.memref_squeeze %dma_wait3A_863 : memref<1x40x12x64xf32, #tpu.memory_space<hbm>> -> memref<40x12x64xf32, #tpu.memory_space<hbm>>
      %dma_wait3A_865 = arith.constant 0 : i32
      %dma_wait3A_866 = arith.constant 0 : i32
      %dma_wait3A_867 = tpu.memref_slice %arg2[%select_n3A, %add3A_860, %dma_wait3A_865, %dma_wait3A_866] : memref<8x4096x12x64xf32, #tpu.memory_space<hbm>> -> memref<1x40x12x64xf32, #tpu.memory_space<hbm>>
      %dma_wait3A_868 = tpu.memref_squeeze %dma_wait3A_867 : memref<1x40x12x64xf32, #tpu.memory_space<hbm>> -> memref<40x12x64xf32, #tpu.memory_space<hbm>>
      tpu.wait_dma2 semaphore(%arg7 : memref<!tpu.dma_semaphore, #tpu.memory_space<semaphore_mem>>) src(%dma_wait3A_868 : memref<40x12x64xf32, #tpu.memory_space<hbm>>) dst(%run_scoped3A : memref<40x12x64xf32, #tpu.memory_space<vmem>>)
      %add3A_869 = arith.constant 800 : i32
      %add3A_870 = arith.addi %add3A_39, %add3A_869 : i32
      %dma_start3A_871 = arith.constant 0 : i32
      %dma_start3A_872 = arith.constant 0 : i32
      %dma_start3A_873 = tpu.memref_slice %arg5[%select_n3A, %add3A_870, %dma_start3A_871, %dma_start3A_872] : memref<8x4096x12x64xf32, #tpu.memory_space<hbm>> -> memref<1x40x12x64xf32, #tpu.memory_space<hbm>>
      %dma_start3A_874 = tpu.memref_squeeze %dma_start3A_873 : memref<1x40x12x64xf32, #tpu.memory_space<hbm>> -> memref<40x12x64xf32, #tpu.memory_space<hbm>>
      %dma_start3A_875 = arith.constant 0 : i32
      %dma_start3A_876 = arith.constant 0 : i32
      %dma_start3A_877 = tpu.memref_slice %arg5[%select_n3A, %add3A_870, %dma_start3A_875, %dma_start3A_876] : memref<8x4096x12x64xf32, #tpu.memory_space<hbm>> -> memref<1x40x12x64xf32, #tpu.memory_space<hbm>>
      %dma_start3A_878 = tpu.memref_squeeze %dma_start3A_877 : memref<1x40x12x64xf32, #tpu.memory_space<hbm>> -> memref<40x12x64xf32, #tpu.memory_space<hbm>>
      tpu.enqueue_dma source(%run_scoped3A : memref<40x12x64xf32, #tpu.memory_space<vmem>>) target(%dma_start3A_878 : memref<40x12x64xf32, #tpu.memory_space<hbm>>) target_semaphore(%arg9 : memref<!tpu.dma_semaphore, #tpu.memory_space<semaphore_mem>>)
      %add3A_879 = arith.constant 800 : i32
      %add3A_880 = arith.addi %add3A_39, %add3A_879 : i32
      %dma_wait3A_881 = arith.constant 0 : i32
      %dma_wait3A_882 = arith.constant 0 : i32
      %dma_wait3A_883 = tpu.memref_slice %arg5[%select_n3A, %add3A_880, %dma_wait3A_881, %dma_wait3A_882] : memref<8x4096x12x64xf32, #tpu.memory_space<hbm>> -> memref<1x40x12x64xf32, #tpu.memory_space<hbm>>
      %dma_wait3A_884 = tpu.memref_squeeze %dma_wait3A_883 : memref<1x40x12x64xf32, #tpu.memory_space<hbm>> -> memref<40x12x64xf32, #tpu.memory_space<hbm>>
      %dma_wait3A_885 = arith.constant 0 : i32
      %dma_wait3A_886 = arith.constant 0 : i32
      %dma_wait3A_887 = tpu.memref_slice %arg5[%select_n3A, %add3A_880, %dma_wait3A_885, %dma_wait3A_886] : memref<8x4096x12x64xf32, #tpu.memory_space<hbm>> -> memref<1x40x12x64xf32, #tpu.memory_space<hbm>>
      %dma_wait3A_888 = tpu.memref_squeeze %dma_wait3A_887 : memref<1x40x12x64xf32, #tpu.memory_space<hbm>> -> memref<40x12x64xf32, #tpu.memory_space<hbm>>
      tpu.wait_dma2 semaphore(%arg9 : memref<!tpu.dma_semaphore, #tpu.memory_space<semaphore_mem>>) src(%run_scoped3A : memref<40x12x64xf32, #tpu.memory_space<vmem>>) dst(%dma_wait3A_888 : memref<40x12x64xf32, #tpu.memory_space<hbm>>)
      %add3A_889 = arith.constant 880 : i32
      %add3A_890 = arith.addi %add3A_35, %add3A_889 : i32
      %dma_start3A_891 = arith.constant 0 : i32
      %dma_start3A_892 = arith.constant 0 : i32
      %dma_start3A_893 = tpu.memref_slice %arg2[%select_n3A, %add3A_890, %dma_start3A_891, %dma_start3A_892] : memref<8x4096x12x64xf32, #tpu.memory_space<hbm>> -> memref<1x40x12x64xf32, #tpu.memory_space<hbm>>
      %dma_start3A_894 = tpu.memref_squeeze %dma_start3A_893 : memref<1x40x12x64xf32, #tpu.memory_space<hbm>> -> memref<40x12x64xf32, #tpu.memory_space<hbm>>
      %dma_start3A_895 = arith.constant 0 : i32
      %dma_start3A_896 = arith.constant 0 : i32
      %dma_start3A_897 = tpu.memref_slice %arg2[%select_n3A, %add3A_890, %dma_start3A_895, %dma_start3A_896] : memref<8x4096x12x64xf32, #tpu.memory_space<hbm>> -> memref<1x40x12x64xf32, #tpu.memory_space<hbm>>
      %dma_start3A_898 = tpu.memref_squeeze %dma_start3A_897 : memref<1x40x12x64xf32, #tpu.memory_space<hbm>> -> memref<40x12x64xf32, #tpu.memory_space<hbm>>
      tpu.enqueue_dma source(%dma_start3A_898 : memref<40x12x64xf32, #tpu.memory_space<hbm>>) target(%run_scoped3A : memref<40x12x64xf32, #tpu.memory_space<vmem>>) target_semaphore(%arg7 : memref<!tpu.dma_semaphore, #tpu.memory_space<semaphore_mem>>)
      %add3A_899 = arith.constant 840 : i32
      %add3A_900 = arith.addi %add3A_35, %add3A_899 : i32
      %dma_wait3A_901 = arith.constant 0 : i32
      %dma_wait3A_902 = arith.constant 0 : i32
      %dma_wait3A_903 = tpu.memref_slice %arg2[%select_n3A, %add3A_900, %dma_wait3A_901, %dma_wait3A_902] : memref<8x4096x12x64xf32, #tpu.memory_space<hbm>> -> memref<1x40x12x64xf32, #tpu.memory_space<hbm>>
      %dma_wait3A_904 = tpu.memref_squeeze %dma_wait3A_903 : memref<1x40x12x64xf32, #tpu.memory_space<hbm>> -> memref<40x12x64xf32, #tpu.memory_space<hbm>>
      %dma_wait3A_905 = arith.constant 0 : i32
      %dma_wait3A_906 = arith.constant 0 : i32
      %dma_wait3A_907 = tpu.memref_slice %arg2[%select_n3A, %add3A_900, %dma_wait3A_905, %dma_wait3A_906] : memref<8x4096x12x64xf32, #tpu.memory_space<hbm>> -> memref<1x40x12x64xf32, #tpu.memory_space<hbm>>
      %dma_wait3A_908 = tpu.memref_squeeze %dma_wait3A_907 : memref<1x40x12x64xf32, #tpu.memory_space<hbm>> -> memref<40x12x64xf32, #tpu.memory_space<hbm>>
      tpu.wait_dma2 semaphore(%arg8 : memref<!tpu.dma_semaphore, #tpu.memory_space<semaphore_mem>>) src(%dma_wait3A_908 : memref<40x12x64xf32, #tpu.memory_space<hbm>>) dst(%run_scoped3A_40 : memref<40x12x64xf32, #tpu.memory_space<vmem>>)
      %add3A_909 = arith.constant 840 : i32
      %add3A_910 = arith.addi %add3A_39, %add3A_909 : i32
      %dma_start3A_911 = arith.constant 0 : i32
      %dma_start3A_912 = arith.constant 0 : i32
      %dma_start3A_913 = tpu.memref_slice %arg5[%select_n3A, %add3A_910, %dma_start3A_911, %dma_start3A_912] : memref<8x4096x12x64xf32, #tpu.memory_space<hbm>> -> memref<1x40x12x64xf32, #tpu.memory_space<hbm>>
      %dma_start3A_914 = tpu.memref_squeeze %dma_start3A_913 : memref<1x40x12x64xf32, #tpu.memory_space<hbm>> -> memref<40x12x64xf32, #tpu.memory_space<hbm>>
      %dma_start3A_915 = arith.constant 0 : i32
      %dma_start3A_916 = arith.constant 0 : i32
      %dma_start3A_917 = tpu.memref_slice %arg5[%select_n3A, %add3A_910, %dma_start3A_915, %dma_start3A_916] : memref<8x4096x12x64xf32, #tpu.memory_space<hbm>> -> memref<1x40x12x64xf32, #tpu.memory_space<hbm>>
      %dma_start3A_918 = tpu.memref_squeeze %dma_start3A_917 : memref<1x40x12x64xf32, #tpu.memory_space<hbm>> -> memref<40x12x64xf32, #tpu.memory_space<hbm>>
      tpu.enqueue_dma source(%run_scoped3A_40 : memref<40x12x64xf32, #tpu.memory_space<vmem>>) target(%dma_start3A_918 : memref<40x12x64xf32, #tpu.memory_space<hbm>>) target_semaphore(%arg10 : memref<!tpu.dma_semaphore, #tpu.memory_space<semaphore_mem>>)
      %add3A_919 = arith.constant 840 : i32
      %add3A_920 = arith.addi %add3A_39, %add3A_919 : i32
      %dma_wait3A_921 = arith.constant 0 : i32
      %dma_wait3A_922 = arith.constant 0 : i32
      %dma_wait3A_923 = tpu.memref_slice %arg5[%select_n3A, %add3A_920, %dma_wait3A_921, %dma_wait3A_922] : memref<8x4096x12x64xf32, #tpu.memory_space<hbm>> -> memref<1x40x12x64xf32, #tpu.memory_space<hbm>>
      %dma_wait3A_924 = tpu.memref_squeeze %dma_wait3A_923 : memref<1x40x12x64xf32, #tpu.memory_space<hbm>> -> memref<40x12x64xf32, #tpu.memory_space<hbm>>
      %dma_wait3A_925 = arith.constant 0 : i32
      %dma_wait3A_926 = arith.constant 0 : i32
      %dma_wait3A_927 = tpu.memref_slice %arg5[%select_n3A, %add3A_920, %dma_wait3A_925, %dma_wait3A_926] : memref<8x4096x12x64xf32, #tpu.memory_space<hbm>> -> memref<1x40x12x64xf32, #tpu.memory_space<hbm>>
      %dma_wait3A_928 = tpu.memref_squeeze %dma_wait3A_927 : memref<1x40x12x64xf32, #tpu.memory_space<hbm>> -> memref<40x12x64xf32, #tpu.memory_space<hbm>>
      tpu.wait_dma2 semaphore(%arg10 : memref<!tpu.dma_semaphore, #tpu.memory_space<semaphore_mem>>) src(%run_scoped3A_40 : memref<40x12x64xf32, #tpu.memory_space<vmem>>) dst(%dma_wait3A_928 : memref<40x12x64xf32, #tpu.memory_space<hbm>>)
      %add3A_929 = arith.constant 920 : i32
      %add3A_930 = arith.addi %add3A_35, %add3A_929 : i32
      %dma_start3A_931 = arith.constant 0 : i32
      %dma_start3A_932 = arith.constant 0 : i32
      %dma_start3A_933 = tpu.memref_slice %arg2[%select_n3A, %add3A_930, %dma_start3A_931, %dma_start3A_932] : memref<8x4096x12x64xf32, #tpu.memory_space<hbm>> -> memref<1x40x12x64xf32, #tpu.memory_space<hbm>>
      %dma_start3A_934 = tpu.memref_squeeze %dma_start3A_933 : memref<1x40x12x64xf32, #tpu.memory_space<hbm>> -> memref<40x12x64xf32, #tpu.memory_space<hbm>>
      %dma_start3A_935 = arith.constant 0 : i32
      %dma_start3A_936 = arith.constant 0 : i32
      %dma_start3A_937 = tpu.memref_slice %arg2[%select_n3A, %add3A_930, %dma_start3A_935, %dma_start3A_936] : memref<8x4096x12x64xf32, #tpu.memory_space<hbm>> -> memref<1x40x12x64xf32, #tpu.memory_space<hbm>>
      %dma_start3A_938 = tpu.memref_squeeze %dma_start3A_937 : memref<1x40x12x64xf32, #tpu.memory_space<hbm>> -> memref<40x12x64xf32, #tpu.memory_space<hbm>>
      tpu.enqueue_dma source(%dma_start3A_938 : memref<40x12x64xf32, #tpu.memory_space<hbm>>) target(%run_scoped3A_40 : memref<40x12x64xf32, #tpu.memory_space<vmem>>) target_semaphore(%arg8 : memref<!tpu.dma_semaphore, #tpu.memory_space<semaphore_mem>>)
      %add3A_939 = arith.constant 880 : i32
      %add3A_940 = arith.addi %add3A_35, %add3A_939 : i32
      %dma_wait3A_941 = arith.constant 0 : i32
      %dma_wait3A_942 = arith.constant 0 : i32
      %dma_wait3A_943 = tpu.memref_slice %arg2[%select_n3A, %add3A_940, %dma_wait3A_941, %dma_wait3A_942] : memref<8x4096x12x64xf32, #tpu.memory_space<hbm>> -> memref<1x40x12x64xf32, #tpu.memory_space<hbm>>
      %dma_wait3A_944 = tpu.memref_squeeze %dma_wait3A_943 : memref<1x40x12x64xf32, #tpu.memory_space<hbm>> -> memref<40x12x64xf32, #tpu.memory_space<hbm>>
      %dma_wait3A_945 = arith.constant 0 : i32
      %dma_wait3A_946 = arith.constant 0 : i32
      %dma_wait3A_947 = tpu.memref_slice %arg2[%select_n3A, %add3A_940, %dma_wait3A_945, %dma_wait3A_946] : memref<8x4096x12x64xf32, #tpu.memory_space<hbm>> -> memref<1x40x12x64xf32, #tpu.memory_space<hbm>>
      %dma_wait3A_948 = tpu.memref_squeeze %dma_wait3A_947 : memref<1x40x12x64xf32, #tpu.memory_space<hbm>> -> memref<40x12x64xf32, #tpu.memory_space<hbm>>
      tpu.wait_dma2 semaphore(%arg7 : memref<!tpu.dma_semaphore, #tpu.memory_space<semaphore_mem>>) src(%dma_wait3A_948 : memref<40x12x64xf32, #tpu.memory_space<hbm>>) dst(%run_scoped3A : memref<40x12x64xf32, #tpu.memory_space<vmem>>)
      %add3A_949 = arith.constant 880 : i32
      %add3A_950 = arith.addi %add3A_39, %add3A_949 : i32
      %dma_start3A_951 = arith.constant 0 : i32
      %dma_start3A_952 = arith.constant 0 : i32
      %dma_start3A_953 = tpu.memref_slice %arg5[%select_n3A, %add3A_950, %dma_start3A_951, %dma_start3A_952] : memref<8x4096x12x64xf32, #tpu.memory_space<hbm>> -> memref<1x40x12x64xf32, #tpu.memory_space<hbm>>
      %dma_start3A_954 = tpu.memref_squeeze %dma_start3A_953 : memref<1x40x12x64xf32, #tpu.memory_space<hbm>> -> memref<40x12x64xf32, #tpu.memory_space<hbm>>
      %dma_start3A_955 = arith.constant 0 : i32
      %dma_start3A_956 = arith.constant 0 : i32
      %dma_start3A_957 = tpu.memref_slice %arg5[%select_n3A, %add3A_950, %dma_start3A_955, %dma_start3A_956] : memref<8x4096x12x64xf32, #tpu.memory_space<hbm>> -> memref<1x40x12x64xf32, #tpu.memory_space<hbm>>
      %dma_start3A_958 = tpu.memref_squeeze %dma_start3A_957 : memref<1x40x12x64xf32, #tpu.memory_space<hbm>> -> memref<40x12x64xf32, #tpu.memory_space<hbm>>
      tpu.enqueue_dma source(%run_scoped3A : memref<40x12x64xf32, #tpu.memory_space<vmem>>) target(%dma_start3A_958 : memref<40x12x64xf32, #tpu.memory_space<hbm>>) target_semaphore(%arg9 : memref<!tpu.dma_semaphore, #tpu.memory_space<semaphore_mem>>)
      %add3A_959 = arith.constant 880 : i32
      %add3A_960 = arith.addi %add3A_39, %add3A_959 : i32
      %dma_wait3A_961 = arith.constant 0 : i32
      %dma_wait3A_962 = arith.constant 0 : i32
      %dma_wait3A_963 = tpu.memref_slice %arg5[%select_n3A, %add3A_960, %dma_wait3A_961, %dma_wait3A_962] : memref<8x4096x12x64xf32, #tpu.memory_space<hbm>> -> memref<1x40x12x64xf32, #tpu.memory_space<hbm>>
      %dma_wait3A_964 = tpu.memref_squeeze %dma_wait3A_963 : memref<1x40x12x64xf32, #tpu.memory_space<hbm>> -> memref<40x12x64xf32, #tpu.memory_space<hbm>>
      %dma_wait3A_965 = arith.constant 0 : i32
      %dma_wait3A_966 = arith.constant 0 : i32
      %dma_wait3A_967 = tpu.memref_slice %arg5[%select_n3A, %add3A_960, %dma_wait3A_965, %dma_wait3A_966] : memref<8x4096x12x64xf32, #tpu.memory_space<hbm>> -> memref<1x40x12x64xf32, #tpu.memory_space<hbm>>
      %dma_wait3A_968 = tpu.memref_squeeze %dma_wait3A_967 : memref<1x40x12x64xf32, #tpu.memory_space<hbm>> -> memref<40x12x64xf32, #tpu.memory_space<hbm>>
      tpu.wait_dma2 semaphore(%arg9 : memref<!tpu.dma_semaphore, #tpu.memory_space<semaphore_mem>>) src(%run_scoped3A : memref<40x12x64xf32, #tpu.memory_space<vmem>>) dst(%dma_wait3A_968 : memref<40x12x64xf32, #tpu.memory_space<hbm>>)
      %add3A_969 = arith.constant 960 : i32
      %add3A_970 = arith.addi %add3A_35, %add3A_969 : i32
      %dma_start3A_971 = arith.constant 0 : i32
      %dma_start3A_972 = arith.constant 0 : i32
      %dma_start3A_973 = tpu.memref_slice %arg2[%select_n3A, %add3A_970, %dma_start3A_971, %dma_start3A_972] : memref<8x4096x12x64xf32, #tpu.memory_space<hbm>> -> memref<1x40x12x64xf32, #tpu.memory_space<hbm>>
      %dma_start3A_974 = tpu.memref_squeeze %dma_start3A_973 : memref<1x40x12x64xf32, #tpu.memory_space<hbm>> -> memref<40x12x64xf32, #tpu.memory_space<hbm>>
      %dma_start3A_975 = arith.constant 0 : i32
      %dma_start3A_976 = arith.constant 0 : i32
      %dma_start3A_977 = tpu.memref_slice %arg2[%select_n3A, %add3A_970, %dma_start3A_975, %dma_start3A_976] : memref<8x4096x12x64xf32, #tpu.memory_space<hbm>> -> memref<1x40x12x64xf32, #tpu.memory_space<hbm>>
      %dma_start3A_978 = tpu.memref_squeeze %dma_start3A_977 : memref<1x40x12x64xf32, #tpu.memory_space<hbm>> -> memref<40x12x64xf32, #tpu.memory_space<hbm>>
      tpu.enqueue_dma source(%dma_start3A_978 : memref<40x12x64xf32, #tpu.memory_space<hbm>>) target(%run_scoped3A : memref<40x12x64xf32, #tpu.memory_space<vmem>>) target_semaphore(%arg7 : memref<!tpu.dma_semaphore, #tpu.memory_space<semaphore_mem>>)
      %add3A_979 = arith.constant 920 : i32
      %add3A_980 = arith.addi %add3A_35, %add3A_979 : i32
      %dma_wait3A_981 = arith.constant 0 : i32
      %dma_wait3A_982 = arith.constant 0 : i32
      %dma_wait3A_983 = tpu.memref_slice %arg2[%select_n3A, %add3A_980, %dma_wait3A_981, %dma_wait3A_982] : memref<8x4096x12x64xf32, #tpu.memory_space<hbm>> -> memref<1x40x12x64xf32, #tpu.memory_space<hbm>>
      %dma_wait3A_984 = tpu.memref_squeeze %dma_wait3A_983 : memref<1x40x12x64xf32, #tpu.memory_space<hbm>> -> memref<40x12x64xf32, #tpu.memory_space<hbm>>
      %dma_wait3A_985 = arith.constant 0 : i32
      %dma_wait3A_986 = arith.constant 0 : i32
      %dma_wait3A_987 = tpu.memref_slice %arg2[%select_n3A, %add3A_980, %dma_wait3A_985, %dma_wait3A_986] : memref<8x4096x12x64xf32, #tpu.memory_space<hbm>> -> memref<1x40x12x64xf32, #tpu.memory_space<hbm>>
      %dma_wait3A_988 = tpu.memref_squeeze %dma_wait3A_987 : memref<1x40x12x64xf32, #tpu.memory_space<hbm>> -> memref<40x12x64xf32, #tpu.memory_space<hbm>>
      tpu.wait_dma2 semaphore(%arg8 : memref<!tpu.dma_semaphore, #tpu.memory_space<semaphore_mem>>) src(%dma_wait3A_988 : memref<40x12x64xf32, #tpu.memory_space<hbm>>) dst(%run_scoped3A_40 : memref<40x12x64xf32, #tpu.memory_space<vmem>>)
      %add3A_989 = arith.constant 920 : i32
      %add3A_990 = arith.addi %add3A_39, %add3A_989 : i32
      %dma_start3A_991 = arith.constant 0 : i32
      %dma_start3A_992 = arith.constant 0 : i32
      %dma_start3A_993 = tpu.memref_slice %arg5[%select_n3A, %add3A_990, %dma_start3A_991, %dma_start3A_992] : memref<8x4096x12x64xf32, #tpu.memory_space<hbm>> -> memref<1x40x12x64xf32, #tpu.memory_space<hbm>>
      %dma_start3A_994 = tpu.memref_squeeze %dma_start3A_993 : memref<1x40x12x64xf32, #tpu.memory_space<hbm>> -> memref<40x12x64xf32, #tpu.memory_space<hbm>>
      %dma_start3A_995 = arith.constant 0 : i32
      %dma_start3A_996 = arith.constant 0 : i32
      %dma_start3A_997 = tpu.memref_slice %arg5[%select_n3A, %add3A_990, %dma_start3A_995, %dma_start3A_996] : memref<8x4096x12x64xf32, #tpu.memory_space<hbm>> -> memref<1x40x12x64xf32, #tpu.memory_space<hbm>>
      %dma_start3A_998 = tpu.memref_squeeze %dma_start3A_997 : memref<1x40x12x64xf32, #tpu.memory_space<hbm>> -> memref<40x12x64xf32, #tpu.memory_space<hbm>>
      tpu.enqueue_dma source(%run_scoped3A_40 : memref<40x12x64xf32, #tpu.memory_space<vmem>>) target(%dma_start3A_998 : memref<40x12x64xf32, #tpu.memory_space<hbm>>) target_semaphore(%arg10 : memref<!tpu.dma_semaphore, #tpu.memory_space<semaphore_mem>>)
      %add3A_999 = arith.constant 960 : i32
      %add3A_1000 = arith.addi %add3A_35, %add3A_999 : i32
      %dma_wait3A_1001 = arith.constant 0 : i32
      %dma_wait3A_1002 = arith.constant 0 : i32
      %dma_wait3A_1003 = tpu.memref_slice %arg2[%select_n3A, %add3A_1000, %dma_wait3A_1001, %dma_wait3A_1002] : memref<8x4096x12x64xf32, #tpu.memory_space<hbm>> -> memref<1x40x12x64xf32, #tpu.memory_space<hbm>>
      %dma_wait3A_1004 = tpu.memref_squeeze %dma_wait3A_1003 : memref<1x40x12x64xf32, #tpu.memory_space<hbm>> -> memref<40x12x64xf32, #tpu.memory_space<hbm>>
      %dma_wait3A_1005 = arith.constant 0 : i32
      %dma_wait3A_1006 = arith.constant 0 : i32
      %dma_wait3A_1007 = tpu.memref_slice %arg2[%select_n3A, %add3A_1000, %dma_wait3A_1005, %dma_wait3A_1006] : memref<8x4096x12x64xf32, #tpu.memory_space<hbm>> -> memref<1x40x12x64xf32, #tpu.memory_space<hbm>>
      %dma_wait3A_1008 = tpu.memref_squeeze %dma_wait3A_1007 : memref<1x40x12x64xf32, #tpu.memory_space<hbm>> -> memref<40x12x64xf32, #tpu.memory_space<hbm>>
      tpu.wait_dma2 semaphore(%arg7 : memref<!tpu.dma_semaphore, #tpu.memory_space<semaphore_mem>>) src(%dma_wait3A_1008 : memref<40x12x64xf32, #tpu.memory_space<hbm>>) dst(%run_scoped3A : memref<40x12x64xf32, #tpu.memory_space<vmem>>)
      %add3A_1009 = arith.constant 960 : i32
      %add3A_1010 = arith.addi %add3A_39, %add3A_1009 : i32
      %dma_start3A_1011 = arith.constant 0 : i32
      %dma_start3A_1012 = arith.constant 0 : i32
      %dma_start3A_1013 = tpu.memref_slice %arg5[%select_n3A, %add3A_1010, %dma_start3A_1011, %dma_start3A_1012] : memref<8x4096x12x64xf32, #tpu.memory_space<hbm>> -> memref<1x40x12x64xf32, #tpu.memory_space<hbm>>
      %dma_start3A_1014 = tpu.memref_squeeze %dma_start3A_1013 : memref<1x40x12x64xf32, #tpu.memory_space<hbm>> -> memref<40x12x64xf32, #tpu.memory_space<hbm>>
      %dma_start3A_1015 = arith.constant 0 : i32
      %dma_start3A_1016 = arith.constant 0 : i32
      %dma_start3A_1017 = tpu.memref_slice %arg5[%select_n3A, %add3A_1010, %dma_start3A_1015, %dma_start3A_1016] : memref<8x4096x12x64xf32, #tpu.memory_space<hbm>> -> memref<1x40x12x64xf32, #tpu.memory_space<hbm>>
      %dma_start3A_1018 = tpu.memref_squeeze %dma_start3A_1017 : memref<1x40x12x64xf32, #tpu.memory_space<hbm>> -> memref<40x12x64xf32, #tpu.memory_space<hbm>>
      tpu.enqueue_dma source(%run_scoped3A : memref<40x12x64xf32, #tpu.memory_space<vmem>>) target(%dma_start3A_1018 : memref<40x12x64xf32, #tpu.memory_space<hbm>>) target_semaphore(%arg9 : memref<!tpu.dma_semaphore, #tpu.memory_space<semaphore_mem>>)
      %add3A_1019 = arith.constant 920 : i32
      %add3A_1020 = arith.addi %add3A_39, %add3A_1019 : i32
      %dma_wait3A_1021 = arith.constant 0 : i32
      %dma_wait3A_1022 = arith.constant 0 : i32
      %dma_wait3A_1023 = tpu.memref_slice %arg5[%select_n3A, %add3A_1020, %dma_wait3A_1021, %dma_wait3A_1022] : memref<8x4096x12x64xf32, #tpu.memory_space<hbm>> -> memref<1x40x12x64xf32, #tpu.memory_space<hbm>>
      %dma_wait3A_1024 = tpu.memref_squeeze %dma_wait3A_1023 : memref<1x40x12x64xf32, #tpu.memory_space<hbm>> -> memref<40x12x64xf32, #tpu.memory_space<hbm>>
      %dma_wait3A_1025 = arith.constant 0 : i32
      %dma_wait3A_1026 = arith.constant 0 : i32
      %dma_wait3A_1027 = tpu.memref_slice %arg5[%select_n3A, %add3A_1020, %dma_wait3A_1025, %dma_wait3A_1026] : memref<8x4096x12x64xf32, #tpu.memory_space<hbm>> -> memref<1x40x12x64xf32, #tpu.memory_space<hbm>>
      %dma_wait3A_1028 = tpu.memref_squeeze %dma_wait3A_1027 : memref<1x40x12x64xf32, #tpu.memory_space<hbm>> -> memref<40x12x64xf32, #tpu.memory_space<hbm>>
      tpu.wait_dma2 semaphore(%arg10 : memref<!tpu.dma_semaphore, #tpu.memory_space<semaphore_mem>>) src(%run_scoped3A_40 : memref<40x12x64xf32, #tpu.memory_space<vmem>>) dst(%dma_wait3A_1028 : memref<40x12x64xf32, #tpu.memory_space<hbm>>)
      %add3A_1029 = arith.constant 960 : i32
      %add3A_1030 = arith.addi %add3A_39, %add3A_1029 : i32
      %dma_wait3A_1031 = arith.constant 0 : i32
      %dma_wait3A_1032 = arith.constant 0 : i32
      %dma_wait3A_1033 = tpu.memref_slice %arg5[%select_n3A, %add3A_1030, %dma_wait3A_1031, %dma_wait3A_1032] : memref<8x4096x12x64xf32, #tpu.memory_space<hbm>> -> memref<1x40x12x64xf32, #tpu.memory_space<hbm>>
      %dma_wait3A_1034 = tpu.memref_squeeze %dma_wait3A_1033 : memref<1x40x12x64xf32, #tpu.memory_space<hbm>> -> memref<40x12x64xf32, #tpu.memory_space<hbm>>
      %dma_wait3A_1035 = arith.constant 0 : i32
      %dma_wait3A_1036 = arith.constant 0 : i32
      %dma_wait3A_1037 = tpu.memref_slice %arg5[%select_n3A, %add3A_1030, %dma_wait3A_1035, %dma_wait3A_1036] : memref<8x4096x12x64xf32, #tpu.memory_space<hbm>> -> memref<1x40x12x64xf32, #tpu.memory_space<hbm>>
      %dma_wait3A_1038 = tpu.memref_squeeze %dma_wait3A_1037 : memref<1x40x12x64xf32, #tpu.memory_space<hbm>> -> memref<40x12x64xf32, #tpu.memory_space<hbm>>
      tpu.wait_dma2 semaphore(%arg9 : memref<!tpu.dma_semaphore, #tpu.memory_space<semaphore_mem>>) src(%run_scoped3A : memref<40x12x64xf32, #tpu.memory_space<vmem>>) dst(%dma_wait3A_1038 : memref<40x12x64xf32, #tpu.memory_space<hbm>>)
      %eq3A_1039 = arith.constant 0 : i32
      %eq3A_1040 = arith.cmpi eq, %select_n3A_30, %eq3A_1039 : i32
      %convert_element_type3A = arith.extui %eq3A_1040 : i1 to i32
      %cond3A = arith.constant 0 : i32
      %cond3A_1041 = arith.cmpi ne, %convert_element_type3A, %cond3A : i32
      scf.if %cond3A_1041 {
        "tpu.region"() ({
          %run_scoped3A_1047 = tpu.sem_alloc : memref<!tpu.dma_semaphore, #tpu.memory_space<semaphore_mem>>
          %dma_start3A_1048 = arith.constant 0 : i32
          %dma_start3A_1049 = arith.constant 0 : i32
          %dma_start3A_1050 = arith.constant 0 : i32
          %dma_start3A_1051 = tpu.memref_slice %run_scoped3A[%dma_start3A_1048, %dma_start3A_1049, %dma_start3A_1050] : memref<40x12x64xf32, #tpu.memory_space<vmem>> -> memref<40x12x64xf32, #tpu.memory_space<vmem>>
          %dma_start3A_1052 = arith.constant 0 : i32
          %dma_start3A_1053 = arith.constant 0 : i32
          %dma_start3A_1054 = arith.constant 0 : i32
          %dma_start3A_1055 = tpu.memref_slice %arg2[%select_n3A, %dma_start3A_1052, %dma_start3A_1053, %dma_start3A_1054] : memref<8x4096x12x64xf32, #tpu.memory_space<hbm>> -> memref<1x40x12x64xf32, #tpu.memory_space<hbm>>
          %dma_start3A_1056 = tpu.memref_squeeze %dma_start3A_1055 : memref<1x40x12x64xf32, #tpu.memory_space<hbm>> -> memref<40x12x64xf32, #tpu.memory_space<hbm>>
          %dma_start3A_1057 = arith.constant 0 : i32
          %dma_start3A_1058 = arith.constant 0 : i32
          %dma_start3A_1059 = arith.constant 0 : i32
          %dma_start3A_1060 = tpu.memref_slice %run_scoped3A[%dma_start3A_1057, %dma_start3A_1058, %dma_start3A_1059] : memref<40x12x64xf32, #tpu.memory_space<vmem>> -> memref<40x12x64xf32, #tpu.memory_space<vmem>>
          %dma_start3A_1061 = arith.constant 0 : i32
          %dma_start3A_1062 = arith.constant 0 : i32
          %dma_start3A_1063 = arith.constant 0 : i32
          %dma_start3A_1064 = tpu.memref_slice %arg2[%select_n3A, %dma_start3A_1061, %dma_start3A_1062, %dma_start3A_1063] : memref<8x4096x12x64xf32, #tpu.memory_space<hbm>> -> memref<1x40x12x64xf32, #tpu.memory_space<hbm>>
          %dma_start3A_1065 = tpu.memref_squeeze %dma_start3A_1064 : memref<1x40x12x64xf32, #tpu.memory_space<hbm>> -> memref<40x12x64xf32, #tpu.memory_space<hbm>>
          tpu.enqueue_dma source(%dma_start3A_1065 : memref<40x12x64xf32, #tpu.memory_space<hbm>>) target(%dma_start3A_1060 : memref<40x12x64xf32, #tpu.memory_space<vmem>>) target_semaphore(%run_scoped3A_1047 : memref<!tpu.dma_semaphore, #tpu.memory_space<semaphore_mem>>)
          %dma_wait3A_1066 = arith.constant 0 : i32
          %dma_wait3A_1067 = arith.constant 0 : i32
          %dma_wait3A_1068 = arith.constant 0 : i32
          %dma_wait3A_1069 = tpu.memref_slice %run_scoped3A[%dma_wait3A_1066, %dma_wait3A_1067, %dma_wait3A_1068] : memref<40x12x64xf32, #tpu.memory_space<vmem>> -> memref<40x12x64xf32, #tpu.memory_space<vmem>>
          %dma_wait3A_1070 = arith.constant 0 : i32
          %dma_wait3A_1071 = arith.constant 0 : i32
          %dma_wait3A_1072 = arith.constant 0 : i32
          %dma_wait3A_1073 = tpu.memref_slice %arg2[%select_n3A, %dma_wait3A_1070, %dma_wait3A_1071, %dma_wait3A_1072] : memref<8x4096x12x64xf32, #tpu.memory_space<hbm>> -> memref<1x40x12x64xf32, #tpu.memory_space<hbm>>
          %dma_wait3A_1074 = tpu.memref_squeeze %dma_wait3A_1073 : memref<1x40x12x64xf32, #tpu.memory_space<hbm>> -> memref<40x12x64xf32, #tpu.memory_space<hbm>>
          %dma_wait3A_1075 = arith.constant 0 : i32
          %dma_wait3A_1076 = arith.constant 0 : i32
          %dma_wait3A_1077 = arith.constant 0 : i32
          %dma_wait3A_1078 = tpu.memref_slice %run_scoped3A[%dma_wait3A_1075, %dma_wait3A_1076, %dma_wait3A_1077] : memref<40x12x64xf32, #tpu.memory_space<vmem>> -> memref<40x12x64xf32, #tpu.memory_space<vmem>>
          %dma_wait3A_1079 = arith.constant 0 : i32
          %dma_wait3A_1080 = arith.constant 0 : i32
          %dma_wait3A_1081 = arith.constant 0 : i32
          %dma_wait3A_1082 = tpu.memref_slice %arg2[%select_n3A, %dma_wait3A_1079, %dma_wait3A_1080, %dma_wait3A_1081] : memref<8x4096x12x64xf32, #tpu.memory_space<hbm>> -> memref<1x40x12x64xf32, #tpu.memory_space<hbm>>
          %dma_wait3A_1083 = tpu.memref_squeeze %dma_wait3A_1082 : memref<1x40x12x64xf32, #tpu.memory_space<hbm>> -> memref<40x12x64xf32, #tpu.memory_space<hbm>>
          tpu.wait_dma2 semaphore(%run_scoped3A_1047 : memref<!tpu.dma_semaphore, #tpu.memory_space<semaphore_mem>>) src(%dma_wait3A_1083 : memref<40x12x64xf32, #tpu.memory_space<hbm>>) dst(%dma_wait3A_1078 : memref<40x12x64xf32, #tpu.memory_space<vmem>>)
          tpu.yield
        }) : () -> ()
        "tpu.region"() ({
          %run_scoped3A_1047 = tpu.sem_alloc : memref<!tpu.dma_semaphore, #tpu.memory_space<semaphore_mem>>
          %dma_start3A_1048 = arith.constant 0 : i32
          %dma_start3A_1049 = arith.constant 0 : i32
          %dma_start3A_1050 = arith.constant 0 : i32
          %dma_start3A_1051 = tpu.memref_slice %run_scoped3A[%dma_start3A_1048, %dma_start3A_1049, %dma_start3A_1050] : memref<40x12x64xf32, #tpu.memory_space<vmem>> -> memref<40x12x64xf32, #tpu.memory_space<vmem>>
          %dma_start3A_1052 = arith.constant 0 : i32
          %dma_start3A_1053 = arith.constant 0 : i32
          %dma_start3A_1054 = arith.constant 0 : i32
          %dma_start3A_1055 = tpu.memref_slice %arg5[%select_n3A, %dma_start3A_1052, %dma_start3A_1053, %dma_start3A_1054] : memref<8x4096x12x64xf32, #tpu.memory_space<hbm>> -> memref<1x40x12x64xf32, #tpu.memory_space<hbm>>
          %dma_start3A_1056 = tpu.memref_squeeze %dma_start3A_1055 : memref<1x40x12x64xf32, #tpu.memory_space<hbm>> -> memref<40x12x64xf32, #tpu.memory_space<hbm>>
          %dma_start3A_1057 = arith.constant 0 : i32
          %dma_start3A_1058 = arith.constant 0 : i32
          %dma_start3A_1059 = arith.constant 0 : i32
          %dma_start3A_1060 = tpu.memref_slice %arg5[%select_n3A, %dma_start3A_1057, %dma_start3A_1058, %dma_start3A_1059] : memref<8x4096x12x64xf32, #tpu.memory_space<hbm>> -> memref<1x40x12x64xf32, #tpu.memory_space<hbm>>
          %dma_start3A_1061 = tpu.memref_squeeze %dma_start3A_1060 : memref<1x40x12x64xf32, #tpu.memory_space<hbm>> -> memref<40x12x64xf32, #tpu.memory_space<hbm>>
          %dma_start3A_1062 = arith.constant 0 : i32
          %dma_start3A_1063 = arith.constant 0 : i32
          %dma_start3A_1064 = arith.constant 0 : i32
          %dma_start3A_1065 = tpu.memref_slice %run_scoped3A[%dma_start3A_1062, %dma_start3A_1063, %dma_start3A_1064] : memref<40x12x64xf32, #tpu.memory_space<vmem>> -> memref<40x12x64xf32, #tpu.memory_space<vmem>>
          tpu.enqueue_dma source(%dma_start3A_1065 : memref<40x12x64xf32, #tpu.memory_space<vmem>>) target(%dma_start3A_1061 : memref<40x12x64xf32, #tpu.memory_space<hbm>>) target_semaphore(%run_scoped3A_1047 : memref<!tpu.dma_semaphore, #tpu.memory_space<semaphore_mem>>)
          %dma_wait3A_1066 = arith.constant 0 : i32
          %dma_wait3A_1067 = arith.constant 0 : i32
          %dma_wait3A_1068 = arith.constant 0 : i32
          %dma_wait3A_1069 = tpu.memref_slice %run_scoped3A[%dma_wait3A_1066, %dma_wait3A_1067, %dma_wait3A_1068] : memref<40x12x64xf32, #tpu.memory_space<vmem>> -> memref<40x12x64xf32, #tpu.memory_space<vmem>>
          %dma_wait3A_1070 = arith.constant 0 : i32
          %dma_wait3A_1071 = arith.constant 0 : i32
          %dma_wait3A_1072 = arith.constant 0 : i32
          %dma_wait3A_1073 = tpu.memref_slice %arg5[%select_n3A, %dma_wait3A_1070, %dma_wait3A_1071, %dma_wait3A_1072] : memref<8x4096x12x64xf32, #tpu.memory_space<hbm>> -> memref<1x40x12x64xf32, #tpu.memory_space<hbm>>
          %dma_wait3A_1074 = tpu.memref_squeeze %dma_wait3A_1073 : memref<1x40x12x64xf32, #tpu.memory_space<hbm>> -> memref<40x12x64xf32, #tpu.memory_space<hbm>>
          %dma_wait3A_1075 = arith.constant 0 : i32
          %dma_wait3A_1076 = arith.constant 0 : i32
          %dma_wait3A_1077 = arith.constant 0 : i32
          %dma_wait3A_1078 = tpu.memref_slice %arg5[%select_n3A, %dma_wait3A_1075, %dma_wait3A_1076, %dma_wait3A_1077] : memref<8x4096x12x64xf32, #tpu.memory_space<hbm>> -> memref<1x40x12x64xf32, #tpu.memory_space<hbm>>
          %dma_wait3A_1079 = tpu.memref_squeeze %dma_wait3A_1078 : memref<1x40x12x64xf32, #tpu.memory_space<hbm>> -> memref<40x12x64xf32, #tpu.memory_space<hbm>>
          %dma_wait3A_1080 = arith.constant 0 : i32
          %dma_wait3A_1081 = arith.constant 0 : i32
          %dma_wait3A_1082 = arith.constant 0 : i32
          %dma_wait3A_1083 = tpu.memref_slice %run_scoped3A[%dma_wait3A_1080, %dma_wait3A_1081, %dma_wait3A_1082] : memref<40x12x64xf32, #tpu.memory_space<vmem>> -> memref<40x12x64xf32, #tpu.memory_space<vmem>>
          tpu.wait_dma2 semaphore(%run_scoped3A_1047 : memref<!tpu.dma_semaphore, #tpu.memory_space<semaphore_mem>>) src(%dma_wait3A_1083 : memref<40x12x64xf32, #tpu.memory_space<vmem>>) dst(%dma_wait3A_1079 : memref<40x12x64xf32, #tpu.memory_space<hbm>>)
          tpu.yield
        }) : () -> ()
        "tpu.region"() ({
          %run_scoped3A_1047 = tpu.sem_alloc : memref<!tpu.dma_semaphore, #tpu.memory_space<semaphore_mem>>
          %dma_start3A_1048 = arith.constant 0 : i32
          %dma_start3A_1049 = arith.constant 0 : i32
          %dma_start3A_1050 = arith.constant 0 : i32
          %dma_start3A_1051 = tpu.memref_slice %run_scoped3A[%dma_start3A_1048, %dma_start3A_1049, %dma_start3A_1050] : memref<40x12x64xf32, #tpu.memory_space<vmem>> -> memref<24x12x64xf32, #tpu.memory_space<vmem>>
          %dma_start3A_1052 = arith.constant 40 : i32
          %dma_start3A_1053 = arith.constant 0 : i32
          %dma_start3A_1054 = arith.constant 0 : i32
          %dma_start3A_1055 = tpu.memref_slice %arg2[%select_n3A, %dma_start3A_1052, %dma_start3A_1053, %dma_start3A_1054] : memref<8x4096x12x64xf32, #tpu.memory_space<hbm>> -> memref<1x24x12x64xf32, #tpu.memory_space<hbm>>
          %dma_start3A_1056 = tpu.memref_squeeze %dma_start3A_1055 : memref<1x24x12x64xf32, #tpu.memory_space<hbm>> -> memref<24x12x64xf32, #tpu.memory_space<hbm>>
          %dma_start3A_1057 = arith.constant 0 : i32
          %dma_start3A_1058 = arith.constant 0 : i32
          %dma_start3A_1059 = arith.constant 0 : i32
          %dma_start3A_1060 = tpu.memref_slice %run_scoped3A[%dma_start3A_1057, %dma_start3A_1058, %dma_start3A_1059] : memref<40x12x64xf32, #tpu.memory_space<vmem>> -> memref<24x12x64xf32, #tpu.memory_space<vmem>>
          %dma_start3A_1061 = arith.constant 40 : i32
          %dma_start3A_1062 = arith.constant 0 : i32
          %dma_start3A_1063 = arith.constant 0 : i32
          %dma_start3A_1064 = tpu.memref_slice %arg2[%select_n3A, %dma_start3A_1061, %dma_start3A_1062, %dma_start3A_1063] : memref<8x4096x12x64xf32, #tpu.memory_space<hbm>> -> memref<1x24x12x64xf32, #tpu.memory_space<hbm>>
          %dma_start3A_1065 = tpu.memref_squeeze %dma_start3A_1064 : memref<1x24x12x64xf32, #tpu.memory_space<hbm>> -> memref<24x12x64xf32, #tpu.memory_space<hbm>>
          tpu.enqueue_dma source(%dma_start3A_1065 : memref<24x12x64xf32, #tpu.memory_space<hbm>>) target(%dma_start3A_1060 : memref<24x12x64xf32, #tpu.memory_space<vmem>>) target_semaphore(%run_scoped3A_1047 : memref<!tpu.dma_semaphore, #tpu.memory_space<semaphore_mem>>)
          %dma_wait3A_1066 = arith.constant 0 : i32
          %dma_wait3A_1067 = arith.constant 0 : i32
          %dma_wait3A_1068 = arith.constant 0 : i32
          %dma_wait3A_1069 = tpu.memref_slice %run_scoped3A[%dma_wait3A_1066, %dma_wait3A_1067, %dma_wait3A_1068] : memref<40x12x64xf32, #tpu.memory_space<vmem>> -> memref<24x12x64xf32, #tpu.memory_space<vmem>>
          %dma_wait3A_1070 = arith.constant 40 : i32
          %dma_wait3A_1071 = arith.constant 0 : i32
          %dma_wait3A_1072 = arith.constant 0 : i32
          %dma_wait3A_1073 = tpu.memref_slice %arg2[%select_n3A, %dma_wait3A_1070, %dma_wait3A_1071, %dma_wait3A_1072] : memref<8x4096x12x64xf32, #tpu.memory_space<hbm>> -> memref<1x24x12x64xf32, #tpu.memory_space<hbm>>
          %dma_wait3A_1074 = tpu.memref_squeeze %dma_wait3A_1073 : memref<1x24x12x64xf32, #tpu.memory_space<hbm>> -> memref<24x12x64xf32, #tpu.memory_space<hbm>>
          %dma_wait3A_1075 = arith.constant 0 : i32
          %dma_wait3A_1076 = arith.constant 0 : i32
          %dma_wait3A_1077 = arith.constant 0 : i32
          %dma_wait3A_1078 = tpu.memref_slice %run_scoped3A[%dma_wait3A_1075, %dma_wait3A_1076, %dma_wait3A_1077] : memref<40x12x64xf32, #tpu.memory_space<vmem>> -> memref<24x12x64xf32, #tpu.memory_space<vmem>>
          %dma_wait3A_1079 = arith.constant 40 : i32
          %dma_wait3A_1080 = arith.constant 0 : i32
          %dma_wait3A_1081 = arith.constant 0 : i32
          %dma_wait3A_1082 = tpu.memref_slice %arg2[%select_n3A, %dma_wait3A_1079, %dma_wait3A_1080, %dma_wait3A_1081] : memref<8x4096x12x64xf32, #tpu.memory_space<hbm>> -> memref<1x24x12x64xf32, #tpu.memory_space<hbm>>
          %dma_wait3A_1083 = tpu.memref_squeeze %dma_wait3A_1082 : memref<1x24x12x64xf32, #tpu.memory_space<hbm>> -> memref<24x12x64xf32, #tpu.memory_space<hbm>>
          tpu.wait_dma2 semaphore(%run_scoped3A_1047 : memref<!tpu.dma_semaphore, #tpu.memory_space<semaphore_mem>>) src(%dma_wait3A_1083 : memref<24x12x64xf32, #tpu.memory_space<hbm>>) dst(%dma_wait3A_1078 : memref<24x12x64xf32, #tpu.memory_space<vmem>>)
          tpu.yield
        }) : () -> ()
        "tpu.region"() ({
          %run_scoped3A_1047 = tpu.sem_alloc : memref<!tpu.dma_semaphore, #tpu.memory_space<semaphore_mem>>
          %dma_start3A_1048 = arith.constant 0 : i32
          %dma_start3A_1049 = arith.constant 0 : i32
          %dma_start3A_1050 = arith.constant 0 : i32
          %dma_start3A_1051 = tpu.memref_slice %run_scoped3A[%dma_start3A_1048, %dma_start3A_1049, %dma_start3A_1050] : memref<40x12x64xf32, #tpu.memory_space<vmem>> -> memref<24x12x64xf32, #tpu.memory_space<vmem>>
          %dma_start3A_1052 = arith.constant 40 : i32
          %dma_start3A_1053 = arith.constant 0 : i32
          %dma_start3A_1054 = arith.constant 0 : i32
          %dma_start3A_1055 = tpu.memref_slice %arg5[%select_n3A, %dma_start3A_1052, %dma_start3A_1053, %dma_start3A_1054] : memref<8x4096x12x64xf32, #tpu.memory_space<hbm>> -> memref<1x24x12x64xf32, #tpu.memory_space<hbm>>
          %dma_start3A_1056 = tpu.memref_squeeze %dma_start3A_1055 : memref<1x24x12x64xf32, #tpu.memory_space<hbm>> -> memref<24x12x64xf32, #tpu.memory_space<hbm>>
          %dma_start3A_1057 = arith.constant 40 : i32
          %dma_start3A_1058 = arith.constant 0 : i32
          %dma_start3A_1059 = arith.constant 0 : i32
          %dma_start3A_1060 = tpu.memref_slice %arg5[%select_n3A, %dma_start3A_1057, %dma_start3A_1058, %dma_start3A_1059] : memref<8x4096x12x64xf32, #tpu.memory_space<hbm>> -> memref<1x24x12x64xf32, #tpu.memory_space<hbm>>
          %dma_start3A_1061 = tpu.memref_squeeze %dma_start3A_1060 : memref<1x24x12x64xf32, #tpu.memory_space<hbm>> -> memref<24x12x64xf32, #tpu.memory_space<hbm>>
          %dma_start3A_1062 = arith.constant 0 : i32
          %dma_start3A_1063 = arith.constant 0 : i32
          %dma_start3A_1064 = arith.constant 0 : i32
          %dma_start3A_1065 = tpu.memref_slice %run_scoped3A[%dma_start3A_1062, %dma_start3A_1063, %dma_start3A_1064] : memref<40x12x64xf32, #tpu.memory_space<vmem>> -> memref<24x12x64xf32, #tpu.memory_space<vmem>>
          tpu.enqueue_dma source(%dma_start3A_1065 : memref<24x12x64xf32, #tpu.memory_space<vmem>>) target(%dma_start3A_1061 : memref<24x12x64xf32, #tpu.memory_space<hbm>>) target_semaphore(%run_scoped3A_1047 : memref<!tpu.dma_semaphore, #tpu.memory_space<semaphore_mem>>)
          %dma_wait3A_1066 = arith.constant 0 : i32
          %dma_wait3A_1067 = arith.constant 0 : i32
          %dma_wait3A_1068 = arith.constant 0 : i32
          %dma_wait3A_1069 = tpu.memref_slice %run_scoped3A[%dma_wait3A_1066, %dma_wait3A_1067, %dma_wait3A_1068] : memref<40x12x64xf32, #tpu.memory_space<vmem>> -> memref<24x12x64xf32, #tpu.memory_space<vmem>>
          %dma_wait3A_1070 = arith.constant 40 : i32
          %dma_wait3A_1071 = arith.constant 0 : i32
          %dma_wait3A_1072 = arith.constant 0 : i32
          %dma_wait3A_1073 = tpu.memref_slice %arg5[%select_n3A, %dma_wait3A_1070, %dma_wait3A_1071, %dma_wait3A_1072] : memref<8x4096x12x64xf32, #tpu.memory_space<hbm>> -> memref<1x24x12x64xf32, #tpu.memory_space<hbm>>
          %dma_wait3A_1074 = tpu.memref_squeeze %dma_wait3A_1073 : memref<1x24x12x64xf32, #tpu.memory_space<hbm>> -> memref<24x12x64xf32, #tpu.memory_space<hbm>>
          %dma_wait3A_1075 = arith.constant 40 : i32
          %dma_wait3A_1076 = arith.constant 0 : i32
          %dma_wait3A_1077 = arith.constant 0 : i32
          %dma_wait3A_1078 = tpu.memref_slice %arg5[%select_n3A, %dma_wait3A_1075, %dma_wait3A_1076, %dma_wait3A_1077] : memref<8x4096x12x64xf32, #tpu.memory_space<hbm>> -> memref<1x24x12x64xf32, #tpu.memory_space<hbm>>
          %dma_wait3A_1079 = tpu.memref_squeeze %dma_wait3A_1078 : memref<1x24x12x64xf32, #tpu.memory_space<hbm>> -> memref<24x12x64xf32, #tpu.memory_space<hbm>>
          %dma_wait3A_1080 = arith.constant 0 : i32
          %dma_wait3A_1081 = arith.constant 0 : i32
          %dma_wait3A_1082 = arith.constant 0 : i32
          %dma_wait3A_1083 = tpu.memref_slice %run_scoped3A[%dma_wait3A_1080, %dma_wait3A_1081, %dma_wait3A_1082] : memref<40x12x64xf32, #tpu.memory_space<vmem>> -> memref<24x12x64xf32, #tpu.memory_space<vmem>>
          tpu.wait_dma2 semaphore(%run_scoped3A_1047 : memref<!tpu.dma_semaphore, #tpu.memory_space<semaphore_mem>>) src(%dma_wait3A_1083 : memref<24x12x64xf32, #tpu.memory_space<vmem>>) dst(%dma_wait3A_1079 : memref<24x12x64xf32, #tpu.memory_space<hbm>>)
          tpu.yield
        }) : () -> ()
      } else {
      }
      %eq3A_1042 = arith.constant 3 : i32
      %eq3A_1043 = arith.cmpi eq, %select_n3A_30, %eq3A_1042 : i32
      %convert_element_type3A_1044 = arith.extui %eq3A_1043 : i1 to i32
      %cond3A_1045 = arith.constant 0 : i32
      %cond3A_1046 = arith.cmpi ne, %convert_element_type3A_1044, %cond3A_1045 : i32
      scf.if %cond3A_1046 {
        "tpu.region"() ({
          %run_scoped3A_1047 = tpu.sem_alloc : memref<!tpu.dma_semaphore, #tpu.memory_space<semaphore_mem>>
          %dma_start3A_1048 = arith.constant 0 : i32
          %dma_start3A_1049 = arith.constant 0 : i32
          %dma_start3A_1050 = arith.constant 0 : i32
          %dma_start3A_1051 = tpu.memref_slice %run_scoped3A[%dma_start3A_1048, %dma_start3A_1049, %dma_start3A_1050] : memref<40x12x64xf32, #tpu.memory_space<vmem>> -> memref<32x12x64xf32, #tpu.memory_space<vmem>>
          %dma_start3A_1052 = arith.constant 0 : i32
          %dma_start3A_1053 = arith.constant 0 : i32
          %dma_start3A_1054 = arith.constant 0 : i32
          %dma_start3A_1055 = tpu.memref_slice %arg3[%select_n3A, %dma_start3A_1052, %dma_start3A_1053, %dma_start3A_1054] : memref<8x32x12x64xf32, #tpu.memory_space<hbm>> -> memref<1x32x12x64xf32, #tpu.memory_space<hbm>>
          %dma_start3A_1056 = tpu.memref_squeeze %dma_start3A_1055 : memref<1x32x12x64xf32, #tpu.memory_space<hbm>> -> memref<32x12x64xf32, #tpu.memory_space<hbm>>
          %dma_start3A_1057 = arith.constant 0 : i32
          %dma_start3A_1058 = arith.constant 0 : i32
          %dma_start3A_1059 = arith.constant 0 : i32
          %dma_start3A_1060 = tpu.memref_slice %run_scoped3A[%dma_start3A_1057, %dma_start3A_1058, %dma_start3A_1059] : memref<40x12x64xf32, #tpu.memory_space<vmem>> -> memref<32x12x64xf32, #tpu.memory_space<vmem>>
          %dma_start3A_1061 = arith.constant 0 : i32
          %dma_start3A_1062 = arith.constant 0 : i32
          %dma_start3A_1063 = arith.constant 0 : i32
          %dma_start3A_1064 = tpu.memref_slice %arg3[%select_n3A, %dma_start3A_1061, %dma_start3A_1062, %dma_start3A_1063] : memref<8x32x12x64xf32, #tpu.memory_space<hbm>> -> memref<1x32x12x64xf32, #tpu.memory_space<hbm>>
          %dma_start3A_1065 = tpu.memref_squeeze %dma_start3A_1064 : memref<1x32x12x64xf32, #tpu.memory_space<hbm>> -> memref<32x12x64xf32, #tpu.memory_space<hbm>>
          tpu.enqueue_dma source(%dma_start3A_1065 : memref<32x12x64xf32, #tpu.memory_space<hbm>>) target(%dma_start3A_1060 : memref<32x12x64xf32, #tpu.memory_space<vmem>>) target_semaphore(%run_scoped3A_1047 : memref<!tpu.dma_semaphore, #tpu.memory_space<semaphore_mem>>)
          %dma_wait3A_1066 = arith.constant 0 : i32
          %dma_wait3A_1067 = arith.constant 0 : i32
          %dma_wait3A_1068 = arith.constant 0 : i32
          %dma_wait3A_1069 = tpu.memref_slice %run_scoped3A[%dma_wait3A_1066, %dma_wait3A_1067, %dma_wait3A_1068] : memref<40x12x64xf32, #tpu.memory_space<vmem>> -> memref<32x12x64xf32, #tpu.memory_space<vmem>>
          %dma_wait3A_1070 = arith.constant 0 : i32
          %dma_wait3A_1071 = arith.constant 0 : i32
          %dma_wait3A_1072 = arith.constant 0 : i32
          %dma_wait3A_1073 = tpu.memref_slice %arg3[%select_n3A, %dma_wait3A_1070, %dma_wait3A_1071, %dma_wait3A_1072] : memref<8x32x12x64xf32, #tpu.memory_space<hbm>> -> memref<1x32x12x64xf32, #tpu.memory_space<hbm>>
          %dma_wait3A_1074 = tpu.memref_squeeze %dma_wait3A_1073 : memref<1x32x12x64xf32, #tpu.memory_space<hbm>> -> memref<32x12x64xf32, #tpu.memory_space<hbm>>
          %dma_wait3A_1075 = arith.constant 0 : i32
          %dma_wait3A_1076 = arith.constant 0 : i32
          %dma_wait3A_1077 = arith.constant 0 : i32
          %dma_wait3A_1078 = tpu.memref_slice %run_scoped3A[%dma_wait3A_1075, %dma_wait3A_1076, %dma_wait3A_1077] : memref<40x12x64xf32, #tpu.memory_space<vmem>> -> memref<32x12x64xf32, #tpu.memory_space<vmem>>
          %dma_wait3A_1079 = arith.constant 0 : i32
          %dma_wait3A_1080 = arith.constant 0 : i32
          %dma_wait3A_1081 = arith.constant 0 : i32
          %dma_wait3A_1082 = tpu.memref_slice %arg3[%select_n3A, %dma_wait3A_1079, %dma_wait3A_1080, %dma_wait3A_1081] : memref<8x32x12x64xf32, #tpu.memory_space<hbm>> -> memref<1x32x12x64xf32, #tpu.memory_space<hbm>>
          %dma_wait3A_1083 = tpu.memref_squeeze %dma_wait3A_1082 : memref<1x32x12x64xf32, #tpu.memory_space<hbm>> -> memref<32x12x64xf32, #tpu.memory_space<hbm>>
          tpu.wait_dma2 semaphore(%run_scoped3A_1047 : memref<!tpu.dma_semaphore, #tpu.memory_space<semaphore_mem>>) src(%dma_wait3A_1083 : memref<32x12x64xf32, #tpu.memory_space<hbm>>) dst(%dma_wait3A_1078 : memref<32x12x64xf32, #tpu.memory_space<vmem>>)
          tpu.yield
        }) : () -> ()
        "tpu.region"() ({
          %run_scoped3A_1047 = tpu.sem_alloc : memref<!tpu.dma_semaphore, #tpu.memory_space<semaphore_mem>>
          %dma_start3A_1048 = arith.constant 0 : i32
          %dma_start3A_1049 = arith.constant 0 : i32
          %dma_start3A_1050 = arith.constant 0 : i32
          %dma_start3A_1051 = tpu.memref_slice %run_scoped3A[%dma_start3A_1048, %dma_start3A_1049, %dma_start3A_1050] : memref<40x12x64xf32, #tpu.memory_space<vmem>> -> memref<32x12x64xf32, #tpu.memory_space<vmem>>
          %dma_start3A_1052 = arith.constant 4064 : i32
          %dma_start3A_1053 = arith.constant 0 : i32
          %dma_start3A_1054 = arith.constant 0 : i32
          %dma_start3A_1055 = tpu.memref_slice %arg5[%select_n3A, %dma_start3A_1052, %dma_start3A_1053, %dma_start3A_1054] : memref<8x4096x12x64xf32, #tpu.memory_space<hbm>> -> memref<1x32x12x64xf32, #tpu.memory_space<hbm>>
          %dma_start3A_1056 = tpu.memref_squeeze %dma_start3A_1055 : memref<1x32x12x64xf32, #tpu.memory_space<hbm>> -> memref<32x12x64xf32, #tpu.memory_space<hbm>>
          %dma_start3A_1057 = arith.constant 4064 : i32
          %dma_start3A_1058 = arith.constant 0 : i32
          %dma_start3A_1059 = arith.constant 0 : i32
          %dma_start3A_1060 = tpu.memref_slice %arg5[%select_n3A, %dma_start3A_1057, %dma_start3A_1058, %dma_start3A_1059] : memref<8x4096x12x64xf32, #tpu.memory_space<hbm>> -> memref<1x32x12x64xf32, #tpu.memory_space<hbm>>
          %dma_start3A_1061 = tpu.memref_squeeze %dma_start3A_1060 : memref<1x32x12x64xf32, #tpu.memory_space<hbm>> -> memref<32x12x64xf32, #tpu.memory_space<hbm>>
          %dma_start3A_1062 = arith.constant 0 : i32
          %dma_start3A_1063 = arith.constant 0 : i32
          %dma_start3A_1064 = arith.constant 0 : i32
          %dma_start3A_1065 = tpu.memref_slice %run_scoped3A[%dma_start3A_1062, %dma_start3A_1063, %dma_start3A_1064] : memref<40x12x64xf32, #tpu.memory_space<vmem>> -> memref<32x12x64xf32, #tpu.memory_space<vmem>>
          tpu.enqueue_dma source(%dma_start3A_1065 : memref<32x12x64xf32, #tpu.memory_space<vmem>>) target(%dma_start3A_1061 : memref<32x12x64xf32, #tpu.memory_space<hbm>>) target_semaphore(%run_scoped3A_1047 : memref<!tpu.dma_semaphore, #tpu.memory_space<semaphore_mem>>)
          %dma_wait3A_1066 = arith.constant 0 : i32
          %dma_wait3A_1067 = arith.constant 0 : i32
          %dma_wait3A_1068 = arith.constant 0 : i32
          %dma_wait3A_1069 = tpu.memref_slice %run_scoped3A[%dma_wait3A_1066, %dma_wait3A_1067, %dma_wait3A_1068] : memref<40x12x64xf32, #tpu.memory_space<vmem>> -> memref<32x12x64xf32, #tpu.memory_space<vmem>>
          %dma_wait3A_1070 = arith.constant 4064 : i32
          %dma_wait3A_1071 = arith.constant 0 : i32
          %dma_wait3A_1072 = arith.constant 0 : i32
          %dma_wait3A_1073 = tpu.memref_slice %arg5[%select_n3A, %dma_wait3A_1070, %dma_wait3A_1071, %dma_wait3A_1072] : memref<8x4096x12x64xf32, #tpu.memory_space<hbm>> -> memref<1x32x12x64xf32, #tpu.memory_space<hbm>>
          %dma_wait3A_1074 = tpu.memref_squeeze %dma_wait3A_1073 : memref<1x32x12x64xf32, #tpu.memory_space<hbm>> -> memref<32x12x64xf32, #tpu.memory_space<hbm>>
          %dma_wait3A_1075 = arith.constant 4064 : i32
          %dma_wait3A_1076 = arith.constant 0 : i32
          %dma_wait3A_1077 = arith.constant 0 : i32
          %dma_wait3A_1078 = tpu.memref_slice %arg5[%select_n3A, %dma_wait3A_1075, %dma_wait3A_1076, %dma_wait3A_1077] : memref<8x4096x12x64xf32, #tpu.memory_space<hbm>> -> memref<1x32x12x64xf32, #tpu.memory_space<hbm>>
          %dma_wait3A_1079 = tpu.memref_squeeze %dma_wait3A_1078 : memref<1x32x12x64xf32, #tpu.memory_space<hbm>> -> memref<32x12x64xf32, #tpu.memory_space<hbm>>
          %dma_wait3A_1080 = arith.constant 0 : i32
          %dma_wait3A_1081 = arith.constant 0 : i32
          %dma_wait3A_1082 = arith.constant 0 : i32
          %dma_wait3A_1083 = tpu.memref_slice %run_scoped3A[%dma_wait3A_1080, %dma_wait3A_1081, %dma_wait3A_1082] : memref<40x12x64xf32, #tpu.memory_space<vmem>> -> memref<32x12x64xf32, #tpu.memory_space<vmem>>
          tpu.wait_dma2 semaphore(%run_scoped3A_1047 : memref<!tpu.dma_semaphore, #tpu.memory_space<semaphore_mem>>) src(%dma_wait3A_1083 : memref<32x12x64xf32, #tpu.memory_space<vmem>>) dst(%dma_wait3A_1079 : memref<32x12x64xf32, #tpu.memory_space<hbm>>)
          tpu.yield
        }) : () -> ()
      } else {
      }
      tpu.yield
    }) : () -> ()
    return
  }
}

</mosaic_0001>

<sc_bundles>
// kernel: kernel.4.cloned.1.call-start
scs
__scs_entry_jumppad:
0x0: {  	(pc) =	sbr.rel $0x88, $3  }
0x1: {  	(tag) =	ssettag $0x0;
	lr =	simm.s32 $0x1  }
0x2: {  	[smem:$0x3F9B] =	sst lr;
	_ =	strace $0xD0000000  }
0x3: {  	_ = 	snop  }
0x4: {  	_ = 	snop  }
0x5: {  	_ = 	snop  }
0x6: {  	_ = 	snop  }
0x7: {  	_ = 	snop  }
__scs_overlays_trampoline_lowered:
0x8: {  	[smem:$0x3FAA] =	sst s0  }
0x9: {  	[smem:$0x3FAB] =	sst s1  }
0xa: {  	[smem:$0x3FAC] =	sst s2  }
0xb: {  	[smem:$0x3FAD] =	sst s3  }
0xc: {  	[smem:$0x3FAE] =	sst s4  }
0xd: {  	[smem:$0x3FAF] =	sst s5  }
0xe: {  	[smem:$0x3FB0] =	sst s6  }
0xf: {  	[smem:$0x3FB1] =	sst s7  }
0x10: {  	[smem:$0x3FB2] =	sst s8  }
0x11: {  	[smem:$0x3FB3] =	sst s9;
	s0 =	simm.s32 @!p0 $0x0  }
0x12: {  	s1 =	sld [smem:$0x3F99];
	s0 =	simm.s32 @p0 $0x1  }
0x13: {  	[smem:$0x3FB4] =	sst s0;
	s0 =	simm.s32 @!p1 $0x0  }
0x14: {  	s2 =	sld [smem:$0x3F98];
	s0 =	simm.s32 @p1 $0x1  }
0x15: {  	[smem:$0x3FB5] =	sst s0;
	s0 =	simm.s32 @!p2 $0x0  }
0x16: {  	s3 =	sld [smem:$0x3FDB];
	s0 =	simm.s32 @p2 $0x1  }
0x17: {  	s4 =	simm.s32 $0x1BF5;
	[smem:$0x3FB7] =	sst s0  }
0x18: {  	s0 =	sld [smem:$0x3F9A];
	_ =	swait.ge [sflag:s4], $0x0  }
0x19: {  	s7 =	sld [smem:$0x3F9B]  }
0x1a: {  	s8 =	sadd.s32 $0xFFFFE003, lr  }
0x1b: {  	s9 =	sadd.s32 $0xFFFFFEF7, lr;
	s5 =	simm.s32 $0xFFFFFFFF;
	p2 =	slt.u32 s8, $0xFFFFF086  }
0x1c: {  	p1 =	slt.u32 s9, $0xF7A;
	s5 =	simm.s32 @!p2 $0x0  }
0x1d: {  	s5 =	simm.s32 @p1 $0x1;
	p0 =	seq.s32 s7, s2  }
0x1e: {  	s7 =	smul.u32 @!p0 $0xF7A, s2;
	p2 =	seq.s32 @!p0 s5, $0x0  }
0x1f: {  	s9 =	smul.u32 $0xF7A, s1;
	s8 =	simm.s32 @!p0 $0x1BF5;
	p2 =	por !p2, p0  }
0x20: {  	[sflag:s8] =	ssyncset.s32 @!p0 $0xFFFFF086;
	s6 =	sadd.s32 @!p0 s3, s7;
	s7 =	simm.s32 @!p0 $0x108  }
0x21: {  	s3 =	sadd.s32 s3, s9;
	s6 =	sadd.s32 @!p0 $0x88, s6;
	s7 =	simm.s32 @p2 $0x1082  }
0x22: {  	[simem:s7], [sflag:s8] =	dma.local @!p0 [hbm:s6], $0xF7A  }
0x23: {  	s9 =	sor.u32 $0xD0000000, s2;
	s6 =	simm.s32 $0x108;
	_ =	swait.ge @!p0 [sflag:s8], $0x0  }
0x24: {  	s3 =	sadd.s32 $0x88, s3;
	s6 =	simm.s32 @!p1 $0x1082;
	[sflag:s4] =	ssyncset.s32 $0xFFFFF086  }
0x25: {  	[simem:s6], [sflag:s4] =	dma.local [hbm:s3], $0xF7A  }
0x26: {  	[smem:$0x3F9B] =	sst s1;
	(tag) =	ssettag s2;
	_ =	strace s9  }
0x27: {  	s1 =	sld [smem:$0x3FAB]  }
0x28: {  	s2 =	sld [smem:$0x3FAC]  }
0x29: {  	s4 =	sld [smem:$0x3FAE]  }
0x2a: {  	p0 =	seq.s32 s5, $0x0;
	s5 =	sld [smem:$0x3FAF]  }
0x2b: {  	s6 =	sld [smem:$0x3FB0]  }
0x2c: {  	s7 =	sld [smem:$0x3FB1]  }
0x2d: {  	s3 =	simm.s32 $0x108;
	s8 =	sld [smem:$0x3FB2]  }
0x2e: {  	s3 =	simm.s32 @!p0 $0x1082;
	s9 =	sld [smem:$0x3FB3]  }
0x2f: {  	lr =	sadd.s32 s0, s3;
	s0 =	sld [smem:$0x3FAA]  }
0x30: {  	s3 =	sld [smem:$0x3FAD]  }
0x31: {  	[smem:$0x3FB6] =	sst s10  }
0x32: {  	s10 =	sld [smem:$0x3FB4];
	_ =	sdelay $0x3  }
0x33: {  	p0 =	seq.s32 s10, $0x1;
	s10 =	sld [smem:$0x3FB6];
	_ =	sdelay $0x3  }
0x34: {  	[smem:$0x3FB6] =	sst s10  }
0x35: {  	s10 =	sld [smem:$0x3FB5];
	_ =	sdelay $0x3  }
0x36: {  	p1 =	seq.s32 s10, $0x1;
	s10 =	sld [smem:$0x3FB6];
	_ =	sdelay $0x3  }
0x37: {  	[smem:$0x3FB6] =	sst s10  }
0x38: {  	s10 =	sld [smem:$0x3FB7]  }
0x39: {  	_ = 	snop;
	(pc) =	sbr.ind lr, $3  }
0x3a: {  	_ = 	snop  }
0x3b: {  	_ = 	snop  }
0x3c: {  	p2 =	seq.s32 s10, $0x1;
	s10 =	sld [smem:$0x3FB6]  }
0x3d: {  	_ =	shalt  }
0x3e: {  	_ =	shalt  }
0x3f: {  	_ =	shalt  }
0x40: {  	_ =	shalt  }
0x41: {  	_ =	shalt  }
0x42: {  	_ =	shalt  }
0x43: {  	_ =	shalt  }
0x44: {  	_ =	shalt  }
0x45: {  	_ =	shalt  }
0x46: {  	_ =	shalt  }
0x47: {  	_ =	shalt  }
0x48: {  	_ =	shalt  }
0x49: {  	_ =	shalt  }
0x4a: {  	_ =	shalt  }
0x4b: {  	_ =	shalt  }
0x4c: {  	_ =	shalt  }
0x4d: {  	_ =	shalt  }
0x4e: {  	_ =	shalt  }
0x4f: {  	_ =	shalt  }
0x50: {  	_ =	shalt  }
0x51: {  	_ =	shalt  }
0x52: {  	_ =	shalt  }
0x53: {  	_ =	shalt  }
0x54: {  	_ =	shalt  }
0x55: {  	_ =	shalt  }
0x56: {  	_ =	shalt  }
0x57: {  	_ =	shalt  }
0x58: {  	_ =	shalt  }
0x59: {  	_ =	shalt  }
0x5a: {  	_ =	shalt  }
0x5b: {  	_ =	shalt  }
0x5c: {  	_ =	shalt  }
0x5d: {  	_ =	shalt  }
0x5e: {  	_ =	shalt  }
0x5f: {  	_ =	shalt  }
0x60: {  	_ =	shalt  }
0x61: {  	_ =	shalt  }
0x62: {  	_ =	shalt  }
0x63: {  	_ =	shalt  }
0x64: {  	_ =	shalt  }
0x65: {  	_ =	shalt  }
0x66: {  	_ =	shalt  }
0x67: {  	_ =	shalt  }
0x68: {  	_ =	shalt  }
0x69: {  	_ =	shalt  }
0x6a: {  	_ =	shalt  }
0x6b: {  	_ =	shalt  }
0x6c: {  	_ =	shalt  }
0x6d: {  	_ =	shalt  }
0x6e: {  	_ =	shalt  }
0x6f: {  	_ =	shalt  }
0x70: {  	_ =	shalt  }
0x71: {  	_ =	shalt  }
0x72: {  	_ =	shalt  }
0x73: {  	_ =	shalt  }
0x74: {  	_ =	shalt  }
0x75: {  	_ =	shalt  }
0x76: {  	_ =	shalt  }
0x77: {  	_ =	shalt  }
0x78: {  	_ =	shalt  }
0x79: {  	_ =	shalt  }
0x7a: {  	_ =	shalt  }
0x7b: {  	_ =	shalt  }
0x7c: {  	_ =	shalt  }
0x7d: {  	_ =	shalt  }
0x7e: {  	_ =	shalt  }
0x7f: {  	_ =	shalt  }
0x80: {  	_ =	shalt  }
0x81: {  	_ =	shalt  }
0x82: {  	_ =	shalt  }
0x83: {  	_ =	shalt  }
0x84: {  	_ =	shalt  }
0x85: {  	_ =	shalt  }
0x86: {  	_ =	shalt  }
0x87: {  	_ =	shalt  }
.Lfunc_end0:
.L_simem_size_0:
called_computation_lowered:
.L_overlay_start_0:
0x88: {  	s2 =	sld [smem:$0x3FD9]  }
0x89: {  	s3 =	sld [smem:$0x3FFE];
	_ =	sdelay $0x1  }
0x8a: {  	s1 =	srdreg.scid  }
0x8b: {  	s0 =	sand.u32 $0x1, s1  }
0x8c: {  	s14 =	sshll.u32 s0, $0xA;
	s2 =	sadd.s32 s3, s2  }
0x8d: {  	s2 =	sadd.s32 s2, s14  }
0x8e: {  	[smem:$0x3FC2] =	sst s2  }
0x8f: {  	_ = 	snop  }
0x90: {  	s2 =	sld [smem:$0x3FD0];
	_ =	sdelay $0x2  }
0x91: {  	s15 =	simm.s32 $0xB;
	s4 =	simm.s32 $0x10  }
0x92: {  	[smem:s4], [sflag:s15] =	dma.local [hbm:s2], $0x1  }
0x93: {  	_ =	swait.eq [sflag:s15], $0x1  }
0x94: {  	[sflag:s15] =	ssyncset.done $0x0  }
0x95: {  	s16 =	sld [smem:$0x11];
	[sflag:s15] =	ssyncadd.s32 $0xFFFFFFFF  }
0x96: {  	s17 =	sld [smem:$0x13];
	(tm) =	ssettm $0x1  }
0x97: {  	s18 =	sld [smem:$0x3FFB];
	_ =	sdelay $0x3  }
0x98: {  	_ =	strace s18  }
0x99: {  	s4 =	sld [smem:$0x3FFC];
	_ =	sdelay $0x3  }
0x9a: {  	_ =	strace s4  }
0x9b: {  	s4 =	sld [smem:$0x3FFD];
	_ =	sdelay $0x3  }
0x9c: {  	_ =	strace s4  }
0x9d: {  	_ =	strace $0x8FFFFFFF  }
0x9e: {  	s19 =	sld [smem:$0x3FDB];
	_ =	sdelay $0x1  }
0x9f: {  	s5 =	simm.s32 $_scs_section_size  }
0xa0: {  	s6 =	simm.s32 $_size__tile_overlayer_lowered;
	s7 =	simm.s32 $_tile_overlayer_lowered  }
0xa1: {  	s22 =	simm.s32 $0x1BFF;
	s21 =	sshll.u32 s7, $0x1;
	s4 =	sadd.s32 s5, s19  }
0xa2: {  	s8 =	simm.s32 $0x0;
	s20 =	sshll.u32 s6, $0x1;
	s6 =	sadd.s32 s21, s4  }
0xa3: {  	[timem:s8], [sflag:s22] =	dma.local [hbm:s6], s20  }
0xa4: {  	_ =	swait.ge [sflag:s22], s20  }
0xa5: {  	s5 =	ssub.s32 $0x0, s20;
	[sflag:s22] =	ssyncset.done $0x0  }
0xa6: {  	[sflag:s22] =	ssyncadd.s32 s5;
	_ =	sdelay $0x1  }
0xa7: {  	s23 =	simm.s32 $0x1B8B  }
0xa8: {  	_ =	swait.ge [sflag:s23], $0x1  }
0xa9: {  	[sflag:s23] =	ssyncset.done $0x0  }
0xaa: {  	s25 =	simm.s32 $0x1B8E;
	s24 =	sld [smem:$0x3FFE];
	[sflag:s23] =	ssyncadd.s32 $0xFFFFFFFF  }
0xab: {  	s26 =	simm.s32 $execute0_lowered;
	[smem:$0x3FD2] =	sst s25  }
0xac: {  	s6 =	sshll.u32 s26, $0x1;
	_ =	strace $0x80000046;
	[dreg:$0x1] =	wrdreg $0xFFFFFFFF  }
0xad: {  	s28 =	simm.s32 $_size_execute0_lowered;
	s4 =	sadd.s32 s4, s6;
	[dreg:$0x0] =	wrdreg $0x0  }
0xae: {  	s6 =	sshll.u32 s28, $0x1;
	[dreg:$0x2] =	wrdreg s4  }
0xaf: {  	[dreg:$0x3] =	wrdreg s6  }
0xb0: {  	[dreg:$0x4] =	wrdreg $0xC0  }
0xb1: {  	_ =	task [dreg:s8], $0x5FFFF  }
0xb2: {  	[dreg:$0x1] =	wrdreg $0xFFFFFFFF  }
0xb3: {  	[dreg:$0x0] =	wrdreg $0x60  }
0xb4: {  	[dreg:$0x2] =	wrdreg s24  }
0xb5: {  	[dreg:$0x3] =	wrdreg s16  }
0xb6: {  	[dreg:$0x4] =	wrdreg s17  }
0xb7: {  	[dreg:$0x5] =	wrdreg $0x9  }
0xb8: {  	_ =	task.clear_ibuf [dreg:s8], $0x6FFFF;
	_ =	strace $0x90000046  }
0xb9: {  	s29 =	simm.s32 $0x9;
	_ =	strace $0x80000048  }
0xba: {  	_ =	swait.ge [sflag:s29], $0x1  }
0xbb: {  	[sflag:s29] =	ssyncadd.s32 $0xFFFFFFFF  }
0xbc: {  	_ =	strace $0x90000048  }
0xbd: {  	_ =	sfence  }
0xbe: {  	s30 =	sld [smem:$0x0];
	_ =	sdelay $0x2  }
0xbf: {  	s31 =	sshll.u32 s1, $0xD;
	s1 =	sshrl.u32 s1, $0x2  }
0xc0: {  	s3 =	sand.u32 $0x4000, s31;
	s1 =	sadd.s32 s1, s30  }
0xc1: {  	s0 =	sor.u32 s3, s0;
	s1 =	sshll.u32 s1, $0x11  }
0xc2: {  	s0 =	sor.u32 s1, s0  }
0xc3: {  	s0 =	sadd.s32 $0x8F2B, s0  }
0xc4: {  	[sflag:s0] =	ssyncadd.remote.s32 $0x1  }
0xc5: {  	_ =	sfence.sel $0xFFFF  }
0xc6: {  	[dreg:$0x0] =	wrdreg $0xFFFFFFFF;
	(pc) =	sbr.abs _section_cstart, $3  }
0xc7: {  	[dreg:$0x1] =	wrdreg $0xFFFFFFFF  }
0xc8: {  	_ =	task.clear_ibuf [dreg:s8], $0x2FFFF;
	_ =	strace $0x9FFFFFFF  }
0xc9: {  	(tm) =	ssettm $0x7FFFFFFF  }
tec
execute0_lowered:
.L_overlay_start_1:
0x0: {  	(tag) =	ssettag $0x1  }
0x1: {  	s3 =	rddreg [dreg:$0x0]  }
0x2: {  	s0 =	stileid.u32;
	s2 =	rddreg [dreg:$0x1]  }
0x3: {  	s1 =	srdreg.scid;
	s13 =	rddreg [dreg:$0x2]  }
0x4: {  	s5 =	sshll.u32 s0, $0x1;
	s4 =	sand.u32 $0x1, s1;
	[dreg:$0x4] =	wrdreg s13  }
0x5: {  	s6 =	sshrl.u32 s0, $0x1;
	s1 =	rddreg [dreg:$0x3];
	s12 =	sand.u32 $0x2, s5  }
0x6: {  	s13 =	simm.s32 $0x0;
	s15 =	sor.u32 s4, s12;
	s12 =	sshll.u32 s6, $0x17  }
0x7: {  	[smem:$0x7FF] =	sst s13;
	s9 =	sor.u32 $0x14000, s12  }
0x8: {  	_ =	strace $0x80000047;
	s16 =	sor.u32 $0x28000, s12;
	[dreg:$0x6] =	wrdreg s9  }
0x9: {  	s18 =	sor.u32 $0x3C000, s12;
	[dreg:$0x8] =	wrdreg s16  }
0xa: {  	s20 =	sor.u32 $0x50000, s12;
	[dreg:$0xa] =	wrdreg s18  }
0xb: {  	s22 =	sor.u32 $0x64000, s12;
	[dreg:$0xc] =	wrdreg s20  }
0xc: {  	s24 =	sor.u32 $0x78000, s12;
	[dreg:$0xe] =	wrdreg s22  }
0xd: {  	s26 =	sor.u32 $0x8C000, s12;
	[dreg:$0x10] =	wrdreg s24  }
0xe: {  	s14 =	smul.u32 $0x1F4000, s15;
	s29 =	sor.u32 $0xA0000, s12;
	[dreg:$0x12] =	wrdreg s26  }
0xf: {  	s7 =	smul.u32 $0x3E8, s15;
	s31 =	sor.u32 $0xB4000, s12;
	[dreg:$0x14] =	wrdreg s29  }
0x10: {  	s10 =	sor.u32 $0xC8000, s12;
	[dreg:$0x16] =	wrdreg s31;
	s8 =	sor.u32 s12, s14  }
0x11: {  	s5 =	sadd.s32 $0x800C00, s3;
	[dreg:$0x18] =	wrdreg s10;
	s8 =	sshrl.u32 s8, $0x3  }
0x12: {  	[dreg:$0x5] =	wrdreg s7;
	s14 =	sor.u32 $0xDC000, s12;
	s7 =	sadd.s32 s5, s8  }
0x13: {  	[dreg:$0x1a] =	wrdreg s14;
	s8 =	sadd.s32 $0x4000, s7  }
0x14: {  	s17 =	sadd.s32 $0x6800, s7;
	[dreg:$0x7] =	wrdreg s8  }
0x15: {  	s19 =	sadd.s32 $0x9000, s7;
	[dreg:$0x9] =	wrdreg s17  }
0x16: {  	s21 =	sadd.s32 $0xB800, s7;
	[dreg:$0xb] =	wrdreg s19  }
0x17: {  	s23 =	sadd.s32 $0xE000, s7;
	[dreg:$0xd] =	wrdreg s21  }
0x18: {  	s25 =	sadd.s32 $0x10800, s7;
	[dreg:$0xf] =	wrdreg s23  }
0x19: {  	s28 =	sadd.s32 $0x13000, s7;
	[dreg:$0x11] =	wrdreg s25  }
0x1a: {  	s30 =	sadd.s32 $0x15800, s7;
	[dreg:$0x13] =	wrdreg s28  }
0x1b: {  	s9 =	sadd.s32 $0x18000, s7;
	[dreg:$0x15] =	wrdreg s30  }
0x1c: {  	s11 =	sadd.s32 $0x1A800, s7;
	[dreg:$0x17] =	wrdreg s9  }
0x1d: {  	s16 =	sadd.s32 $0x1D000, s7;
	[dreg:$0x19] =	wrdreg s11  }
0x1e: {  	s18 =	sadd.s32 $0x1F800, s7;
	[dreg:$0x1b] =	wrdreg s16  }
0x1f: {  	s20 =	sadd.s32 $0x22000, s7;
	[dreg:$0x1d] =	wrdreg s18  }
0x20: {  	s22 =	sadd.s32 $0x24800, s7;
	[dreg:$0x1f] =	wrdreg s20  }
0x21: {  	s24 =	sadd.s32 $0x27000, s7;
	[smem:$0x7E3] =	sst s22  }
0x22: {  	s26 =	sadd.s32 $0x29800, s7;
	[smem:$0x7E5] =	sst s24  }
0x23: {  	s29 =	sadd.s32 $0x2C000, s7;
	[smem:$0x7E7] =	sst s26  }
0x24: {  	s31 =	sadd.s32 $0x2E800, s7;
	[smem:$0x7E9] =	sst s29  }
0x25: {  	s10 =	sadd.s32 $0x31000, s7;
	[smem:$0x7EB] =	sst s31  }
0x26: {  	s14 =	sadd.s32 $0x33800, s7;
	[smem:$0x7ED] =	sst s10  }
0x27: {  	s17 =	sor.u32 $0xF0000, s12;
	[smem:$0x7EF] =	sst s14  }
0x28: {  	s19 =	sor.u32 $0x104000, s12;
	[dreg:$0x1c] =	wrdreg s17  }
0x29: {  	p2 =	por $0x0, $0x0;
	s21 =	sor.u32 $0x118000, s12;
	[dreg:$0x1e] =	wrdreg s19  }
0x2a: {  	s3 =	sadd.s32 $0xC00, s3;
	s23 =	sor.u32 $0x12C000, s12;
	[smem:$0x7E2] =	sst s21  }
0x2b: {  	s4 =	ssub.s32 $0x2, s4;
	s25 =	sor.u32 $0x140000, s12;
	[smem:$0x7E4] =	sst s23  }
0x2c: {  	p1 =	seq.s32 s15, $0x3;
	s28 =	sor.u32 $0x154000, s12;
	[smem:$0x7E6] =	sst s25  }
0x2d: {  	p0 =	sne.s32 @!p1 s15, $0x0;
	s30 =	sor.u32 $0x168000, s12;
	[smem:$0x7E8] =	sst s28  }
0x2e: {  	p0 =	por p0, p1;
	s9 =	sor.u32 $0x17C000, s12;
	[smem:$0x7EA] =	sst s30  }
0x2f: {  	s11 =	sor.u32 $0x190000, s12;
	s16 =	sor.u32 $0x1A4000, s12;
	[smem:$0x7EC] =	sst s9  }
0x30: {  	s18 =	sor.u32 $0x1B8000, s12;
	s20 =	sor.u32 $0x1CC000, s12;
	[smem:$0x7EE] =	sst s11  }
0x31: {  	s22 =	sor.u32 $0x1E0000, s12;
	s24 =	sshll.u32 s6, $0xD;
	[smem:$0x7F0] =	sst s16  }
0x32: {  	s6 =	sshll.u32 s6, $0x14;
	s29 =	sshrl.u32 s4, $0x1;
	[smem:$0x7F2] =	sst s18  }
0x33: {  	s14 =	simm.s32 $0x5;
	s10 =	simm.s32 $0xF080;
	[smem:$0x7F4] =	sst s20  }
0x34: {  	s8 =	simm.s32 $0x1;
	s17 =	sadd.s32 $0x36000, s7;
	[smem:$0x7F6] =	sst s22  }
0x35: {  	s19 =	sadd.s32 $0x38800, s7;
	s21 =	sadd.s32 $0x3B000, s7;
	[smem:$0x7F1] =	sst s17  }
0x36: {  	s23 =	sadd.s32 $0x3D800, s7;
	s7 =	sadd.s32 $0x40000, s7;
	[smem:$0x7F3] =	sst s19  }
0x37: {  	s25 =	sadd.s32 s2, s24;
	s4 =	ssub.s32 s4, s29;
	[smem:$0x7F5] =	sst s21  }
0x38: {  	s2 =	sadd.s32 s5, s6;
	[smem:$0x7F7] =	sst s23;
	s31 =	smax.u32 s4, $0x1  }
0x39: {  	s28 =	sadd.s32 s3, s6;
	[smem:$0x7F8] =	sst s7;
	s24 =	sadd.s32 $0xFFFFFFFF, s31  }
0x3a: {  	s6 =	sor.u32 $0x2800, s6;
	[smem:$0x7F9] =	sst s25;
	p3 =	sne.s32 s24, $0x0  }
.Ltmp0:
0x3b: {  	s11 =	simm.s32 $0x2;
	[smem:$0x7FB] =	sst s28;
	(pc) =	sbr.rel @!p3 .LBB2_1-.Ltmp0, $4  }
0x3c: {  	s9 =	simm.s32 $0x4;
	s26 =	sadd.s32 $0xFE000, s2;
	s25 =	rddreg [dreg:$0x4]  }
0x3d: {  	s30 =	sadd.s32 s3, s6;
	s5 =	sadd.s32 s5, s6;
	[smem:$0x7FA] =	sst s26  }
0x3e: {  	s6 =	simm.s32 $0x800;
	s7 =	simm.s32 $0x80;
	[smem:$0x7FC] =	sst s30  }
0x3f: {  	s4 =	simm.s32 $0x3;
	[smem:$0x7FD] =	sst s5;
	s5 =	simm.s32 $0x600  }
0x40: {  	[tilespmem:s13], [sflag:$0x5] =	stream.linear.gather [hbm4b:s25+s13], $0x80, $0x38;
	[tilespmem:$0x1E080] =	vst v63  }
0x41: {  	_ =	swait.ge [sflag:s14], $0x80  }
0x42: {  	[sflag:s14] =	ssyncset.done $0x0  }
0x43: {  	[sflag:s14] =	ssyncadd.s32 $0xFFFFFF80  }
0x44: {  	v0 =	vld [tilespmem:$0x0];
	_ =	sdelay $0x4  }
0x45: {  	(v2sf) =	vpush v0, $0x0;
	_ =	sdelay $0xe  }
0x46: {  	s15 =	rddreg [dreg:$0x5];
	s16 =	spop (v2sf)  }
0x47: {  	s15 =	sadd.s32 s15, s16  }
0x48: {  	s15 =	sshll.u32 s15, $0xB  }
0x49: {  	s17 =	rddreg [dreg:$0x6];
	s19 =	sadd.s32 s12, s15  }
0x4a: {  	s17 =	sadd.s32 s17, s15;
	s16 =	sshrl.u32 s19, $0x3  }
0x4b: {  	s17 =	sshrl.u32 s17, $0x3;
	s16 =	sadd.s32 s3, s16  }
0x4c: {  	[tilespmem:s7], [sflag:$0x1] =	stream.strided.gather [hbm4b:s16+s5], $0xF000, s6, s5, $0x38;
	[tilespmem:$0x1E080] =	vst v63  }
0x4d: {  	s20 =	sadd.s32 s3, s17  }
0x4e: {  	[tilespmem:s10], [sflag:$0x2] =	stream.strided.gather [hbm4b:s20+s5], $0xF000, s6, s5, $0x38;
	[tilespmem:$0x1E080] =	vst v63  }
0x4f: {  	_ =	swait.ge [sflag:s8], $0xF000  }
0x50: {  	[sflag:s8] =	ssyncset.done $0x0  }
0x51: {  	s21 =	rddreg [dreg:$0x7];
	[sflag:s8] =	ssyncadd.s32 $0xFFFF1000  }
0x52: {  	[hbm4b:s21+s5] =	stream.strided.scatter [tilespmem:s7], [sflag:$0x3], $0xF000, s6, s5, $0x38;
	[tilespmem:$0x1E080] =	vst v63  }
0x53: {  	_ =	swait.ge [sflag:s4], $0xF000  }
0x54: {  	s22 =	rddreg [dreg:$0x8]  }
0x55: {  	s16 =	sadd.s32 s22, s15  }
0x56: {  	[sflag:s4] =	ssyncset.done $0x0;
	s16 =	sshrl.u32 s16, $0x3  }
0x57: {  	[sflag:s4] =	ssyncadd.s32 $0xFFFF1000;
	s16 =	sadd.s32 s3, s16  }
0x58: {  	[tilespmem:s7], [sflag:$0x1] =	stream.strided.gather [hbm4b:s16+s5], $0xF000, s6, s5, $0x38;
	[tilespmem:$0x1E080] =	vst v63  }
0x59: {  	_ =	swait.ge [sflag:s11], $0xF000  }
0x5a: {  	[sflag:s11] =	ssyncset.done $0x0  }
0x5b: {  	s23 =	rddreg [dreg:$0x9];
	[sflag:s11] =	ssyncadd.s32 $0xFFFF1000  }
0x5c: {  	[hbm4b:s23+s5] =	stream.strided.scatter [tilespmem:s10], [sflag:$0x4], $0xF000, s6, s5, $0x38;
	[tilespmem:$0x1E080] =	vst v63  }
0x5d: {  	_ =	swait.ge [sflag:s9], $0xF000  }
0x5e: {  	s25 =	rddreg [dreg:$0xa]  }
0x5f: {  	s16 =	sadd.s32 s25, s15  }
0x60: {  	[sflag:s9] =	ssyncset.done $0x0;
	s16 =	sshrl.u32 s16, $0x3  }
0x61: {  	[sflag:s9] =	ssyncadd.s32 $0xFFFF1000;
	s16 =	sadd.s32 s3, s16  }
0x62: {  	[tilespmem:s10], [sflag:$0x2] =	stream.strided.gather [hbm4b:s16+s5], $0xF000, s6, s5, $0x38;
	[tilespmem:$0x1E080] =	vst v63  }
0x63: {  	_ =	swait.ge [sflag:s8], $0xF000  }
0x64: {  	[sflag:s8] =	ssyncset.done $0x0  }
0x65: {  	s26 =	rddreg [dreg:$0xb];
	[sflag:s8] =	ssyncadd.s32 $0xFFFF1000  }
0x66: {  	[hbm4b:s26+s5] =	stream.strided.scatter [tilespmem:s7], [sflag:$0x3], $0xF000, s6, s5, $0x38;
	[tilespmem:$0x1E080] =	vst v63  }
0x67: {  	_ =	swait.ge [sflag:s4], $0xF000  }
0x68: {  	s28 =	rddreg [dreg:$0xc]  }
0x69: {  	s16 =	sadd.s32 s28, s15  }
0x6a: {  	[sflag:s4] =	ssyncset.done $0x0;
	s16 =	sshrl.u32 s16, $0x3  }
0x6b: {  	[sflag:s4] =	ssyncadd.s32 $0xFFFF1000;
	s16 =	sadd.s32 s3, s16  }
0x6c: {  	[tilespmem:s7], [sflag:$0x1] =	stream.strided.gather [hbm4b:s16+s5], $0xF000, s6, s5, $0x38;
	[tilespmem:$0x1E080] =	vst v63  }
0x6d: {  	_ =	swait.ge [sflag:s11], $0xF000  }
0x6e: {  	[sflag:s11] =	ssyncset.done $0x0  }
0x6f: {  	s29 =	rddreg [dreg:$0xd];
	[sflag:s11] =	ssyncadd.s32 $0xFFFF1000  }
0x70: {  	[hbm4b:s29+s5] =	stream.strided.scatter [tilespmem:s10], [sflag:$0x4], $0xF000, s6, s5, $0x38;
	[tilespmem:$0x1E080] =	vst v63  }
0x71: {  	_ =	swait.ge [sflag:s9], $0xF000  }
0x72: {  	s30 =	rddreg [dreg:$0xe]  }
0x73: {  	s16 =	sadd.s32 s30, s15  }
0x74: {  	[sflag:s9] =	ssyncset.done $0x0;
	s16 =	sshrl.u32 s16, $0x3  }
0x75: {  	[sflag:s9] =	ssyncadd.s32 $0xFFFF1000;
	s16 =	sadd.s32 s3, s16  }
0x76: {  	[tilespmem:s10], [sflag:$0x2] =	stream.strided.gather [hbm4b:s16+s5], $0xF000, s6, s5, $0x38;
	[tilespmem:$0x1E080] =	vst v63  }
0x77: {  	_ =	swait.ge [sflag:s8], $0xF000  }
0x78: {  	[sflag:s8] =	ssyncset.done $0x0  }
0x79: {  	s31 =	rddreg [dreg:$0xf];
	[sflag:s8] =	ssyncadd.s32 $0xFFFF1000  }
0x7a: {  	[hbm4b:s31+s5] =	stream.strided.scatter [tilespmem:s7], [sflag:$0x3], $0xF000, s6, s5, $0x38;
	[tilespmem:$0x1E080] =	vst v63  }
0x7b: {  	_ =	swait.ge [sflag:s4], $0xF000  }
0x7c: {  	s17 =	rddreg [dreg:$0x10]  }
0x7d: {  	s16 =	sadd.s32 s17, s15  }
0x7e: {  	[sflag:s4] =	ssyncset.done $0x0;
	s16 =	sshrl.u32 s16, $0x3  }
0x7f: {  	[sflag:s4] =	ssyncadd.s32 $0xFFFF1000;
	s16 =	sadd.s32 s3, s16  }
0x80: {  	[tilespmem:s7], [sflag:$0x1] =	stream.strided.gather [hbm4b:s16+s5], $0xF000, s6, s5, $0x38;
	[tilespmem:$0x1E080] =	vst v63  }
0x81: {  	_ =	swait.ge [sflag:s11], $0xF000  }
0x82: {  	[sflag:s11] =	ssyncset.done $0x0  }
0x83: {  	s18 =	rddreg [dreg:$0x11];
	[sflag:s11] =	ssyncadd.s32 $0xFFFF1000  }
0x84: {  	[hbm4b:s18+s5] =	stream.strided.scatter [tilespmem:s10], [sflag:$0x4], $0xF000, s6, s5, $0x38;
	[tilespmem:$0x1E080] =	vst v63  }
0x85: {  	_ =	swait.ge [sflag:s9], $0xF000  }
0x86: {  	s19 =	rddreg [dreg:$0x12]  }
0x87: {  	s16 =	sadd.s32 s19, s15  }
0x88: {  	[sflag:s9] =	ssyncset.done $0x0;
	s16 =	sshrl.u32 s16, $0x3  }
0x89: {  	[sflag:s9] =	ssyncadd.s32 $0xFFFF1000;
	s16 =	sadd.s32 s3, s16  }
0x8a: {  	[tilespmem:s10], [sflag:$0x2] =	stream.strided.gather [hbm4b:s16+s5], $0xF000, s6, s5, $0x38;
	[tilespmem:$0x1E080] =	vst v63  }
0x8b: {  	_ =	swait.ge [sflag:s8], $0xF000  }
0x8c: {  	[sflag:s8] =	ssyncset.done $0x0  }
0x8d: {  	s20 =	rddreg [dreg:$0x13];
	[sflag:s8] =	ssyncadd.s32 $0xFFFF1000  }
0x8e: {  	[hbm4b:s20+s5] =	stream.strided.scatter [tilespmem:s7], [sflag:$0x3], $0xF000, s6, s5, $0x38;
	[tilespmem:$0x1E080] =	vst v63  }
0x8f: {  	_ =	swait.ge [sflag:s4], $0xF000  }
0x90: {  	s21 =	rddreg [dreg:$0x14]  }
0x91: {  	s16 =	sadd.s32 s21, s15  }
0x92: {  	[sflag:s4] =	ssyncset.done $0x0;
	s16 =	sshrl.u32 s16, $0x3  }
0x93: {  	[sflag:s4] =	ssyncadd.s32 $0xFFFF1000;
	s16 =	sadd.s32 s3, s16  }
0x94: {  	[tilespmem:s7], [sflag:$0x1] =	stream.strided.gather [hbm4b:s16+s5], $0xF000, s6, s5, $0x38;
	[tilespmem:$0x1E080] =	vst v63  }
0x95: {  	_ =	swait.ge [sflag:s11], $0xF000  }
0x96: {  	[sflag:s11] =	ssyncset.done $0x0  }
0x97: {  	s22 =	rddreg [dreg:$0x15];
	[sflag:s11] =	ssyncadd.s32 $0xFFFF1000  }
0x98: {  	[hbm4b:s22+s5] =	stream.strided.scatter [tilespmem:s10], [sflag:$0x4], $0xF000, s6, s5, $0x38;
	[tilespmem:$0x1E080] =	vst v63  }
0x99: {  	_ =	swait.ge [sflag:s9], $0xF000  }
0x9a: {  	s23 =	rddreg [dreg:$0x16]  }
0x9b: {  	s16 =	sadd.s32 s23, s15  }
0x9c: {  	[sflag:s9] =	ssyncset.done $0x0;
	s16 =	sshrl.u32 s16, $0x3  }
0x9d: {  	[sflag:s9] =	ssyncadd.s32 $0xFFFF1000;
	s16 =	sadd.s32 s3, s16  }
0x9e: {  	[tilespmem:s10], [sflag:$0x2] =	stream.strided.gather [hbm4b:s16+s5], $0xF000, s6, s5, $0x38;
	[tilespmem:$0x1E080] =	vst v63  }
0x9f: {  	_ =	swait.ge [sflag:s8], $0xF000  }
0xa0: {  	[sflag:s8] =	ssyncset.done $0x0  }
0xa1: {  	s25 =	rddreg [dreg:$0x17];
	[sflag:s8] =	ssyncadd.s32 $0xFFFF1000  }
0xa2: {  	[hbm4b:s25+s5] =	stream.strided.scatter [tilespmem:s7], [sflag:$0x3], $0xF000, s6, s5, $0x38;
	[tilespmem:$0x1E080] =	vst v63  }
0xa3: {  	_ =	swait.ge [sflag:s4], $0xF000  }
0xa4: {  	s26 =	rddreg [dreg:$0x18]  }
0xa5: {  	s16 =	sadd.s32 s26, s15  }
0xa6: {  	[sflag:s4] =	ssyncset.done $0x0;
	s16 =	sshrl.u32 s16, $0x3  }
0xa7: {  	[sflag:s4] =	ssyncadd.s32 $0xFFFF1000;
	s16 =	sadd.s32 s3, s16  }
0xa8: {  	[tilespmem:s7], [sflag:$0x1] =	stream.strided.gather [hbm4b:s16+s5], $0xF000, s6, s5, $0x38;
	[tilespmem:$0x1E080] =	vst v63  }
0xa9: {  	_ =	swait.ge [sflag:s11], $0xF000  }
0xaa: {  	[sflag:s11] =	ssyncset.done $0x0  }
0xab: {  	s28 =	rddreg [dreg:$0x19];
	[sflag:s11] =	ssyncadd.s32 $0xFFFF1000  }
0xac: {  	[hbm4b:s28+s5] =	stream.strided.scatter [tilespmem:s10], [sflag:$0x4], $0xF000, s6, s5, $0x38;
	[tilespmem:$0x1E080] =	vst v63  }
0xad: {  	_ =	swait.ge [sflag:s9], $0xF000  }
0xae: {  	s29 =	rddreg [dreg:$0x1a]  }
0xaf: {  	s16 =	sadd.s32 s29, s15  }
0xb0: {  	[sflag:s9] =	ssyncset.done $0x0;
	s16 =	sshrl.u32 s16, $0x3  }
0xb1: {  	[sflag:s9] =	ssyncadd.s32 $0xFFFF1000;
	s16 =	sadd.s32 s3, s16  }
0xb2: {  	[tilespmem:s10], [sflag:$0x2] =	stream.strided.gather [hbm4b:s16+s5], $0xF000, s6, s5, $0x38;
	[tilespmem:$0x1E080] =	vst v63  }
0xb3: {  	_ =	swait.ge [sflag:s8], $0xF000  }
0xb4: {  	[sflag:s8] =	ssyncset.done $0x0  }
0xb5: {  	s30 =	rddreg [dreg:$0x1b];
	[sflag:s8] =	ssyncadd.s32 $0xFFFF1000  }
0xb6: {  	[hbm4b:s30+s5] =	stream.strided.scatter [tilespmem:s7], [sflag:$0x3], $0xF000, s6, s5, $0x38;
	[tilespmem:$0x1E080] =	vst v63  }
0xb7: {  	_ =	swait.ge [sflag:s4], $0xF000  }
0xb8: {  	s31 =	rddreg [dreg:$0x1c]  }
0xb9: {  	s16 =	sadd.s32 s31, s15  }
0xba: {  	[sflag:s4] =	ssyncset.done $0x0;
	s16 =	sshrl.u32 s16, $0x3  }
0xbb: {  	[sflag:s4] =	ssyncadd.s32 $0xFFFF1000;
	s16 =	sadd.s32 s3, s16  }
0xbc: {  	[tilespmem:s7], [sflag:$0x1] =	stream.strided.gather [hbm4b:s16+s5], $0xF000, s6, s5, $0x38;
	[tilespmem:$0x1E080] =	vst v63  }
0xbd: {  	_ =	swait.ge [sflag:s11], $0xF000  }
0xbe: {  	[sflag:s11] =	ssyncset.done $0x0  }
0xbf: {  	s17 =	rddreg [dreg:$0x1d];
	[sflag:s11] =	ssyncadd.s32 $0xFFFF1000  }
0xc0: {  	[hbm4b:s17+s5] =	stream.strided.scatter [tilespmem:s10], [sflag:$0x4], $0xF000, s6, s5, $0x38;
	[tilespmem:$0x1E080] =	vst v63  }
0xc1: {  	_ =	swait.ge [sflag:s9], $0xF000  }
0xc2: {  	s18 =	rddreg [dreg:$0x1e]  }
0xc3: {  	s16 =	sadd.s32 s18, s15  }
0xc4: {  	[sflag:s9] =	ssyncset.done $0x0;
	s16 =	sshrl.u32 s16, $0x3  }
0xc5: {  	[sflag:s9] =	ssyncadd.s32 $0xFFFF1000;
	s16 =	sadd.s32 s3, s16  }
0xc6: {  	[tilespmem:s10], [sflag:$0x2] =	stream.strided.gather [hbm4b:s16+s5], $0xF000, s6, s5, $0x38;
	[tilespmem:$0x1E080] =	vst v63  }
0xc7: {  	_ =	swait.ge [sflag:s8], $0xF000  }
0xc8: {  	[sflag:s8] =	ssyncset.done $0x0  }
0xc9: {  	s19 =	rddreg [dreg:$0x1f];
	[sflag:s8] =	ssyncadd.s32 $0xFFFF1000  }
0xca: {  	[hbm4b:s19+s5] =	stream.strided.scatter [tilespmem:s7], [sflag:$0x3], $0xF000, s6, s5, $0x38;
	[tilespmem:$0x1E080] =	vst v63  }
0xcb: {  	_ =	swait.ge [sflag:s4], $0xF000  }
0xcc: {  	s20 =	sld [smem:$0x7E2];
	_ =	sdelay $0x2  }
0xcd: {  	s16 =	sadd.s32 s20, s15  }
0xce: {  	[sflag:s4] =	ssyncset.done $0x0;
	s16 =	sshrl.u32 s16, $0x3  }
0xcf: {  	[sflag:s4] =	ssyncadd.s32 $0xFFFF1000;
	s16 =	sadd.s32 s3, s16  }
0xd0: {  	[tilespmem:s7], [sflag:$0x1] =	stream.strided.gather [hbm4b:s16+s5], $0xF000, s6, s5, $0x38;
	[tilespmem:$0x1E080] =	vst v63  }
0xd1: {  	_ =	swait.ge [sflag:s11], $0xF000  }
0xd2: {  	s21 =	sld [smem:$0x7E3]  }
0xd3: {  	[sflag:s11] =	ssyncset.done $0x0  }
0xd4: {  	[sflag:s11] =	ssyncadd.s32 $0xFFFF1000  }
0xd5: {  	[hbm4b:s21+s5] =	stream.strided.scatter [tilespmem:s10], [sflag:$0x4], $0xF000, s6, s5, $0x38;
	[tilespmem:$0x1E080] =	vst v63  }
0xd6: {  	_ =	swait.ge [sflag:s9], $0xF000  }
0xd7: {  	s22 =	sld [smem:$0x7E4];
	_ =	sdelay $0x2  }
0xd8: {  	s16 =	sadd.s32 s22, s15  }
0xd9: {  	[sflag:s9] =	ssyncset.done $0x0;
	s16 =	sshrl.u32 s16, $0x3  }
0xda: {  	[sflag:s9] =	ssyncadd.s32 $0xFFFF1000;
	s16 =	sadd.s32 s3, s16  }
0xdb: {  	[tilespmem:s10], [sflag:$0x2] =	stream.strided.gather [hbm4b:s16+s5], $0xF000, s6, s5, $0x38;
	[tilespmem:$0x1E080] =	vst v63  }
0xdc: {  	_ =	swait.ge [sflag:s8], $0xF000  }
0xdd: {  	s23 =	sld [smem:$0x7E5]  }
0xde: {  	[sflag:s8] =	ssyncset.done $0x0  }
0xdf: {  	[sflag:s8] =	ssyncadd.s32 $0xFFFF1000  }
0xe0: {  	[hbm4b:s23+s5] =	stream.strided.scatter [tilespmem:s7], [sflag:$0x3], $0xF000, s6, s5, $0x38;
	[tilespmem:$0x1E080] =	vst v63  }
0xe1: {  	_ =	swait.ge [sflag:s4], $0xF000  }
0xe2: {  	s25 =	sld [smem:$0x7E6];
	_ =	sdelay $0x2  }
0xe3: {  	s16 =	sadd.s32 s25, s15  }
0xe4: {  	[sflag:s4] =	ssyncset.done $0x0;
	s16 =	sshrl.u32 s16, $0x3  }
0xe5: {  	[sflag:s4] =	ssyncadd.s32 $0xFFFF1000;
	s16 =	sadd.s32 s3, s16  }
0xe6: {  	[tilespmem:s7], [sflag:$0x1] =	stream.strided.gather [hbm4b:s16+s5], $0xF000, s6, s5, $0x38;
	[tilespmem:$0x1E080] =	vst v63  }
0xe7: {  	_ =	swait.ge [sflag:s11], $0xF000  }
0xe8: {  	s26 =	sld [smem:$0x7E7]  }
0xe9: {  	[sflag:s11] =	ssyncset.done $0x0  }
0xea: {  	[sflag:s11] =	ssyncadd.s32 $0xFFFF1000  }
0xeb: {  	[hbm4b:s26+s5] =	stream.strided.scatter [tilespmem:s10], [sflag:$0x4], $0xF000, s6, s5, $0x38;
	[tilespmem:$0x1E080] =	vst v63  }
0xec: {  	_ =	swait.ge [sflag:s9], $0xF000  }
0xed: {  	s28 =	sld [smem:$0x7E8];
	_ =	sdelay $0x2  }
0xee: {  	s16 =	sadd.s32 s28, s15  }
0xef: {  	[sflag:s9] =	ssyncset.done $0x0;
	s16 =	sshrl.u32 s16, $0x3  }
0xf0: {  	[sflag:s9] =	ssyncadd.s32 $0xFFFF1000;
	s16 =	sadd.s32 s3, s16  }
0xf1: {  	[tilespmem:s10], [sflag:$0x2] =	stream.strided.gather [hbm4b:s16+s5], $0xF000, s6, s5, $0x38;
	[tilespmem:$0x1E080] =	vst v63  }
0xf2: {  	_ =	swait.ge [sflag:s8], $0xF000  }
0xf3: {  	s29 =	sld [smem:$0x7E9]  }
0xf4: {  	[sflag:s8] =	ssyncset.done $0x0  }
0xf5: {  	[sflag:s8] =	ssyncadd.s32 $0xFFFF1000  }
0xf6: {  	[hbm4b:s29+s5] =	stream.strided.scatter [tilespmem:s7], [sflag:$0x3], $0xF000, s6, s5, $0x38;
	[tilespmem:$0x1E080] =	vst v63  }
0xf7: {  	_ =	swait.ge [sflag:s4], $0xF000  }
0xf8: {  	s30 =	sld [smem:$0x7EA];
	_ =	sdelay $0x2  }
0xf9: {  	s16 =	sadd.s32 s30, s15  }
0xfa: {  	[sflag:s4] =	ssyncset.done $0x0;
	s16 =	sshrl.u32 s16, $0x3  }
0xfb: {  	[sflag:s4] =	ssyncadd.s32 $0xFFFF1000;
	s16 =	sadd.s32 s3, s16  }
0xfc: {  	[tilespmem:s7], [sflag:$0x1] =	stream.strided.gather [hbm4b:s16+s5], $0xF000, s6, s5, $0x38;
	[tilespmem:$0x1E080] =	vst v63  }
0xfd: {  	_ =	swait.ge [sflag:s11], $0xF000  }
0xfe: {  	s31 =	sld [smem:$0x7EB]  }
0xff: {  	[sflag:s11] =	ssyncset.done $0x0  }
0x100: {  	[sflag:s11] =	ssyncadd.s32 $0xFFFF1000  }
0x101: {  	[hbm4b:s31+s5] =	stream.strided.scatter [tilespmem:s10], [sflag:$0x4], $0xF000, s6, s5, $0x38;
	[tilespmem:$0x1E080] =	vst v63  }
0x102: {  	_ =	swait.ge [sflag:s9], $0xF000  }
0x103: {  	s17 =	sld [smem:$0x7EC];
	_ =	sdelay $0x2  }
0x104: {  	s16 =	sadd.s32 s17, s15  }
0x105: {  	[sflag:s9] =	ssyncset.done $0x0;
	s16 =	sshrl.u32 s16, $0x3  }
0x106: {  	[sflag:s9] =	ssyncadd.s32 $0xFFFF1000;
	s16 =	sadd.s32 s3, s16  }
0x107: {  	[tilespmem:s10], [sflag:$0x2] =	stream.strided.gather [hbm4b:s16+s5], $0xF000, s6, s5, $0x38;
	[tilespmem:$0x1E080] =	vst v63  }
0x108: {  	_ =	swait.ge [sflag:s8], $0xF000  }
0x109: {  	s18 =	sld [smem:$0x7ED]  }
0x10a: {  	[sflag:s8] =	ssyncset.done $0x0  }
0x10b: {  	[sflag:s8] =	ssyncadd.s32 $0xFFFF1000  }
0x10c: {  	[hbm4b:s18+s5] =	stream.strided.scatter [tilespmem:s7], [sflag:$0x3], $0xF000, s6, s5, $0x38;
	[tilespmem:$0x1E080] =	vst v63  }
0x10d: {  	_ =	swait.ge [sflag:s4], $0xF000  }
0x10e: {  	s19 =	sld [smem:$0x7EE];
	_ =	sdelay $0x2  }
0x10f: {  	s16 =	sadd.s32 s19, s15  }
0x110: {  	[sflag:s4] =	ssyncset.done $0x0;
	s16 =	sshrl.u32 s16, $0x3  }
0x111: {  	[sflag:s4] =	ssyncadd.s32 $0xFFFF1000;
	s16 =	sadd.s32 s3, s16  }
0x112: {  	[tilespmem:s7], [sflag:$0x1] =	stream.strided.gather [hbm4b:s16+s5], $0xF000, s6, s5, $0x38;
	[tilespmem:$0x1E080] =	vst v63  }
0x113: {  	_ =	swait.ge [sflag:s11], $0xF000  }
0x114: {  	s20 =	sld [smem:$0x7EF]  }
0x115: {  	[sflag:s11] =	ssyncset.done $0x0  }
0x116: {  	[sflag:s11] =	ssyncadd.s32 $0xFFFF1000  }
0x117: {  	[hbm4b:s20+s5] =	stream.strided.scatter [tilespmem:s10], [sflag:$0x4], $0xF000, s6, s5, $0x38;
	[tilespmem:$0x1E080] =	vst v63  }
0x118: {  	_ =	swait.ge [sflag:s9], $0xF000  }
0x119: {  	s21 =	sld [smem:$0x7F0];
	_ =	sdelay $0x2  }
0x11a: {  	s16 =	sadd.s32 s21, s15  }
0x11b: {  	[sflag:s9] =	ssyncset.done $0x0;
	s16 =	sshrl.u32 s16, $0x3  }
0x11c: {  	[sflag:s9] =	ssyncadd.s32 $0xFFFF1000;
	s16 =	sadd.s32 s3, s16  }
0x11d: {  	[tilespmem:s10], [sflag:$0x2] =	stream.strided.gather [hbm4b:s16+s5], $0xF000, s6, s5, $0x38;
	[tilespmem:$0x1E080] =	vst v63  }
0x11e: {  	_ =	swait.ge [sflag:s8], $0xF000  }
0x11f: {  	s22 =	sld [smem:$0x7F1]  }
0x120: {  	[sflag:s8] =	ssyncset.done $0x0  }
0x121: {  	[sflag:s8] =	ssyncadd.s32 $0xFFFF1000  }
0x122: {  	[hbm4b:s22+s5] =	stream.strided.scatter [tilespmem:s7], [sflag:$0x3], $0xF000, s6, s5, $0x38;
	[tilespmem:$0x1E080] =	vst v63  }
0x123: {  	_ =	swait.ge [sflag:s4], $0xF000  }
0x124: {  	s23 =	sld [smem:$0x7F2];
	_ =	sdelay $0x2  }
0x125: {  	s16 =	sadd.s32 s23, s15  }
0x126: {  	[sflag:s4] =	ssyncset.done $0x0;
	s16 =	sshrl.u32 s16, $0x3  }
0x127: {  	[sflag:s4] =	ssyncadd.s32 $0xFFFF1000;
	s16 =	sadd.s32 s3, s16  }
0x128: {  	[tilespmem:s7], [sflag:$0x1] =	stream.strided.gather [hbm4b:s16+s5], $0xF000, s6, s5, $0x38;
	[tilespmem:$0x1E080] =	vst v63  }
0x129: {  	_ =	swait.ge [sflag:s11], $0xF000  }
0x12a: {  	s25 =	sld [smem:$0x7F3]  }
0x12b: {  	[sflag:s11] =	ssyncset.done $0x0  }
0x12c: {  	[sflag:s11] =	ssyncadd.s32 $0xFFFF1000  }
0x12d: {  	[hbm4b:s25+s5] =	stream.strided.scatter [tilespmem:s10], [sflag:$0x4], $0xF000, s6, s5, $0x38;
	[tilespmem:$0x1E080] =	vst v63  }
0x12e: {  	_ =	swait.ge [sflag:s9], $0xF000  }
0x12f: {  	s26 =	sld [smem:$0x7F4];
	_ =	sdelay $0x2  }
0x130: {  	s16 =	sadd.s32 s26, s15  }
0x131: {  	[sflag:s9] =	ssyncset.done $0x0;
	s16 =	sshrl.u32 s16, $0x3  }
0x132: {  	[sflag:s9] =	ssyncadd.s32 $0xFFFF1000;
	s16 =	sadd.s32 s3, s16  }
0x133: {  	[tilespmem:s10], [sflag:$0x2] =	stream.strided.gather [hbm4b:s16+s5], $0xF000, s6, s5, $0x38;
	[tilespmem:$0x1E080] =	vst v63  }
0x134: {  	_ =	swait.ge [sflag:s8], $0xF000  }
0x135: {  	s28 =	sld [smem:$0x7F5]  }
0x136: {  	[sflag:s8] =	ssyncset.done $0x0  }
0x137: {  	[sflag:s8] =	ssyncadd.s32 $0xFFFF1000  }
0x138: {  	[hbm4b:s28+s5] =	stream.strided.scatter [tilespmem:s7], [sflag:$0x3], $0xF000, s6, s5, $0x38;
	[tilespmem:$0x1E080] =	vst v63  }
0x139: {  	_ =	swait.ge [sflag:s4], $0xF000  }
0x13a: {  	s29 =	sld [smem:$0x7F6];
	_ =	sdelay $0x2  }
0x13b: {  	s15 =	sadd.s32 s29, s15  }
0x13c: {  	[sflag:s4] =	ssyncset.done $0x0;
	s15 =	sshrl.u32 s15, $0x3  }
0x13d: {  	[sflag:s4] =	ssyncadd.s32 $0xFFFF1000;
	s15 =	sadd.s32 s3, s15  }
0x13e: {  	[tilespmem:s7], [sflag:$0x1] =	stream.strided.gather [hbm4b:s15+s5], $0xF000, s6, s5, $0x38;
	[tilespmem:$0x1E080] =	vst v63  }
0x13f: {  	_ =	swait.ge [sflag:s11], $0xF000  }
0x140: {  	s30 =	sld [smem:$0x7F7]  }
0x141: {  	[sflag:s11] =	ssyncset.done $0x0  }
0x142: {  	[sflag:s11] =	ssyncadd.s32 $0xFFFF1000  }
0x143: {  	[hbm4b:s30+s5] =	stream.strided.scatter [tilespmem:s10], [sflag:$0x4], $0xF000, s6, s5, $0x38;
	[tilespmem:$0x1E080] =	vst v63  }
0x144: {  	_ =	swait.ge [sflag:s8], $0xF000  }
0x145: {  	s31 =	sld [smem:$0x7F8]  }
0x146: {  	[sflag:s8] =	ssyncset.done $0x0  }
0x147: {  	[sflag:s8] =	ssyncadd.s32 $0xFFFF1000  }
0x148: {  	[hbm4b:s31+s5] =	stream.strided.scatter [tilespmem:s7], [sflag:$0x3], $0xF000, s6, s5, $0x38;
	[tilespmem:$0x1E080] =	vst v63  }
0x149: {  	_ =	swait.ge [sflag:s9], $0xF000  }
0x14a: {  	[sflag:s9] =	ssyncset.done $0x0  }
0x14b: {  	[sflag:s9] =	ssyncadd.s32 $0xFFFF1000  }
0x14c: {  	_ =	swait.ge [sflag:s4], $0xF000  }
0x14d: {  	s19 =	sld [smem:$0x7F9]  }
0x14e: {  	s17 =	simm.s32 @p1 $0x600;
	s18 =	simm.s32 @p1 $0x800;
	[sflag:s4] =	ssyncset.done $0x0  }
0x14f: {  	s16 =	simm.s32 @p1 $0x6;
	s15 =	simm.s32 @p1 $0x80;
	[sflag:s4] =	ssyncadd.s32 $0xFFFF1000  }
0x150: {  	[tilespmem:s15], [sflag:$0x6] =	stream.strided.gather @p1 [hbm4b:s19+s17], $0xC000, s18, s17, $0x38;
	[tilespmem:$0x1E080] =	vst v63  }
0x151: {  	_ =	swait.ge @p1 [sflag:s16], $0xC000  }
0x152: {  	s19 =	sld [smem:$0x7FA]  }
0x153: {  	[sflag:s16] =	ssyncset.done @p1 $0x0  }
0x154: {  	s20 =	simm.s32 @p1 $0x5;
	[sflag:s16] =	ssyncadd.s32 @p1 $0xFFFF4000  }
0x155: {  	[hbm4b:s19+s17] =	stream.strided.scatter @p1 [tilespmem:s15], [sflag:$0x5], $0xC000, s18, s17, $0x38;
	[tilespmem:$0x1E080] =	vst v63  }
0x156: {  	_ =	swait.ge @p1 [sflag:s20], $0xC000  }
0x157: {  	s25 =	sld [smem:$0x7FB]  }
0x158: {  	s21 =	simm.s32 @!p0 $0x80;
	s22 =	simm.s32 @!p0 $0x600;
	[sflag:s20] =	ssyncset.done @p1 $0x0  }
0x159: {  	s23 =	simm.s32 @!p0 $0x800;
	s19 =	simm.s32 @!p0 $0x6;
	[sflag:s20] =	ssyncadd.s32 @p1 $0xFFFF4000  }
0x15a: {  	[tilespmem:s21], [sflag:$0x6] =	stream.strided.gather @!p0 [hbm4b:s25+s22], $0xF000, s23, s22, $0x38;
	[tilespmem:$0x1E080] =	vst v63  }
0x15b: {  	_ =	swait.ge @!p0 [sflag:s19], $0xF000  }
0x15c: {  	[sflag:s19] =	ssyncset.done @!p0 $0x0  }
0x15d: {  	[sflag:s19] =	ssyncadd.s32 @!p0 $0xFFFF1000  }
0x15e: {  	[hbm4b:s2+s22] =	stream.strided.scatter @!p0 [tilespmem:s21], [sflag:$0x6], $0xF000, s23, s22, $0x38;
	[tilespmem:$0x1E080] =	vst v63  }
0x15f: {  	_ =	swait.ge @!p0 [sflag:s19], $0xF000  }
0x160: {  	s25 =	sld [smem:$0x7FC]  }
0x161: {  	[sflag:s19] =	ssyncset.done @!p0 $0x0  }
0x162: {  	[sflag:s19] =	ssyncadd.s32 @!p0 $0xFFFF1000  }
0x163: {  	[tilespmem:s21], [sflag:$0x6] =	stream.strided.gather @!p0 [hbm4b:s25+s22], $0x9000, s23, s22, $0x38;
	[tilespmem:$0x1E080] =	vst v63  }
0x164: {  	s24 =	sadd.s32 $0xFFFFFFFF, s24;
	_ =	swait.ge @!p0 [sflag:s19], $0x9000  }
0x165: {  	p3 =	sne.s32 s24, $0x0;
	s25 =	sld [smem:$0x7FD]  }
.Ltmp1:
0x166: {  	[sflag:s19] =	ssyncset.done @!p0 $0x0;
	(pc) =	sbr.rel @!p3 .LBB2_4-.Ltmp1, $4  }
0x167: {  	[sflag:s19] =	ssyncadd.s32 @!p0 $0xFFFF7000  }
0x168: {  	[hbm4b:s25+s22] =	stream.strided.scatter @!p0 [tilespmem:s21], [sflag:$0x6], $0x9000, s23, s22, $0x38;
	[tilespmem:$0x1E080] =	vst v63  }
0x169: {  	_ =	swait.ge @!p0 [sflag:s19], $0x9000  }
0x16a: {  	p2 =	por $0x1, $0x1;
	s25 =	rddreg [dreg:$0x4];
	[sflag:s19] =	ssyncset.done @!p0 $0x0  }
.LBB2_3:
0x16b: {  	[sflag:s19] =	ssyncadd.s32 @!p0 $0xFFFF7000  }
0x16c: {  	[tilespmem:s13], [sflag:$0x5] =	stream.linear.gather [hbm4b:s25+s13], $0x80, $0x38;
	[tilespmem:$0x1E080] =	vst v63  }
0x16d: {  	_ =	swait.ge [sflag:s14], $0x80  }
0x16e: {  	[sflag:s14] =	ssyncset.done $0x0  }
0x16f: {  	[sflag:s14] =	ssyncadd.s32 $0xFFFFFF80  }
0x170: {  	v0 =	vld [tilespmem:$0x0];
	_ =	sdelay $0x4  }
0x171: {  	(v2sf) =	vpush v0, $0x0;
	_ =	sdelay $0xe  }
0x172: {  	s30 =	rddreg [dreg:$0x5];
	s28 =	spop (v2sf)  }
0x173: {  	s25 =	sadd.s32 s30, s28  }
0x174: {  	s25 =	sshll.u32 s25, $0xB  }
0x175: {  	s26 =	rddreg [dreg:$0x6];
	s31 =	sadd.s32 s12, s25  }
0x176: {  	s26 =	sadd.s32 s26, s25;
	s28 =	sshrl.u32 s31, $0x3  }
0x177: {  	s26 =	sshrl.u32 s26, $0x3;
	s28 =	sadd.s32 s3, s28  }
0x178: {  	[tilespmem:s7], [sflag:$0x1] =	stream.strided.gather [hbm4b:s28+s5], $0xF000, s6, s5, $0x38;
	[tilespmem:$0x1E080] =	vst v63  }
0x179: {  	s26 =	sadd.s32 s3, s26  }
0x17a: {  	[tilespmem:s10], [sflag:$0x2] =	stream.strided.gather [hbm4b:s26+s5], $0xF000, s6, s5, $0x38;
	[tilespmem:$0x1E080] =	vst v63  }
0x17b: {  	_ =	swait.ge [sflag:s8], $0xF000  }
0x17c: {  	[sflag:s8] =	ssyncset.done $0x0  }
0x17d: {  	s28 =	rddreg [dreg:$0x7];
	[sflag:s8] =	ssyncadd.s32 $0xFFFF1000  }
0x17e: {  	[hbm4b:s28+s5] =	stream.strided.scatter [tilespmem:s7], [sflag:$0x3], $0xF000, s6, s5, $0x38;
	[tilespmem:$0x1E080] =	vst v63  }
0x17f: {  	_ =	swait.ge [sflag:s4], $0xF000  }
0x180: {  	s29 =	rddreg [dreg:$0x8]  }
0x181: {  	s26 =	sadd.s32 s29, s25  }
0x182: {  	[sflag:s4] =	ssyncset.done $0x0;
	s26 =	sshrl.u32 s26, $0x3  }
0x183: {  	[sflag:s4] =	ssyncadd.s32 $0xFFFF1000;
	s26 =	sadd.s32 s3, s26  }
0x184: {  	[tilespmem:s7], [sflag:$0x1] =	stream.strided.gather [hbm4b:s26+s5], $0xF000, s6, s5, $0x38;
	[tilespmem:$0x1E080] =	vst v63  }
0x185: {  	_ =	swait.ge [sflag:s11], $0xF000  }
0x186: {  	[sflag:s11] =	ssyncset.done $0x0  }
0x187: {  	s30 =	rddreg [dreg:$0x9];
	[sflag:s11] =	ssyncadd.s32 $0xFFFF1000  }
0x188: {  	[hbm4b:s30+s5] =	stream.strided.scatter [tilespmem:s10], [sflag:$0x4], $0xF000, s6, s5, $0x38;
	[tilespmem:$0x1E080] =	vst v63  }
0x189: {  	_ =	swait.ge [sflag:s9], $0xF000  }
0x18a: {  	s31 =	rddreg [dreg:$0xa]  }
0x18b: {  	s26 =	sadd.s32 s31, s25  }
0x18c: {  	[sflag:s9] =	ssyncset.done $0x0;
	s26 =	sshrl.u32 s26, $0x3  }
0x18d: {  	[sflag:s9] =	ssyncadd.s32 $0xFFFF1000;
	s26 =	sadd.s32 s3, s26  }
0x18e: {  	[tilespmem:s10], [sflag:$0x2] =	stream.strided.gather [hbm4b:s26+s5], $0xF000, s6, s5, $0x38;
	[tilespmem:$0x1E080] =	vst v63  }
0x18f: {  	_ =	swait.ge [sflag:s8], $0xF000  }
0x190: {  	[sflag:s8] =	ssyncset.done $0x0  }
0x191: {  	s28 =	rddreg [dreg:$0xb];
	[sflag:s8] =	ssyncadd.s32 $0xFFFF1000  }
0x192: {  	[hbm4b:s28+s5] =	stream.strided.scatter [tilespmem:s7], [sflag:$0x3], $0xF000, s6, s5, $0x38;
	[tilespmem:$0x1E080] =	vst v63  }
0x193: {  	_ =	swait.ge [sflag:s4], $0xF000  }
0x194: {  	s29 =	rddreg [dreg:$0xc]  }
0x195: {  	s26 =	sadd.s32 s29, s25  }
0x196: {  	[sflag:s4] =	ssyncset.done $0x0;
	s26 =	sshrl.u32 s26, $0x3  }
0x197: {  	[sflag:s4] =	ssyncadd.s32 $0xFFFF1000;
	s26 =	sadd.s32 s3, s26  }
0x198: {  	[tilespmem:s7], [sflag:$0x1] =	stream.strided.gather [hbm4b:s26+s5], $0xF000, s6, s5, $0x38;
	[tilespmem:$0x1E080] =	vst v63  }
0x199: {  	_ =	swait.ge [sflag:s11], $0xF000  }
0x19a: {  	[sflag:s11] =	ssyncset.done $0x0  }
0x19b: {  	s30 =	rddreg [dreg:$0xd];
	[sflag:s11] =	ssyncadd.s32 $0xFFFF1000  }
0x19c: {  	[hbm4b:s30+s5] =	stream.strided.scatter [tilespmem:s10], [sflag:$0x4], $0xF000, s6, s5, $0x38;
	[tilespmem:$0x1E080] =	vst v63  }
0x19d: {  	_ =	swait.ge [sflag:s9], $0xF000  }
0x19e: {  	s31 =	rddreg [dreg:$0xe]  }
0x19f: {  	s26 =	sadd.s32 s31, s25  }
0x1a0: {  	[sflag:s9] =	ssyncset.done $0x0;
	s26 =	sshrl.u32 s26, $0x3  }
0x1a1: {  	[sflag:s9] =	ssyncadd.s32 $0xFFFF1000;
	s26 =	sadd.s32 s3, s26  }
0x1a2: {  	[tilespmem:s10], [sflag:$0x2] =	stream.strided.gather [hbm4b:s26+s5], $0xF000, s6, s5, $0x38;
	[tilespmem:$0x1E080] =	vst v63  }
0x1a3: {  	_ =	swait.ge [sflag:s8], $0xF000  }
0x1a4: {  	[sflag:s8] =	ssyncset.done $0x0  }
0x1a5: {  	s28 =	rddreg [dreg:$0xf];
	[sflag:s8] =	ssyncadd.s32 $0xFFFF1000  }
0x1a6: {  	[hbm4b:s28+s5] =	stream.strided.scatter [tilespmem:s7], [sflag:$0x3], $0xF000, s6, s5, $0x38;
	[tilespmem:$0x1E080] =	vst v63  }
0x1a7: {  	_ =	swait.ge [sflag:s4], $0xF000  }
0x1a8: {  	s29 =	rddreg [dreg:$0x10]  }
0x1a9: {  	s26 =	sadd.s32 s29, s25  }
0x1aa: {  	[sflag:s4] =	ssyncset.done $0x0;
	s26 =	sshrl.u32 s26, $0x3  }
0x1ab: {  	[sflag:s4] =	ssyncadd.s32 $0xFFFF1000;
	s26 =	sadd.s32 s3, s26  }
0x1ac: {  	[tilespmem:s7], [sflag:$0x1] =	stream.strided.gather [hbm4b:s26+s5], $0xF000, s6, s5, $0x38;
	[tilespmem:$0x1E080] =	vst v63  }
0x1ad: {  	_ =	swait.ge [sflag:s11], $0xF000  }
0x1ae: {  	[sflag:s11] =	ssyncset.done $0x0  }
0x1af: {  	s30 =	rddreg [dreg:$0x11];
	[sflag:s11] =	ssyncadd.s32 $0xFFFF1000  }
0x1b0: {  	[hbm4b:s30+s5] =	stream.strided.scatter [tilespmem:s10], [sflag:$0x4], $0xF000, s6, s5, $0x38;
	[tilespmem:$0x1E080] =	vst v63  }
0x1b1: {  	_ =	swait.ge [sflag:s9], $0xF000  }
0x1b2: {  	s31 =	rddreg [dreg:$0x12]  }
0x1b3: {  	s26 =	sadd.s32 s31, s25  }
0x1b4: {  	[sflag:s9] =	ssyncset.done $0x0;
	s26 =	sshrl.u32 s26, $0x3  }
0x1b5: {  	[sflag:s9] =	ssyncadd.s32 $0xFFFF1000;
	s26 =	sadd.s32 s3, s26  }
0x1b6: {  	[tilespmem:s10], [sflag:$0x2] =	stream.strided.gather [hbm4b:s26+s5], $0xF000, s6, s5, $0x38;
	[tilespmem:$0x1E080] =	vst v63  }
0x1b7: {  	_ =	swait.ge [sflag:s8], $0xF000  }
0x1b8: {  	[sflag:s8] =	ssyncset.done $0x0  }
0x1b9: {  	s28 =	rddreg [dreg:$0x13];
	[sflag:s8] =	ssyncadd.s32 $0xFFFF1000  }
0x1ba: {  	[hbm4b:s28+s5] =	stream.strided.scatter [tilespmem:s7], [sflag:$0x3], $0xF000, s6, s5, $0x38;
	[tilespmem:$0x1E080] =	vst v63  }
0x1bb: {  	_ =	swait.ge [sflag:s4], $0xF000  }
0x1bc: {  	s29 =	rddreg [dreg:$0x14]  }
0x1bd: {  	s26 =	sadd.s32 s29, s25  }
0x1be: {  	[sflag:s4] =	ssyncset.done $0x0;
	s26 =	sshrl.u32 s26, $0x3  }
0x1bf: {  	[sflag:s4] =	ssyncadd.s32 $0xFFFF1000;
	s26 =	sadd.s32 s3, s26  }
0x1c0: {  	[tilespmem:s7], [sflag:$0x1] =	stream.strided.gather [hbm4b:s26+s5], $0xF000, s6, s5, $0x38;
	[tilespmem:$0x1E080] =	vst v63  }
0x1c1: {  	_ =	swait.ge [sflag:s11], $0xF000  }
0x1c2: {  	[sflag:s11] =	ssyncset.done $0x0  }
0x1c3: {  	s30 =	rddreg [dreg:$0x15];
	[sflag:s11] =	ssyncadd.s32 $0xFFFF1000  }
0x1c4: {  	[hbm4b:s30+s5] =	stream.strided.scatter [tilespmem:s10], [sflag:$0x4], $0xF000, s6, s5, $0x38;
	[tilespmem:$0x1E080] =	vst v63  }
0x1c5: {  	_ =	swait.ge [sflag:s9], $0xF000  }
0x1c6: {  	s31 =	rddreg [dreg:$0x16]  }
0x1c7: {  	s26 =	sadd.s32 s31, s25  }
0x1c8: {  	[sflag:s9] =	ssyncset.done $0x0;
	s26 =	sshrl.u32 s26, $0x3  }
0x1c9: {  	[sflag:s9] =	ssyncadd.s32 $0xFFFF1000;
	s26 =	sadd.s32 s3, s26  }
0x1ca: {  	[tilespmem:s10], [sflag:$0x2] =	stream.strided.gather [hbm4b:s26+s5], $0xF000, s6, s5, $0x38;
	[tilespmem:$0x1E080] =	vst v63  }
0x1cb: {  	_ =	swait.ge [sflag:s8], $0xF000  }
0x1cc: {  	[sflag:s8] =	ssyncset.done $0x0  }
0x1cd: {  	s28 =	rddreg [dreg:$0x17];
	[sflag:s8] =	ssyncadd.s32 $0xFFFF1000  }
0x1ce: {  	[hbm4b:s28+s5] =	stream.strided.scatter [tilespmem:s7], [sflag:$0x3], $0xF000, s6, s5, $0x38;
	[tilespmem:$0x1E080] =	vst v63  }
0x1cf: {  	_ =	swait.ge [sflag:s4], $0xF000  }
0x1d0: {  	s29 =	rddreg [dreg:$0x18]  }
0x1d1: {  	s26 =	sadd.s32 s29, s25  }
0x1d2: {  	[sflag:s4] =	ssyncset.done $0x0;
	s26 =	sshrl.u32 s26, $0x3  }
0x1d3: {  	[sflag:s4] =	ssyncadd.s32 $0xFFFF1000;
	s26 =	sadd.s32 s3, s26  }
0x1d4: {  	[tilespmem:s7], [sflag:$0x1] =	stream.strided.gather [hbm4b:s26+s5], $0xF000, s6, s5, $0x38;
	[tilespmem:$0x1E080] =	vst v63  }
0x1d5: {  	_ =	swait.ge [sflag:s11], $0xF000  }
0x1d6: {  	[sflag:s11] =	ssyncset.done $0x0  }
0x1d7: {  	s30 =	rddreg [dreg:$0x19];
	[sflag:s11] =	ssyncadd.s32 $0xFFFF1000  }
0x1d8: {  	[hbm4b:s30+s5] =	stream.strided.scatter [tilespmem:s10], [sflag:$0x4], $0xF000, s6, s5, $0x38;
	[tilespmem:$0x1E080] =	vst v63  }
0x1d9: {  	_ =	swait.ge [sflag:s9], $0xF000  }
0x1da: {  	s31 =	rddreg [dreg:$0x1a]  }
0x1db: {  	s26 =	sadd.s32 s31, s25  }
0x1dc: {  	[sflag:s9] =	ssyncset.done $0x0;
	s26 =	sshrl.u32 s26, $0x3  }
0x1dd: {  	[sflag:s9] =	ssyncadd.s32 $0xFFFF1000;
	s26 =	sadd.s32 s3, s26  }
0x1de: {  	[tilespmem:s10], [sflag:$0x2] =	stream.strided.gather [hbm4b:s26+s5], $0xF000, s6, s5, $0x38;
	[tilespmem:$0x1E080] =	vst v63  }
0x1df: {  	_ =	swait.ge [sflag:s8], $0xF000  }
0x1e0: {  	[sflag:s8] =	ssyncset.done $0x0  }
0x1e1: {  	s28 =	rddreg [dreg:$0x1b];
	[sflag:s8] =	ssyncadd.s32 $0xFFFF1000  }
0x1e2: {  	[hbm4b:s28+s5] =	stream.strided.scatter [tilespmem:s7], [sflag:$0x3], $0xF000, s6, s5, $0x38;
	[tilespmem:$0x1E080] =	vst v63  }
0x1e3: {  	_ =	swait.ge [sflag:s4], $0xF000  }
0x1e4: {  	s29 =	rddreg [dreg:$0x1c]  }
0x1e5: {  	s26 =	sadd.s32 s29, s25  }
0x1e6: {  	[sflag:s4] =	ssyncset.done $0x0;
	s26 =	sshrl.u32 s26, $0x3  }
0x1e7: {  	[sflag:s4] =	ssyncadd.s32 $0xFFFF1000;
	s26 =	sadd.s32 s3, s26  }
0x1e8: {  	[tilespmem:s7], [sflag:$0x1] =	stream.strided.gather [hbm4b:s26+s5], $0xF000, s6, s5, $0x38;
	[tilespmem:$0x1E080] =	vst v63  }
0x1e9: {  	_ =	swait.ge [sflag:s11], $0xF000  }
0x1ea: {  	[sflag:s11] =	ssyncset.done $0x0  }
0x1eb: {  	s30 =	rddreg [dreg:$0x1d];
	[sflag:s11] =	ssyncadd.s32 $0xFFFF1000  }
0x1ec: {  	[hbm4b:s30+s5] =	stream.strided.scatter [tilespmem:s10], [sflag:$0x4], $0xF000, s6, s5, $0x38;
	[tilespmem:$0x1E080] =	vst v63  }
0x1ed: {  	_ =	swait.ge [sflag:s9], $0xF000  }
0x1ee: {  	s31 =	rddreg [dreg:$0x1e]  }
0x1ef: {  	s26 =	sadd.s32 s31, s25  }
0x1f0: {  	[sflag:s9] =	ssyncset.done $0x0;
	s26 =	sshrl.u32 s26, $0x3  }
0x1f1: {  	[sflag:s9] =	ssyncadd.s32 $0xFFFF1000;
	s26 =	sadd.s32 s3, s26  }
0x1f2: {  	[tilespmem:s10], [sflag:$0x2] =	stream.strided.gather [hbm4b:s26+s5], $0xF000, s6, s5, $0x38;
	[tilespmem:$0x1E080] =	vst v63  }
0x1f3: {  	_ =	swait.ge [sflag:s8], $0xF000  }
0x1f4: {  	[sflag:s8] =	ssyncset.done $0x0  }
0x1f5: {  	s28 =	rddreg [dreg:$0x1f];
	[sflag:s8] =	ssyncadd.s32 $0xFFFF1000  }
0x1f6: {  	[hbm4b:s28+s5] =	stream.strided.scatter [tilespmem:s7], [sflag:$0x3], $0xF000, s6, s5, $0x38;
	[tilespmem:$0x1E080] =	vst v63  }
0x1f7: {  	_ =	swait.ge [sflag:s4], $0xF000  }
0x1f8: {  	s29 =	sld [smem:$0x7E2];
	_ =	sdelay $0x2  }
0x1f9: {  	s26 =	sadd.s32 s29, s25  }
0x1fa: {  	[sflag:s4] =	ssyncset.done $0x0;
	s26 =	sshrl.u32 s26, $0x3  }
0x1fb: {  	[sflag:s4] =	ssyncadd.s32 $0xFFFF1000;
	s26 =	sadd.s32 s3, s26  }
0x1fc: {  	[tilespmem:s7], [sflag:$0x1] =	stream.strided.gather [hbm4b:s26+s5], $0xF000, s6, s5, $0x38;
	[tilespmem:$0x1E080] =	vst v63  }
0x1fd: {  	_ =	swait.ge [sflag:s11], $0xF000  }
0x1fe: {  	s30 =	sld [smem:$0x7E3]  }
0x1ff: {  	[sflag:s11] =	ssyncset.done $0x0  }
0x200: {  	[sflag:s11] =	ssyncadd.s32 $0xFFFF1000  }
0x201: {  	[hbm4b:s30+s5] =	stream.strided.scatter [tilespmem:s10], [sflag:$0x4], $0xF000, s6, s5, $0x38;
	[tilespmem:$0x1E080] =	vst v63  }
0x202: {  	_ =	swait.ge [sflag:s9], $0xF000  }
0x203: {  	s31 =	sld [smem:$0x7E4];
	_ =	sdelay $0x2  }
0x204: {  	s26 =	sadd.s32 s31, s25  }
0x205: {  	[sflag:s9] =	ssyncset.done $0x0;
	s26 =	sshrl.u32 s26, $0x3  }
0x206: {  	[sflag:s9] =	ssyncadd.s32 $0xFFFF1000;
	s26 =	sadd.s32 s3, s26  }
0x207: {  	[tilespmem:s10], [sflag:$0x2] =	stream.strided.gather [hbm4b:s26+s5], $0xF000, s6, s5, $0x38;
	[tilespmem:$0x1E080] =	vst v63  }
0x208: {  	_ =	swait.ge [sflag:s8], $0xF000  }
0x209: {  	s28 =	sld [smem:$0x7E5]  }
0x20a: {  	[sflag:s8] =	ssyncset.done $0x0  }
0x20b: {  	[sflag:s8] =	ssyncadd.s32 $0xFFFF1000  }
0x20c: {  	[hbm4b:s28+s5] =	stream.strided.scatter [tilespmem:s7], [sflag:$0x3], $0xF000, s6, s5, $0x38;
	[tilespmem:$0x1E080] =	vst v63  }
0x20d: {  	_ =	swait.ge [sflag:s4], $0xF000  }
0x20e: {  	s29 =	sld [smem:$0x7E6];
	_ =	sdelay $0x2  }
0x20f: {  	s26 =	sadd.s32 s29, s25  }
0x210: {  	[sflag:s4] =	ssyncset.done $0x0;
	s26 =	sshrl.u32 s26, $0x3  }
0x211: {  	[sflag:s4] =	ssyncadd.s32 $0xFFFF1000;
	s26 =	sadd.s32 s3, s26  }
0x212: {  	[tilespmem:s7], [sflag:$0x1] =	stream.strided.gather [hbm4b:s26+s5], $0xF000, s6, s5, $0x38;
	[tilespmem:$0x1E080] =	vst v63  }
0x213: {  	_ =	swait.ge [sflag:s11], $0xF000  }
0x214: {  	s30 =	sld [smem:$0x7E7]  }
0x215: {  	[sflag:s11] =	ssyncset.done $0x0  }
0x216: {  	[sflag:s11] =	ssyncadd.s32 $0xFFFF1000  }
0x217: {  	[hbm4b:s30+s5] =	stream.strided.scatter [tilespmem:s10], [sflag:$0x4], $0xF000, s6, s5, $0x38;
	[tilespmem:$0x1E080] =	vst v63  }
0x218: {  	_ =	swait.ge [sflag:s9], $0xF000  }
0x219: {  	s31 =	sld [smem:$0x7E8];
	_ =	sdelay $0x2  }
0x21a: {  	s26 =	sadd.s32 s31, s25  }
0x21b: {  	[sflag:s9] =	ssyncset.done $0x0;
	s26 =	sshrl.u32 s26, $0x3  }
0x21c: {  	[sflag:s9] =	ssyncadd.s32 $0xFFFF1000;
	s26 =	sadd.s32 s3, s26  }
0x21d: {  	[tilespmem:s10], [sflag:$0x2] =	stream.strided.gather [hbm4b:s26+s5], $0xF000, s6, s5, $0x38;
	[tilespmem:$0x1E080] =	vst v63  }
0x21e: {  	_ =	swait.ge [sflag:s8], $0xF000  }
0x21f: {  	s28 =	sld [smem:$0x7E9]  }
0x220: {  	[sflag:s8] =	ssyncset.done $0x0  }
0x221: {  	[sflag:s8] =	ssyncadd.s32 $0xFFFF1000  }
0x222: {  	[hbm4b:s28+s5] =	stream.strided.scatter [tilespmem:s7], [sflag:$0x3], $0xF000, s6, s5, $0x38;
	[tilespmem:$0x1E080] =	vst v63  }
0x223: {  	_ =	swait.ge [sflag:s4], $0xF000  }
0x224: {  	s29 =	sld [smem:$0x7EA];
	_ =	sdelay $0x2  }
0x225: {  	s26 =	sadd.s32 s29, s25  }
0x226: {  	[sflag:s4] =	ssyncset.done $0x0;
	s26 =	sshrl.u32 s26, $0x3  }
0x227: {  	[sflag:s4] =	ssyncadd.s32 $0xFFFF1000;
	s26 =	sadd.s32 s3, s26  }
0x228: {  	[tilespmem:s7], [sflag:$0x1] =	stream.strided.gather [hbm4b:s26+s5], $0xF000, s6, s5, $0x38;
	[tilespmem:$0x1E080] =	vst v63  }
0x229: {  	_ =	swait.ge [sflag:s11], $0xF000  }
0x22a: {  	s30 =	sld [smem:$0x7EB]  }
0x22b: {  	[sflag:s11] =	ssyncset.done $0x0  }
0x22c: {  	[sflag:s11] =	ssyncadd.s32 $0xFFFF1000  }
0x22d: {  	[hbm4b:s30+s5] =	stream.strided.scatter [tilespmem:s10], [sflag:$0x4], $0xF000, s6, s5, $0x38;
	[tilespmem:$0x1E080] =	vst v63  }
0x22e: {  	_ =	swait.ge [sflag:s9], $0xF000  }
0x22f: {  	s31 =	sld [smem:$0x7EC];
	_ =	sdelay $0x2  }
0x230: {  	s26 =	sadd.s32 s31, s25  }
0x231: {  	[sflag:s9] =	ssyncset.done $0x0;
	s26 =	sshrl.u32 s26, $0x3  }
0x232: {  	[sflag:s9] =	ssyncadd.s32 $0xFFFF1000;
	s26 =	sadd.s32 s3, s26  }
0x233: {  	[tilespmem:s10], [sflag:$0x2] =	stream.strided.gather [hbm4b:s26+s5], $0xF000, s6, s5, $0x38;
	[tilespmem:$0x1E080] =	vst v63  }
0x234: {  	_ =	swait.ge [sflag:s8], $0xF000  }
0x235: {  	s28 =	sld [smem:$0x7ED]  }
0x236: {  	[sflag:s8] =	ssyncset.done $0x0  }
0x237: {  	[sflag:s8] =	ssyncadd.s32 $0xFFFF1000  }
0x238: {  	[hbm4b:s28+s5] =	stream.strided.scatter [tilespmem:s7], [sflag:$0x3], $0xF000, s6, s5, $0x38;
	[tilespmem:$0x1E080] =	vst v63  }
0x239: {  	_ =	swait.ge [sflag:s4], $0xF000  }
0x23a: {  	s29 =	sld [smem:$0x7EE];
	_ =	sdelay $0x2  }
0x23b: {  	s26 =	sadd.s32 s29, s25  }
0x23c: {  	[sflag:s4] =	ssyncset.done $0x0;
	s26 =	sshrl.u32 s26, $0x3  }
0x23d: {  	[sflag:s4] =	ssyncadd.s32 $0xFFFF1000;
	s26 =	sadd.s32 s3, s26  }
0x23e: {  	[tilespmem:s7], [sflag:$0x1] =	stream.strided.gather [hbm4b:s26+s5], $0xF000, s6, s5, $0x38;
	[tilespmem:$0x1E080] =	vst v63  }
0x23f: {  	_ =	swait.ge [sflag:s11], $0xF000  }
0x240: {  	s30 =	sld [smem:$0x7EF]  }
0x241: {  	[sflag:s11] =	ssyncset.done $0x0  }
0x242: {  	[sflag:s11] =	ssyncadd.s32 $0xFFFF1000  }
0x243: {  	[hbm4b:s30+s5] =	stream.strided.scatter [tilespmem:s10], [sflag:$0x4], $0xF000, s6, s5, $0x38;
	[tilespmem:$0x1E080] =	vst v63  }
0x244: {  	_ =	swait.ge [sflag:s9], $0xF000  }
0x245: {  	s31 =	sld [smem:$0x7F0];
	_ =	sdelay $0x2  }
0x246: {  	s26 =	sadd.s32 s31, s25  }
0x247: {  	[sflag:s9] =	ssyncset.done $0x0;
	s26 =	sshrl.u32 s26, $0x3  }
0x248: {  	[sflag:s9] =	ssyncadd.s32 $0xFFFF1000;
	s26 =	sadd.s32 s3, s26  }
0x249: {  	[tilespmem:s10], [sflag:$0x2] =	stream.strided.gather [hbm4b:s26+s5], $0xF000, s6, s5, $0x38;
	[tilespmem:$0x1E080] =	vst v63  }
0x24a: {  	_ =	swait.ge [sflag:s8], $0xF000  }
0x24b: {  	s28 =	sld [smem:$0x7F1]  }
0x24c: {  	[sflag:s8] =	ssyncset.done $0x0  }
0x24d: {  	[sflag:s8] =	ssyncadd.s32 $0xFFFF1000  }
0x24e: {  	[hbm4b:s28+s5] =	stream.strided.scatter [tilespmem:s7], [sflag:$0x3], $0xF000, s6, s5, $0x38;
	[tilespmem:$0x1E080] =	vst v63  }
0x24f: {  	_ =	swait.ge [sflag:s4], $0xF000  }
0x250: {  	s29 =	sld [smem:$0x7F2];
	_ =	sdelay $0x2  }
0x251: {  	s26 =	sadd.s32 s29, s25  }
0x252: {  	[sflag:s4] =	ssyncset.done $0x0;
	s26 =	sshrl.u32 s26, $0x3  }
0x253: {  	[sflag:s4] =	ssyncadd.s32 $0xFFFF1000;
	s26 =	sadd.s32 s3, s26  }
0x254: {  	[tilespmem:s7], [sflag:$0x1] =	stream.strided.gather [hbm4b:s26+s5], $0xF000, s6, s5, $0x38;
	[tilespmem:$0x1E080] =	vst v63  }
0x255: {  	_ =	swait.ge [sflag:s11], $0xF000  }
0x256: {  	s30 =	sld [smem:$0x7F3]  }
0x257: {  	[sflag:s11] =	ssyncset.done $0x0  }
0x258: {  	[sflag:s11] =	ssyncadd.s32 $0xFFFF1000  }
0x259: {  	[hbm4b:s30+s5] =	stream.strided.scatter [tilespmem:s10], [sflag:$0x4], $0xF000, s6, s5, $0x38;
	[tilespmem:$0x1E080] =	vst v63  }
0x25a: {  	_ =	swait.ge [sflag:s9], $0xF000  }
0x25b: {  	s31 =	sld [smem:$0x7F4];
	_ =	sdelay $0x2  }
0x25c: {  	s26 =	sadd.s32 s31, s25  }
0x25d: {  	[sflag:s9] =	ssyncset.done $0x0;
	s26 =	sshrl.u32 s26, $0x3  }
0x25e: {  	[sflag:s9] =	ssyncadd.s32 $0xFFFF1000;
	s26 =	sadd.s32 s3, s26  }
0x25f: {  	[tilespmem:s10], [sflag:$0x2] =	stream.strided.gather [hbm4b:s26+s5], $0xF000, s6, s5, $0x38;
	[tilespmem:$0x1E080] =	vst v63  }
0x260: {  	_ =	swait.ge [sflag:s8], $0xF000  }
0x261: {  	s28 =	sld [smem:$0x7F5]  }
0x262: {  	[sflag:s8] =	ssyncset.done $0x0  }
0x263: {  	[sflag:s8] =	ssyncadd.s32 $0xFFFF1000  }
0x264: {  	[hbm4b:s28+s5] =	stream.strided.scatter [tilespmem:s7], [sflag:$0x3], $0xF000, s6, s5, $0x38;
	[tilespmem:$0x1E080] =	vst v63  }
0x265: {  	_ =	swait.ge [sflag:s4], $0xF000  }
0x266: {  	s29 =	sld [smem:$0x7F6];
	_ =	sdelay $0x2  }
0x267: {  	s25 =	sadd.s32 s29, s25  }
0x268: {  	[sflag:s4] =	ssyncset.done $0x0;
	s25 =	sshrl.u32 s25, $0x3  }
0x269: {  	[sflag:s4] =	ssyncadd.s32 $0xFFFF1000;
	s25 =	sadd.s32 s3, s25  }
0x26a: {  	[tilespmem:s7], [sflag:$0x1] =	stream.strided.gather [hbm4b:s25+s5], $0xF000, s6, s5, $0x38;
	[tilespmem:$0x1E080] =	vst v63  }
0x26b: {  	_ =	swait.ge [sflag:s11], $0xF000  }
0x26c: {  	s30 =	sld [smem:$0x7F7]  }
0x26d: {  	[sflag:s11] =	ssyncset.done $0x0  }
0x26e: {  	[sflag:s11] =	ssyncadd.s32 $0xFFFF1000  }
0x26f: {  	[hbm4b:s30+s5] =	stream.strided.scatter [tilespmem:s10], [sflag:$0x4], $0xF000, s6, s5, $0x38;
	[tilespmem:$0x1E080] =	vst v63  }
0x270: {  	_ =	swait.ge [sflag:s8], $0xF000  }
0x271: {  	s31 =	sld [smem:$0x7F8]  }
0x272: {  	[sflag:s8] =	ssyncset.done $0x0  }
0x273: {  	[sflag:s8] =	ssyncadd.s32 $0xFFFF1000  }
0x274: {  	[hbm4b:s31+s5] =	stream.strided.scatter [tilespmem:s7], [sflag:$0x3], $0xF000, s6, s5, $0x38;
	[tilespmem:$0x1E080] =	vst v63  }
0x275: {  	_ =	swait.ge [sflag:s9], $0xF000  }
0x276: {  	[sflag:s9] =	ssyncset.done $0x0  }
0x277: {  	[sflag:s9] =	ssyncadd.s32 $0xFFFF1000  }
0x278: {  	_ =	swait.ge [sflag:s4], $0xF000  }
0x279: {  	s25 =	sld [smem:$0x7F9]  }
0x27a: {  	[sflag:s4] =	ssyncset.done $0x0  }
0x27b: {  	[sflag:s4] =	ssyncadd.s32 $0xFFFF1000  }
0x27c: {  	[tilespmem:s15], [sflag:$0x6] =	stream.strided.gather @p1 [hbm4b:s25+s17], $0xC000, s18, s17, $0x38;
	[tilespmem:$0x1E080] =	vst v63  }
0x27d: {  	_ =	swait.ge @p1 [sflag:s16], $0xC000  }
0x27e: {  	s25 =	sld [smem:$0x7FA]  }
0x27f: {  	[sflag:s16] =	ssyncset.done @p1 $0x0  }
0x280: {  	[sflag:s16] =	ssyncadd.s32 @p1 $0xFFFF4000  }
0x281: {  	[hbm4b:s25+s17] =	stream.strided.scatter @p1 [tilespmem:s15], [sflag:$0x5], $0xC000, s18, s17, $0x38;
	[tilespmem:$0x1E080] =	vst v63  }
0x282: {  	_ =	swait.ge @p1 [sflag:s20], $0xC000  }
0x283: {  	s25 =	sld [smem:$0x7FB]  }
0x284: {  	[sflag:s20] =	ssyncset.done @p1 $0x0  }
0x285: {  	[sflag:s20] =	ssyncadd.s32 @p1 $0xFFFF4000  }
0x286: {  	[tilespmem:s21], [sflag:$0x6] =	stream.strided.gather @!p0 [hbm4b:s25+s22], $0xF000, s23, s22, $0x38;
	[tilespmem:$0x1E080] =	vst v63  }
0x287: {  	_ =	swait.ge @!p0 [sflag:s19], $0xF000  }
0x288: {  	[sflag:s19] =	ssyncset.done @!p0 $0x0  }
0x289: {  	[sflag:s19] =	ssyncadd.s32 @!p0 $0xFFFF1000  }
0x28a: {  	[hbm4b:s2+s22] =	stream.strided.scatter @!p0 [tilespmem:s21], [sflag:$0x6], $0xF000, s23, s22, $0x38;
	[tilespmem:$0x1E080] =	vst v63  }
0x28b: {  	_ =	swait.ge @!p0 [sflag:s19], $0xF000  }
0x28c: {  	s25 =	sld [smem:$0x7FC]  }
0x28d: {  	[sflag:s19] =	ssyncset.done @!p0 $0x0  }
0x28e: {  	[sflag:s19] =	ssyncadd.s32 @!p0 $0xFFFF1000  }
0x28f: {  	[tilespmem:s21], [sflag:$0x6] =	stream.strided.gather @!p0 [hbm4b:s25+s22], $0x9000, s23, s22, $0x38;
	[tilespmem:$0x1E080] =	vst v63  }
0x290: {  	s24 =	sadd.s32 $0xFFFFFFFF, s24;
	_ =	swait.ge @!p0 [sflag:s19], $0x9000  }
0x291: {  	p3 =	sne.s32 s24, $0x0;
	s25 =	sld [smem:$0x7FD]  }
.Ltmp2:
0x292: {  	[sflag:s19] =	ssyncset.done @!p0 $0x0;
	(pc) =	sbr.rel @p3 .LBB2_3-.Ltmp2, $4  }
0x293: {  	[sflag:s19] =	ssyncadd.s32 @!p0 $0xFFFF7000  }
0x294: {  	[hbm4b:s25+s22] =	stream.strided.scatter @!p0 [tilespmem:s21], [sflag:$0x6], $0x9000, s23, s22, $0x38;
	[tilespmem:$0x1E080] =	vst v63  }
0x295: {  	_ =	swait.ge @!p0 [sflag:s19], $0x9000  }
0x296: {  	s25 =	rddreg [dreg:$0x4];
	[sflag:s19] =	ssyncset.done @!p0 $0x0  }
.LBB2_4:
0x297: {  	p2 =	por p0, !p2  }
0x298: {  	[sflag:s19] =	ssyncadd.s32 @!p2 $0xFFFF7000  }
0x299: {  	[tilespmem:s13], [sflag:$0x5] =	stream.linear.gather [hbm4b:s25+s13], $0x80, $0x38;
	[tilespmem:$0x1E080] =	vst v63  }
0x29a: {  	_ =	swait.ge [sflag:s14], $0x80  }
0x29b: {  	[sflag:s14] =	ssyncset.done $0x0  }
0x29c: {  	[sflag:s14] =	ssyncadd.s32 $0xFFFFFF80  }
0x29d: {  	v0 =	vld [tilespmem:$0x0];
	_ =	sdelay $0x4  }
0x29e: {  	(v2sf) =	vpush v0, $0x0;
	_ =	sdelay $0xe  }
0x29f: {  	s29 =	rddreg [dreg:$0x5];
	s30 =	spop (v2sf)  }
0x2a0: {  	s13 =	sadd.s32 s29, s30  }
0x2a1: {  	s13 =	sshll.u32 s13, $0xB  }
0x2a2: {  	s15 =	rddreg [dreg:$0x6];
	s12 =	sadd.s32 s12, s13  }
0x2a3: {  	s31 =	sadd.s32 s15, s13;
	s12 =	sshrl.u32 s12, $0x3  }
0x2a4: {  	s14 =	sshrl.u32 s31, $0x3;
	s12 =	sadd.s32 s3, s12  }
0x2a5: {  	[tilespmem:s7], [sflag:$0x1] =	stream.strided.gather [hbm4b:s12+s5], $0xF000, s6, s5, $0x38;
	[tilespmem:$0x1E080] =	vst v63  }
0x2a6: {  	s15 =	sadd.s32 s3, s14  }
0x2a7: {  	[tilespmem:s10], [sflag:$0x2] =	stream.strided.gather [hbm4b:s15+s5], $0xF000, s6, s5, $0x38;
	[tilespmem:$0x1E080] =	vst v63  }
0x2a8: {  	_ =	swait.ge [sflag:s8], $0xF000  }
0x2a9: {  	[sflag:s8] =	ssyncset.done $0x0  }
0x2aa: {  	s16 =	rddreg [dreg:$0x7];
	[sflag:s8] =	ssyncadd.s32 $0xFFFF1000  }
0x2ab: {  	[hbm4b:s16+s5] =	stream.strided.scatter [tilespmem:s7], [sflag:$0x3], $0xF000, s6, s5, $0x38;
	[tilespmem:$0x1E080] =	vst v63  }
0x2ac: {  	_ =	swait.ge [sflag:s4], $0xF000  }
0x2ad: {  	s17 =	rddreg [dreg:$0x8]  }
0x2ae: {  	s12 =	sadd.s32 s17, s13  }
0x2af: {  	[sflag:s4] =	ssyncset.done $0x0;
	s12 =	sshrl.u32 s12, $0x3  }
0x2b0: {  	[sflag:s4] =	ssyncadd.s32 $0xFFFF1000;
	s12 =	sadd.s32 s3, s12  }
0x2b1: {  	[tilespmem:s7], [sflag:$0x1] =	stream.strided.gather [hbm4b:s12+s5], $0xF000, s6, s5, $0x38;
	[tilespmem:$0x1E080] =	vst v63  }
0x2b2: {  	_ =	swait.ge [sflag:s11], $0xF000  }
0x2b3: {  	[sflag:s11] =	ssyncset.done $0x0  }
0x2b4: {  	s18 =	rddreg [dreg:$0x9];
	[sflag:s11] =	ssyncadd.s32 $0xFFFF1000  }
0x2b5: {  	[hbm4b:s18+s5] =	stream.strided.scatter [tilespmem:s10], [sflag:$0x4], $0xF000, s6, s5, $0x38;
	[tilespmem:$0x1E080] =	vst v63  }
0x2b6: {  	_ =	swait.ge [sflag:s9], $0xF000  }
0x2b7: {  	s19 =	rddreg [dreg:$0xa]  }
0x2b8: {  	s12 =	sadd.s32 s19, s13  }
0x2b9: {  	[sflag:s9] =	ssyncset.done $0x0;
	s12 =	sshrl.u32 s12, $0x3  }
0x2ba: {  	[sflag:s9] =	ssyncadd.s32 $0xFFFF1000;
	s12 =	sadd.s32 s3, s12  }
0x2bb: {  	[tilespmem:s10], [sflag:$0x2] =	stream.strided.gather [hbm4b:s12+s5], $0xF000, s6, s5, $0x38;
	[tilespmem:$0x1E080] =	vst v63  }
0x2bc: {  	_ =	swait.ge [sflag:s8], $0xF000  }
0x2bd: {  	[sflag:s8] =	ssyncset.done $0x0  }
0x2be: {  	s20 =	rddreg [dreg:$0xb];
	[sflag:s8] =	ssyncadd.s32 $0xFFFF1000  }
0x2bf: {  	[hbm4b:s20+s5] =	stream.strided.scatter [tilespmem:s7], [sflag:$0x3], $0xF000, s6, s5, $0x38;
	[tilespmem:$0x1E080] =	vst v63  }
0x2c0: {  	_ =	swait.ge [sflag:s4], $0xF000  }
0x2c1: {  	s21 =	rddreg [dreg:$0xc]  }
0x2c2: {  	s12 =	sadd.s32 s21, s13  }
0x2c3: {  	[sflag:s4] =	ssyncset.done $0x0;
	s12 =	sshrl.u32 s12, $0x3  }
0x2c4: {  	[sflag:s4] =	ssyncadd.s32 $0xFFFF1000;
	s12 =	sadd.s32 s3, s12  }
0x2c5: {  	[tilespmem:s7], [sflag:$0x1] =	stream.strided.gather [hbm4b:s12+s5], $0xF000, s6, s5, $0x38;
	[tilespmem:$0x1E080] =	vst v63  }
0x2c6: {  	_ =	swait.ge [sflag:s11], $0xF000  }
0x2c7: {  	[sflag:s11] =	ssyncset.done $0x0  }
0x2c8: {  	s22 =	rddreg [dreg:$0xd];
	[sflag:s11] =	ssyncadd.s32 $0xFFFF1000  }
0x2c9: {  	[hbm4b:s22+s5] =	stream.strided.scatter [tilespmem:s10], [sflag:$0x4], $0xF000, s6, s5, $0x38;
	[tilespmem:$0x1E080] =	vst v63  }
0x2ca: {  	_ =	swait.ge [sflag:s9], $0xF000  }
0x2cb: {  	s23 =	rddreg [dreg:$0xe]  }
0x2cc: {  	s12 =	sadd.s32 s23, s13  }
0x2cd: {  	[sflag:s9] =	ssyncset.done $0x0;
	s12 =	sshrl.u32 s12, $0x3  }
0x2ce: {  	[sflag:s9] =	ssyncadd.s32 $0xFFFF1000;
	s12 =	sadd.s32 s3, s12  }
0x2cf: {  	[tilespmem:s10], [sflag:$0x2] =	stream.strided.gather [hbm4b:s12+s5], $0xF000, s6, s5, $0x38;
	[tilespmem:$0x1E080] =	vst v63  }
0x2d0: {  	_ =	swait.ge [sflag:s8], $0xF000  }
0x2d1: {  	[sflag:s8] =	ssyncset.done $0x0  }
0x2d2: {  	s24 =	rddreg [dreg:$0xf];
	[sflag:s8] =	ssyncadd.s32 $0xFFFF1000  }
0x2d3: {  	[hbm4b:s24+s5] =	stream.strided.scatter [tilespmem:s7], [sflag:$0x3], $0xF000, s6, s5, $0x38;
	[tilespmem:$0x1E080] =	vst v63  }
0x2d4: {  	_ =	swait.ge [sflag:s4], $0xF000  }
0x2d5: {  	s25 =	rddreg [dreg:$0x10]  }
0x2d6: {  	s12 =	sadd.s32 s25, s13  }
0x2d7: {  	[sflag:s4] =	ssyncset.done $0x0;
	s12 =	sshrl.u32 s12, $0x3  }
0x2d8: {  	[sflag:s4] =	ssyncadd.s32 $0xFFFF1000;
	s12 =	sadd.s32 s3, s12  }
0x2d9: {  	[tilespmem:s7], [sflag:$0x1] =	stream.strided.gather [hbm4b:s12+s5], $0xF000, s6, s5, $0x38;
	[tilespmem:$0x1E080] =	vst v63  }
0x2da: {  	_ =	swait.ge [sflag:s11], $0xF000  }
0x2db: {  	[sflag:s11] =	ssyncset.done $0x0  }
0x2dc: {  	s26 =	rddreg [dreg:$0x11];
	[sflag:s11] =	ssyncadd.s32 $0xFFFF1000  }
0x2dd: {  	[hbm4b:s26+s5] =	stream.strided.scatter [tilespmem:s10], [sflag:$0x4], $0xF000, s6, s5, $0x38;
	[tilespmem:$0x1E080] =	vst v63  }
0x2de: {  	_ =	swait.ge [sflag:s9], $0xF000  }
0x2df: {  	s28 =	rddreg [dreg:$0x12]  }
0x2e0: {  	s12 =	sadd.s32 s28, s13  }
0x2e1: {  	[sflag:s9] =	ssyncset.done $0x0;
	s12 =	sshrl.u32 s12, $0x3  }
0x2e2: {  	[sflag:s9] =	ssyncadd.s32 $0xFFFF1000;
	s12 =	sadd.s32 s3, s12  }
0x2e3: {  	[tilespmem:s10], [sflag:$0x2] =	stream.strided.gather [hbm4b:s12+s5], $0xF000, s6, s5, $0x38;
	[tilespmem:$0x1E080] =	vst v63  }
0x2e4: {  	_ =	swait.ge [sflag:s8], $0xF000  }
0x2e5: {  	[sflag:s8] =	ssyncset.done $0x0  }
0x2e6: {  	s29 =	rddreg [dreg:$0x13];
	[sflag:s8] =	ssyncadd.s32 $0xFFFF1000  }
0x2e7: {  	[hbm4b:s29+s5] =	stream.strided.scatter [tilespmem:s7], [sflag:$0x3], $0xF000, s6, s5, $0x38;
	[tilespmem:$0x1E080] =	vst v63  }
0x2e8: {  	_ =	swait.ge [sflag:s4], $0xF000  }
0x2e9: {  	s30 =	rddreg [dreg:$0x14]  }
0x2ea: {  	s12 =	sadd.s32 s30, s13  }
0x2eb: {  	[sflag:s4] =	ssyncset.done $0x0;
	s12 =	sshrl.u32 s12, $0x3  }
0x2ec: {  	[sflag:s4] =	ssyncadd.s32 $0xFFFF1000;
	s12 =	sadd.s32 s3, s12  }
0x2ed: {  	[tilespmem:s7], [sflag:$0x1] =	stream.strided.gather [hbm4b:s12+s5], $0xF000, s6, s5, $0x38;
	[tilespmem:$0x1E080] =	vst v63  }
0x2ee: {  	_ =	swait.ge [sflag:s11], $0xF000  }
0x2ef: {  	[sflag:s11] =	ssyncset.done $0x0  }
0x2f0: {  	s31 =	rddreg [dreg:$0x15];
	[sflag:s11] =	ssyncadd.s32 $0xFFFF1000  }
0x2f1: {  	[hbm4b:s31+s5] =	stream.strided.scatter [tilespmem:s10], [sflag:$0x4], $0xF000, s6, s5, $0x38;
	[tilespmem:$0x1E080] =	vst v63  }
0x2f2: {  	_ =	swait.ge [sflag:s9], $0xF000  }
0x2f3: {  	s14 =	rddreg [dreg:$0x16]  }
0x2f4: {  	s12 =	sadd.s32 s14, s13  }
0x2f5: {  	[sflag:s9] =	ssyncset.done $0x0;
	s12 =	sshrl.u32 s12, $0x3  }
0x2f6: {  	[sflag:s9] =	ssyncadd.s32 $0xFFFF1000;
	s12 =	sadd.s32 s3, s12  }
0x2f7: {  	[tilespmem:s10], [sflag:$0x2] =	stream.strided.gather [hbm4b:s12+s5], $0xF000, s6, s5, $0x38;
	[tilespmem:$0x1E080] =	vst v63  }
0x2f8: {  	_ =	swait.ge [sflag:s8], $0xF000  }
0x2f9: {  	[sflag:s8] =	ssyncset.done $0x0  }
0x2fa: {  	s15 =	rddreg [dreg:$0x17];
	[sflag:s8] =	ssyncadd.s32 $0xFFFF1000  }
0x2fb: {  	[hbm4b:s15+s5] =	stream.strided.scatter [tilespmem:s7], [sflag:$0x3], $0xF000, s6, s5, $0x38;
	[tilespmem:$0x1E080] =	vst v63  }
0x2fc: {  	_ =	swait.ge [sflag:s4], $0xF000  }
0x2fd: {  	s16 =	rddreg [dreg:$0x18]  }
0x2fe: {  	s12 =	sadd.s32 s16, s13  }
0x2ff: {  	[sflag:s4] =	ssyncset.done $0x0;
	s12 =	sshrl.u32 s12, $0x3  }
0x300: {  	[sflag:s4] =	ssyncadd.s32 $0xFFFF1000;
	s12 =	sadd.s32 s3, s12  }
0x301: {  	[tilespmem:s7], [sflag:$0x1] =	stream.strided.gather [hbm4b:s12+s5], $0xF000, s6, s5, $0x38;
	[tilespmem:$0x1E080] =	vst v63  }
0x302: {  	_ =	swait.ge [sflag:s11], $0xF000  }
0x303: {  	[sflag:s11] =	ssyncset.done $0x0  }
0x304: {  	s17 =	rddreg [dreg:$0x19];
	[sflag:s11] =	ssyncadd.s32 $0xFFFF1000  }
0x305: {  	[hbm4b:s17+s5] =	stream.strided.scatter [tilespmem:s10], [sflag:$0x4], $0xF000, s6, s5, $0x38;
	[tilespmem:$0x1E080] =	vst v63  }
0x306: {  	_ =	swait.ge [sflag:s9], $0xF000  }
0x307: {  	s18 =	rddreg [dreg:$0x1a]  }
0x308: {  	s12 =	sadd.s32 s18, s13  }
0x309: {  	[sflag:s9] =	ssyncset.done $0x0;
	s12 =	sshrl.u32 s12, $0x3  }
0x30a: {  	[sflag:s9] =	ssyncadd.s32 $0xFFFF1000;
	s12 =	sadd.s32 s3, s12  }
0x30b: {  	[tilespmem:s10], [sflag:$0x2] =	stream.strided.gather [hbm4b:s12+s5], $0xF000, s6, s5, $0x38;
	[tilespmem:$0x1E080] =	vst v63  }
0x30c: {  	_ =	swait.ge [sflag:s8], $0xF000  }
0x30d: {  	[sflag:s8] =	ssyncset.done $0x0  }
0x30e: {  	s19 =	rddreg [dreg:$0x1b];
	[sflag:s8] =	ssyncadd.s32 $0xFFFF1000  }
0x30f: {  	[hbm4b:s19+s5] =	stream.strided.scatter [tilespmem:s7], [sflag:$0x3], $0xF000, s6, s5, $0x38;
	[tilespmem:$0x1E080] =	vst v63  }
0x310: {  	_ =	swait.ge [sflag:s4], $0xF000  }
0x311: {  	s20 =	rddreg [dreg:$0x1c]  }
0x312: {  	s12 =	sadd.s32 s20, s13  }
0x313: {  	[sflag:s4] =	ssyncset.done $0x0;
	s12 =	sshrl.u32 s12, $0x3  }
0x314: {  	[sflag:s4] =	ssyncadd.s32 $0xFFFF1000;
	s12 =	sadd.s32 s3, s12  }
0x315: {  	[tilespmem:s7], [sflag:$0x1] =	stream.strided.gather [hbm4b:s12+s5], $0xF000, s6, s5, $0x38;
	[tilespmem:$0x1E080] =	vst v63  }
0x316: {  	_ =	swait.ge [sflag:s11], $0xF000  }
0x317: {  	[sflag:s11] =	ssyncset.done $0x0  }
0x318: {  	s21 =	rddreg [dreg:$0x1d];
	[sflag:s11] =	ssyncadd.s32 $0xFFFF1000  }
0x319: {  	[hbm4b:s21+s5] =	stream.strided.scatter [tilespmem:s10], [sflag:$0x4], $0xF000, s6, s5, $0x38;
	[tilespmem:$0x1E080] =	vst v63  }
0x31a: {  	_ =	swait.ge [sflag:s9], $0xF000  }
0x31b: {  	s22 =	rddreg [dreg:$0x1e]  }
0x31c: {  	s12 =	sadd.s32 s22, s13  }
0x31d: {  	[sflag:s9] =	ssyncset.done $0x0;
	s12 =	sshrl.u32 s12, $0x3  }
0x31e: {  	[sflag:s9] =	ssyncadd.s32 $0xFFFF1000;
	s12 =	sadd.s32 s3, s12  }
0x31f: {  	[tilespmem:s10], [sflag:$0x2] =	stream.strided.gather [hbm4b:s12+s5], $0xF000, s6, s5, $0x38;
	[tilespmem:$0x1E080] =	vst v63  }
0x320: {  	_ =	swait.ge [sflag:s8], $0xF000  }
0x321: {  	[sflag:s8] =	ssyncset.done $0x0  }
0x322: {  	s23 =	rddreg [dreg:$0x1f];
	[sflag:s8] =	ssyncadd.s32 $0xFFFF1000  }
0x323: {  	[hbm4b:s23+s5] =	stream.strided.scatter [tilespmem:s7], [sflag:$0x3], $0xF000, s6, s5, $0x38;
	[tilespmem:$0x1E080] =	vst v63  }
0x324: {  	_ =	swait.ge [sflag:s4], $0xF000  }
0x325: {  	s24 =	sld [smem:$0x7E2];
	_ =	sdelay $0x2  }
0x326: {  	s12 =	sadd.s32 s24, s13  }
0x327: {  	[sflag:s4] =	ssyncset.done $0x0;
	s12 =	sshrl.u32 s12, $0x3  }
0x328: {  	[sflag:s4] =	ssyncadd.s32 $0xFFFF1000;
	s12 =	sadd.s32 s3, s12  }
0x329: {  	[tilespmem:s7], [sflag:$0x1] =	stream.strided.gather [hbm4b:s12+s5], $0xF000, s6, s5, $0x38;
	[tilespmem:$0x1E080] =	vst v63  }
0x32a: {  	_ =	swait.ge [sflag:s11], $0xF000  }
0x32b: {  	s25 =	sld [smem:$0x7E3]  }
0x32c: {  	[sflag:s11] =	ssyncset.done $0x0  }
0x32d: {  	[sflag:s11] =	ssyncadd.s32 $0xFFFF1000  }
0x32e: {  	[hbm4b:s25+s5] =	stream.strided.scatter [tilespmem:s10], [sflag:$0x4], $0xF000, s6, s5, $0x38;
	[tilespmem:$0x1E080] =	vst v63  }
0x32f: {  	_ =	swait.ge [sflag:s9], $0xF000  }
0x330: {  	s26 =	sld [smem:$0x7E4];
	_ =	sdelay $0x2  }
0x331: {  	s12 =	sadd.s32 s26, s13  }
0x332: {  	[sflag:s9] =	ssyncset.done $0x0;
	s12 =	sshrl.u32 s12, $0x3  }
0x333: {  	[sflag:s9] =	ssyncadd.s32 $0xFFFF1000;
	s12 =	sadd.s32 s3, s12  }
0x334: {  	[tilespmem:s10], [sflag:$0x2] =	stream.strided.gather [hbm4b:s12+s5], $0xF000, s6, s5, $0x38;
	[tilespmem:$0x1E080] =	vst v63  }
0x335: {  	_ =	swait.ge [sflag:s8], $0xF000  }
0x336: {  	s28 =	sld [smem:$0x7E5]  }
0x337: {  	[sflag:s8] =	ssyncset.done $0x0  }
0x338: {  	[sflag:s8] =	ssyncadd.s32 $0xFFFF1000  }
0x339: {  	[hbm4b:s28+s5] =	stream.strided.scatter [tilespmem:s7], [sflag:$0x3], $0xF000, s6, s5, $0x38;
	[tilespmem:$0x1E080] =	vst v63  }
0x33a: {  	_ =	swait.ge [sflag:s4], $0xF000  }
0x33b: {  	s29 =	sld [smem:$0x7E6];
	_ =	sdelay $0x2  }
0x33c: {  	s12 =	sadd.s32 s29, s13  }
0x33d: {  	[sflag:s4] =	ssyncset.done $0x0;
	s12 =	sshrl.u32 s12, $0x3  }
0x33e: {  	[sflag:s4] =	ssyncadd.s32 $0xFFFF1000;
	s12 =	sadd.s32 s3, s12  }
0x33f: {  	[tilespmem:s7], [sflag:$0x1] =	stream.strided.gather [hbm4b:s12+s5], $0xF000, s6, s5, $0x38;
	[tilespmem:$0x1E080] =	vst v63  }
0x340: {  	_ =	swait.ge [sflag:s11], $0xF000  }
0x341: {  	s30 =	sld [smem:$0x7E7]  }
0x342: {  	[sflag:s11] =	ssyncset.done $0x0  }
0x343: {  	[sflag:s11] =	ssyncadd.s32 $0xFFFF1000  }
0x344: {  	[hbm4b:s30+s5] =	stream.strided.scatter [tilespmem:s10], [sflag:$0x4], $0xF000, s6, s5, $0x38;
	[tilespmem:$0x1E080] =	vst v63  }
0x345: {  	_ =	swait.ge [sflag:s9], $0xF000  }
0x346: {  	s31 =	sld [smem:$0x7E8];
	_ =	sdelay $0x2  }
0x347: {  	s12 =	sadd.s32 s31, s13  }
0x348: {  	[sflag:s9] =	ssyncset.done $0x0;
	s12 =	sshrl.u32 s12, $0x3  }
0x349: {  	[sflag:s9] =	ssyncadd.s32 $0xFFFF1000;
	s12 =	sadd.s32 s3, s12  }
0x34a: {  	[tilespmem:s10], [sflag:$0x2] =	stream.strided.gather [hbm4b:s12+s5], $0xF000, s6, s5, $0x38;
	[tilespmem:$0x1E080] =	vst v63  }
0x34b: {  	_ =	swait.ge [sflag:s8], $0xF000  }
0x34c: {  	s14 =	sld [smem:$0x7E9]  }
0x34d: {  	[sflag:s8] =	ssyncset.done $0x0  }
0x34e: {  	[sflag:s8] =	ssyncadd.s32 $0xFFFF1000  }
0x34f: {  	[hbm4b:s14+s5] =	stream.strided.scatter [tilespmem:s7], [sflag:$0x3], $0xF000, s6, s5, $0x38;
	[tilespmem:$0x1E080] =	vst v63  }
0x350: {  	_ =	swait.ge [sflag:s4], $0xF000  }
0x351: {  	s15 =	sld [smem:$0x7EA];
	_ =	sdelay $0x2  }
0x352: {  	s12 =	sadd.s32 s15, s13  }
0x353: {  	[sflag:s4] =	ssyncset.done $0x0;
	s12 =	sshrl.u32 s12, $0x3  }
0x354: {  	[sflag:s4] =	ssyncadd.s32 $0xFFFF1000;
	s12 =	sadd.s32 s3, s12  }
0x355: {  	[tilespmem:s7], [sflag:$0x1] =	stream.strided.gather [hbm4b:s12+s5], $0xF000, s6, s5, $0x38;
	[tilespmem:$0x1E080] =	vst v63  }
0x356: {  	_ =	swait.ge [sflag:s11], $0xF000  }
0x357: {  	s16 =	sld [smem:$0x7EB]  }
0x358: {  	[sflag:s11] =	ssyncset.done $0x0  }
0x359: {  	[sflag:s11] =	ssyncadd.s32 $0xFFFF1000  }
0x35a: {  	[hbm4b:s16+s5] =	stream.strided.scatter [tilespmem:s10], [sflag:$0x4], $0xF000, s6, s5, $0x38;
	[tilespmem:$0x1E080] =	vst v63  }
0x35b: {  	_ =	swait.ge [sflag:s9], $0xF000  }
0x35c: {  	s17 =	sld [smem:$0x7EC];
	_ =	sdelay $0x2  }
0x35d: {  	s12 =	sadd.s32 s17, s13  }
0x35e: {  	[sflag:s9] =	ssyncset.done $0x0;
	s12 =	sshrl.u32 s12, $0x3  }
0x35f: {  	[sflag:s9] =	ssyncadd.s32 $0xFFFF1000;
	s12 =	sadd.s32 s3, s12  }
0x360: {  	[tilespmem:s10], [sflag:$0x2] =	stream.strided.gather [hbm4b:s12+s5], $0xF000, s6, s5, $0x38;
	[tilespmem:$0x1E080] =	vst v63  }
0x361: {  	_ =	swait.ge [sflag:s8], $0xF000  }
0x362: {  	s18 =	sld [smem:$0x7ED]  }
0x363: {  	[sflag:s8] =	ssyncset.done $0x0  }
0x364: {  	[sflag:s8] =	ssyncadd.s32 $0xFFFF1000  }
0x365: {  	[hbm4b:s18+s5] =	stream.strided.scatter [tilespmem:s7], [sflag:$0x3], $0xF000, s6, s5, $0x38;
	[tilespmem:$0x1E080] =	vst v63  }
0x366: {  	_ =	swait.ge [sflag:s4], $0xF000  }
0x367: {  	s19 =	sld [smem:$0x7EE];
	_ =	sdelay $0x2  }
0x368: {  	s12 =	sadd.s32 s19, s13  }
0x369: {  	[sflag:s4] =	ssyncset.done $0x0;
	s12 =	sshrl.u32 s12, $0x3  }
0x36a: {  	[sflag:s4] =	ssyncadd.s32 $0xFFFF1000;
	s12 =	sadd.s32 s3, s12  }
0x36b: {  	[tilespmem:s7], [sflag:$0x1] =	stream.strided.gather [hbm4b:s12+s5], $0xF000, s6, s5, $0x38;
	[tilespmem:$0x1E080] =	vst v63  }
0x36c: {  	_ =	swait.ge [sflag:s11], $0xF000  }
0x36d: {  	s20 =	sld [smem:$0x7EF]  }
0x36e: {  	[sflag:s11] =	ssyncset.done $0x0  }
0x36f: {  	[sflag:s11] =	ssyncadd.s32 $0xFFFF1000  }
0x370: {  	[hbm4b:s20+s5] =	stream.strided.scatter [tilespmem:s10], [sflag:$0x4], $0xF000, s6, s5, $0x38;
	[tilespmem:$0x1E080] =	vst v63  }
0x371: {  	_ =	swait.ge [sflag:s9], $0xF000  }
0x372: {  	s21 =	sld [smem:$0x7F0];
	_ =	sdelay $0x2  }
0x373: {  	s12 =	sadd.s32 s21, s13  }
0x374: {  	[sflag:s9] =	ssyncset.done $0x0;
	s12 =	sshrl.u32 s12, $0x3  }
0x375: {  	[sflag:s9] =	ssyncadd.s32 $0xFFFF1000;
	s12 =	sadd.s32 s3, s12  }
0x376: {  	[tilespmem:s10], [sflag:$0x2] =	stream.strided.gather [hbm4b:s12+s5], $0xF000, s6, s5, $0x38;
	[tilespmem:$0x1E080] =	vst v63  }
0x377: {  	_ =	swait.ge [sflag:s8], $0xF000  }
0x378: {  	s22 =	sld [smem:$0x7F1]  }
0x379: {  	[sflag:s8] =	ssyncset.done $0x0  }
0x37a: {  	[sflag:s8] =	ssyncadd.s32 $0xFFFF1000  }
0x37b: {  	[hbm4b:s22+s5] =	stream.strided.scatter [tilespmem:s7], [sflag:$0x3], $0xF000, s6, s5, $0x38;
	[tilespmem:$0x1E080] =	vst v63  }
0x37c: {  	_ =	swait.ge [sflag:s4], $0xF000  }
0x37d: {  	s23 =	sld [smem:$0x7F2];
	_ =	sdelay $0x2  }
0x37e: {  	s12 =	sadd.s32 s23, s13  }
0x37f: {  	[sflag:s4] =	ssyncset.done $0x0;
	s12 =	sshrl.u32 s12, $0x3  }
0x380: {  	[sflag:s4] =	ssyncadd.s32 $0xFFFF1000;
	s12 =	sadd.s32 s3, s12  }
0x381: {  	[tilespmem:s7], [sflag:$0x1] =	stream.strided.gather [hbm4b:s12+s5], $0xF000, s6, s5, $0x38;
	[tilespmem:$0x1E080] =	vst v63  }
0x382: {  	_ =	swait.ge [sflag:s11], $0xF000  }
0x383: {  	s24 =	sld [smem:$0x7F3]  }
0x384: {  	[sflag:s11] =	ssyncset.done $0x0  }
0x385: {  	[sflag:s11] =	ssyncadd.s32 $0xFFFF1000  }
0x386: {  	[hbm4b:s24+s5] =	stream.strided.scatter [tilespmem:s10], [sflag:$0x4], $0xF000, s6, s5, $0x38;
	[tilespmem:$0x1E080] =	vst v63  }
0x387: {  	_ =	swait.ge [sflag:s9], $0xF000  }
0x388: {  	s25 =	sld [smem:$0x7F4];
	_ =	sdelay $0x2  }
0x389: {  	s12 =	sadd.s32 s25, s13  }
0x38a: {  	[sflag:s9] =	ssyncset.done $0x0;
	s12 =	sshrl.u32 s12, $0x3  }
0x38b: {  	[sflag:s9] =	ssyncadd.s32 $0xFFFF1000;
	s12 =	sadd.s32 s3, s12  }
0x38c: {  	[tilespmem:s10], [sflag:$0x2] =	stream.strided.gather [hbm4b:s12+s5], $0xF000, s6, s5, $0x38;
	[tilespmem:$0x1E080] =	vst v63  }
0x38d: {  	_ =	swait.ge [sflag:s8], $0xF000  }
0x38e: {  	s26 =	sld [smem:$0x7F5]  }
0x38f: {  	[sflag:s8] =	ssyncset.done $0x0  }
0x390: {  	[sflag:s8] =	ssyncadd.s32 $0xFFFF1000  }
0x391: {  	[hbm4b:s26+s5] =	stream.strided.scatter [tilespmem:s7], [sflag:$0x3], $0xF000, s6, s5, $0x38;
	[tilespmem:$0x1E080] =	vst v63  }
0x392: {  	_ =	swait.ge [sflag:s4], $0xF000  }
0x393: {  	s28 =	sld [smem:$0x7F6];
	_ =	sdelay $0x2  }
0x394: {  	s12 =	sadd.s32 s28, s13  }
0x395: {  	[sflag:s4] =	ssyncset.done $0x0;
	s12 =	sshrl.u32 s12, $0x3  }
0x396: {  	[sflag:s4] =	ssyncadd.s32 $0xFFFF1000;
	s29 =	sadd.s32 s3, s12  }
0x397: {  	[tilespmem:s7], [sflag:$0x1] =	stream.strided.gather [hbm4b:s29+s5], $0xF000, s6, s5, $0x38;
	[tilespmem:$0x1E080] =	vst v63  }
0x398: {  	_ =	swait.ge [sflag:s11], $0xF000  }
0x399: {  	s30 =	sld [smem:$0x7F7]  }
0x39a: {  	[sflag:s11] =	ssyncset.done $0x0  }
0x39b: {  	[sflag:s11] =	ssyncadd.s32 $0xFFFF1000  }
0x39c: {  	[hbm4b:s30+s5] =	stream.strided.scatter [tilespmem:s10], [sflag:$0x4], $0xF000, s6, s5, $0x38;
	[tilespmem:$0x1E080] =	vst v63  }
0x39d: {  	_ =	swait.ge [sflag:s8], $0xF000  }
0x39e: {  	s31 =	sld [smem:$0x7F8]  }
0x39f: {  	[sflag:s8] =	ssyncset.done $0x0  }
0x3a0: {  	[sflag:s8] =	ssyncadd.s32 $0xFFFF1000  }
0x3a1: {  	[hbm4b:s31+s5] =	stream.strided.scatter [tilespmem:s7], [sflag:$0x3], $0xF000, s6, s5, $0x38;
	[tilespmem:$0x1E080] =	vst v63  }
0x3a2: {  	_ =	swait.ge [sflag:s9], $0xF000  }
0x3a3: {  	[sflag:s9] =	ssyncset.done $0x0  }
0x3a4: {  	[sflag:s9] =	ssyncadd.s32 $0xFFFF1000  }
0x3a5: {  	_ =	swait.ge [sflag:s4], $0xF000  }
0x3a6: {  	s3 =	sld [smem:$0x7F9]  }
0x3a7: {  	s5 =	simm.s32 @p1 $0x80;
	s6 =	simm.s32 @p1 $0x6;
	[sflag:s4] =	ssyncset.done $0x0  }
0x3a8: {  	s7 =	simm.s32 @p1 $0x800;
	[sflag:s4] =	ssyncadd.s32 $0xFFFF1000;
	s4 =	simm.s32 @p1 $0x600  }
0x3a9: {  	[tilespmem:s5], [sflag:$0x6] =	stream.strided.gather @p1 [hbm4b:s3+s4], $0xC000, s7, s4, $0x38;
	[tilespmem:$0x1E080] =	vst v63  }
0x3aa: {  	_ =	swait.ge @p1 [sflag:s6], $0xC000  }
0x3ab: {  	s3 =	sld [smem:$0x7FA]  }
0x3ac: {  	[sflag:s6] =	ssyncset.done @p1 $0x0  }
0x3ad: {  	[sflag:s6] =	ssyncadd.s32 @p1 $0xFFFF4000;
	s6 =	simm.s32 @p1 $0x5  }
0x3ae: {  	[hbm4b:s3+s4] =	stream.strided.scatter @p1 [tilespmem:s5], [sflag:$0x5], $0xC000, s7, s4, $0x38;
	[tilespmem:$0x1E080] =	vst v63  }
0x3af: {  	_ =	swait.ge @p1 [sflag:s6], $0xC000  }
0x3b0: {  	s3 =	sld [smem:$0x7FB]  }
0x3b1: {  	s4 =	simm.s32 @!p0 $0x80;
	s5 =	simm.s32 @!p0 $0x6;
	[sflag:s6] =	ssyncset.done @p1 $0x0  }
0x3b2: {  	s7 =	simm.s32 @!p0 $0x800;
	[sflag:s6] =	ssyncadd.s32 @p1 $0xFFFF4000;
	s6 =	simm.s32 @!p0 $0x600  }
0x3b3: {  	[tilespmem:s4], [sflag:$0x6] =	stream.strided.gather @!p0 [hbm4b:s3+s6], $0xF000, s7, s6, $0x38;
	[tilespmem:$0x1E080] =	vst v63  }
0x3b4: {  	_ =	swait.ge @!p0 [sflag:s5], $0xF000  }
0x3b5: {  	[sflag:s5] =	ssyncset.done @!p0 $0x0  }
0x3b6: {  	[sflag:s5] =	ssyncadd.s32 @!p0 $0xFFFF1000  }
0x3b7: {  	[hbm4b:s2+s6] =	stream.strided.scatter @!p0 [tilespmem:s4], [sflag:$0x6], $0xF000, s7, s6, $0x38;
	[tilespmem:$0x1E080] =	vst v63  }
0x3b8: {  	_ =	swait.ge @!p0 [sflag:s5], $0xF000  }
0x3b9: {  	s2 =	sld [smem:$0x7FC]  }
0x3ba: {  	[sflag:s5] =	ssyncset.done @!p0 $0x0  }
0x3bb: {  	[sflag:s5] =	ssyncadd.s32 @!p0 $0xFFFF1000  }
0x3bc: {  	[tilespmem:s4], [sflag:$0x6] =	stream.strided.gather @!p0 [hbm4b:s2+s6], $0x9000, s7, s6, $0x38;
	[tilespmem:$0x1E080] =	vst v63  }
0x3bd: {  	_ =	swait.ge @!p0 [sflag:s5], $0x9000  }
0x3be: {  	s2 =	sld [smem:$0x7FD]  }
0x3bf: {  	[sflag:s5] =	ssyncset.done @!p0 $0x0  }
0x3c0: {  	[sflag:s5] =	ssyncadd.s32 @!p0 $0xFFFF7000  }
0x3c1: {  	[hbm4b:s2+s6] =	stream.strided.scatter @!p0 [tilespmem:s4], [sflag:$0x6], $0x9000, s7, s6, $0x38;
	[tilespmem:$0x1E080] =	vst v63  }
0x3c2: {  	_ =	swait.ge @!p0 [sflag:s5], $0x9000  }
0x3c3: {  	[sflag:s5] =	ssyncset.done @!p0 $0x0  }
0x3c4: {  	[sflag:s5] =	ssyncadd.s32 @!p0 $0xFFFF7000  }
0x3c5: {  	_ =	sfence.sel $0x180000  }
0x3c6: {  	[bflag:$0x0] =	sbarrier.arrive $0xFFFF  }
0x3c7: {  	p0 =	sne.s32 s0, $0x0;
	_ =	strace $0x90000047  }
0x3c8: {  	s0 =	sadd.s32 @!p0 $0x100000, s1;
	[bflag:$0x2] =	sbarrier.arrive $0xFFFF  }
0x3c9: {  	[sflag:s0] =	ssyncadd.tile.s32 @!p0 $0x1;
	_ =	shalt  }
.LBB2_1:
.Ltmp3:
0x3ca: {  	(pc) =	sbr.rel .LBB2_4-.Ltmp3, $2  }
0x3cb: {  	_ =	sdelay $0x2  }
0x3cc: {  	_ = 	snop  }
.Lfunc_end2:
_tile_overlayer_lowered:
.L_overlay_start_2:
0x3cd: {  	(tag) =	ssettag $0x2  }
0x3ce: {  	s0 =	rddreg [dreg:$0x0];
	s2 =	stileid.u32  }
0x3cf: {  	s1 =	rddreg [dreg:$0x1];
	p0 =	sne.s32 s2, $0x0  }
0x3d0: {  	s3 =	rddreg [dreg:$0x2];
	[bflag:$0x3] =	sbarrier.arrive $0xFFFF;
	s2 =	simm.s32 @!p0 $0x1C05  }
0x3d1: {  	[timem:s3], [sflag:s2] =	dma.local @!p0 [hbm:s0], s1  }
0x3d2: {  	s0 =	simm.s32 @!p0 $0x5  }
0x3d3: {  	_ =	swait.ge @!p0 [sflag:s0], s1  }
0x3d4: {  	s1 =	ssub.s32 @!p0 $0x0, s1;
	[sflag:s0] =	ssyncset.done @!p0 $0x0  }
0x3d5: {  	[sflag:s0] =	ssyncadd.s32 @!p0 s1  }
0x3d6: {  	[bflag:$0x3] =	sbarrier.arrive $0xFFFF  }
0x3d7: {  	_ =	shalt  }

// kernel: kernel.7.cloned.1.call-start
scs
__scs_entry_jumppad:
0x0: {  	(pc) =	sbr.rel $0x88, $3  }
0x1: {  	(tag) =	ssettag $0x0;
	lr =	simm.s32 $0x1  }
0x2: {  	[smem:$0x3F9B] =	sst lr;
	_ =	strace $0xD0000000  }
0x3: {  	_ = 	snop  }
0x4: {  	_ = 	snop  }
0x5: {  	_ = 	snop  }
0x6: {  	_ = 	snop  }
0x7: {  	_ = 	snop  }
__scs_overlays_trampoline_lowered:
0x8: {  	[smem:$0x3FAA] =	sst s0  }
0x9: {  	[smem:$0x3FAB] =	sst s1  }
0xa: {  	[smem:$0x3FAC] =	sst s2  }
0xb: {  	[smem:$0x3FAD] =	sst s3  }
0xc: {  	[smem:$0x3FAE] =	sst s4  }
0xd: {  	[smem:$0x3FAF] =	sst s5  }
0xe: {  	[smem:$0x3FB0] =	sst s6  }
0xf: {  	[smem:$0x3FB1] =	sst s7  }
0x10: {  	[smem:$0x3FB2] =	sst s8  }
0x11: {  	[smem:$0x3FB3] =	sst s9;
	s0 =	simm.s32 @!p0 $0x0  }
0x12: {  	s1 =	sld [smem:$0x3F99];
	s0 =	simm.s32 @p0 $0x1  }
0x13: {  	[smem:$0x3FB4] =	sst s0;
	s0 =	simm.s32 @!p1 $0x0  }
0x14: {  	s2 =	sld [smem:$0x3F98];
	s0 =	simm.s32 @p1 $0x1  }
0x15: {  	[smem:$0x3FB5] =	sst s0;
	s0 =	simm.s32 @!p2 $0x0  }
0x16: {  	s3 =	sld [smem:$0x3FDB];
	s0 =	simm.s32 @p2 $0x1  }
0x17: {  	s4 =	simm.s32 $0x1BF5;
	[smem:$0x3FB7] =	sst s0  }
0x18: {  	s0 =	sld [smem:$0x3F9A];
	_ =	swait.ge [sflag:s4], $0x0  }
0x19: {  	s7 =	sld [smem:$0x3F9B]  }
0x1a: {  	s8 =	sadd.s32 $0xFFFFE003, lr  }
0x1b: {  	s9 =	sadd.s32 $0xFFFFFEF7, lr;
	s5 =	simm.s32 $0xFFFFFFFF;
	p2 =	slt.u32 s8, $0xFFFFF086  }
0x1c: {  	p1 =	slt.u32 s9, $0xF7A;
	s5 =	simm.s32 @!p2 $0x0  }
0x1d: {  	s5 =	simm.s32 @p1 $0x1;
	p0 =	seq.s32 s7, s2  }
0x1e: {  	s7 =	smul.u32 @!p0 $0xF7A, s2;
	p2 =	seq.s32 @!p0 s5, $0x0  }
0x1f: {  	s9 =	smul.u32 $0xF7A, s1;
	s8 =	simm.s32 @!p0 $0x1BF5;
	p2 =	por !p2, p0  }
0x20: {  	[sflag:s8] =	ssyncset.s32 @!p0 $0xFFFFF086;
	s6 =	sadd.s32 @!p0 s3, s7;
	s7 =	simm.s32 @!p0 $0x108  }
0x21: {  	s3 =	sadd.s32 s3, s9;
	s6 =	sadd.s32 @!p0 $0x88, s6;
	s7 =	simm.s32 @p2 $0x1082  }
0x22: {  	[simem:s7], [sflag:s8] =	dma.local @!p0 [hbm:s6], $0xF7A  }
0x23: {  	s9 =	sor.u32 $0xD0000000, s2;
	s6 =	simm.s32 $0x108;
	_ =	swait.ge @!p0 [sflag:s8], $0x0  }
0x24: {  	s3 =	sadd.s32 $0x88, s3;
	s6 =	simm.s32 @!p1 $0x1082;
	[sflag:s4] =	ssyncset.s32 $0xFFFFF086  }
0x25: {  	[simem:s6], [sflag:s4] =	dma.local [hbm:s3], $0xF7A  }
0x26: {  	[smem:$0x3F9B] =	sst s1;
	(tag) =	ssettag s2;
	_ =	strace s9  }
0x27: {  	s1 =	sld [smem:$0x3FAB]  }
0x28: {  	s2 =	sld [smem:$0x3FAC]  }
0x29: {  	s4 =	sld [smem:$0x3FAE]  }
0x2a: {  	p0 =	seq.s32 s5, $0x0;
	s5 =	sld [smem:$0x3FAF]  }
0x2b: {  	s6 =	sld [smem:$0x3FB0]  }
0x2c: {  	s7 =	sld [smem:$0x3FB1]  }
0x2d: {  	s3 =	simm.s32 $0x108;
	s8 =	sld [smem:$0x3FB2]  }
0x2e: {  	s3 =	simm.s32 @!p0 $0x1082;
	s9 =	sld [smem:$0x3FB3]  }
0x2f: {  	lr =	sadd.s32 s0, s3;
	s0 =	sld [smem:$0x3FAA]  }
0x30: {  	s3 =	sld [smem:$0x3FAD]  }
0x31: {  	[smem:$0x3FB6] =	sst s10  }
0x32: {  	s10 =	sld [smem:$0x3FB4];
	_ =	sdelay $0x3  }
0x33: {  	p0 =	seq.s32 s10, $0x1;
	s10 =	sld [smem:$0x3FB6];
	_ =	sdelay $0x3  }
0x34: {  	[smem:$0x3FB6] =	sst s10  }
0x35: {  	s10 =	sld [smem:$0x3FB5];
	_ =	sdelay $0x3  }
0x36: {  	p1 =	seq.s32 s10, $0x1;
	s10 =	sld [smem:$0x3FB6];
	_ =	sdelay $0x3  }
0x37: {  	[smem:$0x3FB6] =	sst s10  }
0x38: {  	s10 =	sld [smem:$0x3FB7]  }
0x39: {  	_ = 	snop;
	(pc) =	sbr.ind lr, $3  }
0x3a: {  	_ = 	snop  }
0x3b: {  	_ = 	snop  }
0x3c: {  	p2 =	seq.s32 s10, $0x1;
	s10 =	sld [smem:$0x3FB6]  }
0x3d: {  	_ =	shalt  }
0x3e: {  	_ =	shalt  }
0x3f: {  	_ =	shalt  }
0x40: {  	_ =	shalt  }
0x41: {  	_ =	shalt  }
0x42: {  	_ =	shalt  }
0x43: {  	_ =	shalt  }
0x44: {  	_ =	shalt  }
0x45: {  	_ =	shalt  }
0x46: {  	_ =	shalt  }
0x47: {  	_ =	shalt  }
0x48: {  	_ =	shalt  }
0x49: {  	_ =	shalt  }
0x4a: {  	_ =	shalt  }
0x4b: {  	_ =	shalt  }
0x4c: {  	_ =	shalt  }
0x4d: {  	_ =	shalt  }
0x4e: {  	_ =	shalt  }
0x4f: {  	_ =	shalt  }
0x50: {  	_ =	shalt  }
0x51: {  	_ =	shalt  }
0x52: {  	_ =	shalt  }
0x53: {  	_ =	shalt  }
0x54: {  	_ =	shalt  }
0x55: {  	_ =	shalt  }
0x56: {  	_ =	shalt  }
0x57: {  	_ =	shalt  }
0x58: {  	_ =	shalt  }
0x59: {  	_ =	shalt  }
0x5a: {  	_ =	shalt  }
0x5b: {  	_ =	shalt  }
0x5c: {  	_ =	shalt  }
0x5d: {  	_ =	shalt  }
0x5e: {  	_ =	shalt  }
0x5f: {  	_ =	shalt  }
0x60: {  	_ =	shalt  }
0x61: {  	_ =	shalt  }
0x62: {  	_ =	shalt  }
0x63: {  	_ =	shalt  }
0x64: {  	_ =	shalt  }
0x65: {  	_ =	shalt  }
0x66: {  	_ =	shalt  }
0x67: {  	_ =	shalt  }
0x68: {  	_ =	shalt  }
0x69: {  	_ =	shalt  }
0x6a: {  	_ =	shalt  }
0x6b: {  	_ =	shalt  }
0x6c: {  	_ =	shalt  }
0x6d: {  	_ =	shalt  }
0x6e: {  	_ =	shalt  }
0x6f: {  	_ =	shalt  }
0x70: {  	_ =	shalt  }
0x71: {  	_ =	shalt  }
0x72: {  	_ =	shalt  }
0x73: {  	_ =	shalt  }
0x74: {  	_ =	shalt  }
0x75: {  	_ =	shalt  }
0x76: {  	_ =	shalt  }
0x77: {  	_ =	shalt  }
0x78: {  	_ =	shalt  }
0x79: {  	_ =	shalt  }
0x7a: {  	_ =	shalt  }
0x7b: {  	_ =	shalt  }
0x7c: {  	_ =	shalt  }
0x7d: {  	_ =	shalt  }
0x7e: {  	_ =	shalt  }
0x7f: {  	_ =	shalt  }
0x80: {  	_ =	shalt  }
0x81: {  	_ =	shalt  }
0x82: {  	_ =	shalt  }
0x83: {  	_ =	shalt  }
0x84: {  	_ =	shalt  }
0x85: {  	_ =	shalt  }
0x86: {  	_ =	shalt  }
0x87: {  	_ =	shalt  }
.Lfunc_end0:
.L_simem_size_0:
called_computation.1_lowered:
.L_overlay_start_0:
0x88: {  	s2 =	sld [smem:$0x3FD9]  }
0x89: {  	s3 =	sld [smem:$0x3FFE];
	_ =	sdelay $0x1  }
0x8a: {  	s1 =	srdreg.scid  }
0x8b: {  	s0 =	sand.u32 $0x1, s1  }
0x8c: {  	s15 =	sshll.u32 s0, $0xA;
	s2 =	sadd.s32 s3, s2  }
0x8d: {  	s2 =	sadd.s32 s2, s15  }
0x8e: {  	[smem:$0x3FC2] =	sst s2  }
0x8f: {  	_ = 	snop  }
0x90: {  	s2 =	sld [smem:$0x3FD0];
	_ =	sdelay $0x2  }
0x91: {  	s16 =	simm.s32 $0xB;
	s4 =	simm.s32 $0x10  }
0x92: {  	[smem:s4], [sflag:s16] =	dma.local [hbm:s2], $0x1  }
0x93: {  	_ =	swait.eq [sflag:s16], $0x1  }
0x94: {  	[sflag:s16] =	ssyncset.done $0x0  }
0x95: {  	[sflag:s16] =	ssyncadd.s32 $0xFFFFFFFF  }
0x96: {  	s17 =	sld [smem:$0x13];
	(tm) =	ssettm $0x1  }
0x97: {  	s18 =	sld [smem:$0x3FFB];
	_ =	sdelay $0x3  }
0x98: {  	_ =	strace s18  }
0x99: {  	s2 =	sld [smem:$0x3FFC];
	_ =	sdelay $0x3  }
0x9a: {  	_ =	strace s2  }
0x9b: {  	s2 =	sld [smem:$0x3FFD];
	_ =	sdelay $0x3  }
0x9c: {  	_ =	strace s2  }
0x9d: {  	_ =	strace $0x8FFFFFFF  }
0x9e: {  	s19 =	sld [smem:$0x3FDB];
	_ =	sdelay $0x1  }
0x9f: {  	s20 =	simm.s32 $_scs_section_size  }
0xa0: {  	s5 =	simm.s32 $_size__tile_overlayer_lowered;
	s6 =	simm.s32 $_tile_overlayer_lowered  }
0xa1: {  	s7 =	simm.s32 $0x1BFF;
	s21 =	sshll.u32 s6, $0x1;
	s4 =	sadd.s32 s20, s19  }
0xa2: {  	s22 =	simm.s32 $0x0;
	s5 =	sshll.u32 s5, $0x1;
	s6 =	sadd.s32 s21, s4  }
0xa3: {  	[timem:s22], [sflag:s7] =	dma.local [hbm:s6], s5  }
0xa4: {  	_ =	swait.ge [sflag:s7], s5  }
0xa5: {  	s5 =	ssub.s32 $0x0, s5;
	[sflag:s7] =	ssyncset.done $0x0  }
0xa6: {  	[sflag:s7] =	ssyncadd.s32 s5;
	_ =	sdelay $0x1  }
0xa7: {  	s23 =	simm.s32 $0x1B8B  }
0xa8: {  	_ =	swait.ge [sflag:s23], $0x1  }
0xa9: {  	[sflag:s23] =	ssyncset.done $0x0  }
0xaa: {  	[sflag:s23] =	ssyncadd.s32 $0xFFFFFFFF  }
0xab: {  	s5 =	sld [smem:$0x0]  }
0xac: {  	s6 =	sand.u32 $0xFFFFFFFE, s1  }
0xad: {  	p0 =	sne.s32 s1, s6  }
0xae: {  	s6 =	sshll.u32 @p0 s6, $0xE  }
0xaf: {  	s6 =	sadd.s32 @p0 $0x11B8D, s6;
	s7 =	sshll.u32 @p0 s5, $0x11  }
0xb0: {  	s6 =	sor.u32 @p0 s7, s6  }
0xb1: {  	[sflag:s6] =	ssyncadd.remote.s32 @p0 $0x1;
	_ =	sdelay $0x1  }
0xb2: {  	s6 =	simm.s32 @p0 $0x1B8D  }
0xb3: {  	_ =	swait.eq @p0 [sflag:s6], $0x1  }
0xb4: {  	[sflag:s6] =	ssyncadd.s32 @p0 $0xFFFFFFFF  }
0xb5: {  	s7 =	sshll.u32 @!p0 s1, $0xE  }
0xb6: {  	s7 =	sor.u32 @!p0 $0x4000, s7;
	s6 =	simm.s32 @!p0 $0x1B8D  }
0xb7: {  	s5 =	sshll.u32 @!p0 s5, $0x11;
	s7 =	sadd.s32 @!p0 $0x11B8D, s7;
	_ =	swait.eq @!p0 [sflag:s6], $0x1  }
0xb8: {  	s5 =	sor.u32 @!p0 s5, s7;
	[sflag:s6] =	ssyncadd.s32 @!p0 $0xFFFFFFFF  }
0xb9: {  	s25 =	simm.s32 $0x1B8E;
	s24 =	sld [smem:$0x3FFE];
	[sflag:s5] =	ssyncadd.remote.s32 @!p0 $0x1  }
0xba: {  	s26 =	simm.s32 $execute0_lowered;
	[smem:$0x3FD2] =	sst s25  }
0xbb: {  	s6 =	sshll.u32 s26, $0x1;
	_ =	strace $0x80000049;
	[dreg:$0x1] =	wrdreg $0xFFFFFFFF  }
0xbc: {  	s28 =	simm.s32 $_size_execute0_lowered;
	s4 =	sadd.s32 s4, s6;
	[dreg:$0x0] =	wrdreg $0x0  }
0xbd: {  	s6 =	sshll.u32 s28, $0x1;
	[dreg:$0x2] =	wrdreg s4  }
0xbe: {  	[dreg:$0x3] =	wrdreg s6  }
0xbf: {  	[dreg:$0x4] =	wrdreg $0xC0  }
0xc0: {  	_ =	task [dreg:s22], $0x5FFFF  }
0xc1: {  	[dreg:$0x1] =	wrdreg $0xFFFFFFFF  }
0xc2: {  	[dreg:$0x0] =	wrdreg $0x60  }
0xc3: {  	[dreg:$0x2] =	wrdreg s24  }
0xc4: {  	[dreg:$0x3] =	wrdreg s17  }
0xc5: {  	[dreg:$0x4] =	wrdreg $0xA  }
0xc6: {  	_ =	task.clear_ibuf [dreg:s22], $0x5FFFF;
	_ =	strace $0x90000049  }
0xc7: {  	s29 =	simm.s32 $0xA;
	_ =	strace $0x8000004B  }
0xc8: {  	_ =	swait.ge [sflag:s29], $0x1  }
0xc9: {  	[sflag:s29] =	ssyncadd.s32 $0xFFFFFFFF  }
0xca: {  	_ =	strace $0x9000004B  }
0xcb: {  	_ =	sfence  }
0xcc: {  	s30 =	sld [smem:$0x0];
	_ =	sdelay $0x2  }
0xcd: {  	s31 =	sshll.u32 s1, $0xD;
	s1 =	sshrl.u32 s1, $0x2  }
0xce: {  	s4 =	sand.u32 $0x4000, s31;
	s1 =	sadd.s32 s1, s30  }
0xcf: {  	s0 =	sor.u32 s4, s0;
	s1 =	sshll.u32 s1, $0x11  }
0xd0: {  	s0 =	sor.u32 s1, s0  }
0xd1: {  	s0 =	sadd.s32 $0x8F2B, s0  }
0xd2: {  	[sflag:s0] =	ssyncadd.remote.s32 $0x1  }
0xd3: {  	_ =	sfence.sel $0xFFFF  }
0xd4: {  	[dreg:$0x0] =	wrdreg $0xFFFFFFFF;
	(pc) =	sbr.abs _section_cstart, $3  }
0xd5: {  	[dreg:$0x1] =	wrdreg $0xFFFFFFFF  }
0xd6: {  	_ =	task.clear_ibuf [dreg:s22], $0x2FFFF;
	_ =	strace $0x9FFFFFFF  }
0xd7: {  	(tm) =	ssettm $0x7FFFFFFF  }
tec
execute0_lowered:
.L_overlay_start_1:
0x0: {  	(tag) =	ssettag $0x1  }
0x1: {  	s0 =	stileid.u32;
	s2 =	rddreg [dreg:$0x0]  }
0x2: {  	s1 =	srdreg.scid;
	s17 =	rddreg [dreg:$0x1]  }
0x3: {  	s13 =	simm.s32 $0x0;
	[dreg:$0x3] =	wrdreg s17;
	s6 =	sshrl.u32 s0, $0x1  }
0x4: {  	s4 =	sand.u32 $0x1, s1;
	s1 =	rddreg [dreg:$0x2];
	s12 =	sshll.u32 s6, $0x17  }
0x5: {  	[smem:$0x7FF] =	sst s13;
	s8 =	sor.u32 $0x14000, s12  }
0x6: {  	_ =	strace $0x8000004A;
	s19 =	sor.u32 $0x28000, s12;
	[dreg:$0x5] =	wrdreg s8  }
0x7: {  	s21 =	sor.u32 $0x3C000, s12;
	[dreg:$0x7] =	wrdreg s19  }
0x8: {  	s23 =	sor.u32 $0x50000, s12;
	[dreg:$0x9] =	wrdreg s21  }
0x9: {  	s25 =	sor.u32 $0x64000, s12;
	[dreg:$0xb] =	wrdreg s23  }
0xa: {  	s28 =	sor.u32 $0x78000, s12;
	[dreg:$0xd] =	wrdreg s25  }
0xb: {  	s30 =	sor.u32 $0x8C000, s12;
	[dreg:$0xf] =	wrdreg s28  }
0xc: {  	s10 =	sor.u32 $0xB4000, s12;
	[dreg:$0x11] =	wrdreg s30  }
0xd: {  	s14 =	sor.u32 $0xC8000, s12;
	[dreg:$0x15] =	wrdreg s10  }
0xe: {  	s17 =	sor.u32 $0xDC000, s12;
	[dreg:$0x17] =	wrdreg s14  }
0xf: {  	s8 =	sor.u32 $0xA0000, s12;
	[dreg:$0x19] =	wrdreg s17  }
0x10: {  	s19 =	sor.u32 $0xF0000, s12;
	[dreg:$0x13] =	wrdreg s8  }
0x11: {  	s21 =	sor.u32 $0x104000, s12;
	[dreg:$0x1b] =	wrdreg s19  }
0x12: {  	s23 =	sor.u32 $0x118000, s12;
	[dreg:$0x1d] =	wrdreg s21  }
0x13: {  	s25 =	sor.u32 $0x12C000, s12;
	[dreg:$0x1f] =	wrdreg s23  }
0x14: {  	s28 =	sor.u32 $0x140000, s12;
	[smem:$0x7E4] =	sst s25  }
0x15: {  	s3 =	sshll.u32 s0, $0x1;
	s30 =	sor.u32 $0x154000, s12;
	[smem:$0x7E6] =	sst s28  }
0x16: {  	s16 =	sand.u32 $0x2, s3;
	s10 =	sor.u32 $0x17C000, s12;
	[smem:$0x7E8] =	sst s30  }
0x17: {  	s15 =	sor.u32 s4, s16;
	s14 =	sor.u32 $0x190000, s12;
	[smem:$0x7EC] =	sst s10  }
0x18: {  	s7 =	smul.u32 $0x3E8, s15;
	s17 =	sor.u32 $0x1A4000, s12;
	[smem:$0x7EE] =	sst s14  }
0x19: {  	s18 =	smul.u32 $0x1F4000, s15;
	[smem:$0x7F0] =	sst s17  }
0x1a: {  	s5 =	sadd.s32 $0x1810C00, s2;
	s8 =	sor.u32 $0x168000, s12;
	[dreg:$0x4] =	wrdreg s7  }
0x1b: {  	s19 =	sor.u32 $0x1B8000, s12;
	s3 =	sor.u32 s12, s18;
	[smem:$0x7EA] =	sst s8  }
0x1c: {  	s21 =	sor.u32 $0x1CC000, s12;
	[smem:$0x7F2] =	sst s19;
	s3 =	sshrl.u32 s3, $0x3  }
0x1d: {  	s23 =	sor.u32 $0x1E0000, s12;
	[smem:$0x7F4] =	sst s21;
	s7 =	sadd.s32 s5, s3  }
0x1e: {  	[smem:$0x7F6] =	sst s23;
	s3 =	sadd.s32 $0x4000, s7  }
0x1f: {  	s20 =	sadd.s32 $0x6800, s7;
	[dreg:$0x6] =	wrdreg s3  }
0x20: {  	s22 =	sadd.s32 $0x9000, s7;
	[dreg:$0x8] =	wrdreg s20  }
0x21: {  	s24 =	sadd.s32 $0xB800, s7;
	[dreg:$0xa] =	wrdreg s22  }
0x22: {  	s26 =	sadd.s32 $0xE000, s7;
	[dreg:$0xc] =	wrdreg s24  }
0x23: {  	s29 =	sadd.s32 $0x10800, s7;
	[dreg:$0xe] =	wrdreg s26  }
0x24: {  	s31 =	sadd.s32 $0x13000, s7;
	[dreg:$0x10] =	wrdreg s29  }
0x25: {  	s9 =	sadd.s32 $0x15800, s7;
	[dreg:$0x12] =	wrdreg s31  }
0x26: {  	s11 =	sadd.s32 $0x18000, s7;
	[dreg:$0x14] =	wrdreg s9  }
0x27: {  	s16 =	sadd.s32 $0x1A800, s7;
	[dreg:$0x16] =	wrdreg s11  }
0x28: {  	s18 =	sadd.s32 $0x1D000, s7;
	[dreg:$0x18] =	wrdreg s16  }
0x29: {  	[dreg:$0x1a] =	wrdreg s18;
	s20 =	sadd.s32 $0x1F800, s7  }
0x2a: {  	s22 =	sadd.s32 $0x22000, s7;
	[dreg:$0x1c] =	wrdreg s20  }
0x2b: {  	s24 =	sadd.s32 $0x24800, s7;
	[dreg:$0x1e] =	wrdreg s22  }
0x2c: {  	p2 =	por $0x0, $0x0;
	s26 =	sadd.s32 $0x27000, s7;
	[smem:$0x7E3] =	sst s24  }
0x2d: {  	s4 =	ssub.s32 $0x2, s4;
	s29 =	sadd.s32 $0x29800, s7;
	[smem:$0x7E5] =	sst s26  }
0x2e: {  	p1 =	seq.s32 s15, $0x3;
	s31 =	sadd.s32 $0x2C000, s7;
	[smem:$0x7E7] =	sst s29  }
0x2f: {  	s14 =	simm.s32 $0x5;
	s9 =	sadd.s32 $0x2E800, s7;
	[smem:$0x7E9] =	sst s31  }
0x30: {  	s10 =	simm.s32 $0xF080;
	s11 =	sadd.s32 $0x31000, s7;
	[smem:$0x7EB] =	sst s9  }
0x31: {  	p0 =	sne.s32 @!p1 s15, $0x0;
	s16 =	sadd.s32 $0x33800, s7;
	[smem:$0x7ED] =	sst s11  }
0x32: {  	s8 =	simm.s32 $0x1;
	s18 =	sadd.s32 $0x36000, s7;
	[smem:$0x7EF] =	sst s16  }
0x33: {  	p0 =	por p0, p1;
	s3 =	sadd.s32 $0x1000C00, s2;
	[smem:$0x7F1] =	sst s18  }
0x34: {  	s20 =	sadd.s32 $0x38800, s7;
	s22 =	sadd.s32 $0x3B000, s7;
	s9 =	sshll.u32 s6, $0xD  }
0x35: {  	s24 =	sadd.s32 $0x3D800, s7;
	s7 =	sadd.s32 $0x40000, s7;
	[smem:$0x7F3] =	sst s20  }
0x36: {  	s6 =	sshll.u32 s6, $0x14;
	s29 =	sshrl.u32 s4, $0x1;
	[smem:$0x7F5] =	sst s22  }
0x37: {  	s11 =	simm.s32 $0x2;
	[smem:$0x7F7] =	sst s24;
	s4 =	ssub.s32 s4, s29  }
0x38: {  	s2 =	sadd.s32 s9, s2;
	[smem:$0x7F8] =	sst s7;
	s31 =	smax.u32 s4, $0x1  }
0x39: {  	s28 =	sadd.s32 s3, s6;
	s7 =	simm.s32 $0x80;
	s24 =	sadd.s32 $0xFFFFFFFF, s31  }
0x3a: {  	s25 =	sadd.s32 $0x1800C00, s2;
	[smem:$0x7FB] =	sst s28;
	p3 =	sne.s32 s24, $0x0  }
.Ltmp0:
0x3b: {  	s2 =	sadd.s32 s5, s6;
	[smem:$0x7F9] =	sst s25;
	(pc) =	sbr.rel @!p3 .LBB2_1-.Ltmp0, $4  }
0x3c: {  	s6 =	sor.u32 $0x2800, s6;
	s26 =	sadd.s32 $0xFE000, s2;
	s25 =	rddreg [dreg:$0x3]  }
0x3d: {  	s9 =	simm.s32 $0x4;
	s30 =	sadd.s32 s3, s6;
	[smem:$0x7FA] =	sst s26  }
0x3e: {  	s4 =	simm.s32 $0x3;
	s5 =	sadd.s32 s5, s6;
	[smem:$0x7FC] =	sst s30  }
0x3f: {  	s6 =	simm.s32 $0x800;
	[smem:$0x7FD] =	sst s5;
	s5 =	simm.s32 $0x600  }
0x40: {  	[tilespmem:s13], [sflag:$0x5] =	stream.linear.gather [hbm4b:s25+s13], $0x80, $0x38;
	[tilespmem:$0x1E080] =	vst v63  }
0x41: {  	_ =	swait.ge [sflag:s14], $0x80  }
0x42: {  	[sflag:s14] =	ssyncset.done $0x0  }
0x43: {  	[sflag:s14] =	ssyncadd.s32 $0xFFFFFF80  }
0x44: {  	v0 =	vld [tilespmem:$0x0];
	_ =	sdelay $0x4  }
0x45: {  	(v2sf) =	vpush v0, $0x0;
	_ =	sdelay $0xe  }
0x46: {  	s15 =	rddreg [dreg:$0x4];
	s16 =	spop (v2sf)  }
0x47: {  	s15 =	sadd.s32 s15, s16  }
0x48: {  	s15 =	sshll.u32 s15, $0xB  }
0x49: {  	s17 =	rddreg [dreg:$0x5];
	s19 =	sadd.s32 s12, s15  }
0x4a: {  	s17 =	sadd.s32 s17, s15;
	s16 =	sshrl.u32 s19, $0x3  }
0x4b: {  	s17 =	sshrl.u32 s17, $0x3;
	s16 =	sadd.s32 s3, s16  }
0x4c: {  	[tilespmem:s7], [sflag:$0x1] =	stream.strided.gather [hbm4b:s16+s5], $0xF000, s6, s5, $0x38;
	[tilespmem:$0x1E080] =	vst v63  }
0x4d: {  	s20 =	sadd.s32 s3, s17  }
0x4e: {  	[tilespmem:s10], [sflag:$0x2] =	stream.strided.gather [hbm4b:s20+s5], $0xF000, s6, s5, $0x38;
	[tilespmem:$0x1E080] =	vst v63  }
0x4f: {  	_ =	swait.ge [sflag:s8], $0xF000  }
0x50: {  	[sflag:s8] =	ssyncset.done $0x0  }
0x51: {  	s21 =	rddreg [dreg:$0x6];
	[sflag:s8] =	ssyncadd.s32 $0xFFFF1000  }
0x52: {  	[hbm4b:s21+s5] =	stream.strided.scatter [tilespmem:s7], [sflag:$0x3], $0xF000, s6, s5, $0x38;
	[tilespmem:$0x1E080] =	vst v63  }
0x53: {  	_ =	swait.ge [sflag:s4], $0xF000  }
0x54: {  	s22 =	rddreg [dreg:$0x7]  }
0x55: {  	s16 =	sadd.s32 s22, s15  }
0x56: {  	[sflag:s4] =	ssyncset.done $0x0;
	s16 =	sshrl.u32 s16, $0x3  }
0x57: {  	[sflag:s4] =	ssyncadd.s32 $0xFFFF1000;
	s16 =	sadd.s32 s3, s16  }
0x58: {  	[tilespmem:s7], [sflag:$0x1] =	stream.strided.gather [hbm4b:s16+s5], $0xF000, s6, s5, $0x38;
	[tilespmem:$0x1E080] =	vst v63  }
0x59: {  	_ =	swait.ge [sflag:s11], $0xF000  }
0x5a: {  	[sflag:s11] =	ssyncset.done $0x0  }
0x5b: {  	s23 =	rddreg [dreg:$0x8];
	[sflag:s11] =	ssyncadd.s32 $0xFFFF1000  }
0x5c: {  	[hbm4b:s23+s5] =	stream.strided.scatter [tilespmem:s10], [sflag:$0x4], $0xF000, s6, s5, $0x38;
	[tilespmem:$0x1E080] =	vst v63  }
0x5d: {  	_ =	swait.ge [sflag:s9], $0xF000  }
0x5e: {  	s25 =	rddreg [dreg:$0x9]  }
0x5f: {  	s16 =	sadd.s32 s25, s15  }
0x60: {  	[sflag:s9] =	ssyncset.done $0x0;
	s16 =	sshrl.u32 s16, $0x3  }
0x61: {  	[sflag:s9] =	ssyncadd.s32 $0xFFFF1000;
	s16 =	sadd.s32 s3, s16  }
0x62: {  	[tilespmem:s10], [sflag:$0x2] =	stream.strided.gather [hbm4b:s16+s5], $0xF000, s6, s5, $0x38;
	[tilespmem:$0x1E080] =	vst v63  }
0x63: {  	_ =	swait.ge [sflag:s8], $0xF000  }
0x64: {  	[sflag:s8] =	ssyncset.done $0x0  }
0x65: {  	s26 =	rddreg [dreg:$0xa];
	[sflag:s8] =	ssyncadd.s32 $0xFFFF1000  }
0x66: {  	[hbm4b:s26+s5] =	stream.strided.scatter [tilespmem:s7], [sflag:$0x3], $0xF000, s6, s5, $0x38;
	[tilespmem:$0x1E080] =	vst v63  }
0x67: {  	_ =	swait.ge [sflag:s4], $0xF000  }
0x68: {  	s28 =	rddreg [dreg:$0xb]  }
0x69: {  	s16 =	sadd.s32 s28, s15  }
0x6a: {  	[sflag:s4] =	ssyncset.done $0x0;
	s16 =	sshrl.u32 s16, $0x3  }
0x6b: {  	[sflag:s4] =	ssyncadd.s32 $0xFFFF1000;
	s16 =	sadd.s32 s3, s16  }
0x6c: {  	[tilespmem:s7], [sflag:$0x1] =	stream.strided.gather [hbm4b:s16+s5], $0xF000, s6, s5, $0x38;
	[tilespmem:$0x1E080] =	vst v63  }
0x6d: {  	_ =	swait.ge [sflag:s11], $0xF000  }
0x6e: {  	[sflag:s11] =	ssyncset.done $0x0  }
0x6f: {  	s29 =	rddreg [dreg:$0xc];
	[sflag:s11] =	ssyncadd.s32 $0xFFFF1000  }
0x70: {  	[hbm4b:s29+s5] =	stream.strided.scatter [tilespmem:s10], [sflag:$0x4], $0xF000, s6, s5, $0x38;
	[tilespmem:$0x1E080] =	vst v63  }
0x71: {  	_ =	swait.ge [sflag:s9], $0xF000  }
0x72: {  	s30 =	rddreg [dreg:$0xd]  }
0x73: {  	s16 =	sadd.s32 s30, s15  }
0x74: {  	[sflag:s9] =	ssyncset.done $0x0;
	s16 =	sshrl.u32 s16, $0x3  }
0x75: {  	[sflag:s9] =	ssyncadd.s32 $0xFFFF1000;
	s16 =	sadd.s32 s3, s16  }
0x76: {  	[tilespmem:s10], [sflag:$0x2] =	stream.strided.gather [hbm4b:s16+s5], $0xF000, s6, s5, $0x38;
	[tilespmem:$0x1E080] =	vst v63  }
0x77: {  	_ =	swait.ge [sflag:s8], $0xF000  }
0x78: {  	[sflag:s8] =	ssyncset.done $0x0  }
0x79: {  	s31 =	rddreg [dreg:$0xe];
	[sflag:s8] =	ssyncadd.s32 $0xFFFF1000  }
0x7a: {  	[hbm4b:s31+s5] =	stream.strided.scatter [tilespmem:s7], [sflag:$0x3], $0xF000, s6, s5, $0x38;
	[tilespmem:$0x1E080] =	vst v63  }
0x7b: {  	_ =	swait.ge [sflag:s4], $0xF000  }
0x7c: {  	s17 =	rddreg [dreg:$0xf]  }
0x7d: {  	s16 =	sadd.s32 s17, s15  }
0x7e: {  	[sflag:s4] =	ssyncset.done $0x0;
	s16 =	sshrl.u32 s16, $0x3  }
0x7f: {  	[sflag:s4] =	ssyncadd.s32 $0xFFFF1000;
	s16 =	sadd.s32 s3, s16  }
0x80: {  	[tilespmem:s7], [sflag:$0x1] =	stream.strided.gather [hbm4b:s16+s5], $0xF000, s6, s5, $0x38;
	[tilespmem:$0x1E080] =	vst v63  }
0x81: {  	_ =	swait.ge [sflag:s11], $0xF000  }
0x82: {  	[sflag:s11] =	ssyncset.done $0x0  }
0x83: {  	s18 =	rddreg [dreg:$0x10];
	[sflag:s11] =	ssyncadd.s32 $0xFFFF1000  }
0x84: {  	[hbm4b:s18+s5] =	stream.strided.scatter [tilespmem:s10], [sflag:$0x4], $0xF000, s6, s5, $0x38;
	[tilespmem:$0x1E080] =	vst v63  }
0x85: {  	_ =	swait.ge [sflag:s9], $0xF000  }
0x86: {  	s19 =	rddreg [dreg:$0x11]  }
0x87: {  	s16 =	sadd.s32 s19, s15  }
0x88: {  	[sflag:s9] =	ssyncset.done $0x0;
	s16 =	sshrl.u32 s16, $0x3  }
0x89: {  	[sflag:s9] =	ssyncadd.s32 $0xFFFF1000;
	s16 =	sadd.s32 s3, s16  }
0x8a: {  	[tilespmem:s10], [sflag:$0x2] =	stream.strided.gather [hbm4b:s16+s5], $0xF000, s6, s5, $0x38;
	[tilespmem:$0x1E080] =	vst v63  }
0x8b: {  	_ =	swait.ge [sflag:s8], $0xF000  }
0x8c: {  	[sflag:s8] =	ssyncset.done $0x0  }
0x8d: {  	s20 =	rddreg [dreg:$0x12];
	[sflag:s8] =	ssyncadd.s32 $0xFFFF1000  }
0x8e: {  	[hbm4b:s20+s5] =	stream.strided.scatter [tilespmem:s7], [sflag:$0x3], $0xF000, s6, s5, $0x38;
	[tilespmem:$0x1E080] =	vst v63  }
0x8f: {  	_ =	swait.ge [sflag:s4], $0xF000  }
0x90: {  	s21 =	rddreg [dreg:$0x13]  }
0x91: {  	s16 =	sadd.s32 s21, s15  }
0x92: {  	[sflag:s4] =	ssyncset.done $0x0;
	s16 =	sshrl.u32 s16, $0x3  }
0x93: {  	[sflag:s4] =	ssyncadd.s32 $0xFFFF1000;
	s16 =	sadd.s32 s3, s16  }
0x94: {  	[tilespmem:s7], [sflag:$0x1] =	stream.strided.gather [hbm4b:s16+s5], $0xF000, s6, s5, $0x38;
	[tilespmem:$0x1E080] =	vst v63  }
0x95: {  	_ =	swait.ge [sflag:s11], $0xF000  }
0x96: {  	[sflag:s11] =	ssyncset.done $0x0  }
0x97: {  	s22 =	rddreg [dreg:$0x14];
	[sflag:s11] =	ssyncadd.s32 $0xFFFF1000  }
0x98: {  	[hbm4b:s22+s5] =	stream.strided.scatter [tilespmem:s10], [sflag:$0x4], $0xF000, s6, s5, $0x38;
	[tilespmem:$0x1E080] =	vst v63  }
0x99: {  	_ =	swait.ge [sflag:s9], $0xF000  }
0x9a: {  	s23 =	rddreg [dreg:$0x15]  }
0x9b: {  	s16 =	sadd.s32 s23, s15  }
0x9c: {  	[sflag:s9] =	ssyncset.done $0x0;
	s16 =	sshrl.u32 s16, $0x3  }
0x9d: {  	[sflag:s9] =	ssyncadd.s32 $0xFFFF1000;
	s16 =	sadd.s32 s3, s16  }
0x9e: {  	[tilespmem:s10], [sflag:$0x2] =	stream.strided.gather [hbm4b:s16+s5], $0xF000, s6, s5, $0x38;
	[tilespmem:$0x1E080] =	vst v63  }
0x9f: {  	_ =	swait.ge [sflag:s8], $0xF000  }
0xa0: {  	[sflag:s8] =	ssyncset.done $0x0  }
0xa1: {  	s25 =	rddreg [dreg:$0x16];
	[sflag:s8] =	ssyncadd.s32 $0xFFFF1000  }
0xa2: {  	[hbm4b:s25+s5] =	stream.strided.scatter [tilespmem:s7], [sflag:$0x3], $0xF000, s6, s5, $0x38;
	[tilespmem:$0x1E080] =	vst v63  }
0xa3: {  	_ =	swait.ge [sflag:s4], $0xF000  }
0xa4: {  	s26 =	rddreg [dreg:$0x17]  }
0xa5: {  	s16 =	sadd.s32 s26, s15  }
0xa6: {  	[sflag:s4] =	ssyncset.done $0x0;
	s16 =	sshrl.u32 s16, $0x3  }
0xa7: {  	[sflag:s4] =	ssyncadd.s32 $0xFFFF1000;
	s16 =	sadd.s32 s3, s16  }
0xa8: {  	[tilespmem:s7], [sflag:$0x1] =	stream.strided.gather [hbm4b:s16+s5], $0xF000, s6, s5, $0x38;
	[tilespmem:$0x1E080] =	vst v63  }
0xa9: {  	_ =	swait.ge [sflag:s11], $0xF000  }
0xaa: {  	[sflag:s11] =	ssyncset.done $0x0  }
0xab: {  	s28 =	rddreg [dreg:$0x18];
	[sflag:s11] =	ssyncadd.s32 $0xFFFF1000  }
0xac: {  	[hbm4b:s28+s5] =	stream.strided.scatter [tilespmem:s10], [sflag:$0x4], $0xF000, s6, s5, $0x38;
	[tilespmem:$0x1E080] =	vst v63  }
0xad: {  	_ =	swait.ge [sflag:s9], $0xF000  }
0xae: {  	s29 =	rddreg [dreg:$0x19]  }
0xaf: {  	s16 =	sadd.s32 s29, s15  }
0xb0: {  	[sflag:s9] =	ssyncset.done $0x0;
	s16 =	sshrl.u32 s16, $0x3  }
0xb1: {  	[sflag:s9] =	ssyncadd.s32 $0xFFFF1000;
	s16 =	sadd.s32 s3, s16  }
0xb2: {  	[tilespmem:s10], [sflag:$0x2] =	stream.strided.gather [hbm4b:s16+s5], $0xF000, s6, s5, $0x38;
	[tilespmem:$0x1E080] =	vst v63  }
0xb3: {  	_ =	swait.ge [sflag:s8], $0xF000  }
0xb4: {  	[sflag:s8] =	ssyncset.done $0x0  }
0xb5: {  	s30 =	rddreg [dreg:$0x1a];
	[sflag:s8] =	ssyncadd.s32 $0xFFFF1000  }
0xb6: {  	[hbm4b:s30+s5] =	stream.strided.scatter [tilespmem:s7], [sflag:$0x3], $0xF000, s6, s5, $0x38;
	[tilespmem:$0x1E080] =	vst v63  }
0xb7: {  	_ =	swait.ge [sflag:s4], $0xF000  }
0xb8: {  	s31 =	rddreg [dreg:$0x1b]  }
0xb9: {  	s16 =	sadd.s32 s31, s15  }
0xba: {  	[sflag:s4] =	ssyncset.done $0x0;
	s16 =	sshrl.u32 s16, $0x3  }
0xbb: {  	[sflag:s4] =	ssyncadd.s32 $0xFFFF1000;
	s16 =	sadd.s32 s3, s16  }
0xbc: {  	[tilespmem:s7], [sflag:$0x1] =	stream.strided.gather [hbm4b:s16+s5], $0xF000, s6, s5, $0x38;
	[tilespmem:$0x1E080] =	vst v63  }
0xbd: {  	_ =	swait.ge [sflag:s11], $0xF000  }
0xbe: {  	[sflag:s11] =	ssyncset.done $0x0  }
0xbf: {  	s17 =	rddreg [dreg:$0x1c];
	[sflag:s11] =	ssyncadd.s32 $0xFFFF1000  }
0xc0: {  	[hbm4b:s17+s5] =	stream.strided.scatter [tilespmem:s10], [sflag:$0x4], $0xF000, s6, s5, $0x38;
	[tilespmem:$0x1E080] =	vst v63  }
0xc1: {  	_ =	swait.ge [sflag:s9], $0xF000  }
0xc2: {  	s18 =	rddreg [dreg:$0x1d]  }
0xc3: {  	s16 =	sadd.s32 s18, s15  }
0xc4: {  	[sflag:s9] =	ssyncset.done $0x0;
	s16 =	sshrl.u32 s16, $0x3  }
0xc5: {  	[sflag:s9] =	ssyncadd.s32 $0xFFFF1000;
	s16 =	sadd.s32 s3, s16  }
0xc6: {  	[tilespmem:s10], [sflag:$0x2] =	stream.strided.gather [hbm4b:s16+s5], $0xF000, s6, s5, $0x38;
	[tilespmem:$0x1E080] =	vst v63  }
0xc7: {  	_ =	swait.ge [sflag:s8], $0xF000  }
0xc8: {  	[sflag:s8] =	ssyncset.done $0x0  }
0xc9: {  	s19 =	rddreg [dreg:$0x1e];
	[sflag:s8] =	ssyncadd.s32 $0xFFFF1000  }
0xca: {  	[hbm4b:s19+s5] =	stream.strided.scatter [tilespmem:s7], [sflag:$0x3], $0xF000, s6, s5, $0x38;
	[tilespmem:$0x1E080] =	vst v63  }
0xcb: {  	_ =	swait.ge [sflag:s4], $0xF000  }
0xcc: {  	s20 =	rddreg [dreg:$0x1f]  }
0xcd: {  	s16 =	sadd.s32 s20, s15  }
0xce: {  	[sflag:s4] =	ssyncset.done $0x0;
	s16 =	sshrl.u32 s16, $0x3  }
0xcf: {  	[sflag:s4] =	ssyncadd.s32 $0xFFFF1000;
	s16 =	sadd.s32 s3, s16  }
0xd0: {  	[tilespmem:s7], [sflag:$0x1] =	stream.strided.gather [hbm4b:s16+s5], $0xF000, s6, s5, $0x38;
	[tilespmem:$0x1E080] =	vst v63  }
0xd1: {  	_ =	swait.ge [sflag:s11], $0xF000  }
0xd2: {  	s21 =	sld [smem:$0x7E3]  }
0xd3: {  	[sflag:s11] =	ssyncset.done $0x0  }
0xd4: {  	[sflag:s11] =	ssyncadd.s32 $0xFFFF1000  }
0xd5: {  	[hbm4b:s21+s5] =	stream.strided.scatter [tilespmem:s10], [sflag:$0x4], $0xF000, s6, s5, $0x38;
	[tilespmem:$0x1E080] =	vst v63  }
0xd6: {  	_ =	swait.ge [sflag:s9], $0xF000  }
0xd7: {  	s22 =	sld [smem:$0x7E4];
	_ =	sdelay $0x2  }
0xd8: {  	s16 =	sadd.s32 s22, s15  }
0xd9: {  	[sflag:s9] =	ssyncset.done $0x0;
	s16 =	sshrl.u32 s16, $0x3  }
0xda: {  	[sflag:s9] =	ssyncadd.s32 $0xFFFF1000;
	s16 =	sadd.s32 s3, s16  }
0xdb: {  	[tilespmem:s10], [sflag:$0x2] =	stream.strided.gather [hbm4b:s16+s5], $0xF000, s6, s5, $0x38;
	[tilespmem:$0x1E080] =	vst v63  }
0xdc: {  	_ =	swait.ge [sflag:s8], $0xF000  }
0xdd: {  	s23 =	sld [smem:$0x7E5]  }
0xde: {  	[sflag:s8] =	ssyncset.done $0x0  }
0xdf: {  	[sflag:s8] =	ssyncadd.s32 $0xFFFF1000  }
0xe0: {  	[hbm4b:s23+s5] =	stream.strided.scatter [tilespmem:s7], [sflag:$0x3], $0xF000, s6, s5, $0x38;
	[tilespmem:$0x1E080] =	vst v63  }
0xe1: {  	_ =	swait.ge [sflag:s4], $0xF000  }
0xe2: {  	s25 =	sld [smem:$0x7E6];
	_ =	sdelay $0x2  }
0xe3: {  	s16 =	sadd.s32 s25, s15  }
0xe4: {  	[sflag:s4] =	ssyncset.done $0x0;
	s16 =	sshrl.u32 s16, $0x3  }
0xe5: {  	[sflag:s4] =	ssyncadd.s32 $0xFFFF1000;
	s16 =	sadd.s32 s3, s16  }
0xe6: {  	[tilespmem:s7], [sflag:$0x1] =	stream.strided.gather [hbm4b:s16+s5], $0xF000, s6, s5, $0x38;
	[tilespmem:$0x1E080] =	vst v63  }
0xe7: {  	_ =	swait.ge [sflag:s11], $0xF000  }
0xe8: {  	s26 =	sld [smem:$0x7E7]  }
0xe9: {  	[sflag:s11] =	ssyncset.done $0x0  }
0xea: {  	[sflag:s11] =	ssyncadd.s32 $0xFFFF1000  }
0xeb: {  	[hbm4b:s26+s5] =	stream.strided.scatter [tilespmem:s10], [sflag:$0x4], $0xF000, s6, s5, $0x38;
	[tilespmem:$0x1E080] =	vst v63  }
0xec: {  	_ =	swait.ge [sflag:s9], $0xF000  }
0xed: {  	s28 =	sld [smem:$0x7E8];
	_ =	sdelay $0x2  }
0xee: {  	s16 =	sadd.s32 s28, s15  }
0xef: {  	[sflag:s9] =	ssyncset.done $0x0;
	s16 =	sshrl.u32 s16, $0x3  }
0xf0: {  	[sflag:s9] =	ssyncadd.s32 $0xFFFF1000;
	s16 =	sadd.s32 s3, s16  }
0xf1: {  	[tilespmem:s10], [sflag:$0x2] =	stream.strided.gather [hbm4b:s16+s5], $0xF000, s6, s5, $0x38;
	[tilespmem:$0x1E080] =	vst v63  }
0xf2: {  	_ =	swait.ge [sflag:s8], $0xF000  }
0xf3: {  	s29 =	sld [smem:$0x7E9]  }
0xf4: {  	[sflag:s8] =	ssyncset.done $0x0  }
0xf5: {  	[sflag:s8] =	ssyncadd.s32 $0xFFFF1000  }
0xf6: {  	[hbm4b:s29+s5] =	stream.strided.scatter [tilespmem:s7], [sflag:$0x3], $0xF000, s6, s5, $0x38;
	[tilespmem:$0x1E080] =	vst v63  }
0xf7: {  	_ =	swait.ge [sflag:s4], $0xF000  }
0xf8: {  	s30 =	sld [smem:$0x7EA];
	_ =	sdelay $0x2  }
0xf9: {  	s16 =	sadd.s32 s30, s15  }
0xfa: {  	[sflag:s4] =	ssyncset.done $0x0;
	s16 =	sshrl.u32 s16, $0x3  }
0xfb: {  	[sflag:s4] =	ssyncadd.s32 $0xFFFF1000;
	s16 =	sadd.s32 s3, s16  }
0xfc: {  	[tilespmem:s7], [sflag:$0x1] =	stream.strided.gather [hbm4b:s16+s5], $0xF000, s6, s5, $0x38;
	[tilespmem:$0x1E080] =	vst v63  }
0xfd: {  	_ =	swait.ge [sflag:s11], $0xF000  }
0xfe: {  	s31 =	sld [smem:$0x7EB]  }
0xff: {  	[sflag:s11] =	ssyncset.done $0x0  }
0x100: {  	[sflag:s11] =	ssyncadd.s32 $0xFFFF1000  }
0x101: {  	[hbm4b:s31+s5] =	stream.strided.scatter [tilespmem:s10], [sflag:$0x4], $0xF000, s6, s5, $0x38;
	[tilespmem:$0x1E080] =	vst v63  }
0x102: {  	_ =	swait.ge [sflag:s9], $0xF000  }
0x103: {  	s17 =	sld [smem:$0x7EC];
	_ =	sdelay $0x2  }
0x104: {  	s16 =	sadd.s32 s17, s15  }
0x105: {  	[sflag:s9] =	ssyncset.done $0x0;
	s16 =	sshrl.u32 s16, $0x3  }
0x106: {  	[sflag:s9] =	ssyncadd.s32 $0xFFFF1000;
	s16 =	sadd.s32 s3, s16  }
0x107: {  	[tilespmem:s10], [sflag:$0x2] =	stream.strided.gather [hbm4b:s16+s5], $0xF000, s6, s5, $0x38;
	[tilespmem:$0x1E080] =	vst v63  }
0x108: {  	_ =	swait.ge [sflag:s8], $0xF000  }
0x109: {  	s18 =	sld [smem:$0x7ED]  }
0x10a: {  	[sflag:s8] =	ssyncset.done $0x0  }
0x10b: {  	[sflag:s8] =	ssyncadd.s32 $0xFFFF1000  }
0x10c: {  	[hbm4b:s18+s5] =	stream.strided.scatter [tilespmem:s7], [sflag:$0x3], $0xF000, s6, s5, $0x38;
	[tilespmem:$0x1E080] =	vst v63  }
0x10d: {  	_ =	swait.ge [sflag:s4], $0xF000  }
0x10e: {  	s19 =	sld [smem:$0x7EE];
	_ =	sdelay $0x2  }
0x10f: {  	s16 =	sadd.s32 s19, s15  }
0x110: {  	[sflag:s4] =	ssyncset.done $0x0;
	s16 =	sshrl.u32 s16, $0x3  }
0x111: {  	[sflag:s4] =	ssyncadd.s32 $0xFFFF1000;
	s16 =	sadd.s32 s3, s16  }
0x112: {  	[tilespmem:s7], [sflag:$0x1] =	stream.strided.gather [hbm4b:s16+s5], $0xF000, s6, s5, $0x38;
	[tilespmem:$0x1E080] =	vst v63  }
0x113: {  	_ =	swait.ge [sflag:s11], $0xF000  }
0x114: {  	s20 =	sld [smem:$0x7EF]  }
0x115: {  	[sflag:s11] =	ssyncset.done $0x0  }
0x116: {  	[sflag:s11] =	ssyncadd.s32 $0xFFFF1000  }
0x117: {  	[hbm4b:s20+s5] =	stream.strided.scatter [tilespmem:s10], [sflag:$0x4], $0xF000, s6, s5, $0x38;
	[tilespmem:$0x1E080] =	vst v63  }
0x118: {  	_ =	swait.ge [sflag:s9], $0xF000  }
0x119: {  	s21 =	sld [smem:$0x7F0];
	_ =	sdelay $0x2  }
0x11a: {  	s16 =	sadd.s32 s21, s15  }
0x11b: {  	[sflag:s9] =	ssyncset.done $0x0;
	s16 =	sshrl.u32 s16, $0x3  }
0x11c: {  	[sflag:s9] =	ssyncadd.s32 $0xFFFF1000;
	s16 =	sadd.s32 s3, s16  }
0x11d: {  	[tilespmem:s10], [sflag:$0x2] =	stream.strided.gather [hbm4b:s16+s5], $0xF000, s6, s5, $0x38;
	[tilespmem:$0x1E080] =	vst v63  }
0x11e: {  	_ =	swait.ge [sflag:s8], $0xF000  }
0x11f: {  	s22 =	sld [smem:$0x7F1]  }
0x120: {  	[sflag:s8] =	ssyncset.done $0x0  }
0x121: {  	[sflag:s8] =	ssyncadd.s32 $0xFFFF1000  }
0x122: {  	[hbm4b:s22+s5] =	stream.strided.scatter [tilespmem:s7], [sflag:$0x3], $0xF000, s6, s5, $0x38;
	[tilespmem:$0x1E080] =	vst v63  }
0x123: {  	_ =	swait.ge [sflag:s4], $0xF000  }
0x124: {  	s23 =	sld [smem:$0x7F2];
	_ =	sdelay $0x2  }
0x125: {  	s16 =	sadd.s32 s23, s15  }
0x126: {  	[sflag:s4] =	ssyncset.done $0x0;
	s16 =	sshrl.u32 s16, $0x3  }
0x127: {  	[sflag:s4] =	ssyncadd.s32 $0xFFFF1000;
	s16 =	sadd.s32 s3, s16  }
0x128: {  	[tilespmem:s7], [sflag:$0x1] =	stream.strided.gather [hbm4b:s16+s5], $0xF000, s6, s5, $0x38;
	[tilespmem:$0x1E080] =	vst v63  }
0x129: {  	_ =	swait.ge [sflag:s11], $0xF000  }
0x12a: {  	s25 =	sld [smem:$0x7F3]  }
0x12b: {  	[sflag:s11] =	ssyncset.done $0x0  }
0x12c: {  	[sflag:s11] =	ssyncadd.s32 $0xFFFF1000  }
0x12d: {  	[hbm4b:s25+s5] =	stream.strided.scatter [tilespmem:s10], [sflag:$0x4], $0xF000, s6, s5, $0x38;
	[tilespmem:$0x1E080] =	vst v63  }
0x12e: {  	_ =	swait.ge [sflag:s9], $0xF000  }
0x12f: {  	s26 =	sld [smem:$0x7F4];
	_ =	sdelay $0x2  }
0x130: {  	s16 =	sadd.s32 s26, s15  }
0x131: {  	[sflag:s9] =	ssyncset.done $0x0;
	s16 =	sshrl.u32 s16, $0x3  }
0x132: {  	[sflag:s9] =	ssyncadd.s32 $0xFFFF1000;
	s16 =	sadd.s32 s3, s16  }
0x133: {  	[tilespmem:s10], [sflag:$0x2] =	stream.strided.gather [hbm4b:s16+s5], $0xF000, s6, s5, $0x38;
	[tilespmem:$0x1E080] =	vst v63  }
0x134: {  	_ =	swait.ge [sflag:s8], $0xF000  }
0x135: {  	s28 =	sld [smem:$0x7F5]  }
0x136: {  	[sflag:s8] =	ssyncset.done $0x0  }
0x137: {  	[sflag:s8] =	ssyncadd.s32 $0xFFFF1000  }
0x138: {  	[hbm4b:s28+s5] =	stream.strided.scatter [tilespmem:s7], [sflag:$0x3], $0xF000, s6, s5, $0x38;
	[tilespmem:$0x1E080] =	vst v63  }
0x139: {  	_ =	swait.ge [sflag:s4], $0xF000  }
0x13a: {  	s29 =	sld [smem:$0x7F6];
	_ =	sdelay $0x2  }
0x13b: {  	s15 =	sadd.s32 s29, s15  }
0x13c: {  	[sflag:s4] =	ssyncset.done $0x0;
	s15 =	sshrl.u32 s15, $0x3  }
0x13d: {  	[sflag:s4] =	ssyncadd.s32 $0xFFFF1000;
	s15 =	sadd.s32 s3, s15  }
0x13e: {  	[tilespmem:s7], [sflag:$0x1] =	stream.strided.gather [hbm4b:s15+s5], $0xF000, s6, s5, $0x38;
	[tilespmem:$0x1E080] =	vst v63  }
0x13f: {  	_ =	swait.ge [sflag:s11], $0xF000  }
0x140: {  	s30 =	sld [smem:$0x7F7]  }
0x141: {  	[sflag:s11] =	ssyncset.done $0x0  }
0x142: {  	[sflag:s11] =	ssyncadd.s32 $0xFFFF1000  }
0x143: {  	[hbm4b:s30+s5] =	stream.strided.scatter [tilespmem:s10], [sflag:$0x4], $0xF000, s6, s5, $0x38;
	[tilespmem:$0x1E080] =	vst v63  }
0x144: {  	_ =	swait.ge [sflag:s8], $0xF000  }
0x145: {  	s31 =	sld [smem:$0x7F8]  }
0x146: {  	[sflag:s8] =	ssyncset.done $0x0  }
0x147: {  	[sflag:s8] =	ssyncadd.s32 $0xFFFF1000  }
0x148: {  	[hbm4b:s31+s5] =	stream.strided.scatter [tilespmem:s7], [sflag:$0x3], $0xF000, s6, s5, $0x38;
	[tilespmem:$0x1E080] =	vst v63  }
0x149: {  	_ =	swait.ge [sflag:s9], $0xF000  }
0x14a: {  	[sflag:s9] =	ssyncset.done $0x0  }
0x14b: {  	[sflag:s9] =	ssyncadd.s32 $0xFFFF1000  }
0x14c: {  	_ =	swait.ge [sflag:s4], $0xF000  }
0x14d: {  	s19 =	sld [smem:$0x7F9]  }
0x14e: {  	s17 =	simm.s32 @p1 $0x600;
	s18 =	simm.s32 @p1 $0x800;
	[sflag:s4] =	ssyncset.done $0x0  }
0x14f: {  	s16 =	simm.s32 @p1 $0x6;
	s15 =	simm.s32 @p1 $0x80;
	[sflag:s4] =	ssyncadd.s32 $0xFFFF1000  }
0x150: {  	[tilespmem:s15], [sflag:$0x6] =	stream.strided.gather @p1 [hbm4b:s19+s17], $0xC000, s18, s17, $0x38;
	[tilespmem:$0x1E080] =	vst v63  }
0x151: {  	_ =	swait.ge @p1 [sflag:s16], $0xC000  }
0x152: {  	s19 =	sld [smem:$0x7FA]  }
0x153: {  	[sflag:s16] =	ssyncset.done @p1 $0x0  }
0x154: {  	s20 =	simm.s32 @p1 $0x5;
	[sflag:s16] =	ssyncadd.s32 @p1 $0xFFFF4000  }
0x155: {  	[hbm4b:s19+s17] =	stream.strided.scatter @p1 [tilespmem:s15], [sflag:$0x5], $0xC000, s18, s17, $0x38;
	[tilespmem:$0x1E080] =	vst v63  }
0x156: {  	_ =	swait.ge @p1 [sflag:s20], $0xC000  }
0x157: {  	s25 =	sld [smem:$0x7FB]  }
0x158: {  	s21 =	simm.s32 @!p0 $0x80;
	s22 =	simm.s32 @!p0 $0x600;
	[sflag:s20] =	ssyncset.done @p1 $0x0  }
0x159: {  	s23 =	simm.s32 @!p0 $0x800;
	s19 =	simm.s32 @!p0 $0x6;
	[sflag:s20] =	ssyncadd.s32 @p1 $0xFFFF4000  }
0x15a: {  	[tilespmem:s21], [sflag:$0x6] =	stream.strided.gather @!p0 [hbm4b:s25+s22], $0xF000, s23, s22, $0x38;
	[tilespmem:$0x1E080] =	vst v63  }
0x15b: {  	_ =	swait.ge @!p0 [sflag:s19], $0xF000  }
0x15c: {  	[sflag:s19] =	ssyncset.done @!p0 $0x0  }
0x15d: {  	[sflag:s19] =	ssyncadd.s32 @!p0 $0xFFFF1000  }
0x15e: {  	[hbm4b:s2+s22] =	stream.strided.scatter @!p0 [tilespmem:s21], [sflag:$0x6], $0xF000, s23, s22, $0x38;
	[tilespmem:$0x1E080] =	vst v63  }
0x15f: {  	_ =	swait.ge @!p0 [sflag:s19], $0xF000  }
0x160: {  	s25 =	sld [smem:$0x7FC]  }
0x161: {  	[sflag:s19] =	ssyncset.done @!p0 $0x0  }
0x162: {  	[sflag:s19] =	ssyncadd.s32 @!p0 $0xFFFF1000  }
0x163: {  	[tilespmem:s21], [sflag:$0x6] =	stream.strided.gather @!p0 [hbm4b:s25+s22], $0x9000, s23, s22, $0x38;
	[tilespmem:$0x1E080] =	vst v63  }
0x164: {  	s24 =	sadd.s32 $0xFFFFFFFF, s24;
	_ =	swait.ge @!p0 [sflag:s19], $0x9000  }
0x165: {  	p3 =	sne.s32 s24, $0x0;
	s25 =	sld [smem:$0x7FD]  }
.Ltmp1:
0x166: {  	[sflag:s19] =	ssyncset.done @!p0 $0x0;
	(pc) =	sbr.rel @!p3 .LBB2_4-.Ltmp1, $4  }
0x167: {  	[sflag:s19] =	ssyncadd.s32 @!p0 $0xFFFF7000  }
0x168: {  	[hbm4b:s25+s22] =	stream.strided.scatter @!p0 [tilespmem:s21], [sflag:$0x6], $0x9000, s23, s22, $0x38;
	[tilespmem:$0x1E080] =	vst v63  }
0x169: {  	_ =	swait.ge @!p0 [sflag:s19], $0x9000  }
0x16a: {  	p2 =	por $0x1, $0x1;
	s25 =	rddreg [dreg:$0x3];
	[sflag:s19] =	ssyncset.done @!p0 $0x0  }
.LBB2_3:
0x16b: {  	[sflag:s19] =	ssyncadd.s32 @!p0 $0xFFFF7000  }
0x16c: {  	[tilespmem:s13], [sflag:$0x5] =	stream.linear.gather [hbm4b:s25+s13], $0x80, $0x38;
	[tilespmem:$0x1E080] =	vst v63  }
0x16d: {  	_ =	swait.ge [sflag:s14], $0x80  }
0x16e: {  	[sflag:s14] =	ssyncset.done $0x0  }
0x16f: {  	[sflag:s14] =	ssyncadd.s32 $0xFFFFFF80  }
0x170: {  	v0 =	vld [tilespmem:$0x0];
	_ =	sdelay $0x4  }
0x171: {  	(v2sf) =	vpush v0, $0x0;
	_ =	sdelay $0xe  }
0x172: {  	s30 =	rddreg [dreg:$0x4];
	s28 =	spop (v2sf)  }
0x173: {  	s25 =	sadd.s32 s30, s28  }
0x174: {  	s25 =	sshll.u32 s25, $0xB  }
0x175: {  	s26 =	rddreg [dreg:$0x5];
	s31 =	sadd.s32 s12, s25  }
0x176: {  	s26 =	sadd.s32 s26, s25;
	s28 =	sshrl.u32 s31, $0x3  }
0x177: {  	s26 =	sshrl.u32 s26, $0x3;
	s28 =	sadd.s32 s3, s28  }
0x178: {  	[tilespmem:s7], [sflag:$0x1] =	stream.strided.gather [hbm4b:s28+s5], $0xF000, s6, s5, $0x38;
	[tilespmem:$0x1E080] =	vst v63  }
0x179: {  	s26 =	sadd.s32 s3, s26  }
0x17a: {  	[tilespmem:s10], [sflag:$0x2] =	stream.strided.gather [hbm4b:s26+s5], $0xF000, s6, s5, $0x38;
	[tilespmem:$0x1E080] =	vst v63  }
0x17b: {  	_ =	swait.ge [sflag:s8], $0xF000  }
0x17c: {  	[sflag:s8] =	ssyncset.done $0x0  }
0x17d: {  	s28 =	rddreg [dreg:$0x6];
	[sflag:s8] =	ssyncadd.s32 $0xFFFF1000  }
0x17e: {  	[hbm4b:s28+s5] =	stream.strided.scatter [tilespmem:s7], [sflag:$0x3], $0xF000, s6, s5, $0x38;
	[tilespmem:$0x1E080] =	vst v63  }
0x17f: {  	_ =	swait.ge [sflag:s4], $0xF000  }
0x180: {  	s29 =	rddreg [dreg:$0x7]  }
0x181: {  	s26 =	sadd.s32 s29, s25  }
0x182: {  	[sflag:s4] =	ssyncset.done $0x0;
	s26 =	sshrl.u32 s26, $0x3  }
0x183: {  	[sflag:s4] =	ssyncadd.s32 $0xFFFF1000;
	s26 =	sadd.s32 s3, s26  }
0x184: {  	[tilespmem:s7], [sflag:$0x1] =	stream.strided.gather [hbm4b:s26+s5], $0xF000, s6, s5, $0x38;
	[tilespmem:$0x1E080] =	vst v63  }
0x185: {  	_ =	swait.ge [sflag:s11], $0xF000  }
0x186: {  	[sflag:s11] =	ssyncset.done $0x0  }
0x187: {  	s30 =	rddreg [dreg:$0x8];
	[sflag:s11] =	ssyncadd.s32 $0xFFFF1000  }
0x188: {  	[hbm4b:s30+s5] =	stream.strided.scatter [tilespmem:s10], [sflag:$0x4], $0xF000, s6, s5, $0x38;
	[tilespmem:$0x1E080] =	vst v63  }
0x189: {  	_ =	swait.ge [sflag:s9], $0xF000  }
0x18a: {  	s31 =	rddreg [dreg:$0x9]  }
0x18b: {  	s26 =	sadd.s32 s31, s25  }
0x18c: {  	[sflag:s9] =	ssyncset.done $0x0;
	s26 =	sshrl.u32 s26, $0x3  }
0x18d: {  	[sflag:s9] =	ssyncadd.s32 $0xFFFF1000;
	s26 =	sadd.s32 s3, s26  }
0x18e: {  	[tilespmem:s10], [sflag:$0x2] =	stream.strided.gather [hbm4b:s26+s5], $0xF000, s6, s5, $0x38;
	[tilespmem:$0x1E080] =	vst v63  }
0x18f: {  	_ =	swait.ge [sflag:s8], $0xF000  }
0x190: {  	[sflag:s8] =	ssyncset.done $0x0  }
0x191: {  	s28 =	rddreg [dreg:$0xa];
	[sflag:s8] =	ssyncadd.s32 $0xFFFF1000  }
0x192: {  	[hbm4b:s28+s5] =	stream.strided.scatter [tilespmem:s7], [sflag:$0x3], $0xF000, s6, s5, $0x38;
	[tilespmem:$0x1E080] =	vst v63  }
0x193: {  	_ =	swait.ge [sflag:s4], $0xF000  }
0x194: {  	s29 =	rddreg [dreg:$0xb]  }
0x195: {  	s26 =	sadd.s32 s29, s25  }
0x196: {  	[sflag:s4] =	ssyncset.done $0x0;
	s26 =	sshrl.u32 s26, $0x3  }
0x197: {  	[sflag:s4] =	ssyncadd.s32 $0xFFFF1000;
	s26 =	sadd.s32 s3, s26  }
0x198: {  	[tilespmem:s7], [sflag:$0x1] =	stream.strided.gather [hbm4b:s26+s5], $0xF000, s6, s5, $0x38;
	[tilespmem:$0x1E080] =	vst v63  }
0x199: {  	_ =	swait.ge [sflag:s11], $0xF000  }
0x19a: {  	[sflag:s11] =	ssyncset.done $0x0  }
0x19b: {  	s30 =	rddreg [dreg:$0xc];
	[sflag:s11] =	ssyncadd.s32 $0xFFFF1000  }
0x19c: {  	[hbm4b:s30+s5] =	stream.strided.scatter [tilespmem:s10], [sflag:$0x4], $0xF000, s6, s5, $0x38;
	[tilespmem:$0x1E080] =	vst v63  }
0x19d: {  	_ =	swait.ge [sflag:s9], $0xF000  }
0x19e: {  	s31 =	rddreg [dreg:$0xd]  }
0x19f: {  	s26 =	sadd.s32 s31, s25  }
0x1a0: {  	[sflag:s9] =	ssyncset.done $0x0;
	s26 =	sshrl.u32 s26, $0x3  }
0x1a1: {  	[sflag:s9] =	ssyncadd.s32 $0xFFFF1000;
	s26 =	sadd.s32 s3, s26  }
0x1a2: {  	[tilespmem:s10], [sflag:$0x2] =	stream.strided.gather [hbm4b:s26+s5], $0xF000, s6, s5, $0x38;
	[tilespmem:$0x1E080] =	vst v63  }
0x1a3: {  	_ =	swait.ge [sflag:s8], $0xF000  }
0x1a4: {  	[sflag:s8] =	ssyncset.done $0x0  }
0x1a5: {  	s28 =	rddreg [dreg:$0xe];
	[sflag:s8] =	ssyncadd.s32 $0xFFFF1000  }
0x1a6: {  	[hbm4b:s28+s5] =	stream.strided.scatter [tilespmem:s7], [sflag:$0x3], $0xF000, s6, s5, $0x38;
	[tilespmem:$0x1E080] =	vst v63  }
0x1a7: {  	_ =	swait.ge [sflag:s4], $0xF000  }
0x1a8: {  	s29 =	rddreg [dreg:$0xf]  }
0x1a9: {  	s26 =	sadd.s32 s29, s25  }
0x1aa: {  	[sflag:s4] =	ssyncset.done $0x0;
	s26 =	sshrl.u32 s26, $0x3  }
0x1ab: {  	[sflag:s4] =	ssyncadd.s32 $0xFFFF1000;
	s26 =	sadd.s32 s3, s26  }
0x1ac: {  	[tilespmem:s7], [sflag:$0x1] =	stream.strided.gather [hbm4b:s26+s5], $0xF000, s6, s5, $0x38;
	[tilespmem:$0x1E080] =	vst v63  }
0x1ad: {  	_ =	swait.ge [sflag:s11], $0xF000  }
0x1ae: {  	[sflag:s11] =	ssyncset.done $0x0  }
0x1af: {  	s30 =	rddreg [dreg:$0x10];
	[sflag:s11] =	ssyncadd.s32 $0xFFFF1000  }
0x1b0: {  	[hbm4b:s30+s5] =	stream.strided.scatter [tilespmem:s10], [sflag:$0x4], $0xF000, s6, s5, $0x38;
	[tilespmem:$0x1E080] =	vst v63  }
0x1b1: {  	_ =	swait.ge [sflag:s9], $0xF000  }
0x1b2: {  	s31 =	rddreg [dreg:$0x11]  }
0x1b3: {  	s26 =	sadd.s32 s31, s25  }
0x1b4: {  	[sflag:s9] =	ssyncset.done $0x0;
	s26 =	sshrl.u32 s26, $0x3  }
0x1b5: {  	[sflag:s9] =	ssyncadd.s32 $0xFFFF1000;
	s26 =	sadd.s32 s3, s26  }
0x1b6: {  	[tilespmem:s10], [sflag:$0x2] =	stream.strided.gather [hbm4b:s26+s5], $0xF000, s6, s5, $0x38;
	[tilespmem:$0x1E080] =	vst v63  }
0x1b7: {  	_ =	swait.ge [sflag:s8], $0xF000  }
0x1b8: {  	[sflag:s8] =	ssyncset.done $0x0  }
0x1b9: {  	s28 =	rddreg [dreg:$0x12];
	[sflag:s8] =	ssyncadd.s32 $0xFFFF1000  }
0x1ba: {  	[hbm4b:s28+s5] =	stream.strided.scatter [tilespmem:s7], [sflag:$0x3], $0xF000, s6, s5, $0x38;
	[tilespmem:$0x1E080] =	vst v63  }
0x1bb: {  	_ =	swait.ge [sflag:s4], $0xF000  }
0x1bc: {  	s29 =	rddreg [dreg:$0x13]  }
0x1bd: {  	s26 =	sadd.s32 s29, s25  }
0x1be: {  	[sflag:s4] =	ssyncset.done $0x0;
	s26 =	sshrl.u32 s26, $0x3  }
0x1bf: {  	[sflag:s4] =	ssyncadd.s32 $0xFFFF1000;
	s26 =	sadd.s32 s3, s26  }
0x1c0: {  	[tilespmem:s7], [sflag:$0x1] =	stream.strided.gather [hbm4b:s26+s5], $0xF000, s6, s5, $0x38;
	[tilespmem:$0x1E080] =	vst v63  }
0x1c1: {  	_ =	swait.ge [sflag:s11], $0xF000  }
0x1c2: {  	[sflag:s11] =	ssyncset.done $0x0  }
0x1c3: {  	s30 =	rddreg [dreg:$0x14];
	[sflag:s11] =	ssyncadd.s32 $0xFFFF1000  }
0x1c4: {  	[hbm4b:s30+s5] =	stream.strided.scatter [tilespmem:s10], [sflag:$0x4], $0xF000, s6, s5, $0x38;
	[tilespmem:$0x1E080] =	vst v63  }
0x1c5: {  	_ =	swait.ge [sflag:s9], $0xF000  }
0x1c6: {  	s31 =	rddreg [dreg:$0x15]  }
0x1c7: {  	s26 =	sadd.s32 s31, s25  }
0x1c8: {  	[sflag:s9] =	ssyncset.done $0x0;
	s26 =	sshrl.u32 s26, $0x3  }
0x1c9: {  	[sflag:s9] =	ssyncadd.s32 $0xFFFF1000;
	s26 =	sadd.s32 s3, s26  }
0x1ca: {  	[tilespmem:s10], [sflag:$0x2] =	stream.strided.gather [hbm4b:s26+s5], $0xF000, s6, s5, $0x38;
	[tilespmem:$0x1E080] =	vst v63  }
0x1cb: {  	_ =	swait.ge [sflag:s8], $0xF000  }
0x1cc: {  	[sflag:s8] =	ssyncset.done $0x0  }
0x1cd: {  	s28 =	rddreg [dreg:$0x16];
	[sflag:s8] =	ssyncadd.s32 $0xFFFF1000  }
0x1ce: {  	[hbm4b:s28+s5] =	stream.strided.scatter [tilespmem:s7], [sflag:$0x3], $0xF000, s6, s5, $0x38;
	[tilespmem:$0x1E080] =	vst v63  }
0x1cf: {  	_ =	swait.ge [sflag:s4], $0xF000  }
0x1d0: {  	s29 =	rddreg [dreg:$0x17]  }
0x1d1: {  	s26 =	sadd.s32 s29, s25  }
0x1d2: {  	[sflag:s4] =	ssyncset.done $0x0;
	s26 =	sshrl.u32 s26, $0x3  }
0x1d3: {  	[sflag:s4] =	ssyncadd.s32 $0xFFFF1000;
	s26 =	sadd.s32 s3, s26  }
0x1d4: {  	[tilespmem:s7], [sflag:$0x1] =	stream.strided.gather [hbm4b:s26+s5], $0xF000, s6, s5, $0x38;
	[tilespmem:$0x1E080] =	vst v63  }
0x1d5: {  	_ =	swait.ge [sflag:s11], $0xF000  }
0x1d6: {  	[sflag:s11] =	ssyncset.done $0x0  }
0x1d7: {  	s30 =	rddreg [dreg:$0x18];
	[sflag:s11] =	ssyncadd.s32 $0xFFFF1000  }
0x1d8: {  	[hbm4b:s30+s5] =	stream.strided.scatter [tilespmem:s10], [sflag:$0x4], $0xF000, s6, s5, $0x38;
	[tilespmem:$0x1E080] =	vst v63  }
0x1d9: {  	_ =	swait.ge [sflag:s9], $0xF000  }
0x1da: {  	s31 =	rddreg [dreg:$0x19]  }
0x1db: {  	s26 =	sadd.s32 s31, s25  }
0x1dc: {  	[sflag:s9] =	ssyncset.done $0x0;
	s26 =	sshrl.u32 s26, $0x3  }
0x1dd: {  	[sflag:s9] =	ssyncadd.s32 $0xFFFF1000;
	s26 =	sadd.s32 s3, s26  }
0x1de: {  	[tilespmem:s10], [sflag:$0x2] =	stream.strided.gather [hbm4b:s26+s5], $0xF000, s6, s5, $0x38;
	[tilespmem:$0x1E080] =	vst v63  }
0x1df: {  	_ =	swait.ge [sflag:s8], $0xF000  }
0x1e0: {  	[sflag:s8] =	ssyncset.done $0x0  }
0x1e1: {  	s28 =	rddreg [dreg:$0x1a];
	[sflag:s8] =	ssyncadd.s32 $0xFFFF1000  }
0x1e2: {  	[hbm4b:s28+s5] =	stream.strided.scatter [tilespmem:s7], [sflag:$0x3], $0xF000, s6, s5, $0x38;
	[tilespmem:$0x1E080] =	vst v63  }
0x1e3: {  	_ =	swait.ge [sflag:s4], $0xF000  }
0x1e4: {  	s29 =	rddreg [dreg:$0x1b]  }
0x1e5: {  	s26 =	sadd.s32 s29, s25  }
0x1e6: {  	[sflag:s4] =	ssyncset.done $0x0;
	s26 =	sshrl.u32 s26, $0x3  }
0x1e7: {  	[sflag:s4] =	ssyncadd.s32 $0xFFFF1000;
	s26 =	sadd.s32 s3, s26  }
0x1e8: {  	[tilespmem:s7], [sflag:$0x1] =	stream.strided.gather [hbm4b:s26+s5], $0xF000, s6, s5, $0x38;
	[tilespmem:$0x1E080] =	vst v63  }
0x1e9: {  	_ =	swait.ge [sflag:s11], $0xF000  }
0x1ea: {  	[sflag:s11] =	ssyncset.done $0x0  }
0x1eb: {  	s30 =	rddreg [dreg:$0x1c];
	[sflag:s11] =	ssyncadd.s32 $0xFFFF1000  }
0x1ec: {  	[hbm4b:s30+s5] =	stream.strided.scatter [tilespmem:s10], [sflag:$0x4], $0xF000, s6, s5, $0x38;
	[tilespmem:$0x1E080] =	vst v63  }
0x1ed: {  	_ =	swait.ge [sflag:s9], $0xF000  }
0x1ee: {  	s31 =	rddreg [dreg:$0x1d]  }
0x1ef: {  	s26 =	sadd.s32 s31, s25  }
0x1f0: {  	[sflag:s9] =	ssyncset.done $0x0;
	s26 =	sshrl.u32 s26, $0x3  }
0x1f1: {  	[sflag:s9] =	ssyncadd.s32 $0xFFFF1000;
	s26 =	sadd.s32 s3, s26  }
0x1f2: {  	[tilespmem:s10], [sflag:$0x2] =	stream.strided.gather [hbm4b:s26+s5], $0xF000, s6, s5, $0x38;
	[tilespmem:$0x1E080] =	vst v63  }
0x1f3: {  	_ =	swait.ge [sflag:s8], $0xF000  }
0x1f4: {  	[sflag:s8] =	ssyncset.done $0x0  }
0x1f5: {  	s28 =	rddreg [dreg:$0x1e];
	[sflag:s8] =	ssyncadd.s32 $0xFFFF1000  }
0x1f6: {  	[hbm4b:s28+s5] =	stream.strided.scatter [tilespmem:s7], [sflag:$0x3], $0xF000, s6, s5, $0x38;
	[tilespmem:$0x1E080] =	vst v63  }
0x1f7: {  	_ =	swait.ge [sflag:s4], $0xF000  }
0x1f8: {  	s29 =	rddreg [dreg:$0x1f]  }
0x1f9: {  	s26 =	sadd.s32 s29, s25  }
0x1fa: {  	[sflag:s4] =	ssyncset.done $0x0;
	s26 =	sshrl.u32 s26, $0x3  }
0x1fb: {  	[sflag:s4] =	ssyncadd.s32 $0xFFFF1000;
	s26 =	sadd.s32 s3, s26  }
0x1fc: {  	[tilespmem:s7], [sflag:$0x1] =	stream.strided.gather [hbm4b:s26+s5], $0xF000, s6, s5, $0x38;
	[tilespmem:$0x1E080] =	vst v63  }
0x1fd: {  	_ =	swait.ge [sflag:s11], $0xF000  }
0x1fe: {  	s30 =	sld [smem:$0x7E3]  }
0x1ff: {  	[sflag:s11] =	ssyncset.done $0x0  }
0x200: {  	[sflag:s11] =	ssyncadd.s32 $0xFFFF1000  }
0x201: {  	[hbm4b:s30+s5] =	stream.strided.scatter [tilespmem:s10], [sflag:$0x4], $0xF000, s6, s5, $0x38;
	[tilespmem:$0x1E080] =	vst v63  }
0x202: {  	_ =	swait.ge [sflag:s9], $0xF000  }
0x203: {  	s31 =	sld [smem:$0x7E4];
	_ =	sdelay $0x2  }
0x204: {  	s26 =	sadd.s32 s31, s25  }
0x205: {  	[sflag:s9] =	ssyncset.done $0x0;
	s26 =	sshrl.u32 s26, $0x3  }
0x206: {  	[sflag:s9] =	ssyncadd.s32 $0xFFFF1000;
	s26 =	sadd.s32 s3, s26  }
0x207: {  	[tilespmem:s10], [sflag:$0x2] =	stream.strided.gather [hbm4b:s26+s5], $0xF000, s6, s5, $0x38;
	[tilespmem:$0x1E080] =	vst v63  }
0x208: {  	_ =	swait.ge [sflag:s8], $0xF000  }
0x209: {  	s28 =	sld [smem:$0x7E5]  }
0x20a: {  	[sflag:s8] =	ssyncset.done $0x0  }
0x20b: {  	[sflag:s8] =	ssyncadd.s32 $0xFFFF1000  }
0x20c: {  	[hbm4b:s28+s5] =	stream.strided.scatter [tilespmem:s7], [sflag:$0x3], $0xF000, s6, s5, $0x38;
	[tilespmem:$0x1E080] =	vst v63  }
0x20d: {  	_ =	swait.ge [sflag:s4], $0xF000  }
0x20e: {  	s29 =	sld [smem:$0x7E6];
	_ =	sdelay $0x2  }
0x20f: {  	s26 =	sadd.s32 s29, s25  }
0x210: {  	[sflag:s4] =	ssyncset.done $0x0;
	s26 =	sshrl.u32 s26, $0x3  }
0x211: {  	[sflag:s4] =	ssyncadd.s32 $0xFFFF1000;
	s26 =	sadd.s32 s3, s26  }
0x212: {  	[tilespmem:s7], [sflag:$0x1] =	stream.strided.gather [hbm4b:s26+s5], $0xF000, s6, s5, $0x38;
	[tilespmem:$0x1E080] =	vst v63  }
0x213: {  	_ =	swait.ge [sflag:s11], $0xF000  }
0x214: {  	s30 =	sld [smem:$0x7E7]  }
0x215: {  	[sflag:s11] =	ssyncset.done $0x0  }
0x216: {  	[sflag:s11] =	ssyncadd.s32 $0xFFFF1000  }
0x217: {  	[hbm4b:s30+s5] =	stream.strided.scatter [tilespmem:s10], [sflag:$0x4], $0xF000, s6, s5, $0x38;
	[tilespmem:$0x1E080] =	vst v63  }
0x218: {  	_ =	swait.ge [sflag:s9], $0xF000  }
0x219: {  	s31 =	sld [smem:$0x7E8];
	_ =	sdelay $0x2  }
0x21a: {  	s26 =	sadd.s32 s31, s25  }
0x21b: {  	[sflag:s9] =	ssyncset.done $0x0;
	s26 =	sshrl.u32 s26, $0x3  }
0x21c: {  	[sflag:s9] =	ssyncadd.s32 $0xFFFF1000;
	s26 =	sadd.s32 s3, s26  }
0x21d: {  	[tilespmem:s10], [sflag:$0x2] =	stream.strided.gather [hbm4b:s26+s5], $0xF000, s6, s5, $0x38;
	[tilespmem:$0x1E080] =	vst v63  }
0x21e: {  	_ =	swait.ge [sflag:s8], $0xF000  }
0x21f: {  	s28 =	sld [smem:$0x7E9]  }
0x220: {  	[sflag:s8] =	ssyncset.done $0x0  }
0x221: {  	[sflag:s8] =	ssyncadd.s32 $0xFFFF1000  }
0x222: {  	[hbm4b:s28+s5] =	stream.strided.scatter [tilespmem:s7], [sflag:$0x3], $0xF000, s6, s5, $0x38;
	[tilespmem:$0x1E080] =	vst v63  }
0x223: {  	_ =	swait.ge [sflag:s4], $0xF000  }
0x224: {  	s29 =	sld [smem:$0x7EA];
	_ =	sdelay $0x2  }
0x225: {  	s26 =	sadd.s32 s29, s25  }
0x226: {  	[sflag:s4] =	ssyncset.done $0x0;
	s26 =	sshrl.u32 s26, $0x3  }
0x227: {  	[sflag:s4] =	ssyncadd.s32 $0xFFFF1000;
	s26 =	sadd.s32 s3, s26  }
0x228: {  	[tilespmem:s7], [sflag:$0x1] =	stream.strided.gather [hbm4b:s26+s5], $0xF000, s6, s5, $0x38;
	[tilespmem:$0x1E080] =	vst v63  }
0x229: {  	_ =	swait.ge [sflag:s11], $0xF000  }
0x22a: {  	s30 =	sld [smem:$0x7EB]  }
0x22b: {  	[sflag:s11] =	ssyncset.done $0x0  }
0x22c: {  	[sflag:s11] =	ssyncadd.s32 $0xFFFF1000  }
0x22d: {  	[hbm4b:s30+s5] =	stream.strided.scatter [tilespmem:s10], [sflag:$0x4], $0xF000, s6, s5, $0x38;
	[tilespmem:$0x1E080] =	vst v63  }
0x22e: {  	_ =	swait.ge [sflag:s9], $0xF000  }
0x22f: {  	s31 =	sld [smem:$0x7EC];
	_ =	sdelay $0x2  }
0x230: {  	s26 =	sadd.s32 s31, s25  }
0x231: {  	[sflag:s9] =	ssyncset.done $0x0;
	s26 =	sshrl.u32 s26, $0x3  }
0x232: {  	[sflag:s9] =	ssyncadd.s32 $0xFFFF1000;
	s26 =	sadd.s32 s3, s26  }
0x233: {  	[tilespmem:s10], [sflag:$0x2] =	stream.strided.gather [hbm4b:s26+s5], $0xF000, s6, s5, $0x38;
	[tilespmem:$0x1E080] =	vst v63  }
0x234: {  	_ =	swait.ge [sflag:s8], $0xF000  }
0x235: {  	s28 =	sld [smem:$0x7ED]  }
0x236: {  	[sflag:s8] =	ssyncset.done $0x0  }
0x237: {  	[sflag:s8] =	ssyncadd.s32 $0xFFFF1000  }
0x238: {  	[hbm4b:s28+s5] =	stream.strided.scatter [tilespmem:s7], [sflag:$0x3], $0xF000, s6, s5, $0x38;
	[tilespmem:$0x1E080] =	vst v63  }
0x239: {  	_ =	swait.ge [sflag:s4], $0xF000  }
0x23a: {  	s29 =	sld [smem:$0x7EE];
	_ =	sdelay $0x2  }
0x23b: {  	s26 =	sadd.s32 s29, s25  }
0x23c: {  	[sflag:s4] =	ssyncset.done $0x0;
	s26 =	sshrl.u32 s26, $0x3  }
0x23d: {  	[sflag:s4] =	ssyncadd.s32 $0xFFFF1000;
	s26 =	sadd.s32 s3, s26  }
0x23e: {  	[tilespmem:s7], [sflag:$0x1] =	stream.strided.gather [hbm4b:s26+s5], $0xF000, s6, s5, $0x38;
	[tilespmem:$0x1E080] =	vst v63  }
0x23f: {  	_ =	swait.ge [sflag:s11], $0xF000  }
0x240: {  	s30 =	sld [smem:$0x7EF]  }
0x241: {  	[sflag:s11] =	ssyncset.done $0x0  }
0x242: {  	[sflag:s11] =	ssyncadd.s32 $0xFFFF1000  }
0x243: {  	[hbm4b:s30+s5] =	stream.strided.scatter [tilespmem:s10], [sflag:$0x4], $0xF000, s6, s5, $0x38;
	[tilespmem:$0x1E080] =	vst v63  }
0x244: {  	_ =	swait.ge [sflag:s9], $0xF000  }
0x245: {  	s31 =	sld [smem:$0x7F0];
	_ =	sdelay $0x2  }
0x246: {  	s26 =	sadd.s32 s31, s25  }
0x247: {  	[sflag:s9] =	ssyncset.done $0x0;
	s26 =	sshrl.u32 s26, $0x3  }
0x248: {  	[sflag:s9] =	ssyncadd.s32 $0xFFFF1000;
	s26 =	sadd.s32 s3, s26  }
0x249: {  	[tilespmem:s10], [sflag:$0x2] =	stream.strided.gather [hbm4b:s26+s5], $0xF000, s6, s5, $0x38;
	[tilespmem:$0x1E080] =	vst v63  }
0x24a: {  	_ =	swait.ge [sflag:s8], $0xF000  }
0x24b: {  	s28 =	sld [smem:$0x7F1]  }
0x24c: {  	[sflag:s8] =	ssyncset.done $0x0  }
0x24d: {  	[sflag:s8] =	ssyncadd.s32 $0xFFFF1000  }
0x24e: {  	[hbm4b:s28+s5] =	stream.strided.scatter [tilespmem:s7], [sflag:$0x3], $0xF000, s6, s5, $0x38;
	[tilespmem:$0x1E080] =	vst v63  }
0x24f: {  	_ =	swait.ge [sflag:s4], $0xF000  }
0x250: {  	s29 =	sld [smem:$0x7F2];
	_ =	sdelay $0x2  }
0x251: {  	s26 =	sadd.s32 s29, s25  }
0x252: {  	[sflag:s4] =	ssyncset.done $0x0;
	s26 =	sshrl.u32 s26, $0x3  }
0x253: {  	[sflag:s4] =	ssyncadd.s32 $0xFFFF1000;
	s26 =	sadd.s32 s3, s26  }
0x254: {  	[tilespmem:s7], [sflag:$0x1] =	stream.strided.gather [hbm4b:s26+s5], $0xF000, s6, s5, $0x38;
	[tilespmem:$0x1E080] =	vst v63  }
0x255: {  	_ =	swait.ge [sflag:s11], $0xF000  }
0x256: {  	s30 =	sld [smem:$0x7F3]  }
0x257: {  	[sflag:s11] =	ssyncset.done $0x0  }
0x258: {  	[sflag:s11] =	ssyncadd.s32 $0xFFFF1000  }
0x259: {  	[hbm4b:s30+s5] =	stream.strided.scatter [tilespmem:s10], [sflag:$0x4], $0xF000, s6, s5, $0x38;
	[tilespmem:$0x1E080] =	vst v63  }
0x25a: {  	_ =	swait.ge [sflag:s9], $0xF000  }
0x25b: {  	s31 =	sld [smem:$0x7F4];
	_ =	sdelay $0x2  }
0x25c: {  	s26 =	sadd.s32 s31, s25  }
0x25d: {  	[sflag:s9] =	ssyncset.done $0x0;
	s26 =	sshrl.u32 s26, $0x3  }
0x25e: {  	[sflag:s9] =	ssyncadd.s32 $0xFFFF1000;
	s26 =	sadd.s32 s3, s26  }
0x25f: {  	[tilespmem:s10], [sflag:$0x2] =	stream.strided.gather [hbm4b:s26+s5], $0xF000, s6, s5, $0x38;
	[tilespmem:$0x1E080] =	vst v63  }
0x260: {  	_ =	swait.ge [sflag:s8], $0xF000  }
0x261: {  	s28 =	sld [smem:$0x7F5]  }
0x262: {  	[sflag:s8] =	ssyncset.done $0x0  }
0x263: {  	[sflag:s8] =	ssyncadd.s32 $0xFFFF1000  }
0x264: {  	[hbm4b:s28+s5] =	stream.strided.scatter [tilespmem:s7], [sflag:$0x3], $0xF000, s6, s5, $0x38;
	[tilespmem:$0x1E080] =	vst v63  }
0x265: {  	_ =	swait.ge [sflag:s4], $0xF000  }
0x266: {  	s29 =	sld [smem:$0x7F6];
	_ =	sdelay $0x2  }
0x267: {  	s25 =	sadd.s32 s29, s25  }
0x268: {  	[sflag:s4] =	ssyncset.done $0x0;
	s25 =	sshrl.u32 s25, $0x3  }
0x269: {  	[sflag:s4] =	ssyncadd.s32 $0xFFFF1000;
	s25 =	sadd.s32 s3, s25  }
0x26a: {  	[tilespmem:s7], [sflag:$0x1] =	stream.strided.gather [hbm4b:s25+s5], $0xF000, s6, s5, $0x38;
	[tilespmem:$0x1E080] =	vst v63  }
0x26b: {  	_ =	swait.ge [sflag:s11], $0xF000  }
0x26c: {  	s30 =	sld [smem:$0x7F7]  }
0x26d: {  	[sflag:s11] =	ssyncset.done $0x0  }
0x26e: {  	[sflag:s11] =	ssyncadd.s32 $0xFFFF1000  }
0x26f: {  	[hbm4b:s30+s5] =	stream.strided.scatter [tilespmem:s10], [sflag:$0x4], $0xF000, s6, s5, $0x38;
	[tilespmem:$0x1E080] =	vst v63  }
0x270: {  	_ =	swait.ge [sflag:s8], $0xF000  }
0x271: {  	s31 =	sld [smem:$0x7F8]  }
0x272: {  	[sflag:s8] =	ssyncset.done $0x0  }
0x273: {  	[sflag:s8] =	ssyncadd.s32 $0xFFFF1000  }
0x274: {  	[hbm4b:s31+s5] =	stream.strided.scatter [tilespmem:s7], [sflag:$0x3], $0xF000, s6, s5, $0x38;
	[tilespmem:$0x1E080] =	vst v63  }
0x275: {  	_ =	swait.ge [sflag:s9], $0xF000  }
0x276: {  	[sflag:s9] =	ssyncset.done $0x0  }
0x277: {  	[sflag:s9] =	ssyncadd.s32 $0xFFFF1000  }
0x278: {  	_ =	swait.ge [sflag:s4], $0xF000  }
0x279: {  	s25 =	sld [smem:$0x7F9]  }
0x27a: {  	[sflag:s4] =	ssyncset.done $0x0  }
0x27b: {  	[sflag:s4] =	ssyncadd.s32 $0xFFFF1000  }
0x27c: {  	[tilespmem:s15], [sflag:$0x6] =	stream.strided.gather @p1 [hbm4b:s25+s17], $0xC000, s18, s17, $0x38;
	[tilespmem:$0x1E080] =	vst v63  }
0x27d: {  	_ =	swait.ge @p1 [sflag:s16], $0xC000  }
0x27e: {  	s25 =	sld [smem:$0x7FA]  }
0x27f: {  	[sflag:s16] =	ssyncset.done @p1 $0x0  }
0x280: {  	[sflag:s16] =	ssyncadd.s32 @p1 $0xFFFF4000  }
0x281: {  	[hbm4b:s25+s17] =	stream.strided.scatter @p1 [tilespmem:s15], [sflag:$0x5], $0xC000, s18, s17, $0x38;
	[tilespmem:$0x1E080] =	vst v63  }
0x282: {  	_ =	swait.ge @p1 [sflag:s20], $0xC000  }
0x283: {  	s25 =	sld [smem:$0x7FB]  }
0x284: {  	[sflag:s20] =	ssyncset.done @p1 $0x0  }
0x285: {  	[sflag:s20] =	ssyncadd.s32 @p1 $0xFFFF4000  }
0x286: {  	[tilespmem:s21], [sflag:$0x6] =	stream.strided.gather @!p0 [hbm4b:s25+s22], $0xF000, s23, s22, $0x38;
	[tilespmem:$0x1E080] =	vst v63  }
0x287: {  	_ =	swait.ge @!p0 [sflag:s19], $0xF000  }
0x288: {  	[sflag:s19] =	ssyncset.done @!p0 $0x0  }
0x289: {  	[sflag:s19] =	ssyncadd.s32 @!p0 $0xFFFF1000  }
0x28a: {  	[hbm4b:s2+s22] =	stream.strided.scatter @!p0 [tilespmem:s21], [sflag:$0x6], $0xF000, s23, s22, $0x38;
	[tilespmem:$0x1E080] =	vst v63  }
0x28b: {  	_ =	swait.ge @!p0 [sflag:s19], $0xF000  }
0x28c: {  	s25 =	sld [smem:$0x7FC]  }
0x28d: {  	[sflag:s19] =	ssyncset.done @!p0 $0x0  }
0x28e: {  	[sflag:s19] =	ssyncadd.s32 @!p0 $0xFFFF1000  }
0x28f: {  	[tilespmem:s21], [sflag:$0x6] =	stream.strided.gather @!p0 [hbm4b:s25+s22], $0x9000, s23, s22, $0x38;
	[tilespmem:$0x1E080] =	vst v63  }
0x290: {  	s24 =	sadd.s32 $0xFFFFFFFF, s24;
	_ =	swait.ge @!p0 [sflag:s19], $0x9000  }
0x291: {  	p3 =	sne.s32 s24, $0x0;
	s25 =	sld [smem:$0x7FD]  }
.Ltmp2:
0x292: {  	[sflag:s19] =	ssyncset.done @!p0 $0x0;
	(pc) =	sbr.rel @p3 .LBB2_3-.Ltmp2, $4  }
0x293: {  	[sflag:s19] =	ssyncadd.s32 @!p0 $0xFFFF7000  }
0x294: {  	[hbm4b:s25+s22] =	stream.strided.scatter @!p0 [tilespmem:s21], [sflag:$0x6], $0x9000, s23, s22, $0x38;
	[tilespmem:$0x1E080] =	vst v63  }
0x295: {  	_ =	swait.ge @!p0 [sflag:s19], $0x9000  }
0x296: {  	s25 =	rddreg [dreg:$0x3];
	[sflag:s19] =	ssyncset.done @!p0 $0x0  }
.LBB2_4:
0x297: {  	p2 =	por p0, !p2  }
0x298: {  	[sflag:s19] =	ssyncadd.s32 @!p2 $0xFFFF7000  }
0x299: {  	[tilespmem:s13], [sflag:$0x5] =	stream.linear.gather [hbm4b:s25+s13], $0x80, $0x38;
	[tilespmem:$0x1E080] =	vst v63  }
0x29a: {  	_ =	swait.ge [sflag:s14], $0x80  }
0x29b: {  	[sflag:s14] =	ssyncset.done $0x0  }
0x29c: {  	[sflag:s14] =	ssyncadd.s32 $0xFFFFFF80  }
0x29d: {  	v0 =	vld [tilespmem:$0x0];
	_ =	sdelay $0x4  }
0x29e: {  	(v2sf) =	vpush v0, $0x0;
	_ =	sdelay $0xe  }
0x29f: {  	s29 =	rddreg [dreg:$0x4];
	s30 =	spop (v2sf)  }
0x2a0: {  	s13 =	sadd.s32 s29, s30  }
0x2a1: {  	s13 =	sshll.u32 s13, $0xB  }
0x2a2: {  	s15 =	rddreg [dreg:$0x5];
	s12 =	sadd.s32 s12, s13  }
0x2a3: {  	s31 =	sadd.s32 s15, s13;
	s12 =	sshrl.u32 s12, $0x3  }
0x2a4: {  	s14 =	sshrl.u32 s31, $0x3;
	s12 =	sadd.s32 s3, s12  }
0x2a5: {  	[tilespmem:s7], [sflag:$0x1] =	stream.strided.gather [hbm4b:s12+s5], $0xF000, s6, s5, $0x38;
	[tilespmem:$0x1E080] =	vst v63  }
0x2a6: {  	s15 =	sadd.s32 s3, s14  }
0x2a7: {  	[tilespmem:s10], [sflag:$0x2] =	stream.strided.gather [hbm4b:s15+s5], $0xF000, s6, s5, $0x38;
	[tilespmem:$0x1E080] =	vst v63  }
0x2a8: {  	_ =	swait.ge [sflag:s8], $0xF000  }
0x2a9: {  	[sflag:s8] =	ssyncset.done $0x0  }
0x2aa: {  	s16 =	rddreg [dreg:$0x6];
	[sflag:s8] =	ssyncadd.s32 $0xFFFF1000  }
0x2ab: {  	[hbm4b:s16+s5] =	stream.strided.scatter [tilespmem:s7], [sflag:$0x3], $0xF000, s6, s5, $0x38;
	[tilespmem:$0x1E080] =	vst v63  }
0x2ac: {  	_ =	swait.ge [sflag:s4], $0xF000  }
0x2ad: {  	s17 =	rddreg [dreg:$0x7]  }
0x2ae: {  	s12 =	sadd.s32 s17, s13  }
0x2af: {  	[sflag:s4] =	ssyncset.done $0x0;
	s12 =	sshrl.u32 s12, $0x3  }
0x2b0: {  	[sflag:s4] =	ssyncadd.s32 $0xFFFF1000;
	s12 =	sadd.s32 s3, s12  }
0x2b1: {  	[tilespmem:s7], [sflag:$0x1] =	stream.strided.gather [hbm4b:s12+s5], $0xF000, s6, s5, $0x38;
	[tilespmem:$0x1E080] =	vst v63  }
0x2b2: {  	_ =	swait.ge [sflag:s11], $0xF000  }
0x2b3: {  	[sflag:s11] =	ssyncset.done $0x0  }
0x2b4: {  	s18 =	rddreg [dreg:$0x8];
	[sflag:s11] =	ssyncadd.s32 $0xFFFF1000  }
0x2b5: {  	[hbm4b:s18+s5] =	stream.strided.scatter [tilespmem:s10], [sflag:$0x4], $0xF000, s6, s5, $0x38;
	[tilespmem:$0x1E080] =	vst v63  }
0x2b6: {  	_ =	swait.ge [sflag:s9], $0xF000  }
0x2b7: {  	s19 =	rddreg [dreg:$0x9]  }
0x2b8: {  	s12 =	sadd.s32 s19, s13  }
0x2b9: {  	[sflag:s9] =	ssyncset.done $0x0;
	s12 =	sshrl.u32 s12, $0x3  }
0x2ba: {  	[sflag:s9] =	ssyncadd.s32 $0xFFFF1000;
	s12 =	sadd.s32 s3, s12  }
0x2bb: {  	[tilespmem:s10], [sflag:$0x2] =	stream.strided.gather [hbm4b:s12+s5], $0xF000, s6, s5, $0x38;
	[tilespmem:$0x1E080] =	vst v63  }
0x2bc: {  	_ =	swait.ge [sflag:s8], $0xF000  }
0x2bd: {  	[sflag:s8] =	ssyncset.done $0x0  }
0x2be: {  	s20 =	rddreg [dreg:$0xa];
	[sflag:s8] =	ssyncadd.s32 $0xFFFF1000  }
0x2bf: {  	[hbm4b:s20+s5] =	stream.strided.scatter [tilespmem:s7], [sflag:$0x3], $0xF000, s6, s5, $0x38;
	[tilespmem:$0x1E080] =	vst v63  }
0x2c0: {  	_ =	swait.ge [sflag:s4], $0xF000  }
0x2c1: {  	s21 =	rddreg [dreg:$0xb]  }
0x2c2: {  	s12 =	sadd.s32 s21, s13  }
0x2c3: {  	[sflag:s4] =	ssyncset.done $0x0;
	s12 =	sshrl.u32 s12, $0x3  }
0x2c4: {  	[sflag:s4] =	ssyncadd.s32 $0xFFFF1000;
	s12 =	sadd.s32 s3, s12  }
0x2c5: {  	[tilespmem:s7], [sflag:$0x1] =	stream.strided.gather [hbm4b:s12+s5], $0xF000, s6, s5, $0x38;
	[tilespmem:$0x1E080] =	vst v63  }
0x2c6: {  	_ =	swait.ge [sflag:s11], $0xF000  }
0x2c7: {  	[sflag:s11] =	ssyncset.done $0x0  }
0x2c8: {  	s22 =	rddreg [dreg:$0xc];
	[sflag:s11] =	ssyncadd.s32 $0xFFFF1000  }
0x2c9: {  	[hbm4b:s22+s5] =	stream.strided.scatter [tilespmem:s10], [sflag:$0x4], $0xF000, s6, s5, $0x38;
	[tilespmem:$0x1E080] =	vst v63  }
0x2ca: {  	_ =	swait.ge [sflag:s9], $0xF000  }
0x2cb: {  	s23 =	rddreg [dreg:$0xd]  }
0x2cc: {  	s12 =	sadd.s32 s23, s13  }
0x2cd: {  	[sflag:s9] =	ssyncset.done $0x0;
	s12 =	sshrl.u32 s12, $0x3  }
0x2ce: {  	[sflag:s9] =	ssyncadd.s32 $0xFFFF1000;
	s12 =	sadd.s32 s3, s12  }
0x2cf: {  	[tilespmem:s10], [sflag:$0x2] =	stream.strided.gather [hbm4b:s12+s5], $0xF000, s6, s5, $0x38;
	[tilespmem:$0x1E080] =	vst v63  }
0x2d0: {  	_ =	swait.ge [sflag:s8], $0xF000  }
0x2d1: {  	[sflag:s8] =	ssyncset.done $0x0  }
0x2d2: {  	s24 =	rddreg [dreg:$0xe];
	[sflag:s8] =	ssyncadd.s32 $0xFFFF1000  }
0x2d3: {  	[hbm4b:s24+s5] =	stream.strided.scatter [tilespmem:s7], [sflag:$0x3], $0xF000, s6, s5, $0x38;
	[tilespmem:$0x1E080] =	vst v63  }
0x2d4: {  	_ =	swait.ge [sflag:s4], $0xF000  }
0x2d5: {  	s25 =	rddreg [dreg:$0xf]  }
0x2d6: {  	s12 =	sadd.s32 s25, s13  }
0x2d7: {  	[sflag:s4] =	ssyncset.done $0x0;
	s12 =	sshrl.u32 s12, $0x3  }
0x2d8: {  	[sflag:s4] =	ssyncadd.s32 $0xFFFF1000;
	s12 =	sadd.s32 s3, s12  }
0x2d9: {  	[tilespmem:s7], [sflag:$0x1] =	stream.strided.gather [hbm4b:s12+s5], $0xF000, s6, s5, $0x38;
	[tilespmem:$0x1E080] =	vst v63  }
0x2da: {  	_ =	swait.ge [sflag:s11], $0xF000  }
0x2db: {  	[sflag:s11] =	ssyncset.done $0x0  }
0x2dc: {  	s26 =	rddreg [dreg:$0x10];
	[sflag:s11] =	ssyncadd.s32 $0xFFFF1000  }
0x2dd: {  	[hbm4b:s26+s5] =	stream.strided.scatter [tilespmem:s10], [sflag:$0x4], $0xF000, s6, s5, $0x38;
	[tilespmem:$0x1E080] =	vst v63  }
0x2de: {  	_ =	swait.ge [sflag:s9], $0xF000  }
0x2df: {  	s28 =	rddreg [dreg:$0x11]  }
0x2e0: {  	s12 =	sadd.s32 s28, s13  }
0x2e1: {  	[sflag:s9] =	ssyncset.done $0x0;
	s12 =	sshrl.u32 s12, $0x3  }
0x2e2: {  	[sflag:s9] =	ssyncadd.s32 $0xFFFF1000;
	s12 =	sadd.s32 s3, s12  }
0x2e3: {  	[tilespmem:s10], [sflag:$0x2] =	stream.strided.gather [hbm4b:s12+s5], $0xF000, s6, s5, $0x38;
	[tilespmem:$0x1E080] =	vst v63  }
0x2e4: {  	_ =	swait.ge [sflag:s8], $0xF000  }
0x2e5: {  	[sflag:s8] =	ssyncset.done $0x0  }
0x2e6: {  	s29 =	rddreg [dreg:$0x12];
	[sflag:s8] =	ssyncadd.s32 $0xFFFF1000  }
0x2e7: {  	[hbm4b:s29+s5] =	stream.strided.scatter [tilespmem:s7], [sflag:$0x3], $0xF000, s6, s5, $0x38;
	[tilespmem:$0x1E080] =	vst v63  }
0x2e8: {  	_ =	swait.ge [sflag:s4], $0xF000  }
0x2e9: {  	s30 =	rddreg [dreg:$0x13]  }
0x2ea: {  	s12 =	sadd.s32 s30, s13  }
0x2eb: {  	[sflag:s4] =	ssyncset.done $0x0;
	s12 =	sshrl.u32 s12, $0x3  }
0x2ec: {  	[sflag:s4] =	ssyncadd.s32 $0xFFFF1000;
	s12 =	sadd.s32 s3, s12  }
0x2ed: {  	[tilespmem:s7], [sflag:$0x1] =	stream.strided.gather [hbm4b:s12+s5], $0xF000, s6, s5, $0x38;
	[tilespmem:$0x1E080] =	vst v63  }
0x2ee: {  	_ =	swait.ge [sflag:s11], $0xF000  }
0x2ef: {  	[sflag:s11] =	ssyncset.done $0x0  }
0x2f0: {  	s31 =	rddreg [dreg:$0x14];
	[sflag:s11] =	ssyncadd.s32 $0xFFFF1000  }
0x2f1: {  	[hbm4b:s31+s5] =	stream.strided.scatter [tilespmem:s10], [sflag:$0x4], $0xF000, s6, s5, $0x38;
	[tilespmem:$0x1E080] =	vst v63  }
0x2f2: {  	_ =	swait.ge [sflag:s9], $0xF000  }
0x2f3: {  	s14 =	rddreg [dreg:$0x15]  }
0x2f4: {  	s12 =	sadd.s32 s14, s13  }
0x2f5: {  	[sflag:s9] =	ssyncset.done $0x0;
	s12 =	sshrl.u32 s12, $0x3  }
0x2f6: {  	[sflag:s9] =	ssyncadd.s32 $0xFFFF1000;
	s12 =	sadd.s32 s3, s12  }
0x2f7: {  	[tilespmem:s10], [sflag:$0x2] =	stream.strided.gather [hbm4b:s12+s5], $0xF000, s6, s5, $0x38;
	[tilespmem:$0x1E080] =	vst v63  }
0x2f8: {  	_ =	swait.ge [sflag:s8], $0xF000  }
0x2f9: {  	[sflag:s8] =	ssyncset.done $0x0  }
0x2fa: {  	s15 =	rddreg [dreg:$0x16];
	[sflag:s8] =	ssyncadd.s32 $0xFFFF1000  }
0x2fb: {  	[hbm4b:s15+s5] =	stream.strided.scatter [tilespmem:s7], [sflag:$0x3], $0xF000, s6, s5, $0x38;
	[tilespmem:$0x1E080] =	vst v63  }
0x2fc: {  	_ =	swait.ge [sflag:s4], $0xF000  }
0x2fd: {  	s16 =	rddreg [dreg:$0x17]  }
0x2fe: {  	s12 =	sadd.s32 s16, s13  }
0x2ff: {  	[sflag:s4] =	ssyncset.done $0x0;
	s12 =	sshrl.u32 s12, $0x3  }
0x300: {  	[sflag:s4] =	ssyncadd.s32 $0xFFFF1000;
	s12 =	sadd.s32 s3, s12  }
0x301: {  	[tilespmem:s7], [sflag:$0x1] =	stream.strided.gather [hbm4b:s12+s5], $0xF000, s6, s5, $0x38;
	[tilespmem:$0x1E080] =	vst v63  }
0x302: {  	_ =	swait.ge [sflag:s11], $0xF000  }
0x303: {  	[sflag:s11] =	ssyncset.done $0x0  }
0x304: {  	s17 =	rddreg [dreg:$0x18];
	[sflag:s11] =	ssyncadd.s32 $0xFFFF1000  }
0x305: {  	[hbm4b:s17+s5] =	stream.strided.scatter [tilespmem:s10], [sflag:$0x4], $0xF000, s6, s5, $0x38;
	[tilespmem:$0x1E080] =	vst v63  }
0x306: {  	_ =	swait.ge [sflag:s9], $0xF000  }
0x307: {  	s18 =	rddreg [dreg:$0x19]  }
0x308: {  	s12 =	sadd.s32 s18, s13  }
0x309: {  	[sflag:s9] =	ssyncset.done $0x0;
	s12 =	sshrl.u32 s12, $0x3  }
0x30a: {  	[sflag:s9] =	ssyncadd.s32 $0xFFFF1000;
	s12 =	sadd.s32 s3, s12  }
0x30b: {  	[tilespmem:s10], [sflag:$0x2] =	stream.strided.gather [hbm4b:s12+s5], $0xF000, s6, s5, $0x38;
	[tilespmem:$0x1E080] =	vst v63  }
0x30c: {  	_ =	swait.ge [sflag:s8], $0xF000  }
0x30d: {  	[sflag:s8] =	ssyncset.done $0x0  }
0x30e: {  	s19 =	rddreg [dreg:$0x1a];
	[sflag:s8] =	ssyncadd.s32 $0xFFFF1000  }
0x30f: {  	[hbm4b:s19+s5] =	stream.strided.scatter [tilespmem:s7], [sflag:$0x3], $0xF000, s6, s5, $0x38;
	[tilespmem:$0x1E080] =	vst v63  }
0x310: {  	_ =	swait.ge [sflag:s4], $0xF000  }
0x311: {  	s20 =	rddreg [dreg:$0x1b]  }
0x312: {  	s12 =	sadd.s32 s20, s13  }
0x313: {  	[sflag:s4] =	ssyncset.done $0x0;
	s12 =	sshrl.u32 s12, $0x3  }
0x314: {  	[sflag:s4] =	ssyncadd.s32 $0xFFFF1000;
	s12 =	sadd.s32 s3, s12  }
0x315: {  	[tilespmem:s7], [sflag:$0x1] =	stream.strided.gather [hbm4b:s12+s5], $0xF000, s6, s5, $0x38;
	[tilespmem:$0x1E080] =	vst v63  }
0x316: {  	_ =	swait.ge [sflag:s11], $0xF000  }
0x317: {  	[sflag:s11] =	ssyncset.done $0x0  }
0x318: {  	s21 =	rddreg [dreg:$0x1c];
	[sflag:s11] =	ssyncadd.s32 $0xFFFF1000  }
0x319: {  	[hbm4b:s21+s5] =	stream.strided.scatter [tilespmem:s10], [sflag:$0x4], $0xF000, s6, s5, $0x38;
	[tilespmem:$0x1E080] =	vst v63  }
0x31a: {  	_ =	swait.ge [sflag:s9], $0xF000  }
0x31b: {  	s22 =	rddreg [dreg:$0x1d]  }
0x31c: {  	s12 =	sadd.s32 s22, s13  }
0x31d: {  	[sflag:s9] =	ssyncset.done $0x0;
	s12 =	sshrl.u32 s12, $0x3  }
0x31e: {  	[sflag:s9] =	ssyncadd.s32 $0xFFFF1000;
	s12 =	sadd.s32 s3, s12  }
0x31f: {  	[tilespmem:s10], [sflag:$0x2] =	stream.strided.gather [hbm4b:s12+s5], $0xF000, s6, s5, $0x38;
	[tilespmem:$0x1E080] =	vst v63  }
0x320: {  	_ =	swait.ge [sflag:s8], $0xF000  }
0x321: {  	[sflag:s8] =	ssyncset.done $0x0  }
0x322: {  	s23 =	rddreg [dreg:$0x1e];
	[sflag:s8] =	ssyncadd.s32 $0xFFFF1000  }
0x323: {  	[hbm4b:s23+s5] =	stream.strided.scatter [tilespmem:s7], [sflag:$0x3], $0xF000, s6, s5, $0x38;
	[tilespmem:$0x1E080] =	vst v63  }
0x324: {  	_ =	swait.ge [sflag:s4], $0xF000  }
0x325: {  	s24 =	rddreg [dreg:$0x1f]  }
0x326: {  	s12 =	sadd.s32 s24, s13  }
0x327: {  	[sflag:s4] =	ssyncset.done $0x0;
	s12 =	sshrl.u32 s12, $0x3  }
0x328: {  	[sflag:s4] =	ssyncadd.s32 $0xFFFF1000;
	s12 =	sadd.s32 s3, s12  }
0x329: {  	[tilespmem:s7], [sflag:$0x1] =	stream.strided.gather [hbm4b:s12+s5], $0xF000, s6, s5, $0x38;
	[tilespmem:$0x1E080] =	vst v63  }
0x32a: {  	_ =	swait.ge [sflag:s11], $0xF000  }
0x32b: {  	s25 =	sld [smem:$0x7E3]  }
0x32c: {  	[sflag:s11] =	ssyncset.done $0x0  }
0x32d: {  	[sflag:s11] =	ssyncadd.s32 $0xFFFF1000  }
0x32e: {  	[hbm4b:s25+s5] =	stream.strided.scatter [tilespmem:s10], [sflag:$0x4], $0xF000, s6, s5, $0x38;
	[tilespmem:$0x1E080] =	vst v63  }
0x32f: {  	_ =	swait.ge [sflag:s9], $0xF000  }
0x330: {  	s26 =	sld [smem:$0x7E4];
	_ =	sdelay $0x2  }
0x331: {  	s12 =	sadd.s32 s26, s13  }
0x332: {  	[sflag:s9] =	ssyncset.done $0x0;
	s12 =	sshrl.u32 s12, $0x3  }
0x333: {  	[sflag:s9] =	ssyncadd.s32 $0xFFFF1000;
	s12 =	sadd.s32 s3, s12  }
0x334: {  	[tilespmem:s10], [sflag:$0x2] =	stream.strided.gather [hbm4b:s12+s5], $0xF000, s6, s5, $0x38;
	[tilespmem:$0x1E080] =	vst v63  }
0x335: {  	_ =	swait.ge [sflag:s8], $0xF000  }
0x336: {  	s28 =	sld [smem:$0x7E5]  }
0x337: {  	[sflag:s8] =	ssyncset.done $0x0  }
0x338: {  	[sflag:s8] =	ssyncadd.s32 $0xFFFF1000  }
0x339: {  	[hbm4b:s28+s5] =	stream.strided.scatter [tilespmem:s7], [sflag:$0x3], $0xF000, s6, s5, $0x38;
	[tilespmem:$0x1E080] =	vst v63  }
0x33a: {  	_ =	swait.ge [sflag:s4], $0xF000  }
0x33b: {  	s29 =	sld [smem:$0x7E6];
	_ =	sdelay $0x2  }
0x33c: {  	s12 =	sadd.s32 s29, s13  }
0x33d: {  	[sflag:s4] =	ssyncset.done $0x0;
	s12 =	sshrl.u32 s12, $0x3  }
0x33e: {  	[sflag:s4] =	ssyncadd.s32 $0xFFFF1000;
	s12 =	sadd.s32 s3, s12  }
0x33f: {  	[tilespmem:s7], [sflag:$0x1] =	stream.strided.gather [hbm4b:s12+s5], $0xF000, s6, s5, $0x38;
	[tilespmem:$0x1E080] =	vst v63  }
0x340: {  	_ =	swait.ge [sflag:s11], $0xF000  }
0x341: {  	s30 =	sld [smem:$0x7E7]  }
0x342: {  	[sflag:s11] =	ssyncset.done $0x0  }
0x343: {  	[sflag:s11] =	ssyncadd.s32 $0xFFFF1000  }
0x344: {  	[hbm4b:s30+s5] =	stream.strided.scatter [tilespmem:s10], [sflag:$0x4], $0xF000, s6, s5, $0x38;
	[tilespmem:$0x1E080] =	vst v63  }
0x345: {  	_ =	swait.ge [sflag:s9], $0xF000  }
0x346: {  	s31 =	sld [smem:$0x7E8];
	_ =	sdelay $0x2  }
0x347: {  	s12 =	sadd.s32 s31, s13  }
0x348: {  	[sflag:s9] =	ssyncset.done $0x0;
	s12 =	sshrl.u32 s12, $0x3  }
0x349: {  	[sflag:s9] =	ssyncadd.s32 $0xFFFF1000;
	s12 =	sadd.s32 s3, s12  }
0x34a: {  	[tilespmem:s10], [sflag:$0x2] =	stream.strided.gather [hbm4b:s12+s5], $0xF000, s6, s5, $0x38;
	[tilespmem:$0x1E080] =	vst v63  }
0x34b: {  	_ =	swait.ge [sflag:s8], $0xF000  }
0x34c: {  	s14 =	sld [smem:$0x7E9]  }
0x34d: {  	[sflag:s8] =	ssyncset.done $0x0  }
0x34e: {  	[sflag:s8] =	ssyncadd.s32 $0xFFFF1000  }
0x34f: {  	[hbm4b:s14+s5] =	stream.strided.scatter [tilespmem:s7], [sflag:$0x3], $0xF000, s6, s5, $0x38;
	[tilespmem:$0x1E080] =	vst v63  }
0x350: {  	_ =	swait.ge [sflag:s4], $0xF000  }
0x351: {  	s15 =	sld [smem:$0x7EA];
	_ =	sdelay $0x2  }
0x352: {  	s12 =	sadd.s32 s15, s13  }
0x353: {  	[sflag:s4] =	ssyncset.done $0x0;
	s12 =	sshrl.u32 s12, $0x3  }
0x354: {  	[sflag:s4] =	ssyncadd.s32 $0xFFFF1000;
	s12 =	sadd.s32 s3, s12  }
0x355: {  	[tilespmem:s7], [sflag:$0x1] =	stream.strided.gather [hbm4b:s12+s5], $0xF000, s6, s5, $0x38;
	[tilespmem:$0x1E080] =	vst v63  }
0x356: {  	_ =	swait.ge [sflag:s11], $0xF000  }
0x357: {  	s16 =	sld [smem:$0x7EB]  }
0x358: {  	[sflag:s11] =	ssyncset.done $0x0  }
0x359: {  	[sflag:s11] =	ssyncadd.s32 $0xFFFF1000  }
0x35a: {  	[hbm4b:s16+s5] =	stream.strided.scatter [tilespmem:s10], [sflag:$0x4], $0xF000, s6, s5, $0x38;
	[tilespmem:$0x1E080] =	vst v63  }
0x35b: {  	_ =	swait.ge [sflag:s9], $0xF000  }
0x35c: {  	s17 =	sld [smem:$0x7EC];
	_ =	sdelay $0x2  }
0x35d: {  	s12 =	sadd.s32 s17, s13  }
0x35e: {  	[sflag:s9] =	ssyncset.done $0x0;
	s12 =	sshrl.u32 s12, $0x3  }
0x35f: {  	[sflag:s9] =	ssyncadd.s32 $0xFFFF1000;
	s12 =	sadd.s32 s3, s12  }
0x360: {  	[tilespmem:s10], [sflag:$0x2] =	stream.strided.gather [hbm4b:s12+s5], $0xF000, s6, s5, $0x38;
	[tilespmem:$0x1E080] =	vst v63  }
0x361: {  	_ =	swait.ge [sflag:s8], $0xF000  }
0x362: {  	s18 =	sld [smem:$0x7ED]  }
0x363: {  	[sflag:s8] =	ssyncset.done $0x0  }
0x364: {  	[sflag:s8] =	ssyncadd.s32 $0xFFFF1000  }
0x365: {  	[hbm4b:s18+s5] =	stream.strided.scatter [tilespmem:s7], [sflag:$0x3], $0xF000, s6, s5, $0x38;
	[tilespmem:$0x1E080] =	vst v63  }
0x366: {  	_ =	swait.ge [sflag:s4], $0xF000  }
0x367: {  	s19 =	sld [smem:$0x7EE];
	_ =	sdelay $0x2  }
0x368: {  	s12 =	sadd.s32 s19, s13  }
0x369: {  	[sflag:s4] =	ssyncset.done $0x0;
	s12 =	sshrl.u32 s12, $0x3  }
0x36a: {  	[sflag:s4] =	ssyncadd.s32 $0xFFFF1000;
	s12 =	sadd.s32 s3, s12  }
0x36b: {  	[tilespmem:s7], [sflag:$0x1] =	stream.strided.gather [hbm4b:s12+s5], $0xF000, s6, s5, $0x38;
	[tilespmem:$0x1E080] =	vst v63  }
0x36c: {  	_ =	swait.ge [sflag:s11], $0xF000  }
0x36d: {  	s20 =	sld [smem:$0x7EF]  }
0x36e: {  	[sflag:s11] =	ssyncset.done $0x0  }
0x36f: {  	[sflag:s11] =	ssyncadd.s32 $0xFFFF1000  }
0x370: {  	[hbm4b:s20+s5] =	stream.strided.scatter [tilespmem:s10], [sflag:$0x4], $0xF000, s6, s5, $0x38;
	[tilespmem:$0x1E080] =	vst v63  }
0x371: {  	_ =	swait.ge [sflag:s9], $0xF000  }
0x372: {  	s21 =	sld [smem:$0x7F0];
	_ =	sdelay $0x2  }
0x373: {  	s12 =	sadd.s32 s21, s13  }
0x374: {  	[sflag:s9] =	ssyncset.done $0x0;
	s12 =	sshrl.u32 s12, $0x3  }
0x375: {  	[sflag:s9] =	ssyncadd.s32 $0xFFFF1000;
	s12 =	sadd.s32 s3, s12  }
0x376: {  	[tilespmem:s10], [sflag:$0x2] =	stream.strided.gather [hbm4b:s12+s5], $0xF000, s6, s5, $0x38;
	[tilespmem:$0x1E080] =	vst v63  }
0x377: {  	_ =	swait.ge [sflag:s8], $0xF000  }
0x378: {  	s22 =	sld [smem:$0x7F1]  }
0x379: {  	[sflag:s8] =	ssyncset.done $0x0  }
0x37a: {  	[sflag:s8] =	ssyncadd.s32 $0xFFFF1000  }
0x37b: {  	[hbm4b:s22+s5] =	stream.strided.scatter [tilespmem:s7], [sflag:$0x3], $0xF000, s6, s5, $0x38;
	[tilespmem:$0x1E080] =	vst v63  }
0x37c: {  	_ =	swait.ge [sflag:s4], $0xF000  }
0x37d: {  	s23 =	sld [smem:$0x7F2];
	_ =	sdelay $0x2  }
0x37e: {  	s12 =	sadd.s32 s23, s13  }
0x37f: {  	[sflag:s4] =	ssyncset.done $0x0;
	s12 =	sshrl.u32 s12, $0x3  }
0x380: {  	[sflag:s4] =	ssyncadd.s32 $0xFFFF1000;
	s12 =	sadd.s32 s3, s12  }
0x381: {  	[tilespmem:s7], [sflag:$0x1] =	stream.strided.gather [hbm4b:s12+s5], $0xF000, s6, s5, $0x38;
	[tilespmem:$0x1E080] =	vst v63  }
0x382: {  	_ =	swait.ge [sflag:s11], $0xF000  }
0x383: {  	s24 =	sld [smem:$0x7F3]  }
0x384: {  	[sflag:s11] =	ssyncset.done $0x0  }
0x385: {  	[sflag:s11] =	ssyncadd.s32 $0xFFFF1000  }
0x386: {  	[hbm4b:s24+s5] =	stream.strided.scatter [tilespmem:s10], [sflag:$0x4], $0xF000, s6, s5, $0x38;
	[tilespmem:$0x1E080] =	vst v63  }
0x387: {  	_ =	swait.ge [sflag:s9], $0xF000  }
0x388: {  	s25 =	sld [smem:$0x7F4];
	_ =	sdelay $0x2  }
0x389: {  	s12 =	sadd.s32 s25, s13  }
0x38a: {  	[sflag:s9] =	ssyncset.done $0x0;
	s12 =	sshrl.u32 s12, $0x3  }
0x38b: {  	[sflag:s9] =	ssyncadd.s32 $0xFFFF1000;
	s12 =	sadd.s32 s3, s12  }
0x38c: {  	[tilespmem:s10], [sflag:$0x2] =	stream.strided.gather [hbm4b:s12+s5], $0xF000, s6, s5, $0x38;
	[tilespmem:$0x1E080] =	vst v63  }
0x38d: {  	_ =	swait.ge [sflag:s8], $0xF000  }
0x38e: {  	s26 =	sld [smem:$0x7F5]  }
0x38f: {  	[sflag:s8] =	ssyncset.done $0x0  }
0x390: {  	[sflag:s8] =	ssyncadd.s32 $0xFFFF1000  }
0x391: {  	[hbm4b:s26+s5] =	stream.strided.scatter [tilespmem:s7], [sflag:$0x3], $0xF000, s6, s5, $0x38;
	[tilespmem:$0x1E080] =	vst v63  }
0x392: {  	_ =	swait.ge [sflag:s4], $0xF000  }
0x393: {  	s28 =	sld [smem:$0x7F6];
	_ =	sdelay $0x2  }
0x394: {  	s12 =	sadd.s32 s28, s13  }
0x395: {  	[sflag:s4] =	ssyncset.done $0x0;
	s12 =	sshrl.u32 s12, $0x3  }
0x396: {  	[sflag:s4] =	ssyncadd.s32 $0xFFFF1000;
	s29 =	sadd.s32 s3, s12  }
0x397: {  	[tilespmem:s7], [sflag:$0x1] =	stream.strided.gather [hbm4b:s29+s5], $0xF000, s6, s5, $0x38;
	[tilespmem:$0x1E080] =	vst v63  }
0x398: {  	_ =	swait.ge [sflag:s11], $0xF000  }
0x399: {  	s30 =	sld [smem:$0x7F7]  }
0x39a: {  	[sflag:s11] =	ssyncset.done $0x0  }
0x39b: {  	[sflag:s11] =	ssyncadd.s32 $0xFFFF1000  }
0x39c: {  	[hbm4b:s30+s5] =	stream.strided.scatter [tilespmem:s10], [sflag:$0x4], $0xF000, s6, s5, $0x38;
	[tilespmem:$0x1E080] =	vst v63  }
0x39d: {  	_ =	swait.ge [sflag:s8], $0xF000  }
0x39e: {  	s31 =	sld [smem:$0x7F8]  }
0x39f: {  	[sflag:s8] =	ssyncset.done $0x0  }
0x3a0: {  	[sflag:s8] =	ssyncadd.s32 $0xFFFF1000  }
0x3a1: {  	[hbm4b:s31+s5] =	stream.strided.scatter [tilespmem:s7], [sflag:$0x3], $0xF000, s6, s5, $0x38;
	[tilespmem:$0x1E080] =	vst v63  }
0x3a2: {  	_ =	swait.ge [sflag:s9], $0xF000  }
0x3a3: {  	[sflag:s9] =	ssyncset.done $0x0  }
0x3a4: {  	[sflag:s9] =	ssyncadd.s32 $0xFFFF1000  }
0x3a5: {  	_ =	swait.ge [sflag:s4], $0xF000  }
0x3a6: {  	s3 =	sld [smem:$0x7F9]  }
0x3a7: {  	s5 =	simm.s32 @p1 $0x80;
	s6 =	simm.s32 @p1 $0x6;
	[sflag:s4] =	ssyncset.done $0x0  }
0x3a8: {  	s7 =	simm.s32 @p1 $0x800;
	[sflag:s4] =	ssyncadd.s32 $0xFFFF1000;
	s4 =	simm.s32 @p1 $0x600  }
0x3a9: {  	[tilespmem:s5], [sflag:$0x6] =	stream.strided.gather @p1 [hbm4b:s3+s4], $0xC000, s7, s4, $0x38;
	[tilespmem:$0x1E080] =	vst v63  }
0x3aa: {  	_ =	swait.ge @p1 [sflag:s6], $0xC000  }
0x3ab: {  	s3 =	sld [smem:$0x7FA]  }
0x3ac: {  	[sflag:s6] =	ssyncset.done @p1 $0x0  }
0x3ad: {  	[sflag:s6] =	ssyncadd.s32 @p1 $0xFFFF4000;
	s6 =	simm.s32 @p1 $0x5  }
0x3ae: {  	[hbm4b:s3+s4] =	stream.strided.scatter @p1 [tilespmem:s5], [sflag:$0x5], $0xC000, s7, s4, $0x38;
	[tilespmem:$0x1E080] =	vst v63  }
0x3af: {  	_ =	swait.ge @p1 [sflag:s6], $0xC000  }
0x3b0: {  	s3 =	sld [smem:$0x7FB]  }
0x3b1: {  	s4 =	simm.s32 @!p0 $0x80;
	s5 =	simm.s32 @!p0 $0x6;
	[sflag:s6] =	ssyncset.done @p1 $0x0  }
0x3b2: {  	s7 =	simm.s32 @!p0 $0x800;
	[sflag:s6] =	ssyncadd.s32 @p1 $0xFFFF4000;
	s6 =	simm.s32 @!p0 $0x600  }
0x3b3: {  	[tilespmem:s4], [sflag:$0x6] =	stream.strided.gather @!p0 [hbm4b:s3+s6], $0xF000, s7, s6, $0x38;
	[tilespmem:$0x1E080] =	vst v63  }
0x3b4: {  	_ =	swait.ge @!p0 [sflag:s5], $0xF000  }
0x3b5: {  	[sflag:s5] =	ssyncset.done @!p0 $0x0  }
0x3b6: {  	[sflag:s5] =	ssyncadd.s32 @!p0 $0xFFFF1000  }
0x3b7: {  	[hbm4b:s2+s6] =	stream.strided.scatter @!p0 [tilespmem:s4], [sflag:$0x6], $0xF000, s7, s6, $0x38;
	[tilespmem:$0x1E080] =	vst v63  }
0x3b8: {  	_ =	swait.ge @!p0 [sflag:s5], $0xF000  }
0x3b9: {  	s2 =	sld [smem:$0x7FC]  }
0x3ba: {  	[sflag:s5] =	ssyncset.done @!p0 $0x0  }
0x3bb: {  	[sflag:s5] =	ssyncadd.s32 @!p0 $0xFFFF1000  }
0x3bc: {  	[tilespmem:s4], [sflag:$0x6] =	stream.strided.gather @!p0 [hbm4b:s2+s6], $0x9000, s7, s6, $0x38;
	[tilespmem:$0x1E080] =	vst v63  }
0x3bd: {  	_ =	swait.ge @!p0 [sflag:s5], $0x9000  }
0x3be: {  	s2 =	sld [smem:$0x7FD]  }
0x3bf: {  	[sflag:s5] =	ssyncset.done @!p0 $0x0  }
0x3c0: {  	[sflag:s5] =	ssyncadd.s32 @!p0 $0xFFFF7000  }
0x3c1: {  	[hbm4b:s2+s6] =	stream.strided.scatter @!p0 [tilespmem:s4], [sflag:$0x6], $0x9000, s7, s6, $0x38;
	[tilespmem:$0x1E080] =	vst v63  }
0x3c2: {  	_ =	swait.ge @!p0 [sflag:s5], $0x9000  }
0x3c3: {  	[sflag:s5] =	ssyncset.done @!p0 $0x0  }
0x3c4: {  	[sflag:s5] =	ssyncadd.s32 @!p0 $0xFFFF7000  }
0x3c5: {  	_ =	sfence.sel $0x180000  }
0x3c6: {  	[bflag:$0x0] =	sbarrier.arrive $0xFFFF  }
0x3c7: {  	p0 =	sne.s32 s0, $0x0;
	_ =	strace $0x9000004A  }
0x3c8: {  	s0 =	sadd.s32 @!p0 $0x100000, s1;
	[bflag:$0x2] =	sbarrier.arrive $0xFFFF  }
0x3c9: {  	[sflag:s0] =	ssyncadd.tile.s32 @!p0 $0x1;
	_ =	shalt  }
.LBB2_1:
.Ltmp3:
0x3ca: {  	(pc) =	sbr.rel .LBB2_4-.Ltmp3, $2  }
0x3cb: {  	_ =	sdelay $0x2  }
0x3cc: {  	_ = 	snop  }
.Lfunc_end2:
_tile_overlayer_lowered:
.L_overlay_start_2:
0x3cd: {  	(tag) =	ssettag $0x2  }
0x3ce: {  	s0 =	rddreg [dreg:$0x0];
	s2 =	stileid.u32  }
0x3cf: {  	s1 =	rddreg [dreg:$0x1];
	p0 =	sne.s32 s2, $0x0  }
0x3d0: {  	s3 =	rddreg [dreg:$0x2];
	[bflag:$0x3] =	sbarrier.arrive $0xFFFF;
	s2 =	simm.s32 @!p0 $0x1C05  }
0x3d1: {  	[timem:s3], [sflag:s2] =	dma.local @!p0 [hbm:s0], s1  }
0x3d2: {  	s0 =	simm.s32 @!p0 $0x5  }
0x3d3: {  	_ =	swait.ge @!p0 [sflag:s0], s1  }
0x3d4: {  	s1 =	ssub.s32 @!p0 $0x0, s1;
	[sflag:s0] =	ssyncset.done @!p0 $0x0  }
0x3d5: {  	[sflag:s0] =	ssyncadd.s32 @!p0 s1  }
0x3d6: {  	[bflag:$0x3] =	sbarrier.arrive $0xFFFF  }
0x3d7: {  	_ =	shalt  }

</sc_bundles>
